<compile_context>
chip_gen: v7x
topology: tpu7x:2x2x1
jax: 0.10.2.dev20260603
libtpu: 0.0.44.dev20260713+nightly
codegen_flags: <defaults>
</compile_context>

<pallas_src>
import jax
import jax.numpy as jnp
from jax import lax
from jax.experimental import pallas as pl
from jax.experimental.pallas import tpu as pltpu
from jax.experimental.pallas import tpu_sc as plsc

N = 10000
F = 128
H = 256
HF = H // 2
E = 160000
EPS = 1e-5

NS = 16
EPT = E // NS
CW = 125
NCHUNK = EPT // CW
NPAD = 10240
RPT = NPAD // NS

BN = 1000
NB = N // BN


def _sc_agg_body(h_hbm, src_hbm, dst_hbm, zeros_hbm, out_hbm,
                 src_v, dstw, rows_v0, rows_v1, acc,
                 gsem0, gsem1, dsem0, dsem1):
    c = lax.axis_index("c")
    s = lax.axis_index("s")
    pltpu.sync_copy(src_hbm.at[s], src_v)
    pltpu.sync_copy(zeros_hbm, acc.at[pl.ds(s * RPT, RPT)])
    plsc.subcore_barrier()

    def half(h2, o2):
        rows = (rows_v0, rows_v1)
        gsems = (gsem0, gsem1)
        dsems = (dsem0, dsem1)

        def start(j, b):
            pltpu.async_copy(h2.at[src_v.at[j]], rows[b], gsems[b])
            pltpu.async_copy(dst_hbm.at[s, j], dstw.at[b], dsems[b])

        def drain_scatter(j, b):
            pltpu.make_async_copy(h2.at[src_v.at[j]], rows[b], gsems[b]).wait()
            pltpu.make_async_copy(dst_hbm.at[s, j], dstw.at[b], dsems[b]).wait()
            pltpu.sync_copy(rows[b], acc.at[dstw.at[b]], add=True)

        start(0, 0)

        def body2(t, carry):
            j = 2 * t
            start(j + 1, 1)
            drain_scatter(j, 0)
            start(lax.rem(j + 2, NCHUNK), 0)
            drain_scatter(j + 1, 1)
            return carry
        lax.fori_loop(0, NCHUNK // 2, body2, 0)
        pltpu.make_async_copy(h2.at[src_v.at[0]], rows[0], gsems[0]).wait()
        pltpu.make_async_copy(dst_hbm.at[s, 0], dstw.at[0], dsems[0]).wait()
        plsc.subcore_barrier()
        pltpu.sync_copy(acc.at[pl.ds(s * RPT, RPT)], o2.at[pl.ds(s * RPT, RPT)])

    pl.when(c == 0)(lambda: half(h_hbm.at[0], out_hbm.at[0]))
    pl.when(c == 1)(lambda: half(h_hbm.at[1], out_hbm.at[1]))


def _make_sc_agg():
    mesh = plsc.VectorSubcoreMesh(core_axis_name="c", subcore_axis_name="s")
    return pl.kernel(
        _sc_agg_body,
        out_type=jax.ShapeDtypeStruct((2, NPAD, HF), jnp.float32),
        mesh=mesh,
        scratch_types=[
            pltpu.VMEM((NCHUNK, CW), jnp.int32),
            pltpu.VMEM((2, CW), jnp.int32),
            pltpu.VMEM((CW, HF), jnp.float32),
            pltpu.VMEM((CW, HF), jnp.float32),
            pltpu.VMEM_SHARED((NPAD, HF), jnp.float32),
            pltpu.SemaphoreType.DMA,
            pltpu.SemaphoreType.DMA,
            pltpu.SemaphoreType.DMA,
            pltpu.SemaphoreType.DMA,
        ],
    )


def _accum_stats(i, y, st_scr):
    st = jnp.concatenate(
        [jnp.sum(y, axis=0, keepdims=True),
         jnp.sum(y * y, axis=0, keepdims=True)], axis=0)

    @pl.when(i == 0)
    def _():
        st_scr[...] = st

    @pl.when(i > 0)
    def _():
        st_scr[...] += st


def _norm(y, st, g, b):
    m = st[0:1, :] * (1.0 / N)
    v = st[1:2, :] * (1.0 / N) - m * m
    inv = lax.rsqrt(v + EPS)
    return (y - m) * (inv * g) + b


def _write_split(o_ref, hn):
    o_ref[0] = hn[:, :HF]
    o_ref[1] = hn[:, HF:]


def _transform_ns_body(x_ref, wt_ref, bt_ref, g_ref, b_ref, o_ref,
                       y_scr, st_scr):
    p = pl.program_id(0)
    i = pl.program_id(1)

    @pl.when(p == 0)
    def _():
        y = jnp.dot(x_ref[...], wt_ref[...],
                    preferred_element_type=jnp.float32) + bt_ref[...]
        y_scr[pl.ds(i * BN, BN), :] = y
        _accum_stats(i, y, st_scr)

    @pl.when(p == 1)
    def _():
        y = y_scr[pl.ds(i * BN, BN), :]
        _write_split(o_ref, _norm(y, st_scr[...], g_ref[...], b_ref[...]))


def _layer_ns_body(h_ref, a_ref, w1_ref, w2_ref, g_ref, b_ref, o_ref,
                   y_scr, st_scr):
    p = pl.program_id(0)
    i = pl.program_id(1)

    @pl.when(p == 0)
    def _():
        s0 = h_ref[0] + a_ref[0]
        s1 = h_ref[1] + a_ref[1]
        u = (jnp.dot(s0, w1_ref[:HF, :], preferred_element_type=jnp.float32)
             + jnp.dot(s1, w1_ref[HF:, :], preferred_element_type=jnp.float32))
        u = jnp.maximum(u, 0.0)
        y = jnp.dot(u, w2_ref[...], preferred_element_type=jnp.float32)
        y = jnp.maximum(y, 0.0)
        y_scr[pl.ds(i * BN, BN), :] = y
        _accum_stats(i, y, st_scr)

    @pl.when(p == 1)
    def _():
        y = y_scr[pl.ds(i * BN, BN), :]
        _write_split(o_ref, _norm(y, st_scr[...], g_ref[...], b_ref[...]))


def _layer_nf_body(h_ref, a_ref, w1_ref, w2_ref, g_ref, b_ref, o_ref,
                   y_scr, st_scr):
    p = pl.program_id(0)
    i = pl.program_id(1)

    @pl.when(p == 0)
    def _():
        s0 = h_ref[0] + a_ref[0]
        s1 = h_ref[1] + a_ref[1]
        u = (jnp.dot(s0, w1_ref[:HF, :], preferred_element_type=jnp.float32)
             + jnp.dot(s1, w1_ref[HF:, :], preferred_element_type=jnp.float32))
        u = jnp.maximum(u, 0.0)
        y = jnp.dot(u, w2_ref[...], preferred_element_type=jnp.float32)
        y = jnp.maximum(y, 0.0)
        y_scr[pl.ds(i * BN, BN), :] = y
        _accum_stats(i, y, st_scr)

    @pl.when(p == 1)
    def _():
        y = y_scr[pl.ds(i * BN, BN), :]
        o_ref[...] = _norm(y, st_scr[...], g_ref[...], b_ref[...])


_vec_spec = pl.BlockSpec((1, H), lambda p, i: (0, 0))
_w_spec = pl.BlockSpec((H, H), lambda p, i: (0, 0))
_split_in_spec = pl.BlockSpec((2, BN, HF), lambda p, i: (0, i * (1 - p), 0))
_split_out_spec = pl.BlockSpec((2, BN, HF), lambda p, i: (0, i * p, 0))
_full_out_spec = pl.BlockSpec((BN, H), lambda p, i: (i * p, 0))
_scratch = [pltpu.VMEM((N, H), jnp.float32), pltpu.VMEM((2, H), jnp.float32)]

_transform_ns = pl.pallas_call(
    _transform_ns_body,
    grid=(2, NB),
    in_specs=[pl.BlockSpec((BN, F), lambda p, i: (i * (1 - p), 0)),
              pl.BlockSpec((F, H), lambda p, i: (0, 0)),
              _vec_spec, _vec_spec, _vec_spec],
    out_specs=_split_out_spec,
    out_shape=jax.ShapeDtypeStruct((2, N, HF), jnp.float32),
    scratch_shapes=_scratch,
)

_layer_ns = pl.pallas_call(
    _layer_ns_body,
    grid=(2, NB),
    in_specs=[_split_in_spec, _split_in_spec, _w_spec, _w_spec,
              _vec_spec, _vec_spec],
    out_specs=_split_out_spec,
    out_shape=jax.ShapeDtypeStruct((2, N, HF), jnp.float32),
    scratch_shapes=_scratch,
)

_layer_nf = pl.pallas_call(
    _layer_nf_body,
    grid=(2, NB),
    in_specs=[_split_in_spec, _split_in_spec, _w_spec, _w_spec,
              _vec_spec, _vec_spec],
    out_specs=_full_out_spec,
    out_shape=jax.ShapeDtypeStruct((N, H), jnp.float32),
    scratch_shapes=_scratch,
)


def kernel(x, edge_index, Wt, bt, gt, bbn, W1s, W2s, gammas, betas):
    src = edge_index[0].astype(jnp.int32).reshape(NS, NCHUNK, CW)
    dst = edge_index[1].astype(jnp.int32).reshape(NS, NCHUNK, CW)
    zeros = jnp.zeros((RPT, HF), jnp.float32)
    sc_agg = _make_sc_agg()

    hs = _transform_ns(x, Wt, bt.reshape(1, H),
                       gt.reshape(1, H), bbn.reshape(1, H))
    for i in range(3):
        agg = sc_agg(hs, src, dst, zeros)
        g = gammas[i].reshape(1, H)
        b = betas[i].reshape(1, H)
        if i < 2:
            hs = _layer_ns(hs, agg, W1s[i], W2s[i], g, b)
        else:
            h = _layer_nf(hs, agg, W1s[i], W2s[i], g, b)
    return h

# --- scband reference (transcript-rebuilt; emitter-appended) ---
"""Pipeline reference for scband-gin-57037165691304 (READ-ONLY COPY).

The authoritative reference and input builder live on the scoring server;
editing this copy changes nothing except your own understanding.
"""

import jax, jax.numpy as jnp
import numpy as np

NFEAT = 128
NHID = 256
NLAYER = 3
N_NODES = 10000
N_EDGES = 160000
BN_EPS = 1e-5


def _batch_norm(h, gamma, beta):
    m = h.mean(axis=0)
    v = h.var(axis=0)  # biased variance, matches torch BN training normalization
    return (h - m) / jnp.sqrt(v + BN_EPS) * gamma + beta


def setup_inputs(seed: int = 0) -> dict:
    key = jax.random.key(seed)
    ks = jax.random.split(key, 8)
    x = jax.random.normal(ks[0], (N_NODES, NFEAT), dtype=jnp.float32)
    edge_index = jax.random.randint(ks[1], (2, N_EDGES), 0, N_NODES, dtype=jnp.int64)
    # transform: Linear(nfeat, nhid) with bias + BatchNorm1d(nhid)
    Wt = jax.random.normal(ks[2], (NFEAT, NHID), dtype=jnp.float32) * 0.05
    bt = jnp.zeros((NHID,), dtype=jnp.float32)
    gt = jnp.ones((NHID,), dtype=jnp.float32)
    bbn = jnp.zeros((NHID,), dtype=jnp.float32)
    # per-layer GIN MLPs (Linear(nhid,nhid,bias=False) x2) + BN params
    W1s = jax.random.normal(ks[3], (NLAYER, NHID, NHID), dtype=jnp.float32) * 0.05
    W2s = jax.random.normal(ks[4], (NLAYER, NHID, NHID), dtype=jnp.float32) * 0.05
    gammas = jnp.ones((NLAYER, NHID), dtype=jnp.float32)
    betas = jnp.zeros((NLAYER, NHID), dtype=jnp.float32)
    return {
        "x": x, "edge_index": edge_index,
        "Wt": Wt, "bt": bt, "gt": gt, "bbn": bbn,
        "W1s": W1s, "W2s": W2s, "gammas": gammas, "betas": betas,
    }


def reference(x, edge_index, Wt, bt, gt, bbn, W1s, W2s, gammas, betas):
    src = edge_index[0]
    dst = edge_index[1]
    # transform = Linear + BN
    h = x @ Wt + bt
    h = _batch_norm(h, gt, bbn)
    for i in range(NLAYER):
        # dropout p=0 -> identity
        # GINConv: nn((1+eps)*x + sum_{j in N(i)} x_j), eps=0
        agg = jnp.zeros_like(h).at[dst].add(h[src])
        s = h + agg
        s = jax.nn.relu(s @ W1s[i])
        s = s @ W2s[i]
        h = jax.nn.relu(s)
        h = _batch_norm(h, gammas[i], betas[i])
    return h

if __name__ == "__main__":
    import jax
    _d = setup_inputs()
    print(jax.jit(kernel)(*tuple(_d.values())))

</pallas_src>

<mosaic_0001>
#map = affine_map<(d0, d1) -> (0, 0, 0)>
#map1 = affine_map<(d0, d1) -> (0, 0)>
module attributes {stable_mosaic.version = 14 : i64} {
  func.func @_sc_agg_body(%arg0: i32, %arg1: i32, %arg2: memref<2x10000x128xf32, #tpu.memory_space<hbm>>, %arg3: memref<16x80x125xi32, #tpu.memory_space<hbm>>, %arg4: memref<16x80x125xi32, #tpu.memory_space<hbm>>, %arg5: memref<640x128xf32, #tpu.memory_space<hbm>>, %arg6: memref<2x10240x128xf32, #tpu.memory_space<hbm>>, %arg7: memref<80x125xi32, #tpu.memory_space<vmem>>, %arg8: memref<2x125xi32, #tpu.memory_space<vmem>>, %arg9: memref<125x128xf32, #tpu.memory_space<vmem>>, %arg10: memref<125x128xf32, #tpu.memory_space<vmem>>, %arg11: memref<10240x128xf32, #tpu.memory_space<vmem_shared>>, %arg12: memref<!tpu.dma_semaphore, #tpu.memory_space<semaphore_mem>>, %arg13: memref<!tpu.dma_semaphore, #tpu.memory_space<semaphore_mem>>, %arg14: memref<!tpu.dma_semaphore, #tpu.memory_space<semaphore_mem>>, %arg15: memref<!tpu.dma_semaphore, #tpu.memory_space<semaphore_mem>>) attributes {dimension_semantics = [#tpu.dimension_semantics<core_parallel>, #tpu.dimension_semantics<subcore_parallel>], iteration_bounds = array<i64: 2, 16>, scalar_prefetch = 0 : i64, scratch_operands = 9 : i64, tpu.core_type = #tpu.core_type<sc_vector_subcore>, window_params = [{transform_indices = #map}, {transform_indices = #map}, {transform_indices = #map}, {transform_indices = #map1}, {transform_indices = #map}]} {
    "tpu.region"() ({
      %run_scoped3A = tpu.sem_alloc : memref<!tpu.dma_semaphore, #tpu.memory_space<semaphore_mem>>
      %dma_start3A = arith.constant 0 : i32
      %dma_start3A_8 = arith.constant 0 : i32
      %dma_start3A_9 = tpu.memref_slice %arg3[%arg1, %dma_start3A, %dma_start3A_8] : memref<16x80x125xi32, #tpu.memory_space<hbm>> -> memref<1x80x125xi32, #tpu.memory_space<hbm>>
      %dma_start3A_10 = tpu.memref_squeeze %dma_start3A_9 : memref<1x80x125xi32, #tpu.memory_space<hbm>> -> memref<80x125xi32, #tpu.memory_space<hbm>>
      %dma_start3A_11 = arith.constant 0 : i32
      %dma_start3A_12 = arith.constant 0 : i32
      %dma_start3A_13 = tpu.memref_slice %arg3[%arg1, %dma_start3A_11, %dma_start3A_12] : memref<16x80x125xi32, #tpu.memory_space<hbm>> -> memref<1x80x125xi32, #tpu.memory_space<hbm>>
      %dma_start3A_14 = tpu.memref_squeeze %dma_start3A_13 : memref<1x80x125xi32, #tpu.memory_space<hbm>> -> memref<80x125xi32, #tpu.memory_space<hbm>>
      tpu.enqueue_dma source(%dma_start3A_14 : memref<80x125xi32, #tpu.memory_space<hbm>>) target(%arg7 : memref<80x125xi32, #tpu.memory_space<vmem>>) target_semaphore(%run_scoped3A : memref<!tpu.dma_semaphore, #tpu.memory_space<semaphore_mem>>)
      %dma_wait3A = arith.constant 0 : i32
      %dma_wait3A_15 = arith.constant 0 : i32
      %dma_wait3A_16 = tpu.memref_slice %arg3[%arg1, %dma_wait3A, %dma_wait3A_15] : memref<16x80x125xi32, #tpu.memory_space<hbm>> -> memref<1x80x125xi32, #tpu.memory_space<hbm>>
      %dma_wait3A_17 = tpu.memref_squeeze %dma_wait3A_16 : memref<1x80x125xi32, #tpu.memory_space<hbm>> -> memref<80x125xi32, #tpu.memory_space<hbm>>
      %dma_wait3A_18 = arith.constant 0 : i32
      %dma_wait3A_19 = arith.constant 0 : i32
      %dma_wait3A_20 = tpu.memref_slice %arg3[%arg1, %dma_wait3A_18, %dma_wait3A_19] : memref<16x80x125xi32, #tpu.memory_space<hbm>> -> memref<1x80x125xi32, #tpu.memory_space<hbm>>
      %dma_wait3A_21 = tpu.memref_squeeze %dma_wait3A_20 : memref<1x80x125xi32, #tpu.memory_space<hbm>> -> memref<80x125xi32, #tpu.memory_space<hbm>>
      tpu.wait_dma2 semaphore(%run_scoped3A : memref<!tpu.dma_semaphore, #tpu.memory_space<semaphore_mem>>) src(%dma_wait3A_21 : memref<80x125xi32, #tpu.memory_space<hbm>>) dst(%arg7 : memref<80x125xi32, #tpu.memory_space<vmem>>)
      tpu.yield
    }) : () -> ()
    %mul3A = arith.constant 640 : i32
    %mul3A_0 = arith.muli %arg1, %mul3A : i32
    "tpu.region"() ({
      %run_scoped3A = tpu.sem_alloc : memref<!tpu.dma_semaphore, #tpu.memory_space<semaphore_mem>>
      %dma_start3A = arith.constant 0 : i32
      %dma_start3A_8 = tpu.memref_slice %arg11[%mul3A_0, %dma_start3A] : memref<10240x128xf32, #tpu.memory_space<vmem_shared>> -> memref<640x128xf32, #tpu.memory_space<vmem_shared>>
      tpu.enqueue_dma source(%arg5 : memref<640x128xf32, #tpu.memory_space<hbm>>) target(%dma_start3A_8 : memref<640x128xf32, #tpu.memory_space<vmem_shared>>) target_semaphore(%run_scoped3A : memref<!tpu.dma_semaphore, #tpu.memory_space<semaphore_mem>>)
      %dma_wait3A = arith.constant 0 : i32
      %dma_wait3A_9 = tpu.memref_slice %arg11[%mul3A_0, %dma_wait3A] : memref<10240x128xf32, #tpu.memory_space<vmem_shared>> -> memref<640x128xf32, #tpu.memory_space<vmem_shared>>
      tpu.wait_dma2 semaphore(%run_scoped3A : memref<!tpu.dma_semaphore, #tpu.memory_space<semaphore_mem>>) src(%arg5 : memref<640x128xf32, #tpu.memory_space<hbm>>) dst(%dma_wait3A_9 : memref<640x128xf32, #tpu.memory_space<vmem_shared>>)
      tpu.yield
    }) : () -> ()
    %barrier3A = arith.constant 0 : index
    tpu.barrier barrier_id(%barrier3A)
    %eq3A = arith.constant 0 : i32
    %eq3A_1 = arith.cmpi eq, %arg0, %eq3A : i32
    %convert_element_type3A = arith.extui %eq3A_1 : i1 to i32
    %cond3A = arith.constant 0 : i32
    %cond3A_2 = arith.cmpi ne, %convert_element_type3A, %cond3A : i32
    scf.if %cond3A_2 {
      %dma_start3A = arith.constant 0 : i32
      %dma_start3A_8 = arith.constant 0 : i32
      %dma_start3A_9 = arith.constant 0 : i32
      %dma_start3A_10 = tpu.memref_slice %arg7[%dma_start3A_8, %dma_start3A_9] : memref<80x125xi32, #tpu.memory_space<vmem>> -> memref<1x125xi32, #tpu.memory_space<vmem>>
      %dma_start3A_11 = tpu.memref_squeeze %dma_start3A_10 : memref<1x125xi32, #tpu.memory_space<vmem>> -> memref<125xi32, #tpu.memory_space<vmem>>
      %dma_start3A_12 = arith.constant 0 : i32
      %dma_start3A_13 = arith.constant 0 : i32
      %dma_start3A_14 = tpu.memref_slice %arg2[%dma_start3A, %dma_start3A_12, %dma_start3A_13] : memref<2x10000x128xf32, #tpu.memory_space<hbm>> -> memref<1x10000x128xf32, #tpu.memory_space<hbm>>
      %dma_start3A_15 = tpu.memref_squeeze %dma_start3A_14 : memref<1x10000x128xf32, #tpu.memory_space<hbm>> -> memref<10000x128xf32, #tpu.memory_space<hbm>>
      %dma_start3A_16 = arith.constant 0 : i32
      %dma_start3A_17 = arith.constant 0 : i32
      %dma_start3A_18 = tpu.memref_slice %dma_start3A_15[%dma_start3A_16, %dma_start3A_17] : memref<10000x128xf32, #tpu.memory_space<hbm>> -> memref<10000x128xf32, #tpu.memory_space<hbm>>
      tpu.enqueue_indirect_dma source(%dma_start3A_18 : memref<10000x128xf32, #tpu.memory_space<hbm>>) target(%arg9 : memref<125x128xf32, #tpu.memory_space<vmem>>) offsets(%dma_start3A_11 : memref<125xi32, #tpu.memory_space<vmem>>) semaphore(%arg12 : memref<!tpu.dma_semaphore, #tpu.memory_space<semaphore_mem>>)
      %dma_start3A_19 = arith.constant 0 : i32
      %dma_start3A_20 = arith.constant 0 : i32
      %dma_start3A_21 = arith.constant 0 : i32
      %dma_start3A_22 = tpu.memref_slice %arg8[%dma_start3A_20, %dma_start3A_21] : memref<2x125xi32, #tpu.memory_space<vmem>> -> memref<1x125xi32, #tpu.memory_space<vmem>>
      %dma_start3A_23 = tpu.memref_squeeze %dma_start3A_22 : memref<1x125xi32, #tpu.memory_space<vmem>> -> memref<125xi32, #tpu.memory_space<vmem>>
      %dma_start3A_24 = arith.constant 0 : i32
      %dma_start3A_25 = tpu.memref_slice %arg4[%arg1, %dma_start3A_19, %dma_start3A_24] : memref<16x80x125xi32, #tpu.memory_space<hbm>> -> memref<1x1x125xi32, #tpu.memory_space<hbm>>
      %dma_start3A_26 = tpu.memref_squeeze %dma_start3A_25 : memref<1x1x125xi32, #tpu.memory_space<hbm>> -> memref<125xi32, #tpu.memory_space<hbm>>
      %dma_start3A_27 = arith.constant 0 : i32
      %dma_start3A_28 = tpu.memref_slice %arg8[%dma_start3A_20, %dma_start3A_27] : memref<2x125xi32, #tpu.memory_space<vmem>> -> memref<1x125xi32, #tpu.memory_space<vmem>>
      %dma_start3A_29 = tpu.memref_squeeze %dma_start3A_28 : memref<1x125xi32, #tpu.memory_space<vmem>> -> memref<125xi32, #tpu.memory_space<vmem>>
      %dma_start3A_30 = arith.constant 0 : i32
      %dma_start3A_31 = tpu.memref_slice %arg4[%arg1, %dma_start3A_19, %dma_start3A_30] : memref<16x80x125xi32, #tpu.memory_space<hbm>> -> memref<1x1x125xi32, #tpu.memory_space<hbm>>
      %dma_start3A_32 = tpu.memref_squeeze %dma_start3A_31 : memref<1x1x125xi32, #tpu.memory_space<hbm>> -> memref<125xi32, #tpu.memory_space<hbm>>
      tpu.enqueue_dma source(%dma_start3A_32 : memref<125xi32, #tpu.memory_space<hbm>>) target(%dma_start3A_29 : memref<125xi32, #tpu.memory_space<vmem>>) target_semaphore(%arg14 : memref<!tpu.dma_semaphore, #tpu.memory_space<semaphore_mem>>)
      %scan3A = arith.constant 0 : i32
      %scan3A_33 = arith.constant 0 : i32
      %scan3A_34 = arith.constant 0 : i32
      %scan3A_35 = arith.constant 40 : i32
      %scan3A_36 = arith.addi %scan3A_34, %scan3A_35 : i32
      %scan3A_37 = arith.constant 1 : i32
      scf.for %scan3A_69 = %scan3A_34 to %scan3A_36 step %scan3A_37  : i32 {
        %mul3A_70 = arith.constant 2 : i32
        %mul3A_71 = arith.muli %mul3A_70, %scan3A_69 : i32
        %add3A = arith.constant 1 : i32
        %add3A_72 = arith.addi %mul3A_71, %add3A : i32
        %dma_start3A_73 = arith.constant 0 : i32
        %dma_start3A_74 = tpu.memref_slice %arg7[%add3A_72, %dma_start3A_73] : memref<80x125xi32, #tpu.memory_space<vmem>> -> memref<1x125xi32, #tpu.memory_space<vmem>>
        %dma_start3A_75 = tpu.memref_squeeze %dma_start3A_74 : memref<1x125xi32, #tpu.memory_space<vmem>> -> memref<125xi32, #tpu.memory_space<vmem>>
        %dma_start3A_76 = arith.constant 0 : i32
        %dma_start3A_77 = arith.constant 0 : i32
        %dma_start3A_78 = tpu.memref_slice %arg2[%scan3A_33, %dma_start3A_76, %dma_start3A_77] : memref<2x10000x128xf32, #tpu.memory_space<hbm>> -> memref<1x10000x128xf32, #tpu.memory_space<hbm>>
        %dma_start3A_79 = tpu.memref_squeeze %dma_start3A_78 : memref<1x10000x128xf32, #tpu.memory_space<hbm>> -> memref<10000x128xf32, #tpu.memory_space<hbm>>
        %dma_start3A_80 = arith.constant 0 : i32
        %dma_start3A_81 = arith.constant 0 : i32
        %dma_start3A_82 = tpu.memref_slice %dma_start3A_79[%dma_start3A_80, %dma_start3A_81] : memref<10000x128xf32, #tpu.memory_space<hbm>> -> memref<10000x128xf32, #tpu.memory_space<hbm>>
        tpu.enqueue_indirect_dma source(%dma_start3A_82 : memref<10000x128xf32, #tpu.memory_space<hbm>>) target(%arg10 : memref<125x128xf32, #tpu.memory_space<vmem>>) offsets(%dma_start3A_75 : memref<125xi32, #tpu.memory_space<vmem>>) semaphore(%arg13 : memref<!tpu.dma_semaphore, #tpu.memory_space<semaphore_mem>>)
        %dma_start3A_83 = arith.constant 1 : i32
        %dma_start3A_84 = arith.constant 0 : i32
        %dma_start3A_85 = tpu.memref_slice %arg8[%dma_start3A_83, %dma_start3A_84] : memref<2x125xi32, #tpu.memory_space<vmem>> -> memref<1x125xi32, #tpu.memory_space<vmem>>
        %dma_start3A_86 = tpu.memref_squeeze %dma_start3A_85 : memref<1x125xi32, #tpu.memory_space<vmem>> -> memref<125xi32, #tpu.memory_space<vmem>>
        %dma_start3A_87 = arith.constant 0 : i32
        %dma_start3A_88 = tpu.memref_slice %arg4[%arg1, %add3A_72, %dma_start3A_87] : memref<16x80x125xi32, #tpu.memory_space<hbm>> -> memref<1x1x125xi32, #tpu.memory_space<hbm>>
        %dma_start3A_89 = tpu.memref_squeeze %dma_start3A_88 : memref<1x1x125xi32, #tpu.memory_space<hbm>> -> memref<125xi32, #tpu.memory_space<hbm>>
        %dma_start3A_90 = arith.constant 0 : i32
        %dma_start3A_91 = tpu.memref_slice %arg8[%dma_start3A_83, %dma_start3A_90] : memref<2x125xi32, #tpu.memory_space<vmem>> -> memref<1x125xi32, #tpu.memory_space<vmem>>
        %dma_start3A_92 = tpu.memref_squeeze %dma_start3A_91 : memref<1x125xi32, #tpu.memory_space<vmem>> -> memref<125xi32, #tpu.memory_space<vmem>>
        %dma_start3A_93 = arith.constant 0 : i32
        %dma_start3A_94 = tpu.memref_slice %arg4[%arg1, %add3A_72, %dma_start3A_93] : memref<16x80x125xi32, #tpu.memory_space<hbm>> -> memref<1x1x125xi32, #tpu.memory_space<hbm>>
        %dma_start3A_95 = tpu.memref_squeeze %dma_start3A_94 : memref<1x1x125xi32, #tpu.memory_space<hbm>> -> memref<125xi32, #tpu.memory_space<hbm>>
        tpu.enqueue_dma source(%dma_start3A_95 : memref<125xi32, #tpu.memory_space<hbm>>) target(%dma_start3A_92 : memref<125xi32, #tpu.memory_space<vmem>>) target_semaphore(%arg15 : memref<!tpu.dma_semaphore, #tpu.memory_space<semaphore_mem>>)
        %dma_wait3A_96 = arith.constant 0 : i32
        %dma_wait3A_97 = tpu.memref_slice %arg7[%mul3A_71, %dma_wait3A_96] : memref<80x125xi32, #tpu.memory_space<vmem>> -> memref<1x125xi32, #tpu.memory_space<vmem>>
        %dma_wait3A_98 = tpu.memref_squeeze %dma_wait3A_97 : memref<1x125xi32, #tpu.memory_space<vmem>> -> memref<125xi32, #tpu.memory_space<vmem>>
        %dma_wait3A_99 = arith.constant 0 : i32
        %dma_wait3A_100 = arith.constant 0 : i32
        %dma_wait3A_101 = tpu.memref_slice %arg2[%scan3A_33, %dma_wait3A_99, %dma_wait3A_100] : memref<2x10000x128xf32, #tpu.memory_space<hbm>> -> memref<1x10000x128xf32, #tpu.memory_space<hbm>>
        %dma_wait3A_102 = tpu.memref_squeeze %dma_wait3A_101 : memref<1x10000x128xf32, #tpu.memory_space<hbm>> -> memref<10000x128xf32, #tpu.memory_space<hbm>>
        %dma_wait3A_103 = arith.constant 0 : i32
        %dma_wait3A_104 = arith.constant 0 : i32
        %dma_wait3A_105 = tpu.memref_slice %dma_wait3A_102[%dma_wait3A_103, %dma_wait3A_104] : memref<10000x128xf32, #tpu.memory_space<hbm>> -> memref<10000x128xf32, #tpu.memory_space<hbm>>
        tpu.wait_indirect_dma semaphore(%arg12 : memref<!tpu.dma_semaphore, #tpu.memory_space<semaphore_mem>>) src(%dma_wait3A_105 : memref<10000x128xf32, #tpu.memory_space<hbm>>) dst(%arg9 : memref<125x128xf32, #tpu.memory_space<vmem>>)
        %dma_wait3A_106 = arith.constant 0 : i32
        %dma_wait3A_107 = arith.constant 0 : i32
        %dma_wait3A_108 = tpu.memref_slice %arg8[%dma_wait3A_106, %dma_wait3A_107] : memref<2x125xi32, #tpu.memory_space<vmem>> -> memref<1x125xi32, #tpu.memory_space<vmem>>
        %dma_wait3A_109 = tpu.memref_squeeze %dma_wait3A_108 : memref<1x125xi32, #tpu.memory_space<vmem>> -> memref<125xi32, #tpu.memory_space<vmem>>
        %dma_wait3A_110 = arith.constant 0 : i32
        %dma_wait3A_111 = tpu.memref_slice %arg4[%arg1, %mul3A_71, %dma_wait3A_110] : memref<16x80x125xi32, #tpu.memory_space<hbm>> -> memref<1x1x125xi32, #tpu.memory_space<hbm>>
        %dma_wait3A_112 = tpu.memref_squeeze %dma_wait3A_111 : memref<1x1x125xi32, #tpu.memory_space<hbm>> -> memref<125xi32, #tpu.memory_space<hbm>>
        %dma_wait3A_113 = arith.constant 0 : i32
        %dma_wait3A_114 = tpu.memref_slice %arg8[%dma_wait3A_106, %dma_wait3A_113] : memref<2x125xi32, #tpu.memory_space<vmem>> -> memref<1x125xi32, #tpu.memory_space<vmem>>
        %dma_wait3A_115 = tpu.memref_squeeze %dma_wait3A_114 : memref<1x125xi32, #tpu.memory_space<vmem>> -> memref<125xi32, #tpu.memory_space<vmem>>
        %dma_wait3A_116 = arith.constant 0 : i32
        %dma_wait3A_117 = tpu.memref_slice %arg4[%arg1, %mul3A_71, %dma_wait3A_116] : memref<16x80x125xi32, #tpu.memory_space<hbm>> -> memref<1x1x125xi32, #tpu.memory_space<hbm>>
        %dma_wait3A_118 = tpu.memref_squeeze %dma_wait3A_117 : memref<1x1x125xi32, #tpu.memory_space<hbm>> -> memref<125xi32, #tpu.memory_space<hbm>>
        tpu.wait_dma2 semaphore(%arg14 : memref<!tpu.dma_semaphore, #tpu.memory_space<semaphore_mem>>) src(%dma_wait3A_118 : memref<125xi32, #tpu.memory_space<hbm>>) dst(%dma_wait3A_115 : memref<125xi32, #tpu.memory_space<vmem>>)
        %run_scoped3A_119 = arith.constant 0 : i32
        "tpu.region"() ({
          %run_scoped3A_172 = tpu.sem_alloc : memref<!tpu.dma_semaphore, #tpu.memory_space<semaphore_mem>>
          %dma_start3A_173 = arith.constant 0 : i32
          %dma_start3A_174 = tpu.memref_slice %arg8[%run_scoped3A_119, %dma_start3A_173] : memref<2x125xi32, #tpu.memory_space<vmem>> -> memref<1x125xi32, #tpu.memory_space<vmem>>
          %dma_start3A_175 = tpu.memref_squeeze %dma_start3A_174 : memref<1x125xi32, #tpu.memory_space<vmem>> -> memref<125xi32, #tpu.memory_space<vmem>>
          %dma_start3A_176 = arith.constant 0 : i32
          %dma_start3A_177 = arith.constant 0 : i32
          %dma_start3A_178 = tpu.memref_slice %arg11[%dma_start3A_176, %dma_start3A_177] : memref<10240x128xf32, #tpu.memory_space<vmem_shared>> -> memref<10240x128xf32, #tpu.memory_space<vmem_shared>>
          tpu.enqueue_indirect_dma source(%arg9 : memref<125x128xf32, #tpu.memory_space<vmem>>) target(%dma_start3A_178 : memref<10240x128xf32, #tpu.memory_space<vmem_shared>>) offsets(%dma_start3A_175 : memref<125xi32, #tpu.memory_space<vmem>>) semaphore(%run_scoped3A_172 : memref<!tpu.dma_semaphore, #tpu.memory_space<semaphore_mem>>) {add = true}
          %dma_wait3A_179 = arith.constant 0 : i32
          %dma_wait3A_180 = tpu.memref_slice %arg8[%run_scoped3A_119, %dma_wait3A_179] : memref<2x125xi32, #tpu.memory_space<vmem>> -> memref<1x125xi32, #tpu.memory_space<vmem>>
          %dma_wait3A_181 = tpu.memref_squeeze %dma_wait3A_180 : memref<1x125xi32, #tpu.memory_space<vmem>> -> memref<125xi32, #tpu.memory_space<vmem>>
          %dma_wait3A_182 = arith.constant 0 : i32
          %dma_wait3A_183 = arith.constant 0 : i32
          %dma_wait3A_184 = tpu.memref_slice %arg11[%dma_wait3A_182, %dma_wait3A_183] : memref<10240x128xf32, #tpu.memory_space<vmem_shared>> -> memref<10240x128xf32, #tpu.memory_space<vmem_shared>>
          tpu.wait_indirect_dma semaphore(%run_scoped3A_172 : memref<!tpu.dma_semaphore, #tpu.memory_space<semaphore_mem>>) src(%arg9 : memref<125x128xf32, #tpu.memory_space<vmem>>) dst(%dma_wait3A_184 : memref<10240x128xf32, #tpu.memory_space<vmem_shared>>)
          tpu.yield
        }) : () -> ()
        %add3A_120 = arith.constant 2 : i32
        %add3A_121 = arith.addi %mul3A_71, %add3A_120 : i32
        %rem3A = arith.constant 80 : i32
        %rem3A_122 = arith.remsi %add3A_121, %rem3A : i32
        %dma_start3A_123 = arith.constant 0 : i32
        %dma_start3A_124 = tpu.memref_slice %arg7[%rem3A_122, %dma_start3A_123] : memref<80x125xi32, #tpu.memory_space<vmem>> -> memref<1x125xi32, #tpu.memory_space<vmem>>
        %dma_start3A_125 = tpu.memref_squeeze %dma_start3A_124 : memref<1x125xi32, #tpu.memory_space<vmem>> -> memref<125xi32, #tpu.memory_space<vmem>>
        %dma_start3A_126 = arith.constant 0 : i32
        %dma_start3A_127 = arith.constant 0 : i32
        %dma_start3A_128 = tpu.memref_slice %arg2[%scan3A_33, %dma_start3A_126, %dma_start3A_127] : memref<2x10000x128xf32, #tpu.memory_space<hbm>> -> memref<1x10000x128xf32, #tpu.memory_space<hbm>>
        %dma_start3A_129 = tpu.memref_squeeze %dma_start3A_128 : memref<1x10000x128xf32, #tpu.memory_space<hbm>> -> memref<10000x128xf32, #tpu.memory_space<hbm>>
        %dma_start3A_130 = arith.constant 0 : i32
        %dma_start3A_131 = arith.constant 0 : i32
        %dma_start3A_132 = tpu.memref_slice %dma_start3A_129[%dma_start3A_130, %dma_start3A_131] : memref<10000x128xf32, #tpu.memory_space<hbm>> -> memref<10000x128xf32, #tpu.memory_space<hbm>>
        tpu.enqueue_indirect_dma source(%dma_start3A_132 : memref<10000x128xf32, #tpu.memory_space<hbm>>) target(%arg9 : memref<125x128xf32, #tpu.memory_space<vmem>>) offsets(%dma_start3A_125 : memref<125xi32, #tpu.memory_space<vmem>>) semaphore(%arg12 : memref<!tpu.dma_semaphore, #tpu.memory_space<semaphore_mem>>)
        %dma_start3A_133 = arith.constant 0 : i32
        %dma_start3A_134 = arith.constant 0 : i32
        %dma_start3A_135 = tpu.memref_slice %arg8[%dma_start3A_133, %dma_start3A_134] : memref<2x125xi32, #tpu.memory_space<vmem>> -> memref<1x125xi32, #tpu.memory_space<vmem>>
        %dma_start3A_136 = tpu.memref_squeeze %dma_start3A_135 : memref<1x125xi32, #tpu.memory_space<vmem>> -> memref<125xi32, #tpu.memory_space<vmem>>
        %dma_start3A_137 = arith.constant 0 : i32
        %dma_start3A_138 = tpu.memref_slice %arg4[%arg1, %rem3A_122, %dma_start3A_137] : memref<16x80x125xi32, #tpu.memory_space<hbm>> -> memref<1x1x125xi32, #tpu.memory_space<hbm>>
        %dma_start3A_139 = tpu.memref_squeeze %dma_start3A_138 : memref<1x1x125xi32, #tpu.memory_space<hbm>> -> memref<125xi32, #tpu.memory_space<hbm>>
        %dma_start3A_140 = arith.constant 0 : i32
        %dma_start3A_141 = tpu.memref_slice %arg8[%dma_start3A_133, %dma_start3A_140] : memref<2x125xi32, #tpu.memory_space<vmem>> -> memref<1x125xi32, #tpu.memory_space<vmem>>
        %dma_start3A_142 = tpu.memref_squeeze %dma_start3A_141 : memref<1x125xi32, #tpu.memory_space<vmem>> -> memref<125xi32, #tpu.memory_space<vmem>>
        %dma_start3A_143 = arith.constant 0 : i32
        %dma_start3A_144 = tpu.memref_slice %arg4[%arg1, %rem3A_122, %dma_start3A_143] : memref<16x80x125xi32, #tpu.memory_space<hbm>> -> memref<1x1x125xi32, #tpu.memory_space<hbm>>
        %dma_start3A_145 = tpu.memref_squeeze %dma_start3A_144 : memref<1x1x125xi32, #tpu.memory_space<hbm>> -> memref<125xi32, #tpu.memory_space<hbm>>
        tpu.enqueue_dma source(%dma_start3A_145 : memref<125xi32, #tpu.memory_space<hbm>>) target(%dma_start3A_142 : memref<125xi32, #tpu.memory_space<vmem>>) target_semaphore(%arg14 : memref<!tpu.dma_semaphore, #tpu.memory_space<semaphore_mem>>)
        %add3A_146 = arith.constant 1 : i32
        %add3A_147 = arith.addi %mul3A_71, %add3A_146 : i32
        %dma_wait3A_148 = arith.constant 0 : i32
        %dma_wait3A_149 = tpu.memref_slice %arg7[%add3A_147, %dma_wait3A_148] : memref<80x125xi32, #tpu.memory_space<vmem>> -> memref<1x125xi32, #tpu.memory_space<vmem>>
        %dma_wait3A_150 = tpu.memref_squeeze %dma_wait3A_149 : memref<1x125xi32, #tpu.memory_space<vmem>> -> memref<125xi32, #tpu.memory_space<vmem>>
        %dma_wait3A_151 = arith.constant 0 : i32
        %dma_wait3A_152 = arith.constant 0 : i32
        %dma_wait3A_153 = tpu.memref_slice %arg2[%scan3A_33, %dma_wait3A_151, %dma_wait3A_152] : memref<2x10000x128xf32, #tpu.memory_space<hbm>> -> memref<1x10000x128xf32, #tpu.memory_space<hbm>>
        %dma_wait3A_154 = tpu.memref_squeeze %dma_wait3A_153 : memref<1x10000x128xf32, #tpu.memory_space<hbm>> -> memref<10000x128xf32, #tpu.memory_space<hbm>>
        %dma_wait3A_155 = arith.constant 0 : i32
        %dma_wait3A_156 = arith.constant 0 : i32
        %dma_wait3A_157 = tpu.memref_slice %dma_wait3A_154[%dma_wait3A_155, %dma_wait3A_156] : memref<10000x128xf32, #tpu.memory_space<hbm>> -> memref<10000x128xf32, #tpu.memory_space<hbm>>
        tpu.wait_indirect_dma semaphore(%arg13 : memref<!tpu.dma_semaphore, #tpu.memory_space<semaphore_mem>>) src(%dma_wait3A_157 : memref<10000x128xf32, #tpu.memory_space<hbm>>) dst(%arg10 : memref<125x128xf32, #tpu.memory_space<vmem>>)
        %dma_wait3A_158 = arith.constant 1 : i32
        %dma_wait3A_159 = arith.constant 0 : i32
        %dma_wait3A_160 = tpu.memref_slice %arg8[%dma_wait3A_158, %dma_wait3A_159] : memref<2x125xi32, #tpu.memory_space<vmem>> -> memref<1x125xi32, #tpu.memory_space<vmem>>
        %dma_wait3A_161 = tpu.memref_squeeze %dma_wait3A_160 : memref<1x125xi32, #tpu.memory_space<vmem>> -> memref<125xi32, #tpu.memory_space<vmem>>
        %dma_wait3A_162 = arith.constant 0 : i32
        %dma_wait3A_163 = tpu.memref_slice %arg4[%arg1, %add3A_147, %dma_wait3A_162] : memref<16x80x125xi32, #tpu.memory_space<hbm>> -> memref<1x1x125xi32, #tpu.memory_space<hbm>>
        %dma_wait3A_164 = tpu.memref_squeeze %dma_wait3A_163 : memref<1x1x125xi32, #tpu.memory_space<hbm>> -> memref<125xi32, #tpu.memory_space<hbm>>
        %dma_wait3A_165 = arith.constant 0 : i32
        %dma_wait3A_166 = tpu.memref_slice %arg8[%dma_wait3A_158, %dma_wait3A_165] : memref<2x125xi32, #tpu.memory_space<vmem>> -> memref<1x125xi32, #tpu.memory_space<vmem>>
        %dma_wait3A_167 = tpu.memref_squeeze %dma_wait3A_166 : memref<1x125xi32, #tpu.memory_space<vmem>> -> memref<125xi32, #tpu.memory_space<vmem>>
        %dma_wait3A_168 = arith.constant 0 : i32
        %dma_wait3A_169 = tpu.memref_slice %arg4[%arg1, %add3A_147, %dma_wait3A_168] : memref<16x80x125xi32, #tpu.memory_space<hbm>> -> memref<1x1x125xi32, #tpu.memory_space<hbm>>
        %dma_wait3A_170 = tpu.memref_squeeze %dma_wait3A_169 : memref<1x1x125xi32, #tpu.memory_space<hbm>> -> memref<125xi32, #tpu.memory_space<hbm>>
        tpu.wait_dma2 semaphore(%arg15 : memref<!tpu.dma_semaphore, #tpu.memory_space<semaphore_mem>>) src(%dma_wait3A_170 : memref<125xi32, #tpu.memory_space<hbm>>) dst(%dma_wait3A_167 : memref<125xi32, #tpu.memory_space<vmem>>)
        %run_scoped3A_171 = arith.constant 1 : i32
        "tpu.region"() ({
          %run_scoped3A_172 = tpu.sem_alloc : memref<!tpu.dma_semaphore, #tpu.memory_space<semaphore_mem>>
          %dma_start3A_173 = arith.constant 0 : i32
          %dma_start3A_174 = tpu.memref_slice %arg8[%run_scoped3A_171, %dma_start3A_173] : memref<2x125xi32, #tpu.memory_space<vmem>> -> memref<1x125xi32, #tpu.memory_space<vmem>>
          %dma_start3A_175 = tpu.memref_squeeze %dma_start3A_174 : memref<1x125xi32, #tpu.memory_space<vmem>> -> memref<125xi32, #tpu.memory_space<vmem>>
          %dma_start3A_176 = arith.constant 0 : i32
          %dma_start3A_177 = arith.constant 0 : i32
          %dma_start3A_178 = tpu.memref_slice %arg11[%dma_start3A_176, %dma_start3A_177] : memref<10240x128xf32, #tpu.memory_space<vmem_shared>> -> memref<10240x128xf32, #tpu.memory_space<vmem_shared>>
          tpu.enqueue_indirect_dma source(%arg10 : memref<125x128xf32, #tpu.memory_space<vmem>>) target(%dma_start3A_178 : memref<10240x128xf32, #tpu.memory_space<vmem_shared>>) offsets(%dma_start3A_175 : memref<125xi32, #tpu.memory_space<vmem>>) semaphore(%run_scoped3A_172 : memref<!tpu.dma_semaphore, #tpu.memory_space<semaphore_mem>>) {add = true}
          %dma_wait3A_179 = arith.constant 0 : i32
          %dma_wait3A_180 = tpu.memref_slice %arg8[%run_scoped3A_171, %dma_wait3A_179] : memref<2x125xi32, #tpu.memory_space<vmem>> -> memref<1x125xi32, #tpu.memory_space<vmem>>
          %dma_wait3A_181 = tpu.memref_squeeze %dma_wait3A_180 : memref<1x125xi32, #tpu.memory_space<vmem>> -> memref<125xi32, #tpu.memory_space<vmem>>
          %dma_wait3A_182 = arith.constant 0 : i32
          %dma_wait3A_183 = arith.constant 0 : i32
          %dma_wait3A_184 = tpu.memref_slice %arg11[%dma_wait3A_182, %dma_wait3A_183] : memref<10240x128xf32, #tpu.memory_space<vmem_shared>> -> memref<10240x128xf32, #tpu.memory_space<vmem_shared>>
          tpu.wait_indirect_dma semaphore(%run_scoped3A_172 : memref<!tpu.dma_semaphore, #tpu.memory_space<semaphore_mem>>) src(%arg10 : memref<125x128xf32, #tpu.memory_space<vmem>>) dst(%dma_wait3A_184 : memref<10240x128xf32, #tpu.memory_space<vmem_shared>>)
          tpu.yield
        }) : () -> ()
      }
      %scan3A_38 = arith.constant 40 : i32
      %dma_wait3A = arith.constant 0 : i32
      %dma_wait3A_39 = arith.constant 0 : i32
      %dma_wait3A_40 = arith.constant 0 : i32
      %dma_wait3A_41 = tpu.memref_slice %arg7[%dma_wait3A_39, %dma_wait3A_40] : memref<80x125xi32, #tpu.memory_space<vmem>> -> memref<1x125xi32, #tpu.memory_space<vmem>>
      %dma_wait3A_42 = tpu.memref_squeeze %dma_wait3A_41 : memref<1x125xi32, #tpu.memory_space<vmem>> -> memref<125xi32, #tpu.memory_space<vmem>>
      %dma_wait3A_43 = arith.constant 0 : i32
      %dma_wait3A_44 = arith.constant 0 : i32
      %dma_wait3A_45 = tpu.memref_slice %arg2[%dma_wait3A, %dma_wait3A_43, %dma_wait3A_44] : memref<2x10000x128xf32, #tpu.memory_space<hbm>> -> memref<1x10000x128xf32, #tpu.memory_space<hbm>>
      %dma_wait3A_46 = tpu.memref_squeeze %dma_wait3A_45 : memref<1x10000x128xf32, #tpu.memory_space<hbm>> -> memref<10000x128xf32, #tpu.memory_space<hbm>>
      %dma_wait3A_47 = arith.constant 0 : i32
      %dma_wait3A_48 = arith.constant 0 : i32
      %dma_wait3A_49 = tpu.memref_slice %dma_wait3A_46[%dma_wait3A_47, %dma_wait3A_48] : memref<10000x128xf32, #tpu.memory_space<hbm>> -> memref<10000x128xf32, #tpu.memory_space<hbm>>
      tpu.wait_indirect_dma semaphore(%arg12 : memref<!tpu.dma_semaphore, #tpu.memory_space<semaphore_mem>>) src(%dma_wait3A_49 : memref<10000x128xf32, #tpu.memory_space<hbm>>) dst(%arg9 : memref<125x128xf32, #tpu.memory_space<vmem>>)
      %dma_wait3A_50 = arith.constant 0 : i32
      %dma_wait3A_51 = arith.constant 0 : i32
      %dma_wait3A_52 = arith.constant 0 : i32
      %dma_wait3A_53 = tpu.memref_slice %arg8[%dma_wait3A_51, %dma_wait3A_52] : memref<2x125xi32, #tpu.memory_space<vmem>> -> memref<1x125xi32, #tpu.memory_space<vmem>>
      %dma_wait3A_54 = tpu.memref_squeeze %dma_wait3A_53 : memref<1x125xi32, #tpu.memory_space<vmem>> -> memref<125xi32, #tpu.memory_space<vmem>>
      %dma_wait3A_55 = arith.constant 0 : i32
      %dma_wait3A_56 = tpu.memref_slice %arg4[%arg1, %dma_wait3A_50, %dma_wait3A_55] : memref<16x80x125xi32, #tpu.memory_space<hbm>> -> memref<1x1x125xi32, #tpu.memory_space<hbm>>
      %dma_wait3A_57 = tpu.memref_squeeze %dma_wait3A_56 : memref<1x1x125xi32, #tpu.memory_space<hbm>> -> memref<125xi32, #tpu.memory_space<hbm>>
      %dma_wait3A_58 = arith.constant 0 : i32
      %dma_wait3A_59 = tpu.memref_slice %arg8[%dma_wait3A_51, %dma_wait3A_58] : memref<2x125xi32, #tpu.memory_space<vmem>> -> memref<1x125xi32, #tpu.memory_space<vmem>>
      %dma_wait3A_60 = tpu.memref_squeeze %dma_wait3A_59 : memref<1x125xi32, #tpu.memory_space<vmem>> -> memref<125xi32, #tpu.memory_space<vmem>>
      %dma_wait3A_61 = arith.constant 0 : i32
      %dma_wait3A_62 = tpu.memref_slice %arg4[%arg1, %dma_wait3A_50, %dma_wait3A_61] : memref<16x80x125xi32, #tpu.memory_space<hbm>> -> memref<1x1x125xi32, #tpu.memory_space<hbm>>
      %dma_wait3A_63 = tpu.memref_squeeze %dma_wait3A_62 : memref<1x1x125xi32, #tpu.memory_space<hbm>> -> memref<125xi32, #tpu.memory_space<hbm>>
      tpu.wait_dma2 semaphore(%arg14 : memref<!tpu.dma_semaphore, #tpu.memory_space<semaphore_mem>>) src(%dma_wait3A_63 : memref<125xi32, #tpu.memory_space<hbm>>) dst(%dma_wait3A_60 : memref<125xi32, #tpu.memory_space<vmem>>)
      %barrier3A_64 = arith.constant 0 : index
      tpu.barrier barrier_id(%barrier3A_64)
      %mul3A_65 = arith.constant 640 : i32
      %mul3A_66 = arith.muli %arg1, %mul3A_65 : i32
      %mul3A_67 = arith.constant 640 : i32
      %mul3A_68 = arith.muli %arg1, %mul3A_67 : i32
      %run_scoped3A = arith.constant 0 : i32
      "tpu.region"() ({
        %run_scoped3A_69 = tpu.sem_alloc : memref<!tpu.dma_semaphore, #tpu.memory_space<semaphore_mem>>
        %dma_start3A_70 = arith.constant 0 : i32
        %dma_start3A_71 = arith.constant 0 : i32
        %dma_start3A_72 = tpu.memref_slice %arg6[%run_scoped3A, %dma_start3A_70, %dma_start3A_71] : memref<2x10240x128xf32, #tpu.memory_space<hbm>> -> memref<1x10240x128xf32, #tpu.memory_space<hbm>>
        %dma_start3A_73 = tpu.memref_squeeze %dma_start3A_72 : memref<1x10240x128xf32, #tpu.memory_space<hbm>> -> memref<10240x128xf32, #tpu.memory_space<hbm>>
        %dma_start3A_74 = arith.constant 0 : i32
        %dma_start3A_75 = tpu.memref_slice %dma_start3A_73[%mul3A_68, %dma_start3A_74] : memref<10240x128xf32, #tpu.memory_space<hbm>> -> memref<640x128xf32, #tpu.memory_space<hbm>>
        %dma_start3A_76 = arith.constant 0 : i32
        %dma_start3A_77 = tpu.memref_slice %arg11[%mul3A_66, %dma_start3A_76] : memref<10240x128xf32, #tpu.memory_space<vmem_shared>> -> memref<640x128xf32, #tpu.memory_space<vmem_shared>>
        tpu.enqueue_dma source(%dma_start3A_77 : memref<640x128xf32, #tpu.memory_space<vmem_shared>>) target(%dma_start3A_75 : memref<640x128xf32, #tpu.memory_space<hbm>>) target_semaphore(%run_scoped3A_69 : memref<!tpu.dma_semaphore, #tpu.memory_space<semaphore_mem>>)
        %dma_wait3A_78 = arith.constant 0 : i32
        %dma_wait3A_79 = arith.constant 0 : i32
        %dma_wait3A_80 = tpu.memref_slice %arg6[%run_scoped3A, %dma_wait3A_78, %dma_wait3A_79] : memref<2x10240x128xf32, #tpu.memory_space<hbm>> -> memref<1x10240x128xf32, #tpu.memory_space<hbm>>
        %dma_wait3A_81 = tpu.memref_squeeze %dma_wait3A_80 : memref<1x10240x128xf32, #tpu.memory_space<hbm>> -> memref<10240x128xf32, #tpu.memory_space<hbm>>
        %dma_wait3A_82 = arith.constant 0 : i32
        %dma_wait3A_83 = tpu.memref_slice %dma_wait3A_81[%mul3A_68, %dma_wait3A_82] : memref<10240x128xf32, #tpu.memory_space<hbm>> -> memref<640x128xf32, #tpu.memory_space<hbm>>
        %dma_wait3A_84 = arith.constant 0 : i32
        %dma_wait3A_85 = tpu.memref_slice %arg11[%mul3A_66, %dma_wait3A_84] : memref<10240x128xf32, #tpu.memory_space<vmem_shared>> -> memref<640x128xf32, #tpu.memory_space<vmem_shared>>
        tpu.wait_dma2 semaphore(%run_scoped3A_69 : memref<!tpu.dma_semaphore, #tpu.memory_space<semaphore_mem>>) src(%dma_wait3A_85 : memref<640x128xf32, #tpu.memory_space<vmem_shared>>) dst(%dma_wait3A_83 : memref<640x128xf32, #tpu.memory_space<hbm>>)
        tpu.yield
      }) : () -> ()
    } else {
    }
    %eq3A_3 = arith.constant 1 : i32
    %eq3A_4 = arith.cmpi eq, %arg0, %eq3A_3 : i32
    %convert_element_type3A_5 = arith.extui %eq3A_4 : i1 to i32
    %cond3A_6 = arith.constant 0 : i32
    %cond3A_7 = arith.cmpi ne, %convert_element_type3A_5, %cond3A_6 : i32
    scf.if %cond3A_7 {
      %dma_start3A = arith.constant 1 : i32
      %dma_start3A_8 = arith.constant 0 : i32
      %dma_start3A_9 = arith.constant 0 : i32
      %dma_start3A_10 = tpu.memref_slice %arg7[%dma_start3A_8, %dma_start3A_9] : memref<80x125xi32, #tpu.memory_space<vmem>> -> memref<1x125xi32, #tpu.memory_space<vmem>>
      %dma_start3A_11 = tpu.memref_squeeze %dma_start3A_10 : memref<1x125xi32, #tpu.memory_space<vmem>> -> memref<125xi32, #tpu.memory_space<vmem>>
      %dma_start3A_12 = arith.constant 0 : i32
      %dma_start3A_13 = arith.constant 0 : i32
      %dma_start3A_14 = tpu.memref_slice %arg2[%dma_start3A, %dma_start3A_12, %dma_start3A_13] : memref<2x10000x128xf32, #tpu.memory_space<hbm>> -> memref<1x10000x128xf32, #tpu.memory_space<hbm>>
      %dma_start3A_15 = tpu.memref_squeeze %dma_start3A_14 : memref<1x10000x128xf32, #tpu.memory_space<hbm>> -> memref<10000x128xf32, #tpu.memory_space<hbm>>
      %dma_start3A_16 = arith.constant 0 : i32
      %dma_start3A_17 = arith.constant 0 : i32
      %dma_start3A_18 = tpu.memref_slice %dma_start3A_15[%dma_start3A_16, %dma_start3A_17] : memref<10000x128xf32, #tpu.memory_space<hbm>> -> memref<10000x128xf32, #tpu.memory_space<hbm>>
      tpu.enqueue_indirect_dma source(%dma_start3A_18 : memref<10000x128xf32, #tpu.memory_space<hbm>>) target(%arg9 : memref<125x128xf32, #tpu.memory_space<vmem>>) offsets(%dma_start3A_11 : memref<125xi32, #tpu.memory_space<vmem>>) semaphore(%arg12 : memref<!tpu.dma_semaphore, #tpu.memory_space<semaphore_mem>>)
      %dma_start3A_19 = arith.constant 0 : i32
      %dma_start3A_20 = arith.constant 0 : i32
      %dma_start3A_21 = arith.constant 0 : i32
      %dma_start3A_22 = tpu.memref_slice %arg8[%dma_start3A_20, %dma_start3A_21] : memref<2x125xi32, #tpu.memory_space<vmem>> -> memref<1x125xi32, #tpu.memory_space<vmem>>
      %dma_start3A_23 = tpu.memref_squeeze %dma_start3A_22 : memref<1x125xi32, #tpu.memory_space<vmem>> -> memref<125xi32, #tpu.memory_space<vmem>>
      %dma_start3A_24 = arith.constant 0 : i32
      %dma_start3A_25 = tpu.memref_slice %arg4[%arg1, %dma_start3A_19, %dma_start3A_24] : memref<16x80x125xi32, #tpu.memory_space<hbm>> -> memref<1x1x125xi32, #tpu.memory_space<hbm>>
      %dma_start3A_26 = tpu.memref_squeeze %dma_start3A_25 : memref<1x1x125xi32, #tpu.memory_space<hbm>> -> memref<125xi32, #tpu.memory_space<hbm>>
      %dma_start3A_27 = arith.constant 0 : i32
      %dma_start3A_28 = tpu.memref_slice %arg8[%dma_start3A_20, %dma_start3A_27] : memref<2x125xi32, #tpu.memory_space<vmem>> -> memref<1x125xi32, #tpu.memory_space<vmem>>
      %dma_start3A_29 = tpu.memref_squeeze %dma_start3A_28 : memref<1x125xi32, #tpu.memory_space<vmem>> -> memref<125xi32, #tpu.memory_space<vmem>>
      %dma_start3A_30 = arith.constant 0 : i32
      %dma_start3A_31 = tpu.memref_slice %arg4[%arg1, %dma_start3A_19, %dma_start3A_30] : memref<16x80x125xi32, #tpu.memory_space<hbm>> -> memref<1x1x125xi32, #tpu.memory_space<hbm>>
      %dma_start3A_32 = tpu.memref_squeeze %dma_start3A_31 : memref<1x1x125xi32, #tpu.memory_space<hbm>> -> memref<125xi32, #tpu.memory_space<hbm>>
      tpu.enqueue_dma source(%dma_start3A_32 : memref<125xi32, #tpu.memory_space<hbm>>) target(%dma_start3A_29 : memref<125xi32, #tpu.memory_space<vmem>>) target_semaphore(%arg14 : memref<!tpu.dma_semaphore, #tpu.memory_space<semaphore_mem>>)
      %scan3A = arith.constant 0 : i32
      %scan3A_33 = arith.constant 1 : i32
      %scan3A_34 = arith.constant 0 : i32
      %scan3A_35 = arith.constant 40 : i32
      %scan3A_36 = arith.addi %scan3A_34, %scan3A_35 : i32
      %scan3A_37 = arith.constant 1 : i32
      scf.for %scan3A_69 = %scan3A_34 to %scan3A_36 step %scan3A_37  : i32 {
        %mul3A_70 = arith.constant 2 : i32
        %mul3A_71 = arith.muli %mul3A_70, %scan3A_69 : i32
        %add3A = arith.constant 1 : i32
        %add3A_72 = arith.addi %mul3A_71, %add3A : i32
        %dma_start3A_73 = arith.constant 0 : i32
        %dma_start3A_74 = tpu.memref_slice %arg7[%add3A_72, %dma_start3A_73] : memref<80x125xi32, #tpu.memory_space<vmem>> -> memref<1x125xi32, #tpu.memory_space<vmem>>
        %dma_start3A_75 = tpu.memref_squeeze %dma_start3A_74 : memref<1x125xi32, #tpu.memory_space<vmem>> -> memref<125xi32, #tpu.memory_space<vmem>>
        %dma_start3A_76 = arith.constant 0 : i32
        %dma_start3A_77 = arith.constant 0 : i32
        %dma_start3A_78 = tpu.memref_slice %arg2[%scan3A_33, %dma_start3A_76, %dma_start3A_77] : memref<2x10000x128xf32, #tpu.memory_space<hbm>> -> memref<1x10000x128xf32, #tpu.memory_space<hbm>>
        %dma_start3A_79 = tpu.memref_squeeze %dma_start3A_78 : memref<1x10000x128xf32, #tpu.memory_space<hbm>> -> memref<10000x128xf32, #tpu.memory_space<hbm>>
        %dma_start3A_80 = arith.constant 0 : i32
        %dma_start3A_81 = arith.constant 0 : i32
        %dma_start3A_82 = tpu.memref_slice %dma_start3A_79[%dma_start3A_80, %dma_start3A_81] : memref<10000x128xf32, #tpu.memory_space<hbm>> -> memref<10000x128xf32, #tpu.memory_space<hbm>>
        tpu.enqueue_indirect_dma source(%dma_start3A_82 : memref<10000x128xf32, #tpu.memory_space<hbm>>) target(%arg10 : memref<125x128xf32, #tpu.memory_space<vmem>>) offsets(%dma_start3A_75 : memref<125xi32, #tpu.memory_space<vmem>>) semaphore(%arg13 : memref<!tpu.dma_semaphore, #tpu.memory_space<semaphore_mem>>)
        %dma_start3A_83 = arith.constant 1 : i32
        %dma_start3A_84 = arith.constant 0 : i32
        %dma_start3A_85 = tpu.memref_slice %arg8[%dma_start3A_83, %dma_start3A_84] : memref<2x125xi32, #tpu.memory_space<vmem>> -> memref<1x125xi32, #tpu.memory_space<vmem>>
        %dma_start3A_86 = tpu.memref_squeeze %dma_start3A_85 : memref<1x125xi32, #tpu.memory_space<vmem>> -> memref<125xi32, #tpu.memory_space<vmem>>
        %dma_start3A_87 = arith.constant 0 : i32
        %dma_start3A_88 = tpu.memref_slice %arg4[%arg1, %add3A_72, %dma_start3A_87] : memref<16x80x125xi32, #tpu.memory_space<hbm>> -> memref<1x1x125xi32, #tpu.memory_space<hbm>>
        %dma_start3A_89 = tpu.memref_squeeze %dma_start3A_88 : memref<1x1x125xi32, #tpu.memory_space<hbm>> -> memref<125xi32, #tpu.memory_space<hbm>>
        %dma_start3A_90 = arith.constant 0 : i32
        %dma_start3A_91 = tpu.memref_slice %arg8[%dma_start3A_83, %dma_start3A_90] : memref<2x125xi32, #tpu.memory_space<vmem>> -> memref<1x125xi32, #tpu.memory_space<vmem>>
        %dma_start3A_92 = tpu.memref_squeeze %dma_start3A_91 : memref<1x125xi32, #tpu.memory_space<vmem>> -> memref<125xi32, #tpu.memory_space<vmem>>
        %dma_start3A_93 = arith.constant 0 : i32
        %dma_start3A_94 = tpu.memref_slice %arg4[%arg1, %add3A_72, %dma_start3A_93] : memref<16x80x125xi32, #tpu.memory_space<hbm>> -> memref<1x1x125xi32, #tpu.memory_space<hbm>>
        %dma_start3A_95 = tpu.memref_squeeze %dma_start3A_94 : memref<1x1x125xi32, #tpu.memory_space<hbm>> -> memref<125xi32, #tpu.memory_space<hbm>>
        tpu.enqueue_dma source(%dma_start3A_95 : memref<125xi32, #tpu.memory_space<hbm>>) target(%dma_start3A_92 : memref<125xi32, #tpu.memory_space<vmem>>) target_semaphore(%arg15 : memref<!tpu.dma_semaphore, #tpu.memory_space<semaphore_mem>>)
        %dma_wait3A_96 = arith.constant 0 : i32
        %dma_wait3A_97 = tpu.memref_slice %arg7[%mul3A_71, %dma_wait3A_96] : memref<80x125xi32, #tpu.memory_space<vmem>> -> memref<1x125xi32, #tpu.memory_space<vmem>>
        %dma_wait3A_98 = tpu.memref_squeeze %dma_wait3A_97 : memref<1x125xi32, #tpu.memory_space<vmem>> -> memref<125xi32, #tpu.memory_space<vmem>>
        %dma_wait3A_99 = arith.constant 0 : i32
        %dma_wait3A_100 = arith.constant 0 : i32
        %dma_wait3A_101 = tpu.memref_slice %arg2[%scan3A_33, %dma_wait3A_99, %dma_wait3A_100] : memref<2x10000x128xf32, #tpu.memory_space<hbm>> -> memref<1x10000x128xf32, #tpu.memory_space<hbm>>
        %dma_wait3A_102 = tpu.memref_squeeze %dma_wait3A_101 : memref<1x10000x128xf32, #tpu.memory_space<hbm>> -> memref<10000x128xf32, #tpu.memory_space<hbm>>
        %dma_wait3A_103 = arith.constant 0 : i32
        %dma_wait3A_104 = arith.constant 0 : i32
        %dma_wait3A_105 = tpu.memref_slice %dma_wait3A_102[%dma_wait3A_103, %dma_wait3A_104] : memref<10000x128xf32, #tpu.memory_space<hbm>> -> memref<10000x128xf32, #tpu.memory_space<hbm>>
        tpu.wait_indirect_dma semaphore(%arg12 : memref<!tpu.dma_semaphore, #tpu.memory_space<semaphore_mem>>) src(%dma_wait3A_105 : memref<10000x128xf32, #tpu.memory_space<hbm>>) dst(%arg9 : memref<125x128xf32, #tpu.memory_space<vmem>>)
        %dma_wait3A_106 = arith.constant 0 : i32
        %dma_wait3A_107 = arith.constant 0 : i32
        %dma_wait3A_108 = tpu.memref_slice %arg8[%dma_wait3A_106, %dma_wait3A_107] : memref<2x125xi32, #tpu.memory_space<vmem>> -> memref<1x125xi32, #tpu.memory_space<vmem>>
        %dma_wait3A_109 = tpu.memref_squeeze %dma_wait3A_108 : memref<1x125xi32, #tpu.memory_space<vmem>> -> memref<125xi32, #tpu.memory_space<vmem>>
        %dma_wait3A_110 = arith.constant 0 : i32
        %dma_wait3A_111 = tpu.memref_slice %arg4[%arg1, %mul3A_71, %dma_wait3A_110] : memref<16x80x125xi32, #tpu.memory_space<hbm>> -> memref<1x1x125xi32, #tpu.memory_space<hbm>>
        %dma_wait3A_112 = tpu.memref_squeeze %dma_wait3A_111 : memref<1x1x125xi32, #tpu.memory_space<hbm>> -> memref<125xi32, #tpu.memory_space<hbm>>
        %dma_wait3A_113 = arith.constant 0 : i32
        %dma_wait3A_114 = tpu.memref_slice %arg8[%dma_wait3A_106, %dma_wait3A_113] : memref<2x125xi32, #tpu.memory_space<vmem>> -> memref<1x125xi32, #tpu.memory_space<vmem>>
        %dma_wait3A_115 = tpu.memref_squeeze %dma_wait3A_114 : memref<1x125xi32, #tpu.memory_space<vmem>> -> memref<125xi32, #tpu.memory_space<vmem>>
        %dma_wait3A_116 = arith.constant 0 : i32
        %dma_wait3A_117 = tpu.memref_slice %arg4[%arg1, %mul3A_71, %dma_wait3A_116] : memref<16x80x125xi32, #tpu.memory_space<hbm>> -> memref<1x1x125xi32, #tpu.memory_space<hbm>>
        %dma_wait3A_118 = tpu.memref_squeeze %dma_wait3A_117 : memref<1x1x125xi32, #tpu.memory_space<hbm>> -> memref<125xi32, #tpu.memory_space<hbm>>
        tpu.wait_dma2 semaphore(%arg14 : memref<!tpu.dma_semaphore, #tpu.memory_space<semaphore_mem>>) src(%dma_wait3A_118 : memref<125xi32, #tpu.memory_space<hbm>>) dst(%dma_wait3A_115 : memref<125xi32, #tpu.memory_space<vmem>>)
        %run_scoped3A_119 = arith.constant 0 : i32
        "tpu.region"() ({
          %run_scoped3A_172 = tpu.sem_alloc : memref<!tpu.dma_semaphore, #tpu.memory_space<semaphore_mem>>
          %dma_start3A_173 = arith.constant 0 : i32
          %dma_start3A_174 = tpu.memref_slice %arg8[%run_scoped3A_119, %dma_start3A_173] : memref<2x125xi32, #tpu.memory_space<vmem>> -> memref<1x125xi32, #tpu.memory_space<vmem>>
          %dma_start3A_175 = tpu.memref_squeeze %dma_start3A_174 : memref<1x125xi32, #tpu.memory_space<vmem>> -> memref<125xi32, #tpu.memory_space<vmem>>
          %dma_start3A_176 = arith.constant 0 : i32
          %dma_start3A_177 = arith.constant 0 : i32
          %dma_start3A_178 = tpu.memref_slice %arg11[%dma_start3A_176, %dma_start3A_177] : memref<10240x128xf32, #tpu.memory_space<vmem_shared>> -> memref<10240x128xf32, #tpu.memory_space<vmem_shared>>
          tpu.enqueue_indirect_dma source(%arg9 : memref<125x128xf32, #tpu.memory_space<vmem>>) target(%dma_start3A_178 : memref<10240x128xf32, #tpu.memory_space<vmem_shared>>) offsets(%dma_start3A_175 : memref<125xi32, #tpu.memory_space<vmem>>) semaphore(%run_scoped3A_172 : memref<!tpu.dma_semaphore, #tpu.memory_space<semaphore_mem>>) {add = true}
          %dma_wait3A_179 = arith.constant 0 : i32
          %dma_wait3A_180 = tpu.memref_slice %arg8[%run_scoped3A_119, %dma_wait3A_179] : memref<2x125xi32, #tpu.memory_space<vmem>> -> memref<1x125xi32, #tpu.memory_space<vmem>>
          %dma_wait3A_181 = tpu.memref_squeeze %dma_wait3A_180 : memref<1x125xi32, #tpu.memory_space<vmem>> -> memref<125xi32, #tpu.memory_space<vmem>>
          %dma_wait3A_182 = arith.constant 0 : i32
          %dma_wait3A_183 = arith.constant 0 : i32
          %dma_wait3A_184 = tpu.memref_slice %arg11[%dma_wait3A_182, %dma_wait3A_183] : memref<10240x128xf32, #tpu.memory_space<vmem_shared>> -> memref<10240x128xf32, #tpu.memory_space<vmem_shared>>
          tpu.wait_indirect_dma semaphore(%run_scoped3A_172 : memref<!tpu.dma_semaphore, #tpu.memory_space<semaphore_mem>>) src(%arg9 : memref<125x128xf32, #tpu.memory_space<vmem>>) dst(%dma_wait3A_184 : memref<10240x128xf32, #tpu.memory_space<vmem_shared>>)
          tpu.yield
        }) : () -> ()
        %add3A_120 = arith.constant 2 : i32
        %add3A_121 = arith.addi %mul3A_71, %add3A_120 : i32
        %rem3A = arith.constant 80 : i32
        %rem3A_122 = arith.remsi %add3A_121, %rem3A : i32
        %dma_start3A_123 = arith.constant 0 : i32
        %dma_start3A_124 = tpu.memref_slice %arg7[%rem3A_122, %dma_start3A_123] : memref<80x125xi32, #tpu.memory_space<vmem>> -> memref<1x125xi32, #tpu.memory_space<vmem>>
        %dma_start3A_125 = tpu.memref_squeeze %dma_start3A_124 : memref<1x125xi32, #tpu.memory_space<vmem>> -> memref<125xi32, #tpu.memory_space<vmem>>
        %dma_start3A_126 = arith.constant 0 : i32
        %dma_start3A_127 = arith.constant 0 : i32
        %dma_start3A_128 = tpu.memref_slice %arg2[%scan3A_33, %dma_start3A_126, %dma_start3A_127] : memref<2x10000x128xf32, #tpu.memory_space<hbm>> -> memref<1x10000x128xf32, #tpu.memory_space<hbm>>
        %dma_start3A_129 = tpu.memref_squeeze %dma_start3A_128 : memref<1x10000x128xf32, #tpu.memory_space<hbm>> -> memref<10000x128xf32, #tpu.memory_space<hbm>>
        %dma_start3A_130 = arith.constant 0 : i32
        %dma_start3A_131 = arith.constant 0 : i32
        %dma_start3A_132 = tpu.memref_slice %dma_start3A_129[%dma_start3A_130, %dma_start3A_131] : memref<10000x128xf32, #tpu.memory_space<hbm>> -> memref<10000x128xf32, #tpu.memory_space<hbm>>
        tpu.enqueue_indirect_dma source(%dma_start3A_132 : memref<10000x128xf32, #tpu.memory_space<hbm>>) target(%arg9 : memref<125x128xf32, #tpu.memory_space<vmem>>) offsets(%dma_start3A_125 : memref<125xi32, #tpu.memory_space<vmem>>) semaphore(%arg12 : memref<!tpu.dma_semaphore, #tpu.memory_space<semaphore_mem>>)
        %dma_start3A_133 = arith.constant 0 : i32
        %dma_start3A_134 = arith.constant 0 : i32
        %dma_start3A_135 = tpu.memref_slice %arg8[%dma_start3A_133, %dma_start3A_134] : memref<2x125xi32, #tpu.memory_space<vmem>> -> memref<1x125xi32, #tpu.memory_space<vmem>>
        %dma_start3A_136 = tpu.memref_squeeze %dma_start3A_135 : memref<1x125xi32, #tpu.memory_space<vmem>> -> memref<125xi32, #tpu.memory_space<vmem>>
        %dma_start3A_137 = arith.constant 0 : i32
        %dma_start3A_138 = tpu.memref_slice %arg4[%arg1, %rem3A_122, %dma_start3A_137] : memref<16x80x125xi32, #tpu.memory_space<hbm>> -> memref<1x1x125xi32, #tpu.memory_space<hbm>>
        %dma_start3A_139 = tpu.memref_squeeze %dma_start3A_138 : memref<1x1x125xi32, #tpu.memory_space<hbm>> -> memref<125xi32, #tpu.memory_space<hbm>>
        %dma_start3A_140 = arith.constant 0 : i32
        %dma_start3A_141 = tpu.memref_slice %arg8[%dma_start3A_133, %dma_start3A_140] : memref<2x125xi32, #tpu.memory_space<vmem>> -> memref<1x125xi32, #tpu.memory_space<vmem>>
        %dma_start3A_142 = tpu.memref_squeeze %dma_start3A_141 : memref<1x125xi32, #tpu.memory_space<vmem>> -> memref<125xi32, #tpu.memory_space<vmem>>
        %dma_start3A_143 = arith.constant 0 : i32
        %dma_start3A_144 = tpu.memref_slice %arg4[%arg1, %rem3A_122, %dma_start3A_143] : memref<16x80x125xi32, #tpu.memory_space<hbm>> -> memref<1x1x125xi32, #tpu.memory_space<hbm>>
        %dma_start3A_145 = tpu.memref_squeeze %dma_start3A_144 : memref<1x1x125xi32, #tpu.memory_space<hbm>> -> memref<125xi32, #tpu.memory_space<hbm>>
        tpu.enqueue_dma source(%dma_start3A_145 : memref<125xi32, #tpu.memory_space<hbm>>) target(%dma_start3A_142 : memref<125xi32, #tpu.memory_space<vmem>>) target_semaphore(%arg14 : memref<!tpu.dma_semaphore, #tpu.memory_space<semaphore_mem>>)
        %add3A_146 = arith.constant 1 : i32
        %add3A_147 = arith.addi %mul3A_71, %add3A_146 : i32
        %dma_wait3A_148 = arith.constant 0 : i32
        %dma_wait3A_149 = tpu.memref_slice %arg7[%add3A_147, %dma_wait3A_148] : memref<80x125xi32, #tpu.memory_space<vmem>> -> memref<1x125xi32, #tpu.memory_space<vmem>>
        %dma_wait3A_150 = tpu.memref_squeeze %dma_wait3A_149 : memref<1x125xi32, #tpu.memory_space<vmem>> -> memref<125xi32, #tpu.memory_space<vmem>>
        %dma_wait3A_151 = arith.constant 0 : i32
        %dma_wait3A_152 = arith.constant 0 : i32
        %dma_wait3A_153 = tpu.memref_slice %arg2[%scan3A_33, %dma_wait3A_151, %dma_wait3A_152] : memref<2x10000x128xf32, #tpu.memory_space<hbm>> -> memref<1x10000x128xf32, #tpu.memory_space<hbm>>
        %dma_wait3A_154 = tpu.memref_squeeze %dma_wait3A_153 : memref<1x10000x128xf32, #tpu.memory_space<hbm>> -> memref<10000x128xf32, #tpu.memory_space<hbm>>
        %dma_wait3A_155 = arith.constant 0 : i32
        %dma_wait3A_156 = arith.constant 0 : i32
        %dma_wait3A_157 = tpu.memref_slice %dma_wait3A_154[%dma_wait3A_155, %dma_wait3A_156] : memref<10000x128xf32, #tpu.memory_space<hbm>> -> memref<10000x128xf32, #tpu.memory_space<hbm>>
        tpu.wait_indirect_dma semaphore(%arg13 : memref<!tpu.dma_semaphore, #tpu.memory_space<semaphore_mem>>) src(%dma_wait3A_157 : memref<10000x128xf32, #tpu.memory_space<hbm>>) dst(%arg10 : memref<125x128xf32, #tpu.memory_space<vmem>>)
        %dma_wait3A_158 = arith.constant 1 : i32
        %dma_wait3A_159 = arith.constant 0 : i32
        %dma_wait3A_160 = tpu.memref_slice %arg8[%dma_wait3A_158, %dma_wait3A_159] : memref<2x125xi32, #tpu.memory_space<vmem>> -> memref<1x125xi32, #tpu.memory_space<vmem>>
        %dma_wait3A_161 = tpu.memref_squeeze %dma_wait3A_160 : memref<1x125xi32, #tpu.memory_space<vmem>> -> memref<125xi32, #tpu.memory_space<vmem>>
        %dma_wait3A_162 = arith.constant 0 : i32
        %dma_wait3A_163 = tpu.memref_slice %arg4[%arg1, %add3A_147, %dma_wait3A_162] : memref<16x80x125xi32, #tpu.memory_space<hbm>> -> memref<1x1x125xi32, #tpu.memory_space<hbm>>
        %dma_wait3A_164 = tpu.memref_squeeze %dma_wait3A_163 : memref<1x1x125xi32, #tpu.memory_space<hbm>> -> memref<125xi32, #tpu.memory_space<hbm>>
        %dma_wait3A_165 = arith.constant 0 : i32
        %dma_wait3A_166 = tpu.memref_slice %arg8[%dma_wait3A_158, %dma_wait3A_165] : memref<2x125xi32, #tpu.memory_space<vmem>> -> memref<1x125xi32, #tpu.memory_space<vmem>>
        %dma_wait3A_167 = tpu.memref_squeeze %dma_wait3A_166 : memref<1x125xi32, #tpu.memory_space<vmem>> -> memref<125xi32, #tpu.memory_space<vmem>>
        %dma_wait3A_168 = arith.constant 0 : i32
        %dma_wait3A_169 = tpu.memref_slice %arg4[%arg1, %add3A_147, %dma_wait3A_168] : memref<16x80x125xi32, #tpu.memory_space<hbm>> -> memref<1x1x125xi32, #tpu.memory_space<hbm>>
        %dma_wait3A_170 = tpu.memref_squeeze %dma_wait3A_169 : memref<1x1x125xi32, #tpu.memory_space<hbm>> -> memref<125xi32, #tpu.memory_space<hbm>>
        tpu.wait_dma2 semaphore(%arg15 : memref<!tpu.dma_semaphore, #tpu.memory_space<semaphore_mem>>) src(%dma_wait3A_170 : memref<125xi32, #tpu.memory_space<hbm>>) dst(%dma_wait3A_167 : memref<125xi32, #tpu.memory_space<vmem>>)
        %run_scoped3A_171 = arith.constant 1 : i32
        "tpu.region"() ({
          %run_scoped3A_172 = tpu.sem_alloc : memref<!tpu.dma_semaphore, #tpu.memory_space<semaphore_mem>>
          %dma_start3A_173 = arith.constant 0 : i32
          %dma_start3A_174 = tpu.memref_slice %arg8[%run_scoped3A_171, %dma_start3A_173] : memref<2x125xi32, #tpu.memory_space<vmem>> -> memref<1x125xi32, #tpu.memory_space<vmem>>
          %dma_start3A_175 = tpu.memref_squeeze %dma_start3A_174 : memref<1x125xi32, #tpu.memory_space<vmem>> -> memref<125xi32, #tpu.memory_space<vmem>>
          %dma_start3A_176 = arith.constant 0 : i32
          %dma_start3A_177 = arith.constant 0 : i32
          %dma_start3A_178 = tpu.memref_slice %arg11[%dma_start3A_176, %dma_start3A_177] : memref<10240x128xf32, #tpu.memory_space<vmem_shared>> -> memref<10240x128xf32, #tpu.memory_space<vmem_shared>>
          tpu.enqueue_indirect_dma source(%arg10 : memref<125x128xf32, #tpu.memory_space<vmem>>) target(%dma_start3A_178 : memref<10240x128xf32, #tpu.memory_space<vmem_shared>>) offsets(%dma_start3A_175 : memref<125xi32, #tpu.memory_space<vmem>>) semaphore(%run_scoped3A_172 : memref<!tpu.dma_semaphore, #tpu.memory_space<semaphore_mem>>) {add = true}
          %dma_wait3A_179 = arith.constant 0 : i32
          %dma_wait3A_180 = tpu.memref_slice %arg8[%run_scoped3A_171, %dma_wait3A_179] : memref<2x125xi32, #tpu.memory_space<vmem>> -> memref<1x125xi32, #tpu.memory_space<vmem>>
          %dma_wait3A_181 = tpu.memref_squeeze %dma_wait3A_180 : memref<1x125xi32, #tpu.memory_space<vmem>> -> memref<125xi32, #tpu.memory_space<vmem>>
          %dma_wait3A_182 = arith.constant 0 : i32
          %dma_wait3A_183 = arith.constant 0 : i32
          %dma_wait3A_184 = tpu.memref_slice %arg11[%dma_wait3A_182, %dma_wait3A_183] : memref<10240x128xf32, #tpu.memory_space<vmem_shared>> -> memref<10240x128xf32, #tpu.memory_space<vmem_shared>>
          tpu.wait_indirect_dma semaphore(%run_scoped3A_172 : memref<!tpu.dma_semaphore, #tpu.memory_space<semaphore_mem>>) src(%arg10 : memref<125x128xf32, #tpu.memory_space<vmem>>) dst(%dma_wait3A_184 : memref<10240x128xf32, #tpu.memory_space<vmem_shared>>)
          tpu.yield
        }) : () -> ()
      }
      %scan3A_38 = arith.constant 40 : i32
      %dma_wait3A = arith.constant 1 : i32
      %dma_wait3A_39 = arith.constant 0 : i32
      %dma_wait3A_40 = arith.constant 0 : i32
      %dma_wait3A_41 = tpu.memref_slice %arg7[%dma_wait3A_39, %dma_wait3A_40] : memref<80x125xi32, #tpu.memory_space<vmem>> -> memref<1x125xi32, #tpu.memory_space<vmem>>
      %dma_wait3A_42 = tpu.memref_squeeze %dma_wait3A_41 : memref<1x125xi32, #tpu.memory_space<vmem>> -> memref<125xi32, #tpu.memory_space<vmem>>
      %dma_wait3A_43 = arith.constant 0 : i32
      %dma_wait3A_44 = arith.constant 0 : i32
      %dma_wait3A_45 = tpu.memref_slice %arg2[%dma_wait3A, %dma_wait3A_43, %dma_wait3A_44] : memref<2x10000x128xf32, #tpu.memory_space<hbm>> -> memref<1x10000x128xf32, #tpu.memory_space<hbm>>
      %dma_wait3A_46 = tpu.memref_squeeze %dma_wait3A_45 : memref<1x10000x128xf32, #tpu.memory_space<hbm>> -> memref<10000x128xf32, #tpu.memory_space<hbm>>
      %dma_wait3A_47 = arith.constant 0 : i32
      %dma_wait3A_48 = arith.constant 0 : i32
      %dma_wait3A_49 = tpu.memref_slice %dma_wait3A_46[%dma_wait3A_47, %dma_wait3A_48] : memref<10000x128xf32, #tpu.memory_space<hbm>> -> memref<10000x128xf32, #tpu.memory_space<hbm>>
      tpu.wait_indirect_dma semaphore(%arg12 : memref<!tpu.dma_semaphore, #tpu.memory_space<semaphore_mem>>) src(%dma_wait3A_49 : memref<10000x128xf32, #tpu.memory_space<hbm>>) dst(%arg9 : memref<125x128xf32, #tpu.memory_space<vmem>>)
      %dma_wait3A_50 = arith.constant 0 : i32
      %dma_wait3A_51 = arith.constant 0 : i32
      %dma_wait3A_52 = arith.constant 0 : i32
      %dma_wait3A_53 = tpu.memref_slice %arg8[%dma_wait3A_51, %dma_wait3A_52] : memref<2x125xi32, #tpu.memory_space<vmem>> -> memref<1x125xi32, #tpu.memory_space<vmem>>
      %dma_wait3A_54 = tpu.memref_squeeze %dma_wait3A_53 : memref<1x125xi32, #tpu.memory_space<vmem>> -> memref<125xi32, #tpu.memory_space<vmem>>
      %dma_wait3A_55 = arith.constant 0 : i32
      %dma_wait3A_56 = tpu.memref_slice %arg4[%arg1, %dma_wait3A_50, %dma_wait3A_55] : memref<16x80x125xi32, #tpu.memory_space<hbm>> -> memref<1x1x125xi32, #tpu.memory_space<hbm>>
      %dma_wait3A_57 = tpu.memref_squeeze %dma_wait3A_56 : memref<1x1x125xi32, #tpu.memory_space<hbm>> -> memref<125xi32, #tpu.memory_space<hbm>>
      %dma_wait3A_58 = arith.constant 0 : i32
      %dma_wait3A_59 = tpu.memref_slice %arg8[%dma_wait3A_51, %dma_wait3A_58] : memref<2x125xi32, #tpu.memory_space<vmem>> -> memref<1x125xi32, #tpu.memory_space<vmem>>
      %dma_wait3A_60 = tpu.memref_squeeze %dma_wait3A_59 : memref<1x125xi32, #tpu.memory_space<vmem>> -> memref<125xi32, #tpu.memory_space<vmem>>
      %dma_wait3A_61 = arith.constant 0 : i32
      %dma_wait3A_62 = tpu.memref_slice %arg4[%arg1, %dma_wait3A_50, %dma_wait3A_61] : memref<16x80x125xi32, #tpu.memory_space<hbm>> -> memref<1x1x125xi32, #tpu.memory_space<hbm>>
      %dma_wait3A_63 = tpu.memref_squeeze %dma_wait3A_62 : memref<1x1x125xi32, #tpu.memory_space<hbm>> -> memref<125xi32, #tpu.memory_space<hbm>>
      tpu.wait_dma2 semaphore(%arg14 : memref<!tpu.dma_semaphore, #tpu.memory_space<semaphore_mem>>) src(%dma_wait3A_63 : memref<125xi32, #tpu.memory_space<hbm>>) dst(%dma_wait3A_60 : memref<125xi32, #tpu.memory_space<vmem>>)
      %barrier3A_64 = arith.constant 0 : index
      tpu.barrier barrier_id(%barrier3A_64)
      %mul3A_65 = arith.constant 640 : i32
      %mul3A_66 = arith.muli %arg1, %mul3A_65 : i32
      %mul3A_67 = arith.constant 640 : i32
      %mul3A_68 = arith.muli %arg1, %mul3A_67 : i32
      %run_scoped3A = arith.constant 1 : i32
      "tpu.region"() ({
        %run_scoped3A_69 = tpu.sem_alloc : memref<!tpu.dma_semaphore, #tpu.memory_space<semaphore_mem>>
        %dma_start3A_70 = arith.constant 0 : i32
        %dma_start3A_71 = arith.constant 0 : i32
        %dma_start3A_72 = tpu.memref_slice %arg6[%run_scoped3A, %dma_start3A_70, %dma_start3A_71] : memref<2x10240x128xf32, #tpu.memory_space<hbm>> -> memref<1x10240x128xf32, #tpu.memory_space<hbm>>
        %dma_start3A_73 = tpu.memref_squeeze %dma_start3A_72 : memref<1x10240x128xf32, #tpu.memory_space<hbm>> -> memref<10240x128xf32, #tpu.memory_space<hbm>>
        %dma_start3A_74 = arith.constant 0 : i32
        %dma_start3A_75 = tpu.memref_slice %dma_start3A_73[%mul3A_68, %dma_start3A_74] : memref<10240x128xf32, #tpu.memory_space<hbm>> -> memref<640x128xf32, #tpu.memory_space<hbm>>
        %dma_start3A_76 = arith.constant 0 : i32
        %dma_start3A_77 = tpu.memref_slice %arg11[%mul3A_66, %dma_start3A_76] : memref<10240x128xf32, #tpu.memory_space<vmem_shared>> -> memref<640x128xf32, #tpu.memory_space<vmem_shared>>
        tpu.enqueue_dma source(%dma_start3A_77 : memref<640x128xf32, #tpu.memory_space<vmem_shared>>) target(%dma_start3A_75 : memref<640x128xf32, #tpu.memory_space<hbm>>) target_semaphore(%run_scoped3A_69 : memref<!tpu.dma_semaphore, #tpu.memory_space<semaphore_mem>>)
        %dma_wait3A_78 = arith.constant 0 : i32
        %dma_wait3A_79 = arith.constant 0 : i32
        %dma_wait3A_80 = tpu.memref_slice %arg6[%run_scoped3A, %dma_wait3A_78, %dma_wait3A_79] : memref<2x10240x128xf32, #tpu.memory_space<hbm>> -> memref<1x10240x128xf32, #tpu.memory_space<hbm>>
        %dma_wait3A_81 = tpu.memref_squeeze %dma_wait3A_80 : memref<1x10240x128xf32, #tpu.memory_space<hbm>> -> memref<10240x128xf32, #tpu.memory_space<hbm>>
        %dma_wait3A_82 = arith.constant 0 : i32
        %dma_wait3A_83 = tpu.memref_slice %dma_wait3A_81[%mul3A_68, %dma_wait3A_82] : memref<10240x128xf32, #tpu.memory_space<hbm>> -> memref<640x128xf32, #tpu.memory_space<hbm>>
        %dma_wait3A_84 = arith.constant 0 : i32
        %dma_wait3A_85 = tpu.memref_slice %arg11[%mul3A_66, %dma_wait3A_84] : memref<10240x128xf32, #tpu.memory_space<vmem_shared>> -> memref<640x128xf32, #tpu.memory_space<vmem_shared>>
        tpu.wait_dma2 semaphore(%run_scoped3A_69 : memref<!tpu.dma_semaphore, #tpu.memory_space<semaphore_mem>>) src(%dma_wait3A_85 : memref<640x128xf32, #tpu.memory_space<vmem_shared>>) dst(%dma_wait3A_83 : memref<640x128xf32, #tpu.memory_space<hbm>>)
        tpu.yield
      }) : () -> ()
    } else {
    }
    return
  }
}

#map = affine_map<(d0, d1) -> (0, 0, 0)>
#map1 = affine_map<(d0, d1) -> (0, 0)>
module attributes {stable_mosaic.version = 14 : i64} {
  func.func @_sc_agg_body(%arg0: i32, %arg1: i32, %arg2: memref<2x10000x128xf32, #tpu.memory_space<hbm>>, %arg3: memref<16x80x125xi32, #tpu.memory_space<hbm>>, %arg4: memref<16x80x125xi32, #tpu.memory_space<hbm>>, %arg5: memref<640x128xf32, #tpu.memory_space<hbm>>, %arg6: memref<2x10240x128xf32, #tpu.memory_space<hbm>>, %arg7: memref<80x125xi32, #tpu.memory_space<vmem>>, %arg8: memref<2x125xi32, #tpu.memory_space<vmem>>, %arg9: memref<125x128xf32, #tpu.memory_space<vmem>>, %arg10: memref<125x128xf32, #tpu.memory_space<vmem>>, %arg11: memref<10240x128xf32, #tpu.memory_space<vmem_shared>>, %arg12: memref<!tpu.dma_semaphore, #tpu.memory_space<semaphore_mem>>, %arg13: memref<!tpu.dma_semaphore, #tpu.memory_space<semaphore_mem>>, %arg14: memref<!tpu.dma_semaphore, #tpu.memory_space<semaphore_mem>>, %arg15: memref<!tpu.dma_semaphore, #tpu.memory_space<semaphore_mem>>) attributes {dimension_semantics = [#tpu.dimension_semantics<core_parallel>, #tpu.dimension_semantics<subcore_parallel>], iteration_bounds = array<i64: 2, 16>, scalar_prefetch = 0 : i64, scratch_operands = 9 : i64, tpu.core_type = #tpu.core_type<sc_vector_subcore>, window_params = [{transform_indices = #map}, {transform_indices = #map}, {transform_indices = #map}, {transform_indices = #map1}, {transform_indices = #map}]} {
    "tpu.region"() ({
      %run_scoped3A = tpu.sem_alloc : memref<!tpu.dma_semaphore, #tpu.memory_space<semaphore_mem>>
      %dma_start3A = arith.constant 0 : i32
      %dma_start3A_8 = arith.constant 0 : i32
      %dma_start3A_9 = tpu.memref_slice %arg3[%arg1, %dma_start3A, %dma_start3A_8] : memref<16x80x125xi32, #tpu.memory_space<hbm>> -> memref<1x80x125xi32, #tpu.memory_space<hbm>>
      %dma_start3A_10 = tpu.memref_squeeze %dma_start3A_9 : memref<1x80x125xi32, #tpu.memory_space<hbm>> -> memref<80x125xi32, #tpu.memory_space<hbm>>
      %dma_start3A_11 = arith.constant 0 : i32
      %dma_start3A_12 = arith.constant 0 : i32
      %dma_start3A_13 = tpu.memref_slice %arg3[%arg1, %dma_start3A_11, %dma_start3A_12] : memref<16x80x125xi32, #tpu.memory_space<hbm>> -> memref<1x80x125xi32, #tpu.memory_space<hbm>>
      %dma_start3A_14 = tpu.memref_squeeze %dma_start3A_13 : memref<1x80x125xi32, #tpu.memory_space<hbm>> -> memref<80x125xi32, #tpu.memory_space<hbm>>
      tpu.enqueue_dma source(%dma_start3A_14 : memref<80x125xi32, #tpu.memory_space<hbm>>) target(%arg7 : memref<80x125xi32, #tpu.memory_space<vmem>>) target_semaphore(%run_scoped3A : memref<!tpu.dma_semaphore, #tpu.memory_space<semaphore_mem>>)
      %dma_wait3A = arith.constant 0 : i32
      %dma_wait3A_15 = arith.constant 0 : i32
      %dma_wait3A_16 = tpu.memref_slice %arg3[%arg1, %dma_wait3A, %dma_wait3A_15] : memref<16x80x125xi32, #tpu.memory_space<hbm>> -> memref<1x80x125xi32, #tpu.memory_space<hbm>>
      %dma_wait3A_17 = tpu.memref_squeeze %dma_wait3A_16 : memref<1x80x125xi32, #tpu.memory_space<hbm>> -> memref<80x125xi32, #tpu.memory_space<hbm>>
      %dma_wait3A_18 = arith.constant 0 : i32
      %dma_wait3A_19 = arith.constant 0 : i32
      %dma_wait3A_20 = tpu.memref_slice %arg3[%arg1, %dma_wait3A_18, %dma_wait3A_19] : memref<16x80x125xi32, #tpu.memory_space<hbm>> -> memref<1x80x125xi32, #tpu.memory_space<hbm>>
      %dma_wait3A_21 = tpu.memref_squeeze %dma_wait3A_20 : memref<1x80x125xi32, #tpu.memory_space<hbm>> -> memref<80x125xi32, #tpu.memory_space<hbm>>
      tpu.wait_dma2 semaphore(%run_scoped3A : memref<!tpu.dma_semaphore, #tpu.memory_space<semaphore_mem>>) src(%dma_wait3A_21 : memref<80x125xi32, #tpu.memory_space<hbm>>) dst(%arg7 : memref<80x125xi32, #tpu.memory_space<vmem>>)
      tpu.yield
    }) : () -> ()
    %mul3A = arith.constant 640 : i32
    %mul3A_0 = arith.muli %arg1, %mul3A : i32
    "tpu.region"() ({
      %run_scoped3A = tpu.sem_alloc : memref<!tpu.dma_semaphore, #tpu.memory_space<semaphore_mem>>
      %dma_start3A = arith.constant 0 : i32
      %dma_start3A_8 = tpu.memref_slice %arg11[%mul3A_0, %dma_start3A] : memref<10240x128xf32, #tpu.memory_space<vmem_shared>> -> memref<640x128xf32, #tpu.memory_space<vmem_shared>>
      tpu.enqueue_dma source(%arg5 : memref<640x128xf32, #tpu.memory_space<hbm>>) target(%dma_start3A_8 : memref<640x128xf32, #tpu.memory_space<vmem_shared>>) target_semaphore(%run_scoped3A : memref<!tpu.dma_semaphore, #tpu.memory_space<semaphore_mem>>)
      %dma_wait3A = arith.constant 0 : i32
      %dma_wait3A_9 = tpu.memref_slice %arg11[%mul3A_0, %dma_wait3A] : memref<10240x128xf32, #tpu.memory_space<vmem_shared>> -> memref<640x128xf32, #tpu.memory_space<vmem_shared>>
      tpu.wait_dma2 semaphore(%run_scoped3A : memref<!tpu.dma_semaphore, #tpu.memory_space<semaphore_mem>>) src(%arg5 : memref<640x128xf32, #tpu.memory_space<hbm>>) dst(%dma_wait3A_9 : memref<640x128xf32, #tpu.memory_space<vmem_shared>>)
      tpu.yield
    }) : () -> ()
    %barrier3A = arith.constant 0 : index
    tpu.barrier barrier_id(%barrier3A)
    %eq3A = arith.constant 0 : i32
    %eq3A_1 = arith.cmpi eq, %arg0, %eq3A : i32
    %convert_element_type3A = arith.extui %eq3A_1 : i1 to i32
    %cond3A = arith.constant 0 : i32
    %cond3A_2 = arith.cmpi ne, %convert_element_type3A, %cond3A : i32
    scf.if %cond3A_2 {
      %dma_start3A = arith.constant 0 : i32
      %dma_start3A_8 = arith.constant 0 : i32
      %dma_start3A_9 = arith.constant 0 : i32
      %dma_start3A_10 = tpu.memref_slice %arg7[%dma_start3A_8, %dma_start3A_9] : memref<80x125xi32, #tpu.memory_space<vmem>> -> memref<1x125xi32, #tpu.memory_space<vmem>>
      %dma_start3A_11 = tpu.memref_squeeze %dma_start3A_10 : memref<1x125xi32, #tpu.memory_space<vmem>> -> memref<125xi32, #tpu.memory_space<vmem>>
      %dma_start3A_12 = arith.constant 0 : i32
      %dma_start3A_13 = arith.constant 0 : i32
      %dma_start3A_14 = tpu.memref_slice %arg2[%dma_start3A, %dma_start3A_12, %dma_start3A_13] : memref<2x10000x128xf32, #tpu.memory_space<hbm>> -> memref<1x10000x128xf32, #tpu.memory_space<hbm>>
      %dma_start3A_15 = tpu.memref_squeeze %dma_start3A_14 : memref<1x10000x128xf32, #tpu.memory_space<hbm>> -> memref<10000x128xf32, #tpu.memory_space<hbm>>
      %dma_start3A_16 = arith.constant 0 : i32
      %dma_start3A_17 = arith.constant 0 : i32
      %dma_start3A_18 = tpu.memref_slice %dma_start3A_15[%dma_start3A_16, %dma_start3A_17] : memref<10000x128xf32, #tpu.memory_space<hbm>> -> memref<10000x128xf32, #tpu.memory_space<hbm>>
      tpu.enqueue_indirect_dma source(%dma_start3A_18 : memref<10000x128xf32, #tpu.memory_space<hbm>>) target(%arg9 : memref<125x128xf32, #tpu.memory_space<vmem>>) offsets(%dma_start3A_11 : memref<125xi32, #tpu.memory_space<vmem>>) semaphore(%arg12 : memref<!tpu.dma_semaphore, #tpu.memory_space<semaphore_mem>>)
      %dma_start3A_19 = arith.constant 0 : i32
      %dma_start3A_20 = arith.constant 0 : i32
      %dma_start3A_21 = arith.constant 0 : i32
      %dma_start3A_22 = tpu.memref_slice %arg8[%dma_start3A_20, %dma_start3A_21] : memref<2x125xi32, #tpu.memory_space<vmem>> -> memref<1x125xi32, #tpu.memory_space<vmem>>
      %dma_start3A_23 = tpu.memref_squeeze %dma_start3A_22 : memref<1x125xi32, #tpu.memory_space<vmem>> -> memref<125xi32, #tpu.memory_space<vmem>>
      %dma_start3A_24 = arith.constant 0 : i32
      %dma_start3A_25 = tpu.memref_slice %arg4[%arg1, %dma_start3A_19, %dma_start3A_24] : memref<16x80x125xi32, #tpu.memory_space<hbm>> -> memref<1x1x125xi32, #tpu.memory_space<hbm>>
      %dma_start3A_26 = tpu.memref_squeeze %dma_start3A_25 : memref<1x1x125xi32, #tpu.memory_space<hbm>> -> memref<125xi32, #tpu.memory_space<hbm>>
      %dma_start3A_27 = arith.constant 0 : i32
      %dma_start3A_28 = tpu.memref_slice %arg8[%dma_start3A_20, %dma_start3A_27] : memref<2x125xi32, #tpu.memory_space<vmem>> -> memref<1x125xi32, #tpu.memory_space<vmem>>
      %dma_start3A_29 = tpu.memref_squeeze %dma_start3A_28 : memref<1x125xi32, #tpu.memory_space<vmem>> -> memref<125xi32, #tpu.memory_space<vmem>>
      %dma_start3A_30 = arith.constant 0 : i32
      %dma_start3A_31 = tpu.memref_slice %arg4[%arg1, %dma_start3A_19, %dma_start3A_30] : memref<16x80x125xi32, #tpu.memory_space<hbm>> -> memref<1x1x125xi32, #tpu.memory_space<hbm>>
      %dma_start3A_32 = tpu.memref_squeeze %dma_start3A_31 : memref<1x1x125xi32, #tpu.memory_space<hbm>> -> memref<125xi32, #tpu.memory_space<hbm>>
      tpu.enqueue_dma source(%dma_start3A_32 : memref<125xi32, #tpu.memory_space<hbm>>) target(%dma_start3A_29 : memref<125xi32, #tpu.memory_space<vmem>>) target_semaphore(%arg14 : memref<!tpu.dma_semaphore, #tpu.memory_space<semaphore_mem>>)
      %scan3A = arith.constant 0 : i32
      %scan3A_33 = arith.constant 0 : i32
      %scan3A_34 = arith.constant 0 : i32
      %scan3A_35 = arith.constant 40 : i32
      %scan3A_36 = arith.addi %scan3A_34, %scan3A_35 : i32
      %scan3A_37 = arith.constant 1 : i32
      scf.for %scan3A_69 = %scan3A_34 to %scan3A_36 step %scan3A_37  : i32 {
        %mul3A_70 = arith.constant 2 : i32
        %mul3A_71 = arith.muli %mul3A_70, %scan3A_69 : i32
        %add3A = arith.constant 1 : i32
        %add3A_72 = arith.addi %mul3A_71, %add3A : i32
        %dma_start3A_73 = arith.constant 0 : i32
        %dma_start3A_74 = tpu.memref_slice %arg7[%add3A_72, %dma_start3A_73] : memref<80x125xi32, #tpu.memory_space<vmem>> -> memref<1x125xi32, #tpu.memory_space<vmem>>
        %dma_start3A_75 = tpu.memref_squeeze %dma_start3A_74 : memref<1x125xi32, #tpu.memory_space<vmem>> -> memref<125xi32, #tpu.memory_space<vmem>>
        %dma_start3A_76 = arith.constant 0 : i32
        %dma_start3A_77 = arith.constant 0 : i32
        %dma_start3A_78 = tpu.memref_slice %arg2[%scan3A_33, %dma_start3A_76, %dma_start3A_77] : memref<2x10000x128xf32, #tpu.memory_space<hbm>> -> memref<1x10000x128xf32, #tpu.memory_space<hbm>>
        %dma_start3A_79 = tpu.memref_squeeze %dma_start3A_78 : memref<1x10000x128xf32, #tpu.memory_space<hbm>> -> memref<10000x128xf32, #tpu.memory_space<hbm>>
        %dma_start3A_80 = arith.constant 0 : i32
        %dma_start3A_81 = arith.constant 0 : i32
        %dma_start3A_82 = tpu.memref_slice %dma_start3A_79[%dma_start3A_80, %dma_start3A_81] : memref<10000x128xf32, #tpu.memory_space<hbm>> -> memref<10000x128xf32, #tpu.memory_space<hbm>>
        tpu.enqueue_indirect_dma source(%dma_start3A_82 : memref<10000x128xf32, #tpu.memory_space<hbm>>) target(%arg10 : memref<125x128xf32, #tpu.memory_space<vmem>>) offsets(%dma_start3A_75 : memref<125xi32, #tpu.memory_space<vmem>>) semaphore(%arg13 : memref<!tpu.dma_semaphore, #tpu.memory_space<semaphore_mem>>)
        %dma_start3A_83 = arith.constant 1 : i32
        %dma_start3A_84 = arith.constant 0 : i32
        %dma_start3A_85 = tpu.memref_slice %arg8[%dma_start3A_83, %dma_start3A_84] : memref<2x125xi32, #tpu.memory_space<vmem>> -> memref<1x125xi32, #tpu.memory_space<vmem>>
        %dma_start3A_86 = tpu.memref_squeeze %dma_start3A_85 : memref<1x125xi32, #tpu.memory_space<vmem>> -> memref<125xi32, #tpu.memory_space<vmem>>
        %dma_start3A_87 = arith.constant 0 : i32
        %dma_start3A_88 = tpu.memref_slice %arg4[%arg1, %add3A_72, %dma_start3A_87] : memref<16x80x125xi32, #tpu.memory_space<hbm>> -> memref<1x1x125xi32, #tpu.memory_space<hbm>>
        %dma_start3A_89 = tpu.memref_squeeze %dma_start3A_88 : memref<1x1x125xi32, #tpu.memory_space<hbm>> -> memref<125xi32, #tpu.memory_space<hbm>>
        %dma_start3A_90 = arith.constant 0 : i32
        %dma_start3A_91 = tpu.memref_slice %arg8[%dma_start3A_83, %dma_start3A_90] : memref<2x125xi32, #tpu.memory_space<vmem>> -> memref<1x125xi32, #tpu.memory_space<vmem>>
        %dma_start3A_92 = tpu.memref_squeeze %dma_start3A_91 : memref<1x125xi32, #tpu.memory_space<vmem>> -> memref<125xi32, #tpu.memory_space<vmem>>
        %dma_start3A_93 = arith.constant 0 : i32
        %dma_start3A_94 = tpu.memref_slice %arg4[%arg1, %add3A_72, %dma_start3A_93] : memref<16x80x125xi32, #tpu.memory_space<hbm>> -> memref<1x1x125xi32, #tpu.memory_space<hbm>>
        %dma_start3A_95 = tpu.memref_squeeze %dma_start3A_94 : memref<1x1x125xi32, #tpu.memory_space<hbm>> -> memref<125xi32, #tpu.memory_space<hbm>>
        tpu.enqueue_dma source(%dma_start3A_95 : memref<125xi32, #tpu.memory_space<hbm>>) target(%dma_start3A_92 : memref<125xi32, #tpu.memory_space<vmem>>) target_semaphore(%arg15 : memref<!tpu.dma_semaphore, #tpu.memory_space<semaphore_mem>>)
        %dma_wait3A_96 = arith.constant 0 : i32
        %dma_wait3A_97 = tpu.memref_slice %arg7[%mul3A_71, %dma_wait3A_96] : memref<80x125xi32, #tpu.memory_space<vmem>> -> memref<1x125xi32, #tpu.memory_space<vmem>>
        %dma_wait3A_98 = tpu.memref_squeeze %dma_wait3A_97 : memref<1x125xi32, #tpu.memory_space<vmem>> -> memref<125xi32, #tpu.memory_space<vmem>>
        %dma_wait3A_99 = arith.constant 0 : i32
        %dma_wait3A_100 = arith.constant 0 : i32
        %dma_wait3A_101 = tpu.memref_slice %arg2[%scan3A_33, %dma_wait3A_99, %dma_wait3A_100] : memref<2x10000x128xf32, #tpu.memory_space<hbm>> -> memref<1x10000x128xf32, #tpu.memory_space<hbm>>
        %dma_wait3A_102 = tpu.memref_squeeze %dma_wait3A_101 : memref<1x10000x128xf32, #tpu.memory_space<hbm>> -> memref<10000x128xf32, #tpu.memory_space<hbm>>
        %dma_wait3A_103 = arith.constant 0 : i32
        %dma_wait3A_104 = arith.constant 0 : i32
        %dma_wait3A_105 = tpu.memref_slice %dma_wait3A_102[%dma_wait3A_103, %dma_wait3A_104] : memref<10000x128xf32, #tpu.memory_space<hbm>> -> memref<10000x128xf32, #tpu.memory_space<hbm>>
        tpu.wait_indirect_dma semaphore(%arg12 : memref<!tpu.dma_semaphore, #tpu.memory_space<semaphore_mem>>) src(%dma_wait3A_105 : memref<10000x128xf32, #tpu.memory_space<hbm>>) dst(%arg9 : memref<125x128xf32, #tpu.memory_space<vmem>>)
        %dma_wait3A_106 = arith.constant 0 : i32
        %dma_wait3A_107 = arith.constant 0 : i32
        %dma_wait3A_108 = tpu.memref_slice %arg8[%dma_wait3A_106, %dma_wait3A_107] : memref<2x125xi32, #tpu.memory_space<vmem>> -> memref<1x125xi32, #tpu.memory_space<vmem>>
        %dma_wait3A_109 = tpu.memref_squeeze %dma_wait3A_108 : memref<1x125xi32, #tpu.memory_space<vmem>> -> memref<125xi32, #tpu.memory_space<vmem>>
        %dma_wait3A_110 = arith.constant 0 : i32
        %dma_wait3A_111 = tpu.memref_slice %arg4[%arg1, %mul3A_71, %dma_wait3A_110] : memref<16x80x125xi32, #tpu.memory_space<hbm>> -> memref<1x1x125xi32, #tpu.memory_space<hbm>>
        %dma_wait3A_112 = tpu.memref_squeeze %dma_wait3A_111 : memref<1x1x125xi32, #tpu.memory_space<hbm>> -> memref<125xi32, #tpu.memory_space<hbm>>
        %dma_wait3A_113 = arith.constant 0 : i32
        %dma_wait3A_114 = tpu.memref_slice %arg8[%dma_wait3A_106, %dma_wait3A_113] : memref<2x125xi32, #tpu.memory_space<vmem>> -> memref<1x125xi32, #tpu.memory_space<vmem>>
        %dma_wait3A_115 = tpu.memref_squeeze %dma_wait3A_114 : memref<1x125xi32, #tpu.memory_space<vmem>> -> memref<125xi32, #tpu.memory_space<vmem>>
        %dma_wait3A_116 = arith.constant 0 : i32
        %dma_wait3A_117 = tpu.memref_slice %arg4[%arg1, %mul3A_71, %dma_wait3A_116] : memref<16x80x125xi32, #tpu.memory_space<hbm>> -> memref<1x1x125xi32, #tpu.memory_space<hbm>>
        %dma_wait3A_118 = tpu.memref_squeeze %dma_wait3A_117 : memref<1x1x125xi32, #tpu.memory_space<hbm>> -> memref<125xi32, #tpu.memory_space<hbm>>
        tpu.wait_dma2 semaphore(%arg14 : memref<!tpu.dma_semaphore, #tpu.memory_space<semaphore_mem>>) src(%dma_wait3A_118 : memref<125xi32, #tpu.memory_space<hbm>>) dst(%dma_wait3A_115 : memref<125xi32, #tpu.memory_space<vmem>>)
        %run_scoped3A_119 = arith.constant 0 : i32
        "tpu.region"() ({
          %run_scoped3A_172 = tpu.sem_alloc : memref<!tpu.dma_semaphore, #tpu.memory_space<semaphore_mem>>
          %dma_start3A_173 = arith.constant 0 : i32
          %dma_start3A_174 = tpu.memref_slice %arg8[%run_scoped3A_119, %dma_start3A_173] : memref<2x125xi32, #tpu.memory_space<vmem>> -> memref<1x125xi32, #tpu.memory_space<vmem>>
          %dma_start3A_175 = tpu.memref_squeeze %dma_start3A_174 : memref<1x125xi32, #tpu.memory_space<vmem>> -> memref<125xi32, #tpu.memory_space<vmem>>
          %dma_start3A_176 = arith.constant 0 : i32
          %dma_start3A_177 = arith.constant 0 : i32
          %dma_start3A_178 = tpu.memref_slice %arg11[%dma_start3A_176, %dma_start3A_177] : memref<10240x128xf32, #tpu.memory_space<vmem_shared>> -> memref<10240x128xf32, #tpu.memory_space<vmem_shared>>
          tpu.enqueue_indirect_dma source(%arg9 : memref<125x128xf32, #tpu.memory_space<vmem>>) target(%dma_start3A_178 : memref<10240x128xf32, #tpu.memory_space<vmem_shared>>) offsets(%dma_start3A_175 : memref<125xi32, #tpu.memory_space<vmem>>) semaphore(%run_scoped3A_172 : memref<!tpu.dma_semaphore, #tpu.memory_space<semaphore_mem>>) {add = true}
          %dma_wait3A_179 = arith.constant 0 : i32
          %dma_wait3A_180 = tpu.memref_slice %arg8[%run_scoped3A_119, %dma_wait3A_179] : memref<2x125xi32, #tpu.memory_space<vmem>> -> memref<1x125xi32, #tpu.memory_space<vmem>>
          %dma_wait3A_181 = tpu.memref_squeeze %dma_wait3A_180 : memref<1x125xi32, #tpu.memory_space<vmem>> -> memref<125xi32, #tpu.memory_space<vmem>>
          %dma_wait3A_182 = arith.constant 0 : i32
          %dma_wait3A_183 = arith.constant 0 : i32
          %dma_wait3A_184 = tpu.memref_slice %arg11[%dma_wait3A_182, %dma_wait3A_183] : memref<10240x128xf32, #tpu.memory_space<vmem_shared>> -> memref<10240x128xf32, #tpu.memory_space<vmem_shared>>
          tpu.wait_indirect_dma semaphore(%run_scoped3A_172 : memref<!tpu.dma_semaphore, #tpu.memory_space<semaphore_mem>>) src(%arg9 : memref<125x128xf32, #tpu.memory_space<vmem>>) dst(%dma_wait3A_184 : memref<10240x128xf32, #tpu.memory_space<vmem_shared>>)
          tpu.yield
        }) : () -> ()
        %add3A_120 = arith.constant 2 : i32
        %add3A_121 = arith.addi %mul3A_71, %add3A_120 : i32
        %rem3A = arith.constant 80 : i32
        %rem3A_122 = arith.remsi %add3A_121, %rem3A : i32
        %dma_start3A_123 = arith.constant 0 : i32
        %dma_start3A_124 = tpu.memref_slice %arg7[%rem3A_122, %dma_start3A_123] : memref<80x125xi32, #tpu.memory_space<vmem>> -> memref<1x125xi32, #tpu.memory_space<vmem>>
        %dma_start3A_125 = tpu.memref_squeeze %dma_start3A_124 : memref<1x125xi32, #tpu.memory_space<vmem>> -> memref<125xi32, #tpu.memory_space<vmem>>
        %dma_start3A_126 = arith.constant 0 : i32
        %dma_start3A_127 = arith.constant 0 : i32
        %dma_start3A_128 = tpu.memref_slice %arg2[%scan3A_33, %dma_start3A_126, %dma_start3A_127] : memref<2x10000x128xf32, #tpu.memory_space<hbm>> -> memref<1x10000x128xf32, #tpu.memory_space<hbm>>
        %dma_start3A_129 = tpu.memref_squeeze %dma_start3A_128 : memref<1x10000x128xf32, #tpu.memory_space<hbm>> -> memref<10000x128xf32, #tpu.memory_space<hbm>>
        %dma_start3A_130 = arith.constant 0 : i32
        %dma_start3A_131 = arith.constant 0 : i32
        %dma_start3A_132 = tpu.memref_slice %dma_start3A_129[%dma_start3A_130, %dma_start3A_131] : memref<10000x128xf32, #tpu.memory_space<hbm>> -> memref<10000x128xf32, #tpu.memory_space<hbm>>
        tpu.enqueue_indirect_dma source(%dma_start3A_132 : memref<10000x128xf32, #tpu.memory_space<hbm>>) target(%arg9 : memref<125x128xf32, #tpu.memory_space<vmem>>) offsets(%dma_start3A_125 : memref<125xi32, #tpu.memory_space<vmem>>) semaphore(%arg12 : memref<!tpu.dma_semaphore, #tpu.memory_space<semaphore_mem>>)
        %dma_start3A_133 = arith.constant 0 : i32
        %dma_start3A_134 = arith.constant 0 : i32
        %dma_start3A_135 = tpu.memref_slice %arg8[%dma_start3A_133, %dma_start3A_134] : memref<2x125xi32, #tpu.memory_space<vmem>> -> memref<1x125xi32, #tpu.memory_space<vmem>>
        %dma_start3A_136 = tpu.memref_squeeze %dma_start3A_135 : memref<1x125xi32, #tpu.memory_space<vmem>> -> memref<125xi32, #tpu.memory_space<vmem>>
        %dma_start3A_137 = arith.constant 0 : i32
        %dma_start3A_138 = tpu.memref_slice %arg4[%arg1, %rem3A_122, %dma_start3A_137] : memref<16x80x125xi32, #tpu.memory_space<hbm>> -> memref<1x1x125xi32, #tpu.memory_space<hbm>>
        %dma_start3A_139 = tpu.memref_squeeze %dma_start3A_138 : memref<1x1x125xi32, #tpu.memory_space<hbm>> -> memref<125xi32, #tpu.memory_space<hbm>>
        %dma_start3A_140 = arith.constant 0 : i32
        %dma_start3A_141 = tpu.memref_slice %arg8[%dma_start3A_133, %dma_start3A_140] : memref<2x125xi32, #tpu.memory_space<vmem>> -> memref<1x125xi32, #tpu.memory_space<vmem>>
        %dma_start3A_142 = tpu.memref_squeeze %dma_start3A_141 : memref<1x125xi32, #tpu.memory_space<vmem>> -> memref<125xi32, #tpu.memory_space<vmem>>
        %dma_start3A_143 = arith.constant 0 : i32
        %dma_start3A_144 = tpu.memref_slice %arg4[%arg1, %rem3A_122, %dma_start3A_143] : memref<16x80x125xi32, #tpu.memory_space<hbm>> -> memref<1x1x125xi32, #tpu.memory_space<hbm>>
        %dma_start3A_145 = tpu.memref_squeeze %dma_start3A_144 : memref<1x1x125xi32, #tpu.memory_space<hbm>> -> memref<125xi32, #tpu.memory_space<hbm>>
        tpu.enqueue_dma source(%dma_start3A_145 : memref<125xi32, #tpu.memory_space<hbm>>) target(%dma_start3A_142 : memref<125xi32, #tpu.memory_space<vmem>>) target_semaphore(%arg14 : memref<!tpu.dma_semaphore, #tpu.memory_space<semaphore_mem>>)
        %add3A_146 = arith.constant 1 : i32
        %add3A_147 = arith.addi %mul3A_71, %add3A_146 : i32
        %dma_wait3A_148 = arith.constant 0 : i32
        %dma_wait3A_149 = tpu.memref_slice %arg7[%add3A_147, %dma_wait3A_148] : memref<80x125xi32, #tpu.memory_space<vmem>> -> memref<1x125xi32, #tpu.memory_space<vmem>>
        %dma_wait3A_150 = tpu.memref_squeeze %dma_wait3A_149 : memref<1x125xi32, #tpu.memory_space<vmem>> -> memref<125xi32, #tpu.memory_space<vmem>>
        %dma_wait3A_151 = arith.constant 0 : i32
        %dma_wait3A_152 = arith.constant 0 : i32
        %dma_wait3A_153 = tpu.memref_slice %arg2[%scan3A_33, %dma_wait3A_151, %dma_wait3A_152] : memref<2x10000x128xf32, #tpu.memory_space<hbm>> -> memref<1x10000x128xf32, #tpu.memory_space<hbm>>
        %dma_wait3A_154 = tpu.memref_squeeze %dma_wait3A_153 : memref<1x10000x128xf32, #tpu.memory_space<hbm>> -> memref<10000x128xf32, #tpu.memory_space<hbm>>
        %dma_wait3A_155 = arith.constant 0 : i32
        %dma_wait3A_156 = arith.constant 0 : i32
        %dma_wait3A_157 = tpu.memref_slice %dma_wait3A_154[%dma_wait3A_155, %dma_wait3A_156] : memref<10000x128xf32, #tpu.memory_space<hbm>> -> memref<10000x128xf32, #tpu.memory_space<hbm>>
        tpu.wait_indirect_dma semaphore(%arg13 : memref<!tpu.dma_semaphore, #tpu.memory_space<semaphore_mem>>) src(%dma_wait3A_157 : memref<10000x128xf32, #tpu.memory_space<hbm>>) dst(%arg10 : memref<125x128xf32, #tpu.memory_space<vmem>>)
        %dma_wait3A_158 = arith.constant 1 : i32
        %dma_wait3A_159 = arith.constant 0 : i32
        %dma_wait3A_160 = tpu.memref_slice %arg8[%dma_wait3A_158, %dma_wait3A_159] : memref<2x125xi32, #tpu.memory_space<vmem>> -> memref<1x125xi32, #tpu.memory_space<vmem>>
        %dma_wait3A_161 = tpu.memref_squeeze %dma_wait3A_160 : memref<1x125xi32, #tpu.memory_space<vmem>> -> memref<125xi32, #tpu.memory_space<vmem>>
        %dma_wait3A_162 = arith.constant 0 : i32
        %dma_wait3A_163 = tpu.memref_slice %arg4[%arg1, %add3A_147, %dma_wait3A_162] : memref<16x80x125xi32, #tpu.memory_space<hbm>> -> memref<1x1x125xi32, #tpu.memory_space<hbm>>
        %dma_wait3A_164 = tpu.memref_squeeze %dma_wait3A_163 : memref<1x1x125xi32, #tpu.memory_space<hbm>> -> memref<125xi32, #tpu.memory_space<hbm>>
        %dma_wait3A_165 = arith.constant 0 : i32
        %dma_wait3A_166 = tpu.memref_slice %arg8[%dma_wait3A_158, %dma_wait3A_165] : memref<2x125xi32, #tpu.memory_space<vmem>> -> memref<1x125xi32, #tpu.memory_space<vmem>>
        %dma_wait3A_167 = tpu.memref_squeeze %dma_wait3A_166 : memref<1x125xi32, #tpu.memory_space<vmem>> -> memref<125xi32, #tpu.memory_space<vmem>>
        %dma_wait3A_168 = arith.constant 0 : i32
        %dma_wait3A_169 = tpu.memref_slice %arg4[%arg1, %add3A_147, %dma_wait3A_168] : memref<16x80x125xi32, #tpu.memory_space<hbm>> -> memref<1x1x125xi32, #tpu.memory_space<hbm>>
        %dma_wait3A_170 = tpu.memref_squeeze %dma_wait3A_169 : memref<1x1x125xi32, #tpu.memory_space<hbm>> -> memref<125xi32, #tpu.memory_space<hbm>>
        tpu.wait_dma2 semaphore(%arg15 : memref<!tpu.dma_semaphore, #tpu.memory_space<semaphore_mem>>) src(%dma_wait3A_170 : memref<125xi32, #tpu.memory_space<hbm>>) dst(%dma_wait3A_167 : memref<125xi32, #tpu.memory_space<vmem>>)
        %run_scoped3A_171 = arith.constant 1 : i32
        "tpu.region"() ({
          %run_scoped3A_172 = tpu.sem_alloc : memref<!tpu.dma_semaphore, #tpu.memory_space<semaphore_mem>>
          %dma_start3A_173 = arith.constant 0 : i32
          %dma_start3A_174 = tpu.memref_slice %arg8[%run_scoped3A_171, %dma_start3A_173] : memref<2x125xi32, #tpu.memory_space<vmem>> -> memref<1x125xi32, #tpu.memory_space<vmem>>
          %dma_start3A_175 = tpu.memref_squeeze %dma_start3A_174 : memref<1x125xi32, #tpu.memory_space<vmem>> -> memref<125xi32, #tpu.memory_space<vmem>>
          %dma_start3A_176 = arith.constant 0 : i32
          %dma_start3A_177 = arith.constant 0 : i32
          %dma_start3A_178 = tpu.memref_slice %arg11[%dma_start3A_176, %dma_start3A_177] : memref<10240x128xf32, #tpu.memory_space<vmem_shared>> -> memref<10240x128xf32, #tpu.memory_space<vmem_shared>>
          tpu.enqueue_indirect_dma source(%arg10 : memref<125x128xf32, #tpu.memory_space<vmem>>) target(%dma_start3A_178 : memref<10240x128xf32, #tpu.memory_space<vmem_shared>>) offsets(%dma_start3A_175 : memref<125xi32, #tpu.memory_space<vmem>>) semaphore(%run_scoped3A_172 : memref<!tpu.dma_semaphore, #tpu.memory_space<semaphore_mem>>) {add = true}
          %dma_wait3A_179 = arith.constant 0 : i32
          %dma_wait3A_180 = tpu.memref_slice %arg8[%run_scoped3A_171, %dma_wait3A_179] : memref<2x125xi32, #tpu.memory_space<vmem>> -> memref<1x125xi32, #tpu.memory_space<vmem>>
          %dma_wait3A_181 = tpu.memref_squeeze %dma_wait3A_180 : memref<1x125xi32, #tpu.memory_space<vmem>> -> memref<125xi32, #tpu.memory_space<vmem>>
          %dma_wait3A_182 = arith.constant 0 : i32
          %dma_wait3A_183 = arith.constant 0 : i32
          %dma_wait3A_184 = tpu.memref_slice %arg11[%dma_wait3A_182, %dma_wait3A_183] : memref<10240x128xf32, #tpu.memory_space<vmem_shared>> -> memref<10240x128xf32, #tpu.memory_space<vmem_shared>>
          tpu.wait_indirect_dma semaphore(%run_scoped3A_172 : memref<!tpu.dma_semaphore, #tpu.memory_space<semaphore_mem>>) src(%arg10 : memref<125x128xf32, #tpu.memory_space<vmem>>) dst(%dma_wait3A_184 : memref<10240x128xf32, #tpu.memory_space<vmem_shared>>)
          tpu.yield
        }) : () -> ()
      }
      %scan3A_38 = arith.constant 40 : i32
      %dma_wait3A = arith.constant 0 : i32
      %dma_wait3A_39 = arith.constant 0 : i32
      %dma_wait3A_40 = arith.constant 0 : i32
      %dma_wait3A_41 = tpu.memref_slice %arg7[%dma_wait3A_39, %dma_wait3A_40] : memref<80x125xi32, #tpu.memory_space<vmem>> -> memref<1x125xi32, #tpu.memory_space<vmem>>
      %dma_wait3A_42 = tpu.memref_squeeze %dma_wait3A_41 : memref<1x125xi32, #tpu.memory_space<vmem>> -> memref<125xi32, #tpu.memory_space<vmem>>
      %dma_wait3A_43 = arith.constant 0 : i32
      %dma_wait3A_44 = arith.constant 0 : i32
      %dma_wait3A_45 = tpu.memref_slice %arg2[%dma_wait3A, %dma_wait3A_43, %dma_wait3A_44] : memref<2x10000x128xf32, #tpu.memory_space<hbm>> -> memref<1x10000x128xf32, #tpu.memory_space<hbm>>
      %dma_wait3A_46 = tpu.memref_squeeze %dma_wait3A_45 : memref<1x10000x128xf32, #tpu.memory_space<hbm>> -> memref<10000x128xf32, #tpu.memory_space<hbm>>
      %dma_wait3A_47 = arith.constant 0 : i32
      %dma_wait3A_48 = arith.constant 0 : i32
      %dma_wait3A_49 = tpu.memref_slice %dma_wait3A_46[%dma_wait3A_47, %dma_wait3A_48] : memref<10000x128xf32, #tpu.memory_space<hbm>> -> memref<10000x128xf32, #tpu.memory_space<hbm>>
      tpu.wait_indirect_dma semaphore(%arg12 : memref<!tpu.dma_semaphore, #tpu.memory_space<semaphore_mem>>) src(%dma_wait3A_49 : memref<10000x128xf32, #tpu.memory_space<hbm>>) dst(%arg9 : memref<125x128xf32, #tpu.memory_space<vmem>>)
      %dma_wait3A_50 = arith.constant 0 : i32
      %dma_wait3A_51 = arith.constant 0 : i32
      %dma_wait3A_52 = arith.constant 0 : i32
      %dma_wait3A_53 = tpu.memref_slice %arg8[%dma_wait3A_51, %dma_wait3A_52] : memref<2x125xi32, #tpu.memory_space<vmem>> -> memref<1x125xi32, #tpu.memory_space<vmem>>
      %dma_wait3A_54 = tpu.memref_squeeze %dma_wait3A_53 : memref<1x125xi32, #tpu.memory_space<vmem>> -> memref<125xi32, #tpu.memory_space<vmem>>
      %dma_wait3A_55 = arith.constant 0 : i32
      %dma_wait3A_56 = tpu.memref_slice %arg4[%arg1, %dma_wait3A_50, %dma_wait3A_55] : memref<16x80x125xi32, #tpu.memory_space<hbm>> -> memref<1x1x125xi32, #tpu.memory_space<hbm>>
      %dma_wait3A_57 = tpu.memref_squeeze %dma_wait3A_56 : memref<1x1x125xi32, #tpu.memory_space<hbm>> -> memref<125xi32, #tpu.memory_space<hbm>>
      %dma_wait3A_58 = arith.constant 0 : i32
      %dma_wait3A_59 = tpu.memref_slice %arg8[%dma_wait3A_51, %dma_wait3A_58] : memref<2x125xi32, #tpu.memory_space<vmem>> -> memref<1x125xi32, #tpu.memory_space<vmem>>
      %dma_wait3A_60 = tpu.memref_squeeze %dma_wait3A_59 : memref<1x125xi32, #tpu.memory_space<vmem>> -> memref<125xi32, #tpu.memory_space<vmem>>
      %dma_wait3A_61 = arith.constant 0 : i32
      %dma_wait3A_62 = tpu.memref_slice %arg4[%arg1, %dma_wait3A_50, %dma_wait3A_61] : memref<16x80x125xi32, #tpu.memory_space<hbm>> -> memref<1x1x125xi32, #tpu.memory_space<hbm>>
      %dma_wait3A_63 = tpu.memref_squeeze %dma_wait3A_62 : memref<1x1x125xi32, #tpu.memory_space<hbm>> -> memref<125xi32, #tpu.memory_space<hbm>>
      tpu.wait_dma2 semaphore(%arg14 : memref<!tpu.dma_semaphore, #tpu.memory_space<semaphore_mem>>) src(%dma_wait3A_63 : memref<125xi32, #tpu.memory_space<hbm>>) dst(%dma_wait3A_60 : memref<125xi32, #tpu.memory_space<vmem>>)
      %barrier3A_64 = arith.constant 0 : index
      tpu.barrier barrier_id(%barrier3A_64)
      %mul3A_65 = arith.constant 640 : i32
      %mul3A_66 = arith.muli %arg1, %mul3A_65 : i32
      %mul3A_67 = arith.constant 640 : i32
      %mul3A_68 = arith.muli %arg1, %mul3A_67 : i32
      %run_scoped3A = arith.constant 0 : i32
      "tpu.region"() ({
        %run_scoped3A_69 = tpu.sem_alloc : memref<!tpu.dma_semaphore, #tpu.memory_space<semaphore_mem>>
        %dma_start3A_70 = arith.constant 0 : i32
        %dma_start3A_71 = arith.constant 0 : i32
        %dma_start3A_72 = tpu.memref_slice %arg6[%run_scoped3A, %dma_start3A_70, %dma_start3A_71] : memref<2x10240x128xf32, #tpu.memory_space<hbm>> -> memref<1x10240x128xf32, #tpu.memory_space<hbm>>
        %dma_start3A_73 = tpu.memref_squeeze %dma_start3A_72 : memref<1x10240x128xf32, #tpu.memory_space<hbm>> -> memref<10240x128xf32, #tpu.memory_space<hbm>>
        %dma_start3A_74 = arith.constant 0 : i32
        %dma_start3A_75 = tpu.memref_slice %dma_start3A_73[%mul3A_68, %dma_start3A_74] : memref<10240x128xf32, #tpu.memory_space<hbm>> -> memref<640x128xf32, #tpu.memory_space<hbm>>
        %dma_start3A_76 = arith.constant 0 : i32
        %dma_start3A_77 = tpu.memref_slice %arg11[%mul3A_66, %dma_start3A_76] : memref<10240x128xf32, #tpu.memory_space<vmem_shared>> -> memref<640x128xf32, #tpu.memory_space<vmem_shared>>
        tpu.enqueue_dma source(%dma_start3A_77 : memref<640x128xf32, #tpu.memory_space<vmem_shared>>) target(%dma_start3A_75 : memref<640x128xf32, #tpu.memory_space<hbm>>) target_semaphore(%run_scoped3A_69 : memref<!tpu.dma_semaphore, #tpu.memory_space<semaphore_mem>>)
        %dma_wait3A_78 = arith.constant 0 : i32
        %dma_wait3A_79 = arith.constant 0 : i32
        %dma_wait3A_80 = tpu.memref_slice %arg6[%run_scoped3A, %dma_wait3A_78, %dma_wait3A_79] : memref<2x10240x128xf32, #tpu.memory_space<hbm>> -> memref<1x10240x128xf32, #tpu.memory_space<hbm>>
        %dma_wait3A_81 = tpu.memref_squeeze %dma_wait3A_80 : memref<1x10240x128xf32, #tpu.memory_space<hbm>> -> memref<10240x128xf32, #tpu.memory_space<hbm>>
        %dma_wait3A_82 = arith.constant 0 : i32
        %dma_wait3A_83 = tpu.memref_slice %dma_wait3A_81[%mul3A_68, %dma_wait3A_82] : memref<10240x128xf32, #tpu.memory_space<hbm>> -> memref<640x128xf32, #tpu.memory_space<hbm>>
        %dma_wait3A_84 = arith.constant 0 : i32
        %dma_wait3A_85 = tpu.memref_slice %arg11[%mul3A_66, %dma_wait3A_84] : memref<10240x128xf32, #tpu.memory_space<vmem_shared>> -> memref<640x128xf32, #tpu.memory_space<vmem_shared>>
        tpu.wait_dma2 semaphore(%run_scoped3A_69 : memref<!tpu.dma_semaphore, #tpu.memory_space<semaphore_mem>>) src(%dma_wait3A_85 : memref<640x128xf32, #tpu.memory_space<vmem_shared>>) dst(%dma_wait3A_83 : memref<640x128xf32, #tpu.memory_space<hbm>>)
        tpu.yield
      }) : () -> ()
    } else {
    }
    %eq3A_3 = arith.constant 1 : i32
    %eq3A_4 = arith.cmpi eq, %arg0, %eq3A_3 : i32
    %convert_element_type3A_5 = arith.extui %eq3A_4 : i1 to i32
    %cond3A_6 = arith.constant 0 : i32
    %cond3A_7 = arith.cmpi ne, %convert_element_type3A_5, %cond3A_6 : i32
    scf.if %cond3A_7 {
      %dma_start3A = arith.constant 1 : i32
      %dma_start3A_8 = arith.constant 0 : i32
      %dma_start3A_9 = arith.constant 0 : i32
      %dma_start3A_10 = tpu.memref_slice %arg7[%dma_start3A_8, %dma_start3A_9] : memref<80x125xi32, #tpu.memory_space<vmem>> -> memref<1x125xi32, #tpu.memory_space<vmem>>
      %dma_start3A_11 = tpu.memref_squeeze %dma_start3A_10 : memref<1x125xi32, #tpu.memory_space<vmem>> -> memref<125xi32, #tpu.memory_space<vmem>>
      %dma_start3A_12 = arith.constant 0 : i32
      %dma_start3A_13 = arith.constant 0 : i32
      %dma_start3A_14 = tpu.memref_slice %arg2[%dma_start3A, %dma_start3A_12, %dma_start3A_13] : memref<2x10000x128xf32, #tpu.memory_space<hbm>> -> memref<1x10000x128xf32, #tpu.memory_space<hbm>>
      %dma_start3A_15 = tpu.memref_squeeze %dma_start3A_14 : memref<1x10000x128xf32, #tpu.memory_space<hbm>> -> memref<10000x128xf32, #tpu.memory_space<hbm>>
      %dma_start3A_16 = arith.constant 0 : i32
      %dma_start3A_17 = arith.constant 0 : i32
      %dma_start3A_18 = tpu.memref_slice %dma_start3A_15[%dma_start3A_16, %dma_start3A_17] : memref<10000x128xf32, #tpu.memory_space<hbm>> -> memref<10000x128xf32, #tpu.memory_space<hbm>>
      tpu.enqueue_indirect_dma source(%dma_start3A_18 : memref<10000x128xf32, #tpu.memory_space<hbm>>) target(%arg9 : memref<125x128xf32, #tpu.memory_space<vmem>>) offsets(%dma_start3A_11 : memref<125xi32, #tpu.memory_space<vmem>>) semaphore(%arg12 : memref<!tpu.dma_semaphore, #tpu.memory_space<semaphore_mem>>)
      %dma_start3A_19 = arith.constant 0 : i32
      %dma_start3A_20 = arith.constant 0 : i32
      %dma_start3A_21 = arith.constant 0 : i32
      %dma_start3A_22 = tpu.memref_slice %arg8[%dma_start3A_20, %dma_start3A_21] : memref<2x125xi32, #tpu.memory_space<vmem>> -> memref<1x125xi32, #tpu.memory_space<vmem>>
      %dma_start3A_23 = tpu.memref_squeeze %dma_start3A_22 : memref<1x125xi32, #tpu.memory_space<vmem>> -> memref<125xi32, #tpu.memory_space<vmem>>
      %dma_start3A_24 = arith.constant 0 : i32
      %dma_start3A_25 = tpu.memref_slice %arg4[%arg1, %dma_start3A_19, %dma_start3A_24] : memref<16x80x125xi32, #tpu.memory_space<hbm>> -> memref<1x1x125xi32, #tpu.memory_space<hbm>>
      %dma_start3A_26 = tpu.memref_squeeze %dma_start3A_25 : memref<1x1x125xi32, #tpu.memory_space<hbm>> -> memref<125xi32, #tpu.memory_space<hbm>>
      %dma_start3A_27 = arith.constant 0 : i32
      %dma_start3A_28 = tpu.memref_slice %arg8[%dma_start3A_20, %dma_start3A_27] : memref<2x125xi32, #tpu.memory_space<vmem>> -> memref<1x125xi32, #tpu.memory_space<vmem>>
      %dma_start3A_29 = tpu.memref_squeeze %dma_start3A_28 : memref<1x125xi32, #tpu.memory_space<vmem>> -> memref<125xi32, #tpu.memory_space<vmem>>
      %dma_start3A_30 = arith.constant 0 : i32
      %dma_start3A_31 = tpu.memref_slice %arg4[%arg1, %dma_start3A_19, %dma_start3A_30] : memref<16x80x125xi32, #tpu.memory_space<hbm>> -> memref<1x1x125xi32, #tpu.memory_space<hbm>>
      %dma_start3A_32 = tpu.memref_squeeze %dma_start3A_31 : memref<1x1x125xi32, #tpu.memory_space<hbm>> -> memref<125xi32, #tpu.memory_space<hbm>>
      tpu.enqueue_dma source(%dma_start3A_32 : memref<125xi32, #tpu.memory_space<hbm>>) target(%dma_start3A_29 : memref<125xi32, #tpu.memory_space<vmem>>) target_semaphore(%arg14 : memref<!tpu.dma_semaphore, #tpu.memory_space<semaphore_mem>>)
      %scan3A = arith.constant 0 : i32
      %scan3A_33 = arith.constant 1 : i32
      %scan3A_34 = arith.constant 0 : i32
      %scan3A_35 = arith.constant 40 : i32
      %scan3A_36 = arith.addi %scan3A_34, %scan3A_35 : i32
      %scan3A_37 = arith.constant 1 : i32
      scf.for %scan3A_69 = %scan3A_34 to %scan3A_36 step %scan3A_37  : i32 {
        %mul3A_70 = arith.constant 2 : i32
        %mul3A_71 = arith.muli %mul3A_70, %scan3A_69 : i32
        %add3A = arith.constant 1 : i32
        %add3A_72 = arith.addi %mul3A_71, %add3A : i32
        %dma_start3A_73 = arith.constant 0 : i32
        %dma_start3A_74 = tpu.memref_slice %arg7[%add3A_72, %dma_start3A_73] : memref<80x125xi32, #tpu.memory_space<vmem>> -> memref<1x125xi32, #tpu.memory_space<vmem>>
        %dma_start3A_75 = tpu.memref_squeeze %dma_start3A_74 : memref<1x125xi32, #tpu.memory_space<vmem>> -> memref<125xi32, #tpu.memory_space<vmem>>
        %dma_start3A_76 = arith.constant 0 : i32
        %dma_start3A_77 = arith.constant 0 : i32
        %dma_start3A_78 = tpu.memref_slice %arg2[%scan3A_33, %dma_start3A_76, %dma_start3A_77] : memref<2x10000x128xf32, #tpu.memory_space<hbm>> -> memref<1x10000x128xf32, #tpu.memory_space<hbm>>
        %dma_start3A_79 = tpu.memref_squeeze %dma_start3A_78 : memref<1x10000x128xf32, #tpu.memory_space<hbm>> -> memref<10000x128xf32, #tpu.memory_space<hbm>>
        %dma_start3A_80 = arith.constant 0 : i32
        %dma_start3A_81 = arith.constant 0 : i32
        %dma_start3A_82 = tpu.memref_slice %dma_start3A_79[%dma_start3A_80, %dma_start3A_81] : memref<10000x128xf32, #tpu.memory_space<hbm>> -> memref<10000x128xf32, #tpu.memory_space<hbm>>
        tpu.enqueue_indirect_dma source(%dma_start3A_82 : memref<10000x128xf32, #tpu.memory_space<hbm>>) target(%arg10 : memref<125x128xf32, #tpu.memory_space<vmem>>) offsets(%dma_start3A_75 : memref<125xi32, #tpu.memory_space<vmem>>) semaphore(%arg13 : memref<!tpu.dma_semaphore, #tpu.memory_space<semaphore_mem>>)
        %dma_start3A_83 = arith.constant 1 : i32
        %dma_start3A_84 = arith.constant 0 : i32
        %dma_start3A_85 = tpu.memref_slice %arg8[%dma_start3A_83, %dma_start3A_84] : memref<2x125xi32, #tpu.memory_space<vmem>> -> memref<1x125xi32, #tpu.memory_space<vmem>>
        %dma_start3A_86 = tpu.memref_squeeze %dma_start3A_85 : memref<1x125xi32, #tpu.memory_space<vmem>> -> memref<125xi32, #tpu.memory_space<vmem>>
        %dma_start3A_87 = arith.constant 0 : i32
        %dma_start3A_88 = tpu.memref_slice %arg4[%arg1, %add3A_72, %dma_start3A_87] : memref<16x80x125xi32, #tpu.memory_space<hbm>> -> memref<1x1x125xi32, #tpu.memory_space<hbm>>
        %dma_start3A_89 = tpu.memref_squeeze %dma_start3A_88 : memref<1x1x125xi32, #tpu.memory_space<hbm>> -> memref<125xi32, #tpu.memory_space<hbm>>
        %dma_start3A_90 = arith.constant 0 : i32
        %dma_start3A_91 = tpu.memref_slice %arg8[%dma_start3A_83, %dma_start3A_90] : memref<2x125xi32, #tpu.memory_space<vmem>> -> memref<1x125xi32, #tpu.memory_space<vmem>>
        %dma_start3A_92 = tpu.memref_squeeze %dma_start3A_91 : memref<1x125xi32, #tpu.memory_space<vmem>> -> memref<125xi32, #tpu.memory_space<vmem>>
        %dma_start3A_93 = arith.constant 0 : i32
        %dma_start3A_94 = tpu.memref_slice %arg4[%arg1, %add3A_72, %dma_start3A_93] : memref<16x80x125xi32, #tpu.memory_space<hbm>> -> memref<1x1x125xi32, #tpu.memory_space<hbm>>
        %dma_start3A_95 = tpu.memref_squeeze %dma_start3A_94 : memref<1x1x125xi32, #tpu.memory_space<hbm>> -> memref<125xi32, #tpu.memory_space<hbm>>
        tpu.enqueue_dma source(%dma_start3A_95 : memref<125xi32, #tpu.memory_space<hbm>>) target(%dma_start3A_92 : memref<125xi32, #tpu.memory_space<vmem>>) target_semaphore(%arg15 : memref<!tpu.dma_semaphore, #tpu.memory_space<semaphore_mem>>)
        %dma_wait3A_96 = arith.constant 0 : i32
        %dma_wait3A_97 = tpu.memref_slice %arg7[%mul3A_71, %dma_wait3A_96] : memref<80x125xi32, #tpu.memory_space<vmem>> -> memref<1x125xi32, #tpu.memory_space<vmem>>
        %dma_wait3A_98 = tpu.memref_squeeze %dma_wait3A_97 : memref<1x125xi32, #tpu.memory_space<vmem>> -> memref<125xi32, #tpu.memory_space<vmem>>
        %dma_wait3A_99 = arith.constant 0 : i32
        %dma_wait3A_100 = arith.constant 0 : i32
        %dma_wait3A_101 = tpu.memref_slice %arg2[%scan3A_33, %dma_wait3A_99, %dma_wait3A_100] : memref<2x10000x128xf32, #tpu.memory_space<hbm>> -> memref<1x10000x128xf32, #tpu.memory_space<hbm>>
        %dma_wait3A_102 = tpu.memref_squeeze %dma_wait3A_101 : memref<1x10000x128xf32, #tpu.memory_space<hbm>> -> memref<10000x128xf32, #tpu.memory_space<hbm>>
        %dma_wait3A_103 = arith.constant 0 : i32
        %dma_wait3A_104 = arith.constant 0 : i32
        %dma_wait3A_105 = tpu.memref_slice %dma_wait3A_102[%dma_wait3A_103, %dma_wait3A_104] : memref<10000x128xf32, #tpu.memory_space<hbm>> -> memref<10000x128xf32, #tpu.memory_space<hbm>>
        tpu.wait_indirect_dma semaphore(%arg12 : memref<!tpu.dma_semaphore, #tpu.memory_space<semaphore_mem>>) src(%dma_wait3A_105 : memref<10000x128xf32, #tpu.memory_space<hbm>>) dst(%arg9 : memref<125x128xf32, #tpu.memory_space<vmem>>)
        %dma_wait3A_106 = arith.constant 0 : i32
        %dma_wait3A_107 = arith.constant 0 : i32
        %dma_wait3A_108 = tpu.memref_slice %arg8[%dma_wait3A_106, %dma_wait3A_107] : memref<2x125xi32, #tpu.memory_space<vmem>> -> memref<1x125xi32, #tpu.memory_space<vmem>>
        %dma_wait3A_109 = tpu.memref_squeeze %dma_wait3A_108 : memref<1x125xi32, #tpu.memory_space<vmem>> -> memref<125xi32, #tpu.memory_space<vmem>>
        %dma_wait3A_110 = arith.constant 0 : i32
        %dma_wait3A_111 = tpu.memref_slice %arg4[%arg1, %mul3A_71, %dma_wait3A_110] : memref<16x80x125xi32, #tpu.memory_space<hbm>> -> memref<1x1x125xi32, #tpu.memory_space<hbm>>
        %dma_wait3A_112 = tpu.memref_squeeze %dma_wait3A_111 : memref<1x1x125xi32, #tpu.memory_space<hbm>> -> memref<125xi32, #tpu.memory_space<hbm>>
        %dma_wait3A_113 = arith.constant 0 : i32
        %dma_wait3A_114 = tpu.memref_slice %arg8[%dma_wait3A_106, %dma_wait3A_113] : memref<2x125xi32, #tpu.memory_space<vmem>> -> memref<1x125xi32, #tpu.memory_space<vmem>>
        %dma_wait3A_115 = tpu.memref_squeeze %dma_wait3A_114 : memref<1x125xi32, #tpu.memory_space<vmem>> -> memref<125xi32, #tpu.memory_space<vmem>>
        %dma_wait3A_116 = arith.constant 0 : i32
        %dma_wait3A_117 = tpu.memref_slice %arg4[%arg1, %mul3A_71, %dma_wait3A_116] : memref<16x80x125xi32, #tpu.memory_space<hbm>> -> memref<1x1x125xi32, #tpu.memory_space<hbm>>
        %dma_wait3A_118 = tpu.memref_squeeze %dma_wait3A_117 : memref<1x1x125xi32, #tpu.memory_space<hbm>> -> memref<125xi32, #tpu.memory_space<hbm>>
        tpu.wait_dma2 semaphore(%arg14 : memref<!tpu.dma_semaphore, #tpu.memory_space<semaphore_mem>>) src(%dma_wait3A_118 : memref<125xi32, #tpu.memory_space<hbm>>) dst(%dma_wait3A_115 : memref<125xi32, #tpu.memory_space<vmem>>)
        %run_scoped3A_119 = arith.constant 0 : i32
        "tpu.region"() ({
          %run_scoped3A_172 = tpu.sem_alloc : memref<!tpu.dma_semaphore, #tpu.memory_space<semaphore_mem>>
          %dma_start3A_173 = arith.constant 0 : i32
          %dma_start3A_174 = tpu.memref_slice %arg8[%run_scoped3A_119, %dma_start3A_173] : memref<2x125xi32, #tpu.memory_space<vmem>> -> memref<1x125xi32, #tpu.memory_space<vmem>>
          %dma_start3A_175 = tpu.memref_squeeze %dma_start3A_174 : memref<1x125xi32, #tpu.memory_space<vmem>> -> memref<125xi32, #tpu.memory_space<vmem>>
          %dma_start3A_176 = arith.constant 0 : i32
          %dma_start3A_177 = arith.constant 0 : i32
          %dma_start3A_178 = tpu.memref_slice %arg11[%dma_start3A_176, %dma_start3A_177] : memref<10240x128xf32, #tpu.memory_space<vmem_shared>> -> memref<10240x128xf32, #tpu.memory_space<vmem_shared>>
          tpu.enqueue_indirect_dma source(%arg9 : memref<125x128xf32, #tpu.memory_space<vmem>>) target(%dma_start3A_178 : memref<10240x128xf32, #tpu.memory_space<vmem_shared>>) offsets(%dma_start3A_175 : memref<125xi32, #tpu.memory_space<vmem>>) semaphore(%run_scoped3A_172 : memref<!tpu.dma_semaphore, #tpu.memory_space<semaphore_mem>>) {add = true}
          %dma_wait3A_179 = arith.constant 0 : i32
          %dma_wait3A_180 = tpu.memref_slice %arg8[%run_scoped3A_119, %dma_wait3A_179] : memref<2x125xi32, #tpu.memory_space<vmem>> -> memref<1x125xi32, #tpu.memory_space<vmem>>
          %dma_wait3A_181 = tpu.memref_squeeze %dma_wait3A_180 : memref<1x125xi32, #tpu.memory_space<vmem>> -> memref<125xi32, #tpu.memory_space<vmem>>
          %dma_wait3A_182 = arith.constant 0 : i32
          %dma_wait3A_183 = arith.constant 0 : i32
          %dma_wait3A_184 = tpu.memref_slice %arg11[%dma_wait3A_182, %dma_wait3A_183] : memref<10240x128xf32, #tpu.memory_space<vmem_shared>> -> memref<10240x128xf32, #tpu.memory_space<vmem_shared>>
          tpu.wait_indirect_dma semaphore(%run_scoped3A_172 : memref<!tpu.dma_semaphore, #tpu.memory_space<semaphore_mem>>) src(%arg9 : memref<125x128xf32, #tpu.memory_space<vmem>>) dst(%dma_wait3A_184 : memref<10240x128xf32, #tpu.memory_space<vmem_shared>>)
          tpu.yield
        }) : () -> ()
        %add3A_120 = arith.constant 2 : i32
        %add3A_121 = arith.addi %mul3A_71, %add3A_120 : i32
        %rem3A = arith.constant 80 : i32
        %rem3A_122 = arith.remsi %add3A_121, %rem3A : i32
        %dma_start3A_123 = arith.constant 0 : i32
        %dma_start3A_124 = tpu.memref_slice %arg7[%rem3A_122, %dma_start3A_123] : memref<80x125xi32, #tpu.memory_space<vmem>> -> memref<1x125xi32, #tpu.memory_space<vmem>>
        %dma_start3A_125 = tpu.memref_squeeze %dma_start3A_124 : memref<1x125xi32, #tpu.memory_space<vmem>> -> memref<125xi32, #tpu.memory_space<vmem>>
        %dma_start3A_126 = arith.constant 0 : i32
        %dma_start3A_127 = arith.constant 0 : i32
        %dma_start3A_128 = tpu.memref_slice %arg2[%scan3A_33, %dma_start3A_126, %dma_start3A_127] : memref<2x10000x128xf32, #tpu.memory_space<hbm>> -> memref<1x10000x128xf32, #tpu.memory_space<hbm>>
        %dma_start3A_129 = tpu.memref_squeeze %dma_start3A_128 : memref<1x10000x128xf32, #tpu.memory_space<hbm>> -> memref<10000x128xf32, #tpu.memory_space<hbm>>
        %dma_start3A_130 = arith.constant 0 : i32
        %dma_start3A_131 = arith.constant 0 : i32
        %dma_start3A_132 = tpu.memref_slice %dma_start3A_129[%dma_start3A_130, %dma_start3A_131] : memref<10000x128xf32, #tpu.memory_space<hbm>> -> memref<10000x128xf32, #tpu.memory_space<hbm>>
        tpu.enqueue_indirect_dma source(%dma_start3A_132 : memref<10000x128xf32, #tpu.memory_space<hbm>>) target(%arg9 : memref<125x128xf32, #tpu.memory_space<vmem>>) offsets(%dma_start3A_125 : memref<125xi32, #tpu.memory_space<vmem>>) semaphore(%arg12 : memref<!tpu.dma_semaphore, #tpu.memory_space<semaphore_mem>>)
        %dma_start3A_133 = arith.constant 0 : i32
        %dma_start3A_134 = arith.constant 0 : i32
        %dma_start3A_135 = tpu.memref_slice %arg8[%dma_start3A_133, %dma_start3A_134] : memref<2x125xi32, #tpu.memory_space<vmem>> -> memref<1x125xi32, #tpu.memory_space<vmem>>
        %dma_start3A_136 = tpu.memref_squeeze %dma_start3A_135 : memref<1x125xi32, #tpu.memory_space<vmem>> -> memref<125xi32, #tpu.memory_space<vmem>>
        %dma_start3A_137 = arith.constant 0 : i32
        %dma_start3A_138 = tpu.memref_slice %arg4[%arg1, %rem3A_122, %dma_start3A_137] : memref<16x80x125xi32, #tpu.memory_space<hbm>> -> memref<1x1x125xi32, #tpu.memory_space<hbm>>
        %dma_start3A_139 = tpu.memref_squeeze %dma_start3A_138 : memref<1x1x125xi32, #tpu.memory_space<hbm>> -> memref<125xi32, #tpu.memory_space<hbm>>
        %dma_start3A_140 = arith.constant 0 : i32
        %dma_start3A_141 = tpu.memref_slice %arg8[%dma_start3A_133, %dma_start3A_140] : memref<2x125xi32, #tpu.memory_space<vmem>> -> memref<1x125xi32, #tpu.memory_space<vmem>>
        %dma_start3A_142 = tpu.memref_squeeze %dma_start3A_141 : memref<1x125xi32, #tpu.memory_space<vmem>> -> memref<125xi32, #tpu.memory_space<vmem>>
        %dma_start3A_143 = arith.constant 0 : i32
        %dma_start3A_144 = tpu.memref_slice %arg4[%arg1, %rem3A_122, %dma_start3A_143] : memref<16x80x125xi32, #tpu.memory_space<hbm>> -> memref<1x1x125xi32, #tpu.memory_space<hbm>>
        %dma_start3A_145 = tpu.memref_squeeze %dma_start3A_144 : memref<1x1x125xi32, #tpu.memory_space<hbm>> -> memref<125xi32, #tpu.memory_space<hbm>>
        tpu.enqueue_dma source(%dma_start3A_145 : memref<125xi32, #tpu.memory_space<hbm>>) target(%dma_start3A_142 : memref<125xi32, #tpu.memory_space<vmem>>) target_semaphore(%arg14 : memref<!tpu.dma_semaphore, #tpu.memory_space<semaphore_mem>>)
        %add3A_146 = arith.constant 1 : i32
        %add3A_147 = arith.addi %mul3A_71, %add3A_146 : i32
        %dma_wait3A_148 = arith.constant 0 : i32
        %dma_wait3A_149 = tpu.memref_slice %arg7[%add3A_147, %dma_wait3A_148] : memref<80x125xi32, #tpu.memory_space<vmem>> -> memref<1x125xi32, #tpu.memory_space<vmem>>
        %dma_wait3A_150 = tpu.memref_squeeze %dma_wait3A_149 : memref<1x125xi32, #tpu.memory_space<vmem>> -> memref<125xi32, #tpu.memory_space<vmem>>
        %dma_wait3A_151 = arith.constant 0 : i32
        %dma_wait3A_152 = arith.constant 0 : i32
        %dma_wait3A_153 = tpu.memref_slice %arg2[%scan3A_33, %dma_wait3A_151, %dma_wait3A_152] : memref<2x10000x128xf32, #tpu.memory_space<hbm>> -> memref<1x10000x128xf32, #tpu.memory_space<hbm>>
        %dma_wait3A_154 = tpu.memref_squeeze %dma_wait3A_153 : memref<1x10000x128xf32, #tpu.memory_space<hbm>> -> memref<10000x128xf32, #tpu.memory_space<hbm>>
        %dma_wait3A_155 = arith.constant 0 : i32
        %dma_wait3A_156 = arith.constant 0 : i32
        %dma_wait3A_157 = tpu.memref_slice %dma_wait3A_154[%dma_wait3A_155, %dma_wait3A_156] : memref<10000x128xf32, #tpu.memory_space<hbm>> -> memref<10000x128xf32, #tpu.memory_space<hbm>>
        tpu.wait_indirect_dma semaphore(%arg13 : memref<!tpu.dma_semaphore, #tpu.memory_space<semaphore_mem>>) src(%dma_wait3A_157 : memref<10000x128xf32, #tpu.memory_space<hbm>>) dst(%arg10 : memref<125x128xf32, #tpu.memory_space<vmem>>)
        %dma_wait3A_158 = arith.constant 1 : i32
        %dma_wait3A_159 = arith.constant 0 : i32
        %dma_wait3A_160 = tpu.memref_slice %arg8[%dma_wait3A_158, %dma_wait3A_159] : memref<2x125xi32, #tpu.memory_space<vmem>> -> memref<1x125xi32, #tpu.memory_space<vmem>>
        %dma_wait3A_161 = tpu.memref_squeeze %dma_wait3A_160 : memref<1x125xi32, #tpu.memory_space<vmem>> -> memref<125xi32, #tpu.memory_space<vmem>>
        %dma_wait3A_162 = arith.constant 0 : i32
        %dma_wait3A_163 = tpu.memref_slice %arg4[%arg1, %add3A_147, %dma_wait3A_162] : memref<16x80x125xi32, #tpu.memory_space<hbm>> -> memref<1x1x125xi32, #tpu.memory_space<hbm>>
        %dma_wait3A_164 = tpu.memref_squeeze %dma_wait3A_163 : memref<1x1x125xi32, #tpu.memory_space<hbm>> -> memref<125xi32, #tpu.memory_space<hbm>>
        %dma_wait3A_165 = arith.constant 0 : i32
        %dma_wait3A_166 = tpu.memref_slice %arg8[%dma_wait3A_158, %dma_wait3A_165] : memref<2x125xi32, #tpu.memory_space<vmem>> -> memref<1x125xi32, #tpu.memory_space<vmem>>
        %dma_wait3A_167 = tpu.memref_squeeze %dma_wait3A_166 : memref<1x125xi32, #tpu.memory_space<vmem>> -> memref<125xi32, #tpu.memory_space<vmem>>
        %dma_wait3A_168 = arith.constant 0 : i32
        %dma_wait3A_169 = tpu.memref_slice %arg4[%arg1, %add3A_147, %dma_wait3A_168] : memref<16x80x125xi32, #tpu.memory_space<hbm>> -> memref<1x1x125xi32, #tpu.memory_space<hbm>>
        %dma_wait3A_170 = tpu.memref_squeeze %dma_wait3A_169 : memref<1x1x125xi32, #tpu.memory_space<hbm>> -> memref<125xi32, #tpu.memory_space<hbm>>
        tpu.wait_dma2 semaphore(%arg15 : memref<!tpu.dma_semaphore, #tpu.memory_space<semaphore_mem>>) src(%dma_wait3A_170 : memref<125xi32, #tpu.memory_space<hbm>>) dst(%dma_wait3A_167 : memref<125xi32, #tpu.memory_space<vmem>>)
        %run_scoped3A_171 = arith.constant 1 : i32
        "tpu.region"() ({
          %run_scoped3A_172 = tpu.sem_alloc : memref<!tpu.dma_semaphore, #tpu.memory_space<semaphore_mem>>
          %dma_start3A_173 = arith.constant 0 : i32
          %dma_start3A_174 = tpu.memref_slice %arg8[%run_scoped3A_171, %dma_start3A_173] : memref<2x125xi32, #tpu.memory_space<vmem>> -> memref<1x125xi32, #tpu.memory_space<vmem>>
          %dma_start3A_175 = tpu.memref_squeeze %dma_start3A_174 : memref<1x125xi32, #tpu.memory_space<vmem>> -> memref<125xi32, #tpu.memory_space<vmem>>
          %dma_start3A_176 = arith.constant 0 : i32
          %dma_start3A_177 = arith.constant 0 : i32
          %dma_start3A_178 = tpu.memref_slice %arg11[%dma_start3A_176, %dma_start3A_177] : memref<10240x128xf32, #tpu.memory_space<vmem_shared>> -> memref<10240x128xf32, #tpu.memory_space<vmem_shared>>
          tpu.enqueue_indirect_dma source(%arg10 : memref<125x128xf32, #tpu.memory_space<vmem>>) target(%dma_start3A_178 : memref<10240x128xf32, #tpu.memory_space<vmem_shared>>) offsets(%dma_start3A_175 : memref<125xi32, #tpu.memory_space<vmem>>) semaphore(%run_scoped3A_172 : memref<!tpu.dma_semaphore, #tpu.memory_space<semaphore_mem>>) {add = true}
          %dma_wait3A_179 = arith.constant 0 : i32
          %dma_wait3A_180 = tpu.memref_slice %arg8[%run_scoped3A_171, %dma_wait3A_179] : memref<2x125xi32, #tpu.memory_space<vmem>> -> memref<1x125xi32, #tpu.memory_space<vmem>>
          %dma_wait3A_181 = tpu.memref_squeeze %dma_wait3A_180 : memref<1x125xi32, #tpu.memory_space<vmem>> -> memref<125xi32, #tpu.memory_space<vmem>>
          %dma_wait3A_182 = arith.constant 0 : i32
          %dma_wait3A_183 = arith.constant 0 : i32
          %dma_wait3A_184 = tpu.memref_slice %arg11[%dma_wait3A_182, %dma_wait3A_183] : memref<10240x128xf32, #tpu.memory_space<vmem_shared>> -> memref<10240x128xf32, #tpu.memory_space<vmem_shared>>
          tpu.wait_indirect_dma semaphore(%run_scoped3A_172 : memref<!tpu.dma_semaphore, #tpu.memory_space<semaphore_mem>>) src(%arg10 : memref<125x128xf32, #tpu.memory_space<vmem>>) dst(%dma_wait3A_184 : memref<10240x128xf32, #tpu.memory_space<vmem_shared>>)
          tpu.yield
        }) : () -> ()
      }
      %scan3A_38 = arith.constant 40 : i32
      %dma_wait3A = arith.constant 1 : i32
      %dma_wait3A_39 = arith.constant 0 : i32
      %dma_wait3A_40 = arith.constant 0 : i32
      %dma_wait3A_41 = tpu.memref_slice %arg7[%dma_wait3A_39, %dma_wait3A_40] : memref<80x125xi32, #tpu.memory_space<vmem>> -> memref<1x125xi32, #tpu.memory_space<vmem>>
      %dma_wait3A_42 = tpu.memref_squeeze %dma_wait3A_41 : memref<1x125xi32, #tpu.memory_space<vmem>> -> memref<125xi32, #tpu.memory_space<vmem>>
      %dma_wait3A_43 = arith.constant 0 : i32
      %dma_wait3A_44 = arith.constant 0 : i32
      %dma_wait3A_45 = tpu.memref_slice %arg2[%dma_wait3A, %dma_wait3A_43, %dma_wait3A_44] : memref<2x10000x128xf32, #tpu.memory_space<hbm>> -> memref<1x10000x128xf32, #tpu.memory_space<hbm>>
      %dma_wait3A_46 = tpu.memref_squeeze %dma_wait3A_45 : memref<1x10000x128xf32, #tpu.memory_space<hbm>> -> memref<10000x128xf32, #tpu.memory_space<hbm>>
      %dma_wait3A_47 = arith.constant 0 : i32
      %dma_wait3A_48 = arith.constant 0 : i32
      %dma_wait3A_49 = tpu.memref_slice %dma_wait3A_46[%dma_wait3A_47, %dma_wait3A_48] : memref<10000x128xf32, #tpu.memory_space<hbm>> -> memref<10000x128xf32, #tpu.memory_space<hbm>>
      tpu.wait_indirect_dma semaphore(%arg12 : memref<!tpu.dma_semaphore, #tpu.memory_space<semaphore_mem>>) src(%dma_wait3A_49 : memref<10000x128xf32, #tpu.memory_space<hbm>>) dst(%arg9 : memref<125x128xf32, #tpu.memory_space<vmem>>)
      %dma_wait3A_50 = arith.constant 0 : i32
      %dma_wait3A_51 = arith.constant 0 : i32
      %dma_wait3A_52 = arith.constant 0 : i32
      %dma_wait3A_53 = tpu.memref_slice %arg8[%dma_wait3A_51, %dma_wait3A_52] : memref<2x125xi32, #tpu.memory_space<vmem>> -> memref<1x125xi32, #tpu.memory_space<vmem>>
      %dma_wait3A_54 = tpu.memref_squeeze %dma_wait3A_53 : memref<1x125xi32, #tpu.memory_space<vmem>> -> memref<125xi32, #tpu.memory_space<vmem>>
      %dma_wait3A_55 = arith.constant 0 : i32
      %dma_wait3A_56 = tpu.memref_slice %arg4[%arg1, %dma_wait3A_50, %dma_wait3A_55] : memref<16x80x125xi32, #tpu.memory_space<hbm>> -> memref<1x1x125xi32, #tpu.memory_space<hbm>>
      %dma_wait3A_57 = tpu.memref_squeeze %dma_wait3A_56 : memref<1x1x125xi32, #tpu.memory_space<hbm>> -> memref<125xi32, #tpu.memory_space<hbm>>
      %dma_wait3A_58 = arith.constant 0 : i32
      %dma_wait3A_59 = tpu.memref_slice %arg8[%dma_wait3A_51, %dma_wait3A_58] : memref<2x125xi32, #tpu.memory_space<vmem>> -> memref<1x125xi32, #tpu.memory_space<vmem>>
      %dma_wait3A_60 = tpu.memref_squeeze %dma_wait3A_59 : memref<1x125xi32, #tpu.memory_space<vmem>> -> memref<125xi32, #tpu.memory_space<vmem>>
      %dma_wait3A_61 = arith.constant 0 : i32
      %dma_wait3A_62 = tpu.memref_slice %arg4[%arg1, %dma_wait3A_50, %dma_wait3A_61] : memref<16x80x125xi32, #tpu.memory_space<hbm>> -> memref<1x1x125xi32, #tpu.memory_space<hbm>>
      %dma_wait3A_63 = tpu.memref_squeeze %dma_wait3A_62 : memref<1x1x125xi32, #tpu.memory_space<hbm>> -> memref<125xi32, #tpu.memory_space<hbm>>
      tpu.wait_dma2 semaphore(%arg14 : memref<!tpu.dma_semaphore, #tpu.memory_space<semaphore_mem>>) src(%dma_wait3A_63 : memref<125xi32, #tpu.memory_space<hbm>>) dst(%dma_wait3A_60 : memref<125xi32, #tpu.memory_space<vmem>>)
      %barrier3A_64 = arith.constant 0 : index
      tpu.barrier barrier_id(%barrier3A_64)
      %mul3A_65 = arith.constant 640 : i32
      %mul3A_66 = arith.muli %arg1, %mul3A_65 : i32
      %mul3A_67 = arith.constant 640 : i32
      %mul3A_68 = arith.muli %arg1, %mul3A_67 : i32
      %run_scoped3A = arith.constant 1 : i32
      "tpu.region"() ({
        %run_scoped3A_69 = tpu.sem_alloc : memref<!tpu.dma_semaphore, #tpu.memory_space<semaphore_mem>>
        %dma_start3A_70 = arith.constant 0 : i32
        %dma_start3A_71 = arith.constant 0 : i32
        %dma_start3A_72 = tpu.memref_slice %arg6[%run_scoped3A, %dma_start3A_70, %dma_start3A_71] : memref<2x10240x128xf32, #tpu.memory_space<hbm>> -> memref<1x10240x128xf32, #tpu.memory_space<hbm>>
        %dma_start3A_73 = tpu.memref_squeeze %dma_start3A_72 : memref<1x10240x128xf32, #tpu.memory_space<hbm>> -> memref<10240x128xf32, #tpu.memory_space<hbm>>
        %dma_start3A_74 = arith.constant 0 : i32
        %dma_start3A_75 = tpu.memref_slice %dma_start3A_73[%mul3A_68, %dma_start3A_74] : memref<10240x128xf32, #tpu.memory_space<hbm>> -> memref<640x128xf32, #tpu.memory_space<hbm>>
        %dma_start3A_76 = arith.constant 0 : i32
        %dma_start3A_77 = tpu.memref_slice %arg11[%mul3A_66, %dma_start3A_76] : memref<10240x128xf32, #tpu.memory_space<vmem_shared>> -> memref<640x128xf32, #tpu.memory_space<vmem_shared>>
        tpu.enqueue_dma source(%dma_start3A_77 : memref<640x128xf32, #tpu.memory_space<vmem_shared>>) target(%dma_start3A_75 : memref<640x128xf32, #tpu.memory_space<hbm>>) target_semaphore(%run_scoped3A_69 : memref<!tpu.dma_semaphore, #tpu.memory_space<semaphore_mem>>)
        %dma_wait3A_78 = arith.constant 0 : i32
        %dma_wait3A_79 = arith.constant 0 : i32
        %dma_wait3A_80 = tpu.memref_slice %arg6[%run_scoped3A, %dma_wait3A_78, %dma_wait3A_79] : memref<2x10240x128xf32, #tpu.memory_space<hbm>> -> memref<1x10240x128xf32, #tpu.memory_space<hbm>>
        %dma_wait3A_81 = tpu.memref_squeeze %dma_wait3A_80 : memref<1x10240x128xf32, #tpu.memory_space<hbm>> -> memref<10240x128xf32, #tpu.memory_space<hbm>>
        %dma_wait3A_82 = arith.constant 0 : i32
        %dma_wait3A_83 = tpu.memref_slice %dma_wait3A_81[%mul3A_68, %dma_wait3A_82] : memref<10240x128xf32, #tpu.memory_space<hbm>> -> memref<640x128xf32, #tpu.memory_space<hbm>>
        %dma_wait3A_84 = arith.constant 0 : i32
        %dma_wait3A_85 = tpu.memref_slice %arg11[%mul3A_66, %dma_wait3A_84] : memref<10240x128xf32, #tpu.memory_space<vmem_shared>> -> memref<640x128xf32, #tpu.memory_space<vmem_shared>>
        tpu.wait_dma2 semaphore(%run_scoped3A_69 : memref<!tpu.dma_semaphore, #tpu.memory_space<semaphore_mem>>) src(%dma_wait3A_85 : memref<640x128xf32, #tpu.memory_space<vmem_shared>>) dst(%dma_wait3A_83 : memref<640x128xf32, #tpu.memory_space<hbm>>)
        tpu.yield
      }) : () -> ()
    } else {
    }
    return
  }
}

#map = affine_map<(d0, d1) -> (0, 0, 0)>
#map1 = affine_map<(d0, d1) -> (0, 0)>
module attributes {stable_mosaic.version = 14 : i64} {
  func.func @_sc_agg_body(%arg0: i32, %arg1: i32, %arg2: memref<2x10000x128xf32, #tpu.memory_space<hbm>>, %arg3: memref<16x80x125xi32, #tpu.memory_space<hbm>>, %arg4: memref<16x80x125xi32, #tpu.memory_space<hbm>>, %arg5: memref<640x128xf32, #tpu.memory_space<hbm>>, %arg6: memref<2x10240x128xf32, #tpu.memory_space<hbm>>, %arg7: memref<80x125xi32, #tpu.memory_space<vmem>>, %arg8: memref<2x125xi32, #tpu.memory_space<vmem>>, %arg9: memref<125x128xf32, #tpu.memory_space<vmem>>, %arg10: memref<125x128xf32, #tpu.memory_space<vmem>>, %arg11: memref<10240x128xf32, #tpu.memory_space<vmem_shared>>, %arg12: memref<!tpu.dma_semaphore, #tpu.memory_space<semaphore_mem>>, %arg13: memref<!tpu.dma_semaphore, #tpu.memory_space<semaphore_mem>>, %arg14: memref<!tpu.dma_semaphore, #tpu.memory_space<semaphore_mem>>, %arg15: memref<!tpu.dma_semaphore, #tpu.memory_space<semaphore_mem>>) attributes {dimension_semantics = [#tpu.dimension_semantics<core_parallel>, #tpu.dimension_semantics<subcore_parallel>], iteration_bounds = array<i64: 2, 16>, scalar_prefetch = 0 : i64, scratch_operands = 9 : i64, tpu.core_type = #tpu.core_type<sc_vector_subcore>, window_params = [{transform_indices = #map}, {transform_indices = #map}, {transform_indices = #map}, {transform_indices = #map1}, {transform_indices = #map}]} {
    "tpu.region"() ({
      %run_scoped3A = tpu.sem_alloc : memref<!tpu.dma_semaphore, #tpu.memory_space<semaphore_mem>>
      %dma_start3A = arith.constant 0 : i32
      %dma_start3A_8 = arith.constant 0 : i32
      %dma_start3A_9 = tpu.memref_slice %arg3[%arg1, %dma_start3A, %dma_start3A_8] : memref<16x80x125xi32, #tpu.memory_space<hbm>> -> memref<1x80x125xi32, #tpu.memory_space<hbm>>
      %dma_start3A_10 = tpu.memref_squeeze %dma_start3A_9 : memref<1x80x125xi32, #tpu.memory_space<hbm>> -> memref<80x125xi32, #tpu.memory_space<hbm>>
      %dma_start3A_11 = arith.constant 0 : i32
      %dma_start3A_12 = arith.constant 0 : i32
      %dma_start3A_13 = tpu.memref_slice %arg3[%arg1, %dma_start3A_11, %dma_start3A_12] : memref<16x80x125xi32, #tpu.memory_space<hbm>> -> memref<1x80x125xi32, #tpu.memory_space<hbm>>
      %dma_start3A_14 = tpu.memref_squeeze %dma_start3A_13 : memref<1x80x125xi32, #tpu.memory_space<hbm>> -> memref<80x125xi32, #tpu.memory_space<hbm>>
      tpu.enqueue_dma source(%dma_start3A_14 : memref<80x125xi32, #tpu.memory_space<hbm>>) target(%arg7 : memref<80x125xi32, #tpu.memory_space<vmem>>) target_semaphore(%run_scoped3A : memref<!tpu.dma_semaphore, #tpu.memory_space<semaphore_mem>>)
      %dma_wait3A = arith.constant 0 : i32
      %dma_wait3A_15 = arith.constant 0 : i32
      %dma_wait3A_16 = tpu.memref_slice %arg3[%arg1, %dma_wait3A, %dma_wait3A_15] : memref<16x80x125xi32, #tpu.memory_space<hbm>> -> memref<1x80x125xi32, #tpu.memory_space<hbm>>
      %dma_wait3A_17 = tpu.memref_squeeze %dma_wait3A_16 : memref<1x80x125xi32, #tpu.memory_space<hbm>> -> memref<80x125xi32, #tpu.memory_space<hbm>>
      %dma_wait3A_18 = arith.constant 0 : i32
      %dma_wait3A_19 = arith.constant 0 : i32
      %dma_wait3A_20 = tpu.memref_slice %arg3[%arg1, %dma_wait3A_18, %dma_wait3A_19] : memref<16x80x125xi32, #tpu.memory_space<hbm>> -> memref<1x80x125xi32, #tpu.memory_space<hbm>>
      %dma_wait3A_21 = tpu.memref_squeeze %dma_wait3A_20 : memref<1x80x125xi32, #tpu.memory_space<hbm>> -> memref<80x125xi32, #tpu.memory_space<hbm>>
      tpu.wait_dma2 semaphore(%run_scoped3A : memref<!tpu.dma_semaphore, #tpu.memory_space<semaphore_mem>>) src(%dma_wait3A_21 : memref<80x125xi32, #tpu.memory_space<hbm>>) dst(%arg7 : memref<80x125xi32, #tpu.memory_space<vmem>>)
      tpu.yield
    }) : () -> ()
    %mul3A = arith.constant 640 : i32
    %mul3A_0 = arith.muli %arg1, %mul3A : i32
    "tpu.region"() ({
      %run_scoped3A = tpu.sem_alloc : memref<!tpu.dma_semaphore, #tpu.memory_space<semaphore_mem>>
      %dma_start3A = arith.constant 0 : i32
      %dma_start3A_8 = tpu.memref_slice %arg11[%mul3A_0, %dma_start3A] : memref<10240x128xf32, #tpu.memory_space<vmem_shared>> -> memref<640x128xf32, #tpu.memory_space<vmem_shared>>
      tpu.enqueue_dma source(%arg5 : memref<640x128xf32, #tpu.memory_space<hbm>>) target(%dma_start3A_8 : memref<640x128xf32, #tpu.memory_space<vmem_shared>>) target_semaphore(%run_scoped3A : memref<!tpu.dma_semaphore, #tpu.memory_space<semaphore_mem>>)
      %dma_wait3A = arith.constant 0 : i32
      %dma_wait3A_9 = tpu.memref_slice %arg11[%mul3A_0, %dma_wait3A] : memref<10240x128xf32, #tpu.memory_space<vmem_shared>> -> memref<640x128xf32, #tpu.memory_space<vmem_shared>>
      tpu.wait_dma2 semaphore(%run_scoped3A : memref<!tpu.dma_semaphore, #tpu.memory_space<semaphore_mem>>) src(%arg5 : memref<640x128xf32, #tpu.memory_space<hbm>>) dst(%dma_wait3A_9 : memref<640x128xf32, #tpu.memory_space<vmem_shared>>)
      tpu.yield
    }) : () -> ()
    %barrier3A = arith.constant 0 : index
    tpu.barrier barrier_id(%barrier3A)
    %eq3A = arith.constant 0 : i32
    %eq3A_1 = arith.cmpi eq, %arg0, %eq3A : i32
    %convert_element_type3A = arith.extui %eq3A_1 : i1 to i32
    %cond3A = arith.constant 0 : i32
    %cond3A_2 = arith.cmpi ne, %convert_element_type3A, %cond3A : i32
    scf.if %cond3A_2 {
      %dma_start3A = arith.constant 0 : i32
      %dma_start3A_8 = arith.constant 0 : i32
      %dma_start3A_9 = arith.constant 0 : i32
      %dma_start3A_10 = tpu.memref_slice %arg7[%dma_start3A_8, %dma_start3A_9] : memref<80x125xi32, #tpu.memory_space<vmem>> -> memref<1x125xi32, #tpu.memory_space<vmem>>
      %dma_start3A_11 = tpu.memref_squeeze %dma_start3A_10 : memref<1x125xi32, #tpu.memory_space<vmem>> -> memref<125xi32, #tpu.memory_space<vmem>>
      %dma_start3A_12 = arith.constant 0 : i32
      %dma_start3A_13 = arith.constant 0 : i32
      %dma_start3A_14 = tpu.memref_slice %arg2[%dma_start3A, %dma_start3A_12, %dma_start3A_13] : memref<2x10000x128xf32, #tpu.memory_space<hbm>> -> memref<1x10000x128xf32, #tpu.memory_space<hbm>>
      %dma_start3A_15 = tpu.memref_squeeze %dma_start3A_14 : memref<1x10000x128xf32, #tpu.memory_space<hbm>> -> memref<10000x128xf32, #tpu.memory_space<hbm>>
      %dma_start3A_16 = arith.constant 0 : i32
      %dma_start3A_17 = arith.constant 0 : i32
      %dma_start3A_18 = tpu.memref_slice %dma_start3A_15[%dma_start3A_16, %dma_start3A_17] : memref<10000x128xf32, #tpu.memory_space<hbm>> -> memref<10000x128xf32, #tpu.memory_space<hbm>>
      tpu.enqueue_indirect_dma source(%dma_start3A_18 : memref<10000x128xf32, #tpu.memory_space<hbm>>) target(%arg9 : memref<125x128xf32, #tpu.memory_space<vmem>>) offsets(%dma_start3A_11 : memref<125xi32, #tpu.memory_space<vmem>>) semaphore(%arg12 : memref<!tpu.dma_semaphore, #tpu.memory_space<semaphore_mem>>)
      %dma_start3A_19 = arith.constant 0 : i32
      %dma_start3A_20 = arith.constant 0 : i32
      %dma_start3A_21 = arith.constant 0 : i32
      %dma_start3A_22 = tpu.memref_slice %arg8[%dma_start3A_20, %dma_start3A_21] : memref<2x125xi32, #tpu.memory_space<vmem>> -> memref<1x125xi32, #tpu.memory_space<vmem>>
      %dma_start3A_23 = tpu.memref_squeeze %dma_start3A_22 : memref<1x125xi32, #tpu.memory_space<vmem>> -> memref<125xi32, #tpu.memory_space<vmem>>
      %dma_start3A_24 = arith.constant 0 : i32
      %dma_start3A_25 = tpu.memref_slice %arg4[%arg1, %dma_start3A_19, %dma_start3A_24] : memref<16x80x125xi32, #tpu.memory_space<hbm>> -> memref<1x1x125xi32, #tpu.memory_space<hbm>>
      %dma_start3A_26 = tpu.memref_squeeze %dma_start3A_25 : memref<1x1x125xi32, #tpu.memory_space<hbm>> -> memref<125xi32, #tpu.memory_space<hbm>>
      %dma_start3A_27 = arith.constant 0 : i32
      %dma_start3A_28 = tpu.memref_slice %arg8[%dma_start3A_20, %dma_start3A_27] : memref<2x125xi32, #tpu.memory_space<vmem>> -> memref<1x125xi32, #tpu.memory_space<vmem>>
      %dma_start3A_29 = tpu.memref_squeeze %dma_start3A_28 : memref<1x125xi32, #tpu.memory_space<vmem>> -> memref<125xi32, #tpu.memory_space<vmem>>
      %dma_start3A_30 = arith.constant 0 : i32
      %dma_start3A_31 = tpu.memref_slice %arg4[%arg1, %dma_start3A_19, %dma_start3A_30] : memref<16x80x125xi32, #tpu.memory_space<hbm>> -> memref<1x1x125xi32, #tpu.memory_space<hbm>>
      %dma_start3A_32 = tpu.memref_squeeze %dma_start3A_31 : memref<1x1x125xi32, #tpu.memory_space<hbm>> -> memref<125xi32, #tpu.memory_space<hbm>>
      tpu.enqueue_dma source(%dma_start3A_32 : memref<125xi32, #tpu.memory_space<hbm>>) target(%dma_start3A_29 : memref<125xi32, #tpu.memory_space<vmem>>) target_semaphore(%arg14 : memref<!tpu.dma_semaphore, #tpu.memory_space<semaphore_mem>>)
      %scan3A = arith.constant 0 : i32
      %scan3A_33 = arith.constant 0 : i32
      %scan3A_34 = arith.constant 0 : i32
      %scan3A_35 = arith.constant 40 : i32
      %scan3A_36 = arith.addi %scan3A_34, %scan3A_35 : i32
      %scan3A_37 = arith.constant 1 : i32
      scf.for %scan3A_69 = %scan3A_34 to %scan3A_36 step %scan3A_37  : i32 {
        %mul3A_70 = arith.constant 2 : i32
        %mul3A_71 = arith.muli %mul3A_70, %scan3A_69 : i32
        %add3A = arith.constant 1 : i32
        %add3A_72 = arith.addi %mul3A_71, %add3A : i32
        %dma_start3A_73 = arith.constant 0 : i32
        %dma_start3A_74 = tpu.memref_slice %arg7[%add3A_72, %dma_start3A_73] : memref<80x125xi32, #tpu.memory_space<vmem>> -> memref<1x125xi32, #tpu.memory_space<vmem>>
        %dma_start3A_75 = tpu.memref_squeeze %dma_start3A_74 : memref<1x125xi32, #tpu.memory_space<vmem>> -> memref<125xi32, #tpu.memory_space<vmem>>
        %dma_start3A_76 = arith.constant 0 : i32
        %dma_start3A_77 = arith.constant 0 : i32
        %dma_start3A_78 = tpu.memref_slice %arg2[%scan3A_33, %dma_start3A_76, %dma_start3A_77] : memref<2x10000x128xf32, #tpu.memory_space<hbm>> -> memref<1x10000x128xf32, #tpu.memory_space<hbm>>
        %dma_start3A_79 = tpu.memref_squeeze %dma_start3A_78 : memref<1x10000x128xf32, #tpu.memory_space<hbm>> -> memref<10000x128xf32, #tpu.memory_space<hbm>>
        %dma_start3A_80 = arith.constant 0 : i32
        %dma_start3A_81 = arith.constant 0 : i32
        %dma_start3A_82 = tpu.memref_slice %dma_start3A_79[%dma_start3A_80, %dma_start3A_81] : memref<10000x128xf32, #tpu.memory_space<hbm>> -> memref<10000x128xf32, #tpu.memory_space<hbm>>
        tpu.enqueue_indirect_dma source(%dma_start3A_82 : memref<10000x128xf32, #tpu.memory_space<hbm>>) target(%arg10 : memref<125x128xf32, #tpu.memory_space<vmem>>) offsets(%dma_start3A_75 : memref<125xi32, #tpu.memory_space<vmem>>) semaphore(%arg13 : memref<!tpu.dma_semaphore, #tpu.memory_space<semaphore_mem>>)
        %dma_start3A_83 = arith.constant 1 : i32
        %dma_start3A_84 = arith.constant 0 : i32
        %dma_start3A_85 = tpu.memref_slice %arg8[%dma_start3A_83, %dma_start3A_84] : memref<2x125xi32, #tpu.memory_space<vmem>> -> memref<1x125xi32, #tpu.memory_space<vmem>>
        %dma_start3A_86 = tpu.memref_squeeze %dma_start3A_85 : memref<1x125xi32, #tpu.memory_space<vmem>> -> memref<125xi32, #tpu.memory_space<vmem>>
        %dma_start3A_87 = arith.constant 0 : i32
        %dma_start3A_88 = tpu.memref_slice %arg4[%arg1, %add3A_72, %dma_start3A_87] : memref<16x80x125xi32, #tpu.memory_space<hbm>> -> memref<1x1x125xi32, #tpu.memory_space<hbm>>
        %dma_start3A_89 = tpu.memref_squeeze %dma_start3A_88 : memref<1x1x125xi32, #tpu.memory_space<hbm>> -> memref<125xi32, #tpu.memory_space<hbm>>
        %dma_start3A_90 = arith.constant 0 : i32
        %dma_start3A_91 = tpu.memref_slice %arg8[%dma_start3A_83, %dma_start3A_90] : memref<2x125xi32, #tpu.memory_space<vmem>> -> memref<1x125xi32, #tpu.memory_space<vmem>>
        %dma_start3A_92 = tpu.memref_squeeze %dma_start3A_91 : memref<1x125xi32, #tpu.memory_space<vmem>> -> memref<125xi32, #tpu.memory_space<vmem>>
        %dma_start3A_93 = arith.constant 0 : i32
        %dma_start3A_94 = tpu.memref_slice %arg4[%arg1, %add3A_72, %dma_start3A_93] : memref<16x80x125xi32, #tpu.memory_space<hbm>> -> memref<1x1x125xi32, #tpu.memory_space<hbm>>
        %dma_start3A_95 = tpu.memref_squeeze %dma_start3A_94 : memref<1x1x125xi32, #tpu.memory_space<hbm>> -> memref<125xi32, #tpu.memory_space<hbm>>
        tpu.enqueue_dma source(%dma_start3A_95 : memref<125xi32, #tpu.memory_space<hbm>>) target(%dma_start3A_92 : memref<125xi32, #tpu.memory_space<vmem>>) target_semaphore(%arg15 : memref<!tpu.dma_semaphore, #tpu.memory_space<semaphore_mem>>)
        %dma_wait3A_96 = arith.constant 0 : i32
        %dma_wait3A_97 = tpu.memref_slice %arg7[%mul3A_71, %dma_wait3A_96] : memref<80x125xi32, #tpu.memory_space<vmem>> -> memref<1x125xi32, #tpu.memory_space<vmem>>
        %dma_wait3A_98 = tpu.memref_squeeze %dma_wait3A_97 : memref<1x125xi32, #tpu.memory_space<vmem>> -> memref<125xi32, #tpu.memory_space<vmem>>
        %dma_wait3A_99 = arith.constant 0 : i32
        %dma_wait3A_100 = arith.constant 0 : i32
        %dma_wait3A_101 = tpu.memref_slice %arg2[%scan3A_33, %dma_wait3A_99, %dma_wait3A_100] : memref<2x10000x128xf32, #tpu.memory_space<hbm>> -> memref<1x10000x128xf32, #tpu.memory_space<hbm>>
        %dma_wait3A_102 = tpu.memref_squeeze %dma_wait3A_101 : memref<1x10000x128xf32, #tpu.memory_space<hbm>> -> memref<10000x128xf32, #tpu.memory_space<hbm>>
        %dma_wait3A_103 = arith.constant 0 : i32
        %dma_wait3A_104 = arith.constant 0 : i32
        %dma_wait3A_105 = tpu.memref_slice %dma_wait3A_102[%dma_wait3A_103, %dma_wait3A_104] : memref<10000x128xf32, #tpu.memory_space<hbm>> -> memref<10000x128xf32, #tpu.memory_space<hbm>>
        tpu.wait_indirect_dma semaphore(%arg12 : memref<!tpu.dma_semaphore, #tpu.memory_space<semaphore_mem>>) src(%dma_wait3A_105 : memref<10000x128xf32, #tpu.memory_space<hbm>>) dst(%arg9 : memref<125x128xf32, #tpu.memory_space<vmem>>)
        %dma_wait3A_106 = arith.constant 0 : i32
        %dma_wait3A_107 = arith.constant 0 : i32
        %dma_wait3A_108 = tpu.memref_slice %arg8[%dma_wait3A_106, %dma_wait3A_107] : memref<2x125xi32, #tpu.memory_space<vmem>> -> memref<1x125xi32, #tpu.memory_space<vmem>>
        %dma_wait3A_109 = tpu.memref_squeeze %dma_wait3A_108 : memref<1x125xi32, #tpu.memory_space<vmem>> -> memref<125xi32, #tpu.memory_space<vmem>>
        %dma_wait3A_110 = arith.constant 0 : i32
        %dma_wait3A_111 = tpu.memref_slice %arg4[%arg1, %mul3A_71, %dma_wait3A_110] : memref<16x80x125xi32, #tpu.memory_space<hbm>> -> memref<1x1x125xi32, #tpu.memory_space<hbm>>
        %dma_wait3A_112 = tpu.memref_squeeze %dma_wait3A_111 : memref<1x1x125xi32, #tpu.memory_space<hbm>> -> memref<125xi32, #tpu.memory_space<hbm>>
        %dma_wait3A_113 = arith.constant 0 : i32
        %dma_wait3A_114 = tpu.memref_slice %arg8[%dma_wait3A_106, %dma_wait3A_113] : memref<2x125xi32, #tpu.memory_space<vmem>> -> memref<1x125xi32, #tpu.memory_space<vmem>>
        %dma_wait3A_115 = tpu.memref_squeeze %dma_wait3A_114 : memref<1x125xi32, #tpu.memory_space<vmem>> -> memref<125xi32, #tpu.memory_space<vmem>>
        %dma_wait3A_116 = arith.constant 0 : i32
        %dma_wait3A_117 = tpu.memref_slice %arg4[%arg1, %mul3A_71, %dma_wait3A_116] : memref<16x80x125xi32, #tpu.memory_space<hbm>> -> memref<1x1x125xi32, #tpu.memory_space<hbm>>
        %dma_wait3A_118 = tpu.memref_squeeze %dma_wait3A_117 : memref<1x1x125xi32, #tpu.memory_space<hbm>> -> memref<125xi32, #tpu.memory_space<hbm>>
        tpu.wait_dma2 semaphore(%arg14 : memref<!tpu.dma_semaphore, #tpu.memory_space<semaphore_mem>>) src(%dma_wait3A_118 : memref<125xi32, #tpu.memory_space<hbm>>) dst(%dma_wait3A_115 : memref<125xi32, #tpu.memory_space<vmem>>)
        %run_scoped3A_119 = arith.constant 0 : i32
        "tpu.region"() ({
          %run_scoped3A_172 = tpu.sem_alloc : memref<!tpu.dma_semaphore, #tpu.memory_space<semaphore_mem>>
          %dma_start3A_173 = arith.constant 0 : i32
          %dma_start3A_174 = tpu.memref_slice %arg8[%run_scoped3A_119, %dma_start3A_173] : memref<2x125xi32, #tpu.memory_space<vmem>> -> memref<1x125xi32, #tpu.memory_space<vmem>>
          %dma_start3A_175 = tpu.memref_squeeze %dma_start3A_174 : memref<1x125xi32, #tpu.memory_space<vmem>> -> memref<125xi32, #tpu.memory_space<vmem>>
          %dma_start3A_176 = arith.constant 0 : i32
          %dma_start3A_177 = arith.constant 0 : i32
          %dma_start3A_178 = tpu.memref_slice %arg11[%dma_start3A_176, %dma_start3A_177] : memref<10240x128xf32, #tpu.memory_space<vmem_shared>> -> memref<10240x128xf32, #tpu.memory_space<vmem_shared>>
          tpu.enqueue_indirect_dma source(%arg9 : memref<125x128xf32, #tpu.memory_space<vmem>>) target(%dma_start3A_178 : memref<10240x128xf32, #tpu.memory_space<vmem_shared>>) offsets(%dma_start3A_175 : memref<125xi32, #tpu.memory_space<vmem>>) semaphore(%run_scoped3A_172 : memref<!tpu.dma_semaphore, #tpu.memory_space<semaphore_mem>>) {add = true}
          %dma_wait3A_179 = arith.constant 0 : i32
          %dma_wait3A_180 = tpu.memref_slice %arg8[%run_scoped3A_119, %dma_wait3A_179] : memref<2x125xi32, #tpu.memory_space<vmem>> -> memref<1x125xi32, #tpu.memory_space<vmem>>
          %dma_wait3A_181 = tpu.memref_squeeze %dma_wait3A_180 : memref<1x125xi32, #tpu.memory_space<vmem>> -> memref<125xi32, #tpu.memory_space<vmem>>
          %dma_wait3A_182 = arith.constant 0 : i32
          %dma_wait3A_183 = arith.constant 0 : i32
          %dma_wait3A_184 = tpu.memref_slice %arg11[%dma_wait3A_182, %dma_wait3A_183] : memref<10240x128xf32, #tpu.memory_space<vmem_shared>> -> memref<10240x128xf32, #tpu.memory_space<vmem_shared>>
          tpu.wait_indirect_dma semaphore(%run_scoped3A_172 : memref<!tpu.dma_semaphore, #tpu.memory_space<semaphore_mem>>) src(%arg9 : memref<125x128xf32, #tpu.memory_space<vmem>>) dst(%dma_wait3A_184 : memref<10240x128xf32, #tpu.memory_space<vmem_shared>>)
          tpu.yield
        }) : () -> ()
        %add3A_120 = arith.constant 2 : i32
        %add3A_121 = arith.addi %mul3A_71, %add3A_120 : i32
        %rem3A = arith.constant 80 : i32
        %rem3A_122 = arith.remsi %add3A_121, %rem3A : i32
        %dma_start3A_123 = arith.constant 0 : i32
        %dma_start3A_124 = tpu.memref_slice %arg7[%rem3A_122, %dma_start3A_123] : memref<80x125xi32, #tpu.memory_space<vmem>> -> memref<1x125xi32, #tpu.memory_space<vmem>>
        %dma_start3A_125 = tpu.memref_squeeze %dma_start3A_124 : memref<1x125xi32, #tpu.memory_space<vmem>> -> memref<125xi32, #tpu.memory_space<vmem>>
        %dma_start3A_126 = arith.constant 0 : i32
        %dma_start3A_127 = arith.constant 0 : i32
        %dma_start3A_128 = tpu.memref_slice %arg2[%scan3A_33, %dma_start3A_126, %dma_start3A_127] : memref<2x10000x128xf32, #tpu.memory_space<hbm>> -> memref<1x10000x128xf32, #tpu.memory_space<hbm>>
        %dma_start3A_129 = tpu.memref_squeeze %dma_start3A_128 : memref<1x10000x128xf32, #tpu.memory_space<hbm>> -> memref<10000x128xf32, #tpu.memory_space<hbm>>
        %dma_start3A_130 = arith.constant 0 : i32
        %dma_start3A_131 = arith.constant 0 : i32
        %dma_start3A_132 = tpu.memref_slice %dma_start3A_129[%dma_start3A_130, %dma_start3A_131] : memref<10000x128xf32, #tpu.memory_space<hbm>> -> memref<10000x128xf32, #tpu.memory_space<hbm>>
        tpu.enqueue_indirect_dma source(%dma_start3A_132 : memref<10000x128xf32, #tpu.memory_space<hbm>>) target(%arg9 : memref<125x128xf32, #tpu.memory_space<vmem>>) offsets(%dma_start3A_125 : memref<125xi32, #tpu.memory_space<vmem>>) semaphore(%arg12 : memref<!tpu.dma_semaphore, #tpu.memory_space<semaphore_mem>>)
        %dma_start3A_133 = arith.constant 0 : i32
        %dma_start3A_134 = arith.constant 0 : i32
        %dma_start3A_135 = tpu.memref_slice %arg8[%dma_start3A_133, %dma_start3A_134] : memref<2x125xi32, #tpu.memory_space<vmem>> -> memref<1x125xi32, #tpu.memory_space<vmem>>
        %dma_start3A_136 = tpu.memref_squeeze %dma_start3A_135 : memref<1x125xi32, #tpu.memory_space<vmem>> -> memref<125xi32, #tpu.memory_space<vmem>>
        %dma_start3A_137 = arith.constant 0 : i32
        %dma_start3A_138 = tpu.memref_slice %arg4[%arg1, %rem3A_122, %dma_start3A_137] : memref<16x80x125xi32, #tpu.memory_space<hbm>> -> memref<1x1x125xi32, #tpu.memory_space<hbm>>
        %dma_start3A_139 = tpu.memref_squeeze %dma_start3A_138 : memref<1x1x125xi32, #tpu.memory_space<hbm>> -> memref<125xi32, #tpu.memory_space<hbm>>
        %dma_start3A_140 = arith.constant 0 : i32
        %dma_start3A_141 = tpu.memref_slice %arg8[%dma_start3A_133, %dma_start3A_140] : memref<2x125xi32, #tpu.memory_space<vmem>> -> memref<1x125xi32, #tpu.memory_space<vmem>>
        %dma_start3A_142 = tpu.memref_squeeze %dma_start3A_141 : memref<1x125xi32, #tpu.memory_space<vmem>> -> memref<125xi32, #tpu.memory_space<vmem>>
        %dma_start3A_143 = arith.constant 0 : i32
        %dma_start3A_144 = tpu.memref_slice %arg4[%arg1, %rem3A_122, %dma_start3A_143] : memref<16x80x125xi32, #tpu.memory_space<hbm>> -> memref<1x1x125xi32, #tpu.memory_space<hbm>>
        %dma_start3A_145 = tpu.memref_squeeze %dma_start3A_144 : memref<1x1x125xi32, #tpu.memory_space<hbm>> -> memref<125xi32, #tpu.memory_space<hbm>>
        tpu.enqueue_dma source(%dma_start3A_145 : memref<125xi32, #tpu.memory_space<hbm>>) target(%dma_start3A_142 : memref<125xi32, #tpu.memory_space<vmem>>) target_semaphore(%arg14 : memref<!tpu.dma_semaphore, #tpu.memory_space<semaphore_mem>>)
        %add3A_146 = arith.constant 1 : i32
        %add3A_147 = arith.addi %mul3A_71, %add3A_146 : i32
        %dma_wait3A_148 = arith.constant 0 : i32
        %dma_wait3A_149 = tpu.memref_slice %arg7[%add3A_147, %dma_wait3A_148] : memref<80x125xi32, #tpu.memory_space<vmem>> -> memref<1x125xi32, #tpu.memory_space<vmem>>
        %dma_wait3A_150 = tpu.memref_squeeze %dma_wait3A_149 : memref<1x125xi32, #tpu.memory_space<vmem>> -> memref<125xi32, #tpu.memory_space<vmem>>
        %dma_wait3A_151 = arith.constant 0 : i32
        %dma_wait3A_152 = arith.constant 0 : i32
        %dma_wait3A_153 = tpu.memref_slice %arg2[%scan3A_33, %dma_wait3A_151, %dma_wait3A_152] : memref<2x10000x128xf32, #tpu.memory_space<hbm>> -> memref<1x10000x128xf32, #tpu.memory_space<hbm>>
        %dma_wait3A_154 = tpu.memref_squeeze %dma_wait3A_153 : memref<1x10000x128xf32, #tpu.memory_space<hbm>> -> memref<10000x128xf32, #tpu.memory_space<hbm>>
        %dma_wait3A_155 = arith.constant 0 : i32
        %dma_wait3A_156 = arith.constant 0 : i32
        %dma_wait3A_157 = tpu.memref_slice %dma_wait3A_154[%dma_wait3A_155, %dma_wait3A_156] : memref<10000x128xf32, #tpu.memory_space<hbm>> -> memref<10000x128xf32, #tpu.memory_space<hbm>>
        tpu.wait_indirect_dma semaphore(%arg13 : memref<!tpu.dma_semaphore, #tpu.memory_space<semaphore_mem>>) src(%dma_wait3A_157 : memref<10000x128xf32, #tpu.memory_space<hbm>>) dst(%arg10 : memref<125x128xf32, #tpu.memory_space<vmem>>)
        %dma_wait3A_158 = arith.constant 1 : i32
        %dma_wait3A_159 = arith.constant 0 : i32
        %dma_wait3A_160 = tpu.memref_slice %arg8[%dma_wait3A_158, %dma_wait3A_159] : memref<2x125xi32, #tpu.memory_space<vmem>> -> memref<1x125xi32, #tpu.memory_space<vmem>>
        %dma_wait3A_161 = tpu.memref_squeeze %dma_wait3A_160 : memref<1x125xi32, #tpu.memory_space<vmem>> -> memref<125xi32, #tpu.memory_space<vmem>>
        %dma_wait3A_162 = arith.constant 0 : i32
        %dma_wait3A_163 = tpu.memref_slice %arg4[%arg1, %add3A_147, %dma_wait3A_162] : memref<16x80x125xi32, #tpu.memory_space<hbm>> -> memref<1x1x125xi32, #tpu.memory_space<hbm>>
        %dma_wait3A_164 = tpu.memref_squeeze %dma_wait3A_163 : memref<1x1x125xi32, #tpu.memory_space<hbm>> -> memref<125xi32, #tpu.memory_space<hbm>>
        %dma_wait3A_165 = arith.constant 0 : i32
        %dma_wait3A_166 = tpu.memref_slice %arg8[%dma_wait3A_158, %dma_wait3A_165] : memref<2x125xi32, #tpu.memory_space<vmem>> -> memref<1x125xi32, #tpu.memory_space<vmem>>
        %dma_wait3A_167 = tpu.memref_squeeze %dma_wait3A_166 : memref<1x125xi32, #tpu.memory_space<vmem>> -> memref<125xi32, #tpu.memory_space<vmem>>
        %dma_wait3A_168 = arith.constant 0 : i32
        %dma_wait3A_169 = tpu.memref_slice %arg4[%arg1, %add3A_147, %dma_wait3A_168] : memref<16x80x125xi32, #tpu.memory_space<hbm>> -> memref<1x1x125xi32, #tpu.memory_space<hbm>>
        %dma_wait3A_170 = tpu.memref_squeeze %dma_wait3A_169 : memref<1x1x125xi32, #tpu.memory_space<hbm>> -> memref<125xi32, #tpu.memory_space<hbm>>
        tpu.wait_dma2 semaphore(%arg15 : memref<!tpu.dma_semaphore, #tpu.memory_space<semaphore_mem>>) src(%dma_wait3A_170 : memref<125xi32, #tpu.memory_space<hbm>>) dst(%dma_wait3A_167 : memref<125xi32, #tpu.memory_space<vmem>>)
        %run_scoped3A_171 = arith.constant 1 : i32
        "tpu.region"() ({
          %run_scoped3A_172 = tpu.sem_alloc : memref<!tpu.dma_semaphore, #tpu.memory_space<semaphore_mem>>
          %dma_start3A_173 = arith.constant 0 : i32
          %dma_start3A_174 = tpu.memref_slice %arg8[%run_scoped3A_171, %dma_start3A_173] : memref<2x125xi32, #tpu.memory_space<vmem>> -> memref<1x125xi32, #tpu.memory_space<vmem>>
          %dma_start3A_175 = tpu.memref_squeeze %dma_start3A_174 : memref<1x125xi32, #tpu.memory_space<vmem>> -> memref<125xi32, #tpu.memory_space<vmem>>
          %dma_start3A_176 = arith.constant 0 : i32
          %dma_start3A_177 = arith.constant 0 : i32
          %dma_start3A_178 = tpu.memref_slice %arg11[%dma_start3A_176, %dma_start3A_177] : memref<10240x128xf32, #tpu.memory_space<vmem_shared>> -> memref<10240x128xf32, #tpu.memory_space<vmem_shared>>
          tpu.enqueue_indirect_dma source(%arg10 : memref<125x128xf32, #tpu.memory_space<vmem>>) target(%dma_start3A_178 : memref<10240x128xf32, #tpu.memory_space<vmem_shared>>) offsets(%dma_start3A_175 : memref<125xi32, #tpu.memory_space<vmem>>) semaphore(%run_scoped3A_172 : memref<!tpu.dma_semaphore, #tpu.memory_space<semaphore_mem>>) {add = true}
          %dma_wait3A_179 = arith.constant 0 : i32
          %dma_wait3A_180 = tpu.memref_slice %arg8[%run_scoped3A_171, %dma_wait3A_179] : memref<2x125xi32, #tpu.memory_space<vmem>> -> memref<1x125xi32, #tpu.memory_space<vmem>>
          %dma_wait3A_181 = tpu.memref_squeeze %dma_wait3A_180 : memref<1x125xi32, #tpu.memory_space<vmem>> -> memref<125xi32, #tpu.memory_space<vmem>>
          %dma_wait3A_182 = arith.constant 0 : i32
          %dma_wait3A_183 = arith.constant 0 : i32
          %dma_wait3A_184 = tpu.memref_slice %arg11[%dma_wait3A_182, %dma_wait3A_183] : memref<10240x128xf32, #tpu.memory_space<vmem_shared>> -> memref<10240x128xf32, #tpu.memory_space<vmem_shared>>
          tpu.wait_indirect_dma semaphore(%run_scoped3A_172 : memref<!tpu.dma_semaphore, #tpu.memory_space<semaphore_mem>>) src(%arg10 : memref<125x128xf32, #tpu.memory_space<vmem>>) dst(%dma_wait3A_184 : memref<10240x128xf32, #tpu.memory_space<vmem_shared>>)
          tpu.yield
        }) : () -> ()
      }
      %scan3A_38 = arith.constant 40 : i32
      %dma_wait3A = arith.constant 0 : i32
      %dma_wait3A_39 = arith.constant 0 : i32
      %dma_wait3A_40 = arith.constant 0 : i32
      %dma_wait3A_41 = tpu.memref_slice %arg7[%dma_wait3A_39, %dma_wait3A_40] : memref<80x125xi32, #tpu.memory_space<vmem>> -> memref<1x125xi32, #tpu.memory_space<vmem>>
      %dma_wait3A_42 = tpu.memref_squeeze %dma_wait3A_41 : memref<1x125xi32, #tpu.memory_space<vmem>> -> memref<125xi32, #tpu.memory_space<vmem>>
      %dma_wait3A_43 = arith.constant 0 : i32
      %dma_wait3A_44 = arith.constant 0 : i32
      %dma_wait3A_45 = tpu.memref_slice %arg2[%dma_wait3A, %dma_wait3A_43, %dma_wait3A_44] : memref<2x10000x128xf32, #tpu.memory_space<hbm>> -> memref<1x10000x128xf32, #tpu.memory_space<hbm>>
      %dma_wait3A_46 = tpu.memref_squeeze %dma_wait3A_45 : memref<1x10000x128xf32, #tpu.memory_space<hbm>> -> memref<10000x128xf32, #tpu.memory_space<hbm>>
      %dma_wait3A_47 = arith.constant 0 : i32
      %dma_wait3A_48 = arith.constant 0 : i32
      %dma_wait3A_49 = tpu.memref_slice %dma_wait3A_46[%dma_wait3A_47, %dma_wait3A_48] : memref<10000x128xf32, #tpu.memory_space<hbm>> -> memref<10000x128xf32, #tpu.memory_space<hbm>>
      tpu.wait_indirect_dma semaphore(%arg12 : memref<!tpu.dma_semaphore, #tpu.memory_space<semaphore_mem>>) src(%dma_wait3A_49 : memref<10000x128xf32, #tpu.memory_space<hbm>>) dst(%arg9 : memref<125x128xf32, #tpu.memory_space<vmem>>)
      %dma_wait3A_50 = arith.constant 0 : i32
      %dma_wait3A_51 = arith.constant 0 : i32
      %dma_wait3A_52 = arith.constant 0 : i32
      %dma_wait3A_53 = tpu.memref_slice %arg8[%dma_wait3A_51, %dma_wait3A_52] : memref<2x125xi32, #tpu.memory_space<vmem>> -> memref<1x125xi32, #tpu.memory_space<vmem>>
      %dma_wait3A_54 = tpu.memref_squeeze %dma_wait3A_53 : memref<1x125xi32, #tpu.memory_space<vmem>> -> memref<125xi32, #tpu.memory_space<vmem>>
      %dma_wait3A_55 = arith.constant 0 : i32
      %dma_wait3A_56 = tpu.memref_slice %arg4[%arg1, %dma_wait3A_50, %dma_wait3A_55] : memref<16x80x125xi32, #tpu.memory_space<hbm>> -> memref<1x1x125xi32, #tpu.memory_space<hbm>>
      %dma_wait3A_57 = tpu.memref_squeeze %dma_wait3A_56 : memref<1x1x125xi32, #tpu.memory_space<hbm>> -> memref<125xi32, #tpu.memory_space<hbm>>
      %dma_wait3A_58 = arith.constant 0 : i32
      %dma_wait3A_59 = tpu.memref_slice %arg8[%dma_wait3A_51, %dma_wait3A_58] : memref<2x125xi32, #tpu.memory_space<vmem>> -> memref<1x125xi32, #tpu.memory_space<vmem>>
      %dma_wait3A_60 = tpu.memref_squeeze %dma_wait3A_59 : memref<1x125xi32, #tpu.memory_space<vmem>> -> memref<125xi32, #tpu.memory_space<vmem>>
      %dma_wait3A_61 = arith.constant 0 : i32
      %dma_wait3A_62 = tpu.memref_slice %arg4[%arg1, %dma_wait3A_50, %dma_wait3A_61] : memref<16x80x125xi32, #tpu.memory_space<hbm>> -> memref<1x1x125xi32, #tpu.memory_space<hbm>>
      %dma_wait3A_63 = tpu.memref_squeeze %dma_wait3A_62 : memref<1x1x125xi32, #tpu.memory_space<hbm>> -> memref<125xi32, #tpu.memory_space<hbm>>
      tpu.wait_dma2 semaphore(%arg14 : memref<!tpu.dma_semaphore, #tpu.memory_space<semaphore_mem>>) src(%dma_wait3A_63 : memref<125xi32, #tpu.memory_space<hbm>>) dst(%dma_wait3A_60 : memref<125xi32, #tpu.memory_space<vmem>>)
      %barrier3A_64 = arith.constant 0 : index
      tpu.barrier barrier_id(%barrier3A_64)
      %mul3A_65 = arith.constant 640 : i32
      %mul3A_66 = arith.muli %arg1, %mul3A_65 : i32
      %mul3A_67 = arith.constant 640 : i32
      %mul3A_68 = arith.muli %arg1, %mul3A_67 : i32
      %run_scoped3A = arith.constant 0 : i32
      "tpu.region"() ({
        %run_scoped3A_69 = tpu.sem_alloc : memref<!tpu.dma_semaphore, #tpu.memory_space<semaphore_mem>>
        %dma_start3A_70 = arith.constant 0 : i32
        %dma_start3A_71 = arith.constant 0 : i32
        %dma_start3A_72 = tpu.memref_slice %arg6[%run_scoped3A, %dma_start3A_70, %dma_start3A_71] : memref<2x10240x128xf32, #tpu.memory_space<hbm>> -> memref<1x10240x128xf32, #tpu.memory_space<hbm>>
        %dma_start3A_73 = tpu.memref_squeeze %dma_start3A_72 : memref<1x10240x128xf32, #tpu.memory_space<hbm>> -> memref<10240x128xf32, #tpu.memory_space<hbm>>
        %dma_start3A_74 = arith.constant 0 : i32
        %dma_start3A_75 = tpu.memref_slice %dma_start3A_73[%mul3A_68, %dma_start3A_74] : memref<10240x128xf32, #tpu.memory_space<hbm>> -> memref<640x128xf32, #tpu.memory_space<hbm>>
        %dma_start3A_76 = arith.constant 0 : i32
        %dma_start3A_77 = tpu.memref_slice %arg11[%mul3A_66, %dma_start3A_76] : memref<10240x128xf32, #tpu.memory_space<vmem_shared>> -> memref<640x128xf32, #tpu.memory_space<vmem_shared>>
        tpu.enqueue_dma source(%dma_start3A_77 : memref<640x128xf32, #tpu.memory_space<vmem_shared>>) target(%dma_start3A_75 : memref<640x128xf32, #tpu.memory_space<hbm>>) target_semaphore(%run_scoped3A_69 : memref<!tpu.dma_semaphore, #tpu.memory_space<semaphore_mem>>)
        %dma_wait3A_78 = arith.constant 0 : i32
        %dma_wait3A_79 = arith.constant 0 : i32
        %dma_wait3A_80 = tpu.memref_slice %arg6[%run_scoped3A, %dma_wait3A_78, %dma_wait3A_79] : memref<2x10240x128xf32, #tpu.memory_space<hbm>> -> memref<1x10240x128xf32, #tpu.memory_space<hbm>>
        %dma_wait3A_81 = tpu.memref_squeeze %dma_wait3A_80 : memref<1x10240x128xf32, #tpu.memory_space<hbm>> -> memref<10240x128xf32, #tpu.memory_space<hbm>>
        %dma_wait3A_82 = arith.constant 0 : i32
        %dma_wait3A_83 = tpu.memref_slice %dma_wait3A_81[%mul3A_68, %dma_wait3A_82] : memref<10240x128xf32, #tpu.memory_space<hbm>> -> memref<640x128xf32, #tpu.memory_space<hbm>>
        %dma_wait3A_84 = arith.constant 0 : i32
        %dma_wait3A_85 = tpu.memref_slice %arg11[%mul3A_66, %dma_wait3A_84] : memref<10240x128xf32, #tpu.memory_space<vmem_shared>> -> memref<640x128xf32, #tpu.memory_space<vmem_shared>>
        tpu.wait_dma2 semaphore(%run_scoped3A_69 : memref<!tpu.dma_semaphore, #tpu.memory_space<semaphore_mem>>) src(%dma_wait3A_85 : memref<640x128xf32, #tpu.memory_space<vmem_shared>>) dst(%dma_wait3A_83 : memref<640x128xf32, #tpu.memory_space<hbm>>)
        tpu.yield
      }) : () -> ()
    } else {
    }
    %eq3A_3 = arith.constant 1 : i32
    %eq3A_4 = arith.cmpi eq, %arg0, %eq3A_3 : i32
    %convert_element_type3A_5 = arith.extui %eq3A_4 : i1 to i32
    %cond3A_6 = arith.constant 0 : i32
    %cond3A_7 = arith.cmpi ne, %convert_element_type3A_5, %cond3A_6 : i32
    scf.if %cond3A_7 {
      %dma_start3A = arith.constant 1 : i32
      %dma_start3A_8 = arith.constant 0 : i32
      %dma_start3A_9 = arith.constant 0 : i32
      %dma_start3A_10 = tpu.memref_slice %arg7[%dma_start3A_8, %dma_start3A_9] : memref<80x125xi32, #tpu.memory_space<vmem>> -> memref<1x125xi32, #tpu.memory_space<vmem>>
      %dma_start3A_11 = tpu.memref_squeeze %dma_start3A_10 : memref<1x125xi32, #tpu.memory_space<vmem>> -> memref<125xi32, #tpu.memory_space<vmem>>
      %dma_start3A_12 = arith.constant 0 : i32
      %dma_start3A_13 = arith.constant 0 : i32
      %dma_start3A_14 = tpu.memref_slice %arg2[%dma_start3A, %dma_start3A_12, %dma_start3A_13] : memref<2x10000x128xf32, #tpu.memory_space<hbm>> -> memref<1x10000x128xf32, #tpu.memory_space<hbm>>
      %dma_start3A_15 = tpu.memref_squeeze %dma_start3A_14 : memref<1x10000x128xf32, #tpu.memory_space<hbm>> -> memref<10000x128xf32, #tpu.memory_space<hbm>>
      %dma_start3A_16 = arith.constant 0 : i32
      %dma_start3A_17 = arith.constant 0 : i32
      %dma_start3A_18 = tpu.memref_slice %dma_start3A_15[%dma_start3A_16, %dma_start3A_17] : memref<10000x128xf32, #tpu.memory_space<hbm>> -> memref<10000x128xf32, #tpu.memory_space<hbm>>
      tpu.enqueue_indirect_dma source(%dma_start3A_18 : memref<10000x128xf32, #tpu.memory_space<hbm>>) target(%arg9 : memref<125x128xf32, #tpu.memory_space<vmem>>) offsets(%dma_start3A_11 : memref<125xi32, #tpu.memory_space<vmem>>) semaphore(%arg12 : memref<!tpu.dma_semaphore, #tpu.memory_space<semaphore_mem>>)
      %dma_start3A_19 = arith.constant 0 : i32
      %dma_start3A_20 = arith.constant 0 : i32
      %dma_start3A_21 = arith.constant 0 : i32
      %dma_start3A_22 = tpu.memref_slice %arg8[%dma_start3A_20, %dma_start3A_21] : memref<2x125xi32, #tpu.memory_space<vmem>> -> memref<1x125xi32, #tpu.memory_space<vmem>>
      %dma_start3A_23 = tpu.memref_squeeze %dma_start3A_22 : memref<1x125xi32, #tpu.memory_space<vmem>> -> memref<125xi32, #tpu.memory_space<vmem>>
      %dma_start3A_24 = arith.constant 0 : i32
      %dma_start3A_25 = tpu.memref_slice %arg4[%arg1, %dma_start3A_19, %dma_start3A_24] : memref<16x80x125xi32, #tpu.memory_space<hbm>> -> memref<1x1x125xi32, #tpu.memory_space<hbm>>
      %dma_start3A_26 = tpu.memref_squeeze %dma_start3A_25 : memref<1x1x125xi32, #tpu.memory_space<hbm>> -> memref<125xi32, #tpu.memory_space<hbm>>
      %dma_start3A_27 = arith.constant 0 : i32
      %dma_start3A_28 = tpu.memref_slice %arg8[%dma_start3A_20, %dma_start3A_27] : memref<2x125xi32, #tpu.memory_space<vmem>> -> memref<1x125xi32, #tpu.memory_space<vmem>>
      %dma_start3A_29 = tpu.memref_squeeze %dma_start3A_28 : memref<1x125xi32, #tpu.memory_space<vmem>> -> memref<125xi32, #tpu.memory_space<vmem>>
      %dma_start3A_30 = arith.constant 0 : i32
      %dma_start3A_31 = tpu.memref_slice %arg4[%arg1, %dma_start3A_19, %dma_start3A_30] : memref<16x80x125xi32, #tpu.memory_space<hbm>> -> memref<1x1x125xi32, #tpu.memory_space<hbm>>
      %dma_start3A_32 = tpu.memref_squeeze %dma_start3A_31 : memref<1x1x125xi32, #tpu.memory_space<hbm>> -> memref<125xi32, #tpu.memory_space<hbm>>
      tpu.enqueue_dma source(%dma_start3A_32 : memref<125xi32, #tpu.memory_space<hbm>>) target(%dma_start3A_29 : memref<125xi32, #tpu.memory_space<vmem>>) target_semaphore(%arg14 : memref<!tpu.dma_semaphore, #tpu.memory_space<semaphore_mem>>)
      %scan3A = arith.constant 0 : i32
      %scan3A_33 = arith.constant 1 : i32
      %scan3A_34 = arith.constant 0 : i32
      %scan3A_35 = arith.constant 40 : i32
      %scan3A_36 = arith.addi %scan3A_34, %scan3A_35 : i32
      %scan3A_37 = arith.constant 1 : i32
      scf.for %scan3A_69 = %scan3A_34 to %scan3A_36 step %scan3A_37  : i32 {
        %mul3A_70 = arith.constant 2 : i32
        %mul3A_71 = arith.muli %mul3A_70, %scan3A_69 : i32
        %add3A = arith.constant 1 : i32
        %add3A_72 = arith.addi %mul3A_71, %add3A : i32
        %dma_start3A_73 = arith.constant 0 : i32
        %dma_start3A_74 = tpu.memref_slice %arg7[%add3A_72, %dma_start3A_73] : memref<80x125xi32, #tpu.memory_space<vmem>> -> memref<1x125xi32, #tpu.memory_space<vmem>>
        %dma_start3A_75 = tpu.memref_squeeze %dma_start3A_74 : memref<1x125xi32, #tpu.memory_space<vmem>> -> memref<125xi32, #tpu.memory_space<vmem>>
        %dma_start3A_76 = arith.constant 0 : i32
        %dma_start3A_77 = arith.constant 0 : i32
        %dma_start3A_78 = tpu.memref_slice %arg2[%scan3A_33, %dma_start3A_76, %dma_start3A_77] : memref<2x10000x128xf32, #tpu.memory_space<hbm>> -> memref<1x10000x128xf32, #tpu.memory_space<hbm>>
        %dma_start3A_79 = tpu.memref_squeeze %dma_start3A_78 : memref<1x10000x128xf32, #tpu.memory_space<hbm>> -> memref<10000x128xf32, #tpu.memory_space<hbm>>
        %dma_start3A_80 = arith.constant 0 : i32
        %dma_start3A_81 = arith.constant 0 : i32
        %dma_start3A_82 = tpu.memref_slice %dma_start3A_79[%dma_start3A_80, %dma_start3A_81] : memref<10000x128xf32, #tpu.memory_space<hbm>> -> memref<10000x128xf32, #tpu.memory_space<hbm>>
        tpu.enqueue_indirect_dma source(%dma_start3A_82 : memref<10000x128xf32, #tpu.memory_space<hbm>>) target(%arg10 : memref<125x128xf32, #tpu.memory_space<vmem>>) offsets(%dma_start3A_75 : memref<125xi32, #tpu.memory_space<vmem>>) semaphore(%arg13 : memref<!tpu.dma_semaphore, #tpu.memory_space<semaphore_mem>>)
        %dma_start3A_83 = arith.constant 1 : i32
        %dma_start3A_84 = arith.constant 0 : i32
        %dma_start3A_85 = tpu.memref_slice %arg8[%dma_start3A_83, %dma_start3A_84] : memref<2x125xi32, #tpu.memory_space<vmem>> -> memref<1x125xi32, #tpu.memory_space<vmem>>
        %dma_start3A_86 = tpu.memref_squeeze %dma_start3A_85 : memref<1x125xi32, #tpu.memory_space<vmem>> -> memref<125xi32, #tpu.memory_space<vmem>>
        %dma_start3A_87 = arith.constant 0 : i32
        %dma_start3A_88 = tpu.memref_slice %arg4[%arg1, %add3A_72, %dma_start3A_87] : memref<16x80x125xi32, #tpu.memory_space<hbm>> -> memref<1x1x125xi32, #tpu.memory_space<hbm>>
        %dma_start3A_89 = tpu.memref_squeeze %dma_start3A_88 : memref<1x1x125xi32, #tpu.memory_space<hbm>> -> memref<125xi32, #tpu.memory_space<hbm>>
        %dma_start3A_90 = arith.constant 0 : i32
        %dma_start3A_91 = tpu.memref_slice %arg8[%dma_start3A_83, %dma_start3A_90] : memref<2x125xi32, #tpu.memory_space<vmem>> -> memref<1x125xi32, #tpu.memory_space<vmem>>
        %dma_start3A_92 = tpu.memref_squeeze %dma_start3A_91 : memref<1x125xi32, #tpu.memory_space<vmem>> -> memref<125xi32, #tpu.memory_space<vmem>>
        %dma_start3A_93 = arith.constant 0 : i32
        %dma_start3A_94 = tpu.memref_slice %arg4[%arg1, %add3A_72, %dma_start3A_93] : memref<16x80x125xi32, #tpu.memory_space<hbm>> -> memref<1x1x125xi32, #tpu.memory_space<hbm>>
        %dma_start3A_95 = tpu.memref_squeeze %dma_start3A_94 : memref<1x1x125xi32, #tpu.memory_space<hbm>> -> memref<125xi32, #tpu.memory_space<hbm>>
        tpu.enqueue_dma source(%dma_start3A_95 : memref<125xi32, #tpu.memory_space<hbm>>) target(%dma_start3A_92 : memref<125xi32, #tpu.memory_space<vmem>>) target_semaphore(%arg15 : memref<!tpu.dma_semaphore, #tpu.memory_space<semaphore_mem>>)
        %dma_wait3A_96 = arith.constant 0 : i32
        %dma_wait3A_97 = tpu.memref_slice %arg7[%mul3A_71, %dma_wait3A_96] : memref<80x125xi32, #tpu.memory_space<vmem>> -> memref<1x125xi32, #tpu.memory_space<vmem>>
        %dma_wait3A_98 = tpu.memref_squeeze %dma_wait3A_97 : memref<1x125xi32, #tpu.memory_space<vmem>> -> memref<125xi32, #tpu.memory_space<vmem>>
        %dma_wait3A_99 = arith.constant 0 : i32
        %dma_wait3A_100 = arith.constant 0 : i32
        %dma_wait3A_101 = tpu.memref_slice %arg2[%scan3A_33, %dma_wait3A_99, %dma_wait3A_100] : memref<2x10000x128xf32, #tpu.memory_space<hbm>> -> memref<1x10000x128xf32, #tpu.memory_space<hbm>>
        %dma_wait3A_102 = tpu.memref_squeeze %dma_wait3A_101 : memref<1x10000x128xf32, #tpu.memory_space<hbm>> -> memref<10000x128xf32, #tpu.memory_space<hbm>>
        %dma_wait3A_103 = arith.constant 0 : i32
        %dma_wait3A_104 = arith.constant 0 : i32
        %dma_wait3A_105 = tpu.memref_slice %dma_wait3A_102[%dma_wait3A_103, %dma_wait3A_104] : memref<10000x128xf32, #tpu.memory_space<hbm>> -> memref<10000x128xf32, #tpu.memory_space<hbm>>
        tpu.wait_indirect_dma semaphore(%arg12 : memref<!tpu.dma_semaphore, #tpu.memory_space<semaphore_mem>>) src(%dma_wait3A_105 : memref<10000x128xf32, #tpu.memory_space<hbm>>) dst(%arg9 : memref<125x128xf32, #tpu.memory_space<vmem>>)
        %dma_wait3A_106 = arith.constant 0 : i32
        %dma_wait3A_107 = arith.constant 0 : i32
        %dma_wait3A_108 = tpu.memref_slice %arg8[%dma_wait3A_106, %dma_wait3A_107] : memref<2x125xi32, #tpu.memory_space<vmem>> -> memref<1x125xi32, #tpu.memory_space<vmem>>
        %dma_wait3A_109 = tpu.memref_squeeze %dma_wait3A_108 : memref<1x125xi32, #tpu.memory_space<vmem>> -> memref<125xi32, #tpu.memory_space<vmem>>
        %dma_wait3A_110 = arith.constant 0 : i32
        %dma_wait3A_111 = tpu.memref_slice %arg4[%arg1, %mul3A_71, %dma_wait3A_110] : memref<16x80x125xi32, #tpu.memory_space<hbm>> -> memref<1x1x125xi32, #tpu.memory_space<hbm>>
        %dma_wait3A_112 = tpu.memref_squeeze %dma_wait3A_111 : memref<1x1x125xi32, #tpu.memory_space<hbm>> -> memref<125xi32, #tpu.memory_space<hbm>>
        %dma_wait3A_113 = arith.constant 0 : i32
        %dma_wait3A_114 = tpu.memref_slice %arg8[%dma_wait3A_106, %dma_wait3A_113] : memref<2x125xi32, #tpu.memory_space<vmem>> -> memref<1x125xi32, #tpu.memory_space<vmem>>
        %dma_wait3A_115 = tpu.memref_squeeze %dma_wait3A_114 : memref<1x125xi32, #tpu.memory_space<vmem>> -> memref<125xi32, #tpu.memory_space<vmem>>
        %dma_wait3A_116 = arith.constant 0 : i32
        %dma_wait3A_117 = tpu.memref_slice %arg4[%arg1, %mul3A_71, %dma_wait3A_116] : memref<16x80x125xi32, #tpu.memory_space<hbm>> -> memref<1x1x125xi32, #tpu.memory_space<hbm>>
        %dma_wait3A_118 = tpu.memref_squeeze %dma_wait3A_117 : memref<1x1x125xi32, #tpu.memory_space<hbm>> -> memref<125xi32, #tpu.memory_space<hbm>>
        tpu.wait_dma2 semaphore(%arg14 : memref<!tpu.dma_semaphore, #tpu.memory_space<semaphore_mem>>) src(%dma_wait3A_118 : memref<125xi32, #tpu.memory_space<hbm>>) dst(%dma_wait3A_115 : memref<125xi32, #tpu.memory_space<vmem>>)
        %run_scoped3A_119 = arith.constant 0 : i32
        "tpu.region"() ({
          %run_scoped3A_172 = tpu.sem_alloc : memref<!tpu.dma_semaphore, #tpu.memory_space<semaphore_mem>>
          %dma_start3A_173 = arith.constant 0 : i32
          %dma_start3A_174 = tpu.memref_slice %arg8[%run_scoped3A_119, %dma_start3A_173] : memref<2x125xi32, #tpu.memory_space<vmem>> -> memref<1x125xi32, #tpu.memory_space<vmem>>
          %dma_start3A_175 = tpu.memref_squeeze %dma_start3A_174 : memref<1x125xi32, #tpu.memory_space<vmem>> -> memref<125xi32, #tpu.memory_space<vmem>>
          %dma_start3A_176 = arith.constant 0 : i32
          %dma_start3A_177 = arith.constant 0 : i32
          %dma_start3A_178 = tpu.memref_slice %arg11[%dma_start3A_176, %dma_start3A_177] : memref<10240x128xf32, #tpu.memory_space<vmem_shared>> -> memref<10240x128xf32, #tpu.memory_space<vmem_shared>>
          tpu.enqueue_indirect_dma source(%arg9 : memref<125x128xf32, #tpu.memory_space<vmem>>) target(%dma_start3A_178 : memref<10240x128xf32, #tpu.memory_space<vmem_shared>>) offsets(%dma_start3A_175 : memref<125xi32, #tpu.memory_space<vmem>>) semaphore(%run_scoped3A_172 : memref<!tpu.dma_semaphore, #tpu.memory_space<semaphore_mem>>) {add = true}
          %dma_wait3A_179 = arith.constant 0 : i32
          %dma_wait3A_180 = tpu.memref_slice %arg8[%run_scoped3A_119, %dma_wait3A_179] : memref<2x125xi32, #tpu.memory_space<vmem>> -> memref<1x125xi32, #tpu.memory_space<vmem>>
          %dma_wait3A_181 = tpu.memref_squeeze %dma_wait3A_180 : memref<1x125xi32, #tpu.memory_space<vmem>> -> memref<125xi32, #tpu.memory_space<vmem>>
          %dma_wait3A_182 = arith.constant 0 : i32
          %dma_wait3A_183 = arith.constant 0 : i32
          %dma_wait3A_184 = tpu.memref_slice %arg11[%dma_wait3A_182, %dma_wait3A_183] : memref<10240x128xf32, #tpu.memory_space<vmem_shared>> -> memref<10240x128xf32, #tpu.memory_space<vmem_shared>>
          tpu.wait_indirect_dma semaphore(%run_scoped3A_172 : memref<!tpu.dma_semaphore, #tpu.memory_space<semaphore_mem>>) src(%arg9 : memref<125x128xf32, #tpu.memory_space<vmem>>) dst(%dma_wait3A_184 : memref<10240x128xf32, #tpu.memory_space<vmem_shared>>)
          tpu.yield
        }) : () -> ()
        %add3A_120 = arith.constant 2 : i32
        %add3A_121 = arith.addi %mul3A_71, %add3A_120 : i32
        %rem3A = arith.constant 80 : i32
        %rem3A_122 = arith.remsi %add3A_121, %rem3A : i32
        %dma_start3A_123 = arith.constant 0 : i32
        %dma_start3A_124 = tpu.memref_slice %arg7[%rem3A_122, %dma_start3A_123] : memref<80x125xi32, #tpu.memory_space<vmem>> -> memref<1x125xi32, #tpu.memory_space<vmem>>
        %dma_start3A_125 = tpu.memref_squeeze %dma_start3A_124 : memref<1x125xi32, #tpu.memory_space<vmem>> -> memref<125xi32, #tpu.memory_space<vmem>>
        %dma_start3A_126 = arith.constant 0 : i32
        %dma_start3A_127 = arith.constant 0 : i32
        %dma_start3A_128 = tpu.memref_slice %arg2[%scan3A_33, %dma_start3A_126, %dma_start3A_127] : memref<2x10000x128xf32, #tpu.memory_space<hbm>> -> memref<1x10000x128xf32, #tpu.memory_space<hbm>>
        %dma_start3A_129 = tpu.memref_squeeze %dma_start3A_128 : memref<1x10000x128xf32, #tpu.memory_space<hbm>> -> memref<10000x128xf32, #tpu.memory_space<hbm>>
        %dma_start3A_130 = arith.constant 0 : i32
        %dma_start3A_131 = arith.constant 0 : i32
        %dma_start3A_132 = tpu.memref_slice %dma_start3A_129[%dma_start3A_130, %dma_start3A_131] : memref<10000x128xf32, #tpu.memory_space<hbm>> -> memref<10000x128xf32, #tpu.memory_space<hbm>>
        tpu.enqueue_indirect_dma source(%dma_start3A_132 : memref<10000x128xf32, #tpu.memory_space<hbm>>) target(%arg9 : memref<125x128xf32, #tpu.memory_space<vmem>>) offsets(%dma_start3A_125 : memref<125xi32, #tpu.memory_space<vmem>>) semaphore(%arg12 : memref<!tpu.dma_semaphore, #tpu.memory_space<semaphore_mem>>)
        %dma_start3A_133 = arith.constant 0 : i32
        %dma_start3A_134 = arith.constant 0 : i32
        %dma_start3A_135 = tpu.memref_slice %arg8[%dma_start3A_133, %dma_start3A_134] : memref<2x125xi32, #tpu.memory_space<vmem>> -> memref<1x125xi32, #tpu.memory_space<vmem>>
        %dma_start3A_136 = tpu.memref_squeeze %dma_start3A_135 : memref<1x125xi32, #tpu.memory_space<vmem>> -> memref<125xi32, #tpu.memory_space<vmem>>
        %dma_start3A_137 = arith.constant 0 : i32
        %dma_start3A_138 = tpu.memref_slice %arg4[%arg1, %rem3A_122, %dma_start3A_137] : memref<16x80x125xi32, #tpu.memory_space<hbm>> -> memref<1x1x125xi32, #tpu.memory_space<hbm>>
        %dma_start3A_139 = tpu.memref_squeeze %dma_start3A_138 : memref<1x1x125xi32, #tpu.memory_space<hbm>> -> memref<125xi32, #tpu.memory_space<hbm>>
        %dma_start3A_140 = arith.constant 0 : i32
        %dma_start3A_141 = tpu.memref_slice %arg8[%dma_start3A_133, %dma_start3A_140] : memref<2x125xi32, #tpu.memory_space<vmem>> -> memref<1x125xi32, #tpu.memory_space<vmem>>
        %dma_start3A_142 = tpu.memref_squeeze %dma_start3A_141 : memref<1x125xi32, #tpu.memory_space<vmem>> -> memref<125xi32, #tpu.memory_space<vmem>>
        %dma_start3A_143 = arith.constant 0 : i32
        %dma_start3A_144 = tpu.memref_slice %arg4[%arg1, %rem3A_122, %dma_start3A_143] : memref<16x80x125xi32, #tpu.memory_space<hbm>> -> memref<1x1x125xi32, #tpu.memory_space<hbm>>
        %dma_start3A_145 = tpu.memref_squeeze %dma_start3A_144 : memref<1x1x125xi32, #tpu.memory_space<hbm>> -> memref<125xi32, #tpu.memory_space<hbm>>
        tpu.enqueue_dma source(%dma_start3A_145 : memref<125xi32, #tpu.memory_space<hbm>>) target(%dma_start3A_142 : memref<125xi32, #tpu.memory_space<vmem>>) target_semaphore(%arg14 : memref<!tpu.dma_semaphore, #tpu.memory_space<semaphore_mem>>)
        %add3A_146 = arith.constant 1 : i32
        %add3A_147 = arith.addi %mul3A_71, %add3A_146 : i32
        %dma_wait3A_148 = arith.constant 0 : i32
        %dma_wait3A_149 = tpu.memref_slice %arg7[%add3A_147, %dma_wait3A_148] : memref<80x125xi32, #tpu.memory_space<vmem>> -> memref<1x125xi32, #tpu.memory_space<vmem>>
        %dma_wait3A_150 = tpu.memref_squeeze %dma_wait3A_149 : memref<1x125xi32, #tpu.memory_space<vmem>> -> memref<125xi32, #tpu.memory_space<vmem>>
        %dma_wait3A_151 = arith.constant 0 : i32
        %dma_wait3A_152 = arith.constant 0 : i32
        %dma_wait3A_153 = tpu.memref_slice %arg2[%scan3A_33, %dma_wait3A_151, %dma_wait3A_152] : memref<2x10000x128xf32, #tpu.memory_space<hbm>> -> memref<1x10000x128xf32, #tpu.memory_space<hbm>>
        %dma_wait3A_154 = tpu.memref_squeeze %dma_wait3A_153 : memref<1x10000x128xf32, #tpu.memory_space<hbm>> -> memref<10000x128xf32, #tpu.memory_space<hbm>>
        %dma_wait3A_155 = arith.constant 0 : i32
        %dma_wait3A_156 = arith.constant 0 : i32
        %dma_wait3A_157 = tpu.memref_slice %dma_wait3A_154[%dma_wait3A_155, %dma_wait3A_156] : memref<10000x128xf32, #tpu.memory_space<hbm>> -> memref<10000x128xf32, #tpu.memory_space<hbm>>
        tpu.wait_indirect_dma semaphore(%arg13 : memref<!tpu.dma_semaphore, #tpu.memory_space<semaphore_mem>>) src(%dma_wait3A_157 : memref<10000x128xf32, #tpu.memory_space<hbm>>) dst(%arg10 : memref<125x128xf32, #tpu.memory_space<vmem>>)
        %dma_wait3A_158 = arith.constant 1 : i32
        %dma_wait3A_159 = arith.constant 0 : i32
        %dma_wait3A_160 = tpu.memref_slice %arg8[%dma_wait3A_158, %dma_wait3A_159] : memref<2x125xi32, #tpu.memory_space<vmem>> -> memref<1x125xi32, #tpu.memory_space<vmem>>
        %dma_wait3A_161 = tpu.memref_squeeze %dma_wait3A_160 : memref<1x125xi32, #tpu.memory_space<vmem>> -> memref<125xi32, #tpu.memory_space<vmem>>
        %dma_wait3A_162 = arith.constant 0 : i32
        %dma_wait3A_163 = tpu.memref_slice %arg4[%arg1, %add3A_147, %dma_wait3A_162] : memref<16x80x125xi32, #tpu.memory_space<hbm>> -> memref<1x1x125xi32, #tpu.memory_space<hbm>>
        %dma_wait3A_164 = tpu.memref_squeeze %dma_wait3A_163 : memref<1x1x125xi32, #tpu.memory_space<hbm>> -> memref<125xi32, #tpu.memory_space<hbm>>
        %dma_wait3A_165 = arith.constant 0 : i32
        %dma_wait3A_166 = tpu.memref_slice %arg8[%dma_wait3A_158, %dma_wait3A_165] : memref<2x125xi32, #tpu.memory_space<vmem>> -> memref<1x125xi32, #tpu.memory_space<vmem>>
        %dma_wait3A_167 = tpu.memref_squeeze %dma_wait3A_166 : memref<1x125xi32, #tpu.memory_space<vmem>> -> memref<125xi32, #tpu.memory_space<vmem>>
        %dma_wait3A_168 = arith.constant 0 : i32
        %dma_wait3A_169 = tpu.memref_slice %arg4[%arg1, %add3A_147, %dma_wait3A_168] : memref<16x80x125xi32, #tpu.memory_space<hbm>> -> memref<1x1x125xi32, #tpu.memory_space<hbm>>
        %dma_wait3A_170 = tpu.memref_squeeze %dma_wait3A_169 : memref<1x1x125xi32, #tpu.memory_space<hbm>> -> memref<125xi32, #tpu.memory_space<hbm>>
        tpu.wait_dma2 semaphore(%arg15 : memref<!tpu.dma_semaphore, #tpu.memory_space<semaphore_mem>>) src(%dma_wait3A_170 : memref<125xi32, #tpu.memory_space<hbm>>) dst(%dma_wait3A_167 : memref<125xi32, #tpu.memory_space<vmem>>)
        %run_scoped3A_171 = arith.constant 1 : i32
        "tpu.region"() ({
          %run_scoped3A_172 = tpu.sem_alloc : memref<!tpu.dma_semaphore, #tpu.memory_space<semaphore_mem>>
          %dma_start3A_173 = arith.constant 0 : i32
          %dma_start3A_174 = tpu.memref_slice %arg8[%run_scoped3A_171, %dma_start3A_173] : memref<2x125xi32, #tpu.memory_space<vmem>> -> memref<1x125xi32, #tpu.memory_space<vmem>>
          %dma_start3A_175 = tpu.memref_squeeze %dma_start3A_174 : memref<1x125xi32, #tpu.memory_space<vmem>> -> memref<125xi32, #tpu.memory_space<vmem>>
          %dma_start3A_176 = arith.constant 0 : i32
          %dma_start3A_177 = arith.constant 0 : i32
          %dma_start3A_178 = tpu.memref_slice %arg11[%dma_start3A_176, %dma_start3A_177] : memref<10240x128xf32, #tpu.memory_space<vmem_shared>> -> memref<10240x128xf32, #tpu.memory_space<vmem_shared>>
          tpu.enqueue_indirect_dma source(%arg10 : memref<125x128xf32, #tpu.memory_space<vmem>>) target(%dma_start3A_178 : memref<10240x128xf32, #tpu.memory_space<vmem_shared>>) offsets(%dma_start3A_175 : memref<125xi32, #tpu.memory_space<vmem>>) semaphore(%run_scoped3A_172 : memref<!tpu.dma_semaphore, #tpu.memory_space<semaphore_mem>>) {add = true}
          %dma_wait3A_179 = arith.constant 0 : i32
          %dma_wait3A_180 = tpu.memref_slice %arg8[%run_scoped3A_171, %dma_wait3A_179] : memref<2x125xi32, #tpu.memory_space<vmem>> -> memref<1x125xi32, #tpu.memory_space<vmem>>
          %dma_wait3A_181 = tpu.memref_squeeze %dma_wait3A_180 : memref<1x125xi32, #tpu.memory_space<vmem>> -> memref<125xi32, #tpu.memory_space<vmem>>
          %dma_wait3A_182 = arith.constant 0 : i32
          %dma_wait3A_183 = arith.constant 0 : i32
          %dma_wait3A_184 = tpu.memref_slice %arg11[%dma_wait3A_182, %dma_wait3A_183] : memref<10240x128xf32, #tpu.memory_space<vmem_shared>> -> memref<10240x128xf32, #tpu.memory_space<vmem_shared>>
          tpu.wait_indirect_dma semaphore(%run_scoped3A_172 : memref<!tpu.dma_semaphore, #tpu.memory_space<semaphore_mem>>) src(%arg10 : memref<125x128xf32, #tpu.memory_space<vmem>>) dst(%dma_wait3A_184 : memref<10240x128xf32, #tpu.memory_space<vmem_shared>>)
          tpu.yield
        }) : () -> ()
      }
      %scan3A_38 = arith.constant 40 : i32
      %dma_wait3A = arith.constant 1 : i32
      %dma_wait3A_39 = arith.constant 0 : i32
      %dma_wait3A_40 = arith.constant 0 : i32
      %dma_wait3A_41 = tpu.memref_slice %arg7[%dma_wait3A_39, %dma_wait3A_40] : memref<80x125xi32, #tpu.memory_space<vmem>> -> memref<1x125xi32, #tpu.memory_space<vmem>>
      %dma_wait3A_42 = tpu.memref_squeeze %dma_wait3A_41 : memref<1x125xi32, #tpu.memory_space<vmem>> -> memref<125xi32, #tpu.memory_space<vmem>>
      %dma_wait3A_43 = arith.constant 0 : i32
      %dma_wait3A_44 = arith.constant 0 : i32
      %dma_wait3A_45 = tpu.memref_slice %arg2[%dma_wait3A, %dma_wait3A_43, %dma_wait3A_44] : memref<2x10000x128xf32, #tpu.memory_space<hbm>> -> memref<1x10000x128xf32, #tpu.memory_space<hbm>>
      %dma_wait3A_46 = tpu.memref_squeeze %dma_wait3A_45 : memref<1x10000x128xf32, #tpu.memory_space<hbm>> -> memref<10000x128xf32, #tpu.memory_space<hbm>>
      %dma_wait3A_47 = arith.constant 0 : i32
      %dma_wait3A_48 = arith.constant 0 : i32
      %dma_wait3A_49 = tpu.memref_slice %dma_wait3A_46[%dma_wait3A_47, %dma_wait3A_48] : memref<10000x128xf32, #tpu.memory_space<hbm>> -> memref<10000x128xf32, #tpu.memory_space<hbm>>
      tpu.wait_indirect_dma semaphore(%arg12 : memref<!tpu.dma_semaphore, #tpu.memory_space<semaphore_mem>>) src(%dma_wait3A_49 : memref<10000x128xf32, #tpu.memory_space<hbm>>) dst(%arg9 : memref<125x128xf32, #tpu.memory_space<vmem>>)
      %dma_wait3A_50 = arith.constant 0 : i32
      %dma_wait3A_51 = arith.constant 0 : i32
      %dma_wait3A_52 = arith.constant 0 : i32
      %dma_wait3A_53 = tpu.memref_slice %arg8[%dma_wait3A_51, %dma_wait3A_52] : memref<2x125xi32, #tpu.memory_space<vmem>> -> memref<1x125xi32, #tpu.memory_space<vmem>>
      %dma_wait3A_54 = tpu.memref_squeeze %dma_wait3A_53 : memref<1x125xi32, #tpu.memory_space<vmem>> -> memref<125xi32, #tpu.memory_space<vmem>>
      %dma_wait3A_55 = arith.constant 0 : i32
      %dma_wait3A_56 = tpu.memref_slice %arg4[%arg1, %dma_wait3A_50, %dma_wait3A_55] : memref<16x80x125xi32, #tpu.memory_space<hbm>> -> memref<1x1x125xi32, #tpu.memory_space<hbm>>
      %dma_wait3A_57 = tpu.memref_squeeze %dma_wait3A_56 : memref<1x1x125xi32, #tpu.memory_space<hbm>> -> memref<125xi32, #tpu.memory_space<hbm>>
      %dma_wait3A_58 = arith.constant 0 : i32
      %dma_wait3A_59 = tpu.memref_slice %arg8[%dma_wait3A_51, %dma_wait3A_58] : memref<2x125xi32, #tpu.memory_space<vmem>> -> memref<1x125xi32, #tpu.memory_space<vmem>>
      %dma_wait3A_60 = tpu.memref_squeeze %dma_wait3A_59 : memref<1x125xi32, #tpu.memory_space<vmem>> -> memref<125xi32, #tpu.memory_space<vmem>>
      %dma_wait3A_61 = arith.constant 0 : i32
      %dma_wait3A_62 = tpu.memref_slice %arg4[%arg1, %dma_wait3A_50, %dma_wait3A_61] : memref<16x80x125xi32, #tpu.memory_space<hbm>> -> memref<1x1x125xi32, #tpu.memory_space<hbm>>
      %dma_wait3A_63 = tpu.memref_squeeze %dma_wait3A_62 : memref<1x1x125xi32, #tpu.memory_space<hbm>> -> memref<125xi32, #tpu.memory_space<hbm>>
      tpu.wait_dma2 semaphore(%arg14 : memref<!tpu.dma_semaphore, #tpu.memory_space<semaphore_mem>>) src(%dma_wait3A_63 : memref<125xi32, #tpu.memory_space<hbm>>) dst(%dma_wait3A_60 : memref<125xi32, #tpu.memory_space<vmem>>)
      %barrier3A_64 = arith.constant 0 : index
      tpu.barrier barrier_id(%barrier3A_64)
      %mul3A_65 = arith.constant 640 : i32
      %mul3A_66 = arith.muli %arg1, %mul3A_65 : i32
      %mul3A_67 = arith.constant 640 : i32
      %mul3A_68 = arith.muli %arg1, %mul3A_67 : i32
      %run_scoped3A = arith.constant 1 : i32
      "tpu.region"() ({
        %run_scoped3A_69 = tpu.sem_alloc : memref<!tpu.dma_semaphore, #tpu.memory_space<semaphore_mem>>
        %dma_start3A_70 = arith.constant 0 : i32
        %dma_start3A_71 = arith.constant 0 : i32
        %dma_start3A_72 = tpu.memref_slice %arg6[%run_scoped3A, %dma_start3A_70, %dma_start3A_71] : memref<2x10240x128xf32, #tpu.memory_space<hbm>> -> memref<1x10240x128xf32, #tpu.memory_space<hbm>>
        %dma_start3A_73 = tpu.memref_squeeze %dma_start3A_72 : memref<1x10240x128xf32, #tpu.memory_space<hbm>> -> memref<10240x128xf32, #tpu.memory_space<hbm>>
        %dma_start3A_74 = arith.constant 0 : i32
        %dma_start3A_75 = tpu.memref_slice %dma_start3A_73[%mul3A_68, %dma_start3A_74] : memref<10240x128xf32, #tpu.memory_space<hbm>> -> memref<640x128xf32, #tpu.memory_space<hbm>>
        %dma_start3A_76 = arith.constant 0 : i32
        %dma_start3A_77 = tpu.memref_slice %arg11[%mul3A_66, %dma_start3A_76] : memref<10240x128xf32, #tpu.memory_space<vmem_shared>> -> memref<640x128xf32, #tpu.memory_space<vmem_shared>>
        tpu.enqueue_dma source(%dma_start3A_77 : memref<640x128xf32, #tpu.memory_space<vmem_shared>>) target(%dma_start3A_75 : memref<640x128xf32, #tpu.memory_space<hbm>>) target_semaphore(%run_scoped3A_69 : memref<!tpu.dma_semaphore, #tpu.memory_space<semaphore_mem>>)
        %dma_wait3A_78 = arith.constant 0 : i32
        %dma_wait3A_79 = arith.constant 0 : i32
        %dma_wait3A_80 = tpu.memref_slice %arg6[%run_scoped3A, %dma_wait3A_78, %dma_wait3A_79] : memref<2x10240x128xf32, #tpu.memory_space<hbm>> -> memref<1x10240x128xf32, #tpu.memory_space<hbm>>
        %dma_wait3A_81 = tpu.memref_squeeze %dma_wait3A_80 : memref<1x10240x128xf32, #tpu.memory_space<hbm>> -> memref<10240x128xf32, #tpu.memory_space<hbm>>
        %dma_wait3A_82 = arith.constant 0 : i32
        %dma_wait3A_83 = tpu.memref_slice %dma_wait3A_81[%mul3A_68, %dma_wait3A_82] : memref<10240x128xf32, #tpu.memory_space<hbm>> -> memref<640x128xf32, #tpu.memory_space<hbm>>
        %dma_wait3A_84 = arith.constant 0 : i32
        %dma_wait3A_85 = tpu.memref_slice %arg11[%mul3A_66, %dma_wait3A_84] : memref<10240x128xf32, #tpu.memory_space<vmem_shared>> -> memref<640x128xf32, #tpu.memory_space<vmem_shared>>
        tpu.wait_dma2 semaphore(%run_scoped3A_69 : memref<!tpu.dma_semaphore, #tpu.memory_space<semaphore_mem>>) src(%dma_wait3A_85 : memref<640x128xf32, #tpu.memory_space<vmem_shared>>) dst(%dma_wait3A_83 : memref<640x128xf32, #tpu.memory_space<hbm>>)
        tpu.yield
      }) : () -> ()
    } else {
    }
    return
  }
}

module attributes {stable_mosaic.version = 14 : i64} {
  func.func @_transform_ns_body(%arg0: i32, %arg1: i32, %arg2: memref<1000x128xf32, #tpu.memory_space<vmem>>, %arg3: memref<128x256xf32, #tpu.memory_space<vmem>>, %arg4: memref<1x256xf32, #tpu.memory_space<vmem>>, %arg5: memref<1x256xf32, #tpu.memory_space<vmem>>, %arg6: memref<1x256xf32, #tpu.memory_space<vmem>>, %arg7: memref<2x1000x128xf32, #tpu.memory_space<vmem>>, %arg8: memref<10000x256xf32, #tpu.memory_space<vmem>>, %arg9: memref<2x256xf32, #tpu.memory_space<vmem>>) attributes {dimension_semantics = [#tpu.dimension_semantics<arbitrary>, #tpu.dimension_semantics<arbitrary>], iteration_bounds = array<i64: 2, 10>, scalar_prefetch = 0 : i64, scratch_operands = 2 : i64, tpu.core_type = #tpu.core_type<tc>, window_params = [{transform_indices = @transform_0, window_bounds = array<i64: 1000, 128>}, {pipeline_mode = #tpu.pipeline_mode<synchronous>, transform_indices = @transform_1, window_bounds = array<i64: 128, 256>}, {pipeline_mode = #tpu.pipeline_mode<synchronous>, transform_indices = @transform_2, window_bounds = array<i64: 1, 256>}, {pipeline_mode = #tpu.pipeline_mode<synchronous>, transform_indices = @transform_3, window_bounds = array<i64: 1, 256>}, {pipeline_mode = #tpu.pipeline_mode<synchronous>, transform_indices = @transform_4, window_bounds = array<i64: 1, 256>}, {transform_indices = @transform_5, window_bounds = array<i64: 2, 1000, 128>}]} {
    %eq3A = arith.constant 0 : i32
    %eq3A_0 = arith.cmpi eq, %arg0, %eq3A : i32
    %convert_element_type3A = arith.extui %eq3A_0 : i1 to i32
    %cond3A = arith.constant 0 : i32
    %cond3A_1 = arith.cmpi ne, %convert_element_type3A, %cond3A : i32
    scf.if %cond3A_1 {
      %get3A = arith.constant 0 : index
      %get3A_7 = arith.constant 0 : index
      %get3A_8 = vector.load %arg2[%get3A, %get3A_7] : memref<1000x128xf32, #tpu.memory_space<vmem>>, vector<1000x128xf32>
      %get3A_9 = arith.constant 0 : index
      %get3A_10 = arith.constant 0 : index
      %get3A_11 = vector.load %arg3[%get3A_9, %get3A_10] : memref<128x256xf32, #tpu.memory_space<vmem>>, vector<128x256xf32>
      %dot_general3A = arith.constant dense<0.000000e+00> : vector<1000x256xf32>
      %dot_general3A_12 = tpu.matmul %get3A_8, %get3A_11, %dot_general3A {dimension_numbers = #tpu.dot_dimension_numbers<[1], [0], [0], [1], [0, 0, 1, 1], [], []>, transpose_lhs_hint = false} : vector<1000x128xf32>, vector<128x256xf32>, vector<1000x256xf32> -> vector<1000x256xf32>
      %get3A_13 = arith.constant 0 : index
      %get3A_14 = arith.constant 0 : index
      %get3A_15 = vector.load %arg4[%get3A_13, %get3A_14] : memref<1x256xf32, #tpu.memory_space<vmem>>, vector<1x256xf32>
      %add3A = vector.broadcast %get3A_15 : vector<1x256xf32> to vector<1000x256xf32>
      %add3A_16 = arith.addf %dot_general3A_12, %add3A : vector<1000x256xf32>
      %mul3A = arith.constant 1000 : i32
      %mul3A_17 = arith.muli %arg1, %mul3A : i32
      %swap3A = arith.index_cast %mul3A_17 : i32 to index
      %swap3A_18 = arith.constant 0 : index
      %swap3A_19 = vector.load %arg8[%swap3A, %swap3A_18] : memref<10000x256xf32, #tpu.memory_space<vmem>>, vector<1000x256xf32>
      tpu.vector_store %arg8[%swap3A, %swap3A_18], %add3A_16 {strides = array<i32>} : memref<10000x256xf32, #tpu.memory_space<vmem>>, vector<1000x256xf32>,
      %reduce_sum3A = arith.constant dense<0.000000e+00> : vector<256xf32>
      %reduce_sum3A_20 = vector.multi_reduction <add>, %add3A_16, %reduce_sum3A [0] : vector<1000x256xf32> to vector<256xf32>
      %broadcast_in_dim3A = vector.shape_cast %reduce_sum3A_20 : vector<256xf32> to vector<1x256xf32>
      %mul3A_21 = arith.mulf %add3A_16, %add3A_16 : vector<1000x256xf32>
      %reduce_sum3A_22 = arith.constant dense<0.000000e+00> : vector<256xf32>
      %reduce_sum3A_23 = vector.multi_reduction <add>, %mul3A_21, %reduce_sum3A_22 [0] : vector<1000x256xf32> to vector<256xf32>
      %broadcast_in_dim3A_24 = vector.shape_cast %reduce_sum3A_23 : vector<256xf32> to vector<1x256xf32>
      %concatenate3A = tpu.concatenate %broadcast_in_dim3A, %broadcast_in_dim3A_24 in 0 : vector<1x256xf32>, vector<1x256xf32> -> vector<2x256xf32>
      %eq3A_25 = arith.constant 0 : i32
      %eq3A_26 = arith.cmpi eq, %arg1, %eq3A_25 : i32
      %convert_element_type3A_27 = arith.extui %eq3A_26 : i1 to i32
      %cond3A_28 = arith.constant 0 : i32
      %cond3A_29 = arith.cmpi ne, %convert_element_type3A_27, %cond3A_28 : i32
      scf.if %cond3A_29 {
        %swap3A_34 = arith.constant 0 : index
        %swap3A_35 = arith.constant 0 : index
        %swap3A_36 = vector.load %arg9[%swap3A_34, %swap3A_35] : memref<2x256xf32, #tpu.memory_space<vmem>>, vector<2x256xf32>
        tpu.vector_store %arg9[%swap3A_34, %swap3A_35], %concatenate3A {strides = array<i32>} : memref<2x256xf32, #tpu.memory_space<vmem>>, vector<2x256xf32>,
      } else {
      }
      %gt3A = arith.constant 0 : i32
      %gt3A_30 = arith.cmpi sgt, %arg1, %gt3A : i32
      %convert_element_type3A_31 = arith.extui %gt3A_30 : i1 to i32
      %cond3A_32 = arith.constant 0 : i32
      %cond3A_33 = arith.cmpi ne, %convert_element_type3A_31, %cond3A_32 : i32
      scf.if %cond3A_33 {
        %get3A_34 = arith.constant 0 : index
        %get3A_35 = arith.constant 0 : index
        %get3A_36 = vector.load %arg9[%get3A_34, %get3A_35] : memref<2x256xf32, #tpu.memory_space<vmem>>, vector<2x256xf32>
        %add3A_37 = arith.addf %get3A_36, %concatenate3A : vector<2x256xf32>
        %swap3A_38 = arith.constant 0 : index
        %swap3A_39 = arith.constant 0 : index
        %swap3A_40 = vector.load %arg9[%swap3A_38, %swap3A_39] : memref<2x256xf32, #tpu.memory_space<vmem>>, vector<2x256xf32>
        tpu.vector_store %arg9[%swap3A_38, %swap3A_39], %add3A_37 {strides = array<i32>} : memref<2x256xf32, #tpu.memory_space<vmem>>, vector<2x256xf32>,
      } else {
      }
    } else {
    }
    %eq3A_2 = arith.constant 1 : i32
    %eq3A_3 = arith.cmpi eq, %arg0, %eq3A_2 : i32
    %convert_element_type3A_4 = arith.extui %eq3A_3 : i1 to i32
    %cond3A_5 = arith.constant 0 : i32
    %cond3A_6 = arith.cmpi ne, %convert_element_type3A_4, %cond3A_5 : i32
    scf.if %cond3A_6 {
      %mul3A = arith.constant 1000 : i32
      %mul3A_7 = arith.muli %arg1, %mul3A : i32
      %get3A = arith.index_cast %mul3A_7 : i32 to index
      %get3A_8 = arith.constant 0 : index
      %get3A_9 = vector.load %arg8[%get3A, %get3A_8] : memref<10000x256xf32, #tpu.memory_space<vmem>>, vector<1000x256xf32>
      %get3A_10 = arith.constant 0 : index
      %get3A_11 = arith.constant 0 : index
      %get3A_12 = vector.load %arg9[%get3A_10, %get3A_11] : memref<2x256xf32, #tpu.memory_space<vmem>>, vector<2x256xf32>
      %get3A_13 = arith.constant 0 : index
      %get3A_14 = arith.constant 0 : index
      %get3A_15 = vector.load %arg5[%get3A_13, %get3A_14] : memref<1x256xf32, #tpu.memory_space<vmem>>, vector<1x256xf32>
      %get3A_16 = arith.constant 0 : index
      %get3A_17 = arith.constant 0 : index
      %get3A_18 = vector.load %arg6[%get3A_16, %get3A_17] : memref<1x256xf32, #tpu.memory_space<vmem>>, vector<1x256xf32>
      %slice3A = vector.extract_strided_slice %get3A_12 {offsets = [0, 0], sizes = [1, 256], strides = [1, 1]} : vector<2x256xf32> to vector<1x256xf32>
      %mul3A_19 = arith.constant 9.99999974E-5 : f32
      %mul3A_20 = vector.broadcast %mul3A_19 : f32 to vector<1x256xf32>
      %mul3A_21 = arith.mulf %slice3A, %mul3A_20 : vector<1x256xf32>
      %slice3A_22 = vector.extract_strided_slice %get3A_12 {offsets = [1, 0], sizes = [1, 256], strides = [1, 1]} : vector<2x256xf32> to vector<1x256xf32>
      %mul3A_23 = arith.constant 9.99999974E-5 : f32
      %mul3A_24 = vector.broadcast %mul3A_23 : f32 to vector<1x256xf32>
      %mul3A_25 = arith.mulf %slice3A_22, %mul3A_24 : vector<1x256xf32>
      %mul3A_26 = arith.mulf %mul3A_21, %mul3A_21 : vector<1x256xf32>
      %sub3A = arith.subf %mul3A_25, %mul3A_26 : vector<1x256xf32>
      %add3A = arith.constant 9.99999974E-6 : f32
      %add3A_27 = vector.broadcast %add3A : f32 to vector<1x256xf32>
      %add3A_28 = arith.addf %sub3A, %add3A_27 : vector<1x256xf32>
      %rsqrt3A = math.rsqrt %add3A_28 : vector<1x256xf32>
      %sub3A_29 = vector.broadcast %mul3A_21 : vector<1x256xf32> to vector<1000x256xf32>
      %sub3A_30 = arith.subf %get3A_9, %sub3A_29 : vector<1000x256xf32>
      %mul3A_31 = arith.mulf %rsqrt3A, %get3A_15 : vector<1x256xf32>
      %mul3A_32 = vector.broadcast %mul3A_31 : vector<1x256xf32> to vector<1000x256xf32>
      %mul3A_33 = arith.mulf %sub3A_30, %mul3A_32 : vector<1000x256xf32>
      %add3A_34 = vector.broadcast %get3A_18 : vector<1x256xf32> to vector<1000x256xf32>
      %add3A_35 = arith.addf %mul3A_33, %add3A_34 : vector<1000x256xf32>
      %slice3A_36 = vector.extract_strided_slice %add3A_35 {offsets = [0, 0], sizes = [1000, 128], strides = [1, 1]} : vector<1000x256xf32> to vector<1000x128xf32>
      %swap3A = arith.constant 0 : index
      %swap3A_37 = arith.constant 0 : index
      %swap3A_38 = arith.constant 0 : index
      %swap3A_39 = vector.load %arg7[%swap3A, %swap3A_37, %swap3A_38] : memref<2x1000x128xf32, #tpu.memory_space<vmem>>, vector<1x1000x128xf32>
      %swap3A_40 = vector.shape_cast %swap3A_39 : vector<1x1000x128xf32> to vector<1000x128xf32>
      %swap3A_41 = vector.shape_cast %slice3A_36 : vector<1000x128xf32> to vector<1x1000x128xf32>
      tpu.vector_store %arg7[%swap3A, %swap3A_37, %swap3A_38], %swap3A_41 {strides = array<i32>} : memref<2x1000x128xf32, #tpu.memory_space<vmem>>, vector<1x1000x128xf32>,
      %slice3A_42 = vector.extract_strided_slice %add3A_35 {offsets = [0, 128], sizes = [1000, 128], strides = [1, 1]} : vector<1000x256xf32> to vector<1000x128xf32>
      %swap3A_43 = arith.constant 1 : index
      %swap3A_44 = arith.constant 0 : index
      %swap3A_45 = arith.constant 0 : index
      %swap3A_46 = vector.load %arg7[%swap3A_43, %swap3A_44, %swap3A_45] : memref<2x1000x128xf32, #tpu.memory_space<vmem>>, vector<1x1000x128xf32>
      %swap3A_47 = vector.shape_cast %swap3A_46 : vector<1x1000x128xf32> to vector<1000x128xf32>
      %swap3A_48 = vector.shape_cast %slice3A_42 : vector<1000x128xf32> to vector<1x1000x128xf32>
      tpu.vector_store %arg7[%swap3A_43, %swap3A_44, %swap3A_45], %swap3A_48 {strides = array<i32>} : memref<2x1000x128xf32, #tpu.memory_space<vmem>>, vector<1x1000x128xf32>,
    } else {
    }
    return
  }
  func.func @transform_0(%arg0: i32, %arg1: i32) -> (i32, i32) {
    %sub3A = arith.constant 1 : i32
    %sub3A_0 = arith.subi %sub3A, %arg0 : i32
    %mul3A = arith.muli %arg1, %sub3A_0 : i32
    %c0_i32 = arith.constant 0 : i32
    %c0_i32_1 = arith.constant 0 : i32
    return %mul3A, %c0_i32 : i32, i32
  }
  func.func @transform_1(%arg0: i32, %arg1: i32) -> (i32, i32) {
    %c0_i32 = arith.constant 0 : i32
    %c0_i32_0 = arith.constant 0 : i32
    %c0_i32_1 = arith.constant 0 : i32
    return %c0_i32, %c0_i32_0 : i32, i32
  }
  func.func @transform_2(%arg0: i32, %arg1: i32) -> (i32, i32) {
    %c0_i32 = arith.constant 0 : i32
    %c0_i32_0 = arith.constant 0 : i32
    %c0_i32_1 = arith.constant 0 : i32
    return %c0_i32, %c0_i32_0 : i32, i32
  }
  func.func @transform_3(%arg0: i32, %arg1: i32) -> (i32, i32) {
    %c0_i32 = arith.constant 0 : i32
    %c0_i32_0 = arith.constant 0 : i32
    %c0_i32_1 = arith.constant 0 : i32
    return %c0_i32, %c0_i32_0 : i32, i32
  }
  func.func @transform_4(%arg0: i32, %arg1: i32) -> (i32, i32) {
    %c0_i32 = arith.constant 0 : i32
    %c0_i32_0 = arith.constant 0 : i32
    %c0_i32_1 = arith.constant 0 : i32
    return %c0_i32, %c0_i32_0 : i32, i32
  }
  func.func @transform_5(%arg0: i32, %arg1: i32) -> (i32, i32, i32) {
    %mul3A = arith.muli %arg1, %arg0 : i32
    %c0_i32 = arith.constant 0 : i32
    %c0_i32_0 = arith.constant 0 : i32
    %c0_i32_1 = arith.constant 0 : i32
    return %c0_i32, %mul3A, %c0_i32_0 : i32, i32, i32
  }
}

module attributes {stable_mosaic.version = 14 : i64} {
  func.func @_layer_ns_body(%arg0: i32, %arg1: i32, %arg2: memref<2x1000x128xf32, #tpu.memory_space<vmem>>, %arg3: memref<2x1000x128xf32, #tpu.memory_space<vmem>>, %arg4: memref<256x256xf32, #tpu.memory_space<vmem>>, %arg5: memref<256x256xf32, #tpu.memory_space<vmem>>, %arg6: memref<1x256xf32, #tpu.memory_space<vmem>>, %arg7: memref<1x256xf32, #tpu.memory_space<vmem>>, %arg8: memref<2x1000x128xf32, #tpu.memory_space<vmem>>, %arg9: memref<10000x256xf32, #tpu.memory_space<vmem>>, %arg10: memref<2x256xf32, #tpu.memory_space<vmem>>) attributes {dimension_semantics = [#tpu.dimension_semantics<arbitrary>, #tpu.dimension_semantics<arbitrary>], iteration_bounds = array<i64: 2, 10>, scalar_prefetch = 0 : i64, scratch_operands = 2 : i64, tpu.core_type = #tpu.core_type<tc>, window_params = [{transform_indices = @transform_0, window_bounds = array<i64: 2, 1000, 128>}, {transform_indices = @transform_1, window_bounds = array<i64: 2, 1000, 128>}, {pipeline_mode = #tpu.pipeline_mode<synchronous>, transform_indices = @transform_2, window_bounds = array<i64: 256, 256>}, {pipeline_mode = #tpu.pipeline_mode<synchronous>, transform_indices = @transform_3, window_bounds = array<i64: 256, 256>}, {pipeline_mode = #tpu.pipeline_mode<synchronous>, transform_indices = @transform_4, window_bounds = array<i64: 1, 256>}, {pipeline_mode = #tpu.pipeline_mode<synchronous>, transform_indices = @transform_5, window_bounds = array<i64: 1, 256>}, {transform_indices = @transform_6, window_bounds = array<i64: 2, 1000, 128>}]} {
    %eq3A = arith.constant 0 : i32
    %eq3A_0 = arith.cmpi eq, %arg0, %eq3A : i32
    %convert_element_type3A = arith.extui %eq3A_0 : i1 to i32
    %cond3A = arith.constant 0 : i32
    %cond3A_1 = arith.cmpi ne, %convert_element_type3A, %cond3A : i32
    scf.if %cond3A_1 {
      %get3A = arith.constant 0 : index
      %get3A_7 = arith.constant 0 : index
      %get3A_8 = arith.constant 0 : index
      %get3A_9 = vector.load %arg2[%get3A, %get3A_7, %get3A_8] : memref<2x1000x128xf32, #tpu.memory_space<vmem>>, vector<1x1000x128xf32>
      %get3A_10 = vector.shape_cast %get3A_9 : vector<1x1000x128xf32> to vector<1000x128xf32>
      %get3A_11 = arith.constant 0 : index
      %get3A_12 = arith.constant 0 : index
      %get3A_13 = arith.constant 0 : index
      %get3A_14 = vector.load %arg3[%get3A_11, %get3A_12, %get3A_13] : memref<2x1000x128xf32, #tpu.memory_space<vmem>>, vector<1x1000x128xf32>
      %get3A_15 = vector.shape_cast %get3A_14 : vector<1x1000x128xf32> to vector<1000x128xf32>
      %add3A = arith.addf %get3A_10, %get3A_15 : vector<1000x128xf32>
      %get3A_16 = arith.constant 1 : index
      %get3A_17 = arith.constant 0 : index
      %get3A_18 = arith.constant 0 : index
      %get3A_19 = vector.load %arg2[%get3A_16, %get3A_17, %get3A_18] : memref<2x1000x128xf32, #tpu.memory_space<vmem>>, vector<1x1000x128xf32>
      %get3A_20 = vector.shape_cast %get3A_19 : vector<1x1000x128xf32> to vector<1000x128xf32>
      %get3A_21 = arith.constant 1 : index
      %get3A_22 = arith.constant 0 : index
      %get3A_23 = arith.constant 0 : index
      %get3A_24 = vector.load %arg3[%get3A_21, %get3A_22, %get3A_23] : memref<2x1000x128xf32, #tpu.memory_space<vmem>>, vector<1x1000x128xf32>
      %get3A_25 = vector.shape_cast %get3A_24 : vector<1x1000x128xf32> to vector<1000x128xf32>
      %add3A_26 = arith.addf %get3A_20, %get3A_25 : vector<1000x128xf32>
      %get3A_27 = arith.constant 0 : index
      %get3A_28 = arith.constant 0 : index
      %get3A_29 = vector.load %arg4[%get3A_27, %get3A_28] : memref<256x256xf32, #tpu.memory_space<vmem>>, vector<128x256xf32>
      %dot_general3A = arith.constant dense<0.000000e+00> : vector<1000x256xf32>
      %dot_general3A_30 = tpu.matmul %add3A, %get3A_29, %dot_general3A {dimension_numbers = #tpu.dot_dimension_numbers<[1], [0], [0], [1], [0, 0, 1, 1], [], []>, transpose_lhs_hint = false} : vector<1000x128xf32>, vector<128x256xf32>, vector<1000x256xf32> -> vector<1000x256xf32>
      %get3A_31 = arith.constant 128 : index
      %get3A_32 = arith.constant 0 : index
      %get3A_33 = vector.load %arg4[%get3A_31, %get3A_32] : memref<256x256xf32, #tpu.memory_space<vmem>>, vector<128x256xf32>
      %dot_general3A_34 = arith.constant dense<0.000000e+00> : vector<1000x256xf32>
      %dot_general3A_35 = tpu.matmul %add3A_26, %get3A_33, %dot_general3A_34 {dimension_numbers = #tpu.dot_dimension_numbers<[1], [0], [0], [1], [0, 0, 1, 1], [], []>, transpose_lhs_hint = false} : vector<1000x128xf32>, vector<128x256xf32>, vector<1000x256xf32> -> vector<1000x256xf32>
      %add3A_36 = arith.addf %dot_general3A_30, %dot_general3A_35 : vector<1000x256xf32>
      %max3A = arith.constant 0.000000e+00 : f32
      %max3A_37 = vector.broadcast %max3A : f32 to vector<1000x256xf32>
      %max3A_38 = arith.maximumf %add3A_36, %max3A_37 : vector<1000x256xf32>
      %get3A_39 = arith.constant 0 : index
      %get3A_40 = arith.constant 0 : index
      %get3A_41 = vector.load %arg5[%get3A_39, %get3A_40] : memref<256x256xf32, #tpu.memory_space<vmem>>, vector<256x256xf32>
      %dot_general3A_42 = arith.constant dense<0.000000e+00> : vector<1000x256xf32>
      %dot_general3A_43 = tpu.matmul %max3A_38, %get3A_41, %dot_general3A_42 {dimension_numbers = #tpu.dot_dimension_numbers<[1], [0], [0], [1], [0, 0, 1, 1], [], []>, transpose_lhs_hint = false} : vector<1000x256xf32>, vector<256x256xf32>, vector<1000x256xf32> -> vector<1000x256xf32>
      %max3A_44 = arith.constant 0.000000e+00 : f32
      %max3A_45 = vector.broadcast %max3A_44 : f32 to vector<1000x256xf32>
      %max3A_46 = arith.maximumf %dot_general3A_43, %max3A_45 : vector<1000x256xf32>
      %mul3A = arith.constant 1000 : i32
      %mul3A_47 = arith.muli %arg1, %mul3A : i32
      %swap3A = arith.index_cast %mul3A_47 : i32 to index
      %swap3A_48 = arith.constant 0 : index
      %swap3A_49 = vector.load %arg9[%swap3A, %swap3A_48] : memref<10000x256xf32, #tpu.memory_space<vmem>>, vector<1000x256xf32>
      tpu.vector_store %arg9[%swap3A, %swap3A_48], %max3A_46 {strides = array<i32>} : memref<10000x256xf32, #tpu.memory_space<vmem>>, vector<1000x256xf32>,
      %reduce_sum3A = arith.constant dense<0.000000e+00> : vector<256xf32>
      %reduce_sum3A_50 = vector.multi_reduction <add>, %max3A_46, %reduce_sum3A [0] : vector<1000x256xf32> to vector<256xf32>
      %broadcast_in_dim3A = vector.shape_cast %reduce_sum3A_50 : vector<256xf32> to vector<1x256xf32>
      %mul3A_51 = arith.mulf %max3A_46, %max3A_46 : vector<1000x256xf32>
      %reduce_sum3A_52 = arith.constant dense<0.000000e+00> : vector<256xf32>
      %reduce_sum3A_53 = vector.multi_reduction <add>, %mul3A_51, %reduce_sum3A_52 [0] : vector<1000x256xf32> to vector<256xf32>
      %broadcast_in_dim3A_54 = vector.shape_cast %reduce_sum3A_53 : vector<256xf32> to vector<1x256xf32>
      %concatenate3A = tpu.concatenate %broadcast_in_dim3A, %broadcast_in_dim3A_54 in 0 : vector<1x256xf32>, vector<1x256xf32> -> vector<2x256xf32>
      %eq3A_55 = arith.constant 0 : i32
      %eq3A_56 = arith.cmpi eq, %arg1, %eq3A_55 : i32
      %convert_element_type3A_57 = arith.extui %eq3A_56 : i1 to i32
      %cond3A_58 = arith.constant 0 : i32
      %cond3A_59 = arith.cmpi ne, %convert_element_type3A_57, %cond3A_58 : i32
      scf.if %cond3A_59 {
        %swap3A_64 = arith.constant 0 : index
        %swap3A_65 = arith.constant 0 : index
        %swap3A_66 = vector.load %arg10[%swap3A_64, %swap3A_65] : memref<2x256xf32, #tpu.memory_space<vmem>>, vector<2x256xf32>
        tpu.vector_store %arg10[%swap3A_64, %swap3A_65], %concatenate3A {strides = array<i32>} : memref<2x256xf32, #tpu.memory_space<vmem>>, vector<2x256xf32>,
      } else {
      }
      %gt3A = arith.constant 0 : i32
      %gt3A_60 = arith.cmpi sgt, %arg1, %gt3A : i32
      %convert_element_type3A_61 = arith.extui %gt3A_60 : i1 to i32
      %cond3A_62 = arith.constant 0 : i32
      %cond3A_63 = arith.cmpi ne, %convert_element_type3A_61, %cond3A_62 : i32
      scf.if %cond3A_63 {
        %get3A_64 = arith.constant 0 : index
        %get3A_65 = arith.constant 0 : index
        %get3A_66 = vector.load %arg10[%get3A_64, %get3A_65] : memref<2x256xf32, #tpu.memory_space<vmem>>, vector<2x256xf32>
        %add3A_67 = arith.addf %get3A_66, %concatenate3A : vector<2x256xf32>
        %swap3A_68 = arith.constant 0 : index
        %swap3A_69 = arith.constant 0 : index
        %swap3A_70 = vector.load %arg10[%swap3A_68, %swap3A_69] : memref<2x256xf32, #tpu.memory_space<vmem>>, vector<2x256xf32>
        tpu.vector_store %arg10[%swap3A_68, %swap3A_69], %add3A_67 {strides = array<i32>} : memref<2x256xf32, #tpu.memory_space<vmem>>, vector<2x256xf32>,
      } else {
      }
    } else {
    }
    %eq3A_2 = arith.constant 1 : i32
    %eq3A_3 = arith.cmpi eq, %arg0, %eq3A_2 : i32
    %convert_element_type3A_4 = arith.extui %eq3A_3 : i1 to i32
    %cond3A_5 = arith.constant 0 : i32
    %cond3A_6 = arith.cmpi ne, %convert_element_type3A_4, %cond3A_5 : i32
    scf.if %cond3A_6 {
      %mul3A = arith.constant 1000 : i32
      %mul3A_7 = arith.muli %arg1, %mul3A : i32
      %get3A = arith.index_cast %mul3A_7 : i32 to index
      %get3A_8 = arith.constant 0 : index
      %get3A_9 = vector.load %arg9[%get3A, %get3A_8] : memref<10000x256xf32, #tpu.memory_space<vmem>>, vector<1000x256xf32>
      %get3A_10 = arith.constant 0 : index
      %get3A_11 = arith.constant 0 : index
      %get3A_12 = vector.load %arg10[%get3A_10, %get3A_11] : memref<2x256xf32, #tpu.memory_space<vmem>>, vector<2x256xf32>
      %get3A_13 = arith.constant 0 : index
      %get3A_14 = arith.constant 0 : index
      %get3A_15 = vector.load %arg6[%get3A_13, %get3A_14] : memref<1x256xf32, #tpu.memory_space<vmem>>, vector<1x256xf32>
      %get3A_16 = arith.constant 0 : index
      %get3A_17 = arith.constant 0 : index
      %get3A_18 = vector.load %arg7[%get3A_16, %get3A_17] : memref<1x256xf32, #tpu.memory_space<vmem>>, vector<1x256xf32>
      %slice3A = vector.extract_strided_slice %get3A_12 {offsets = [0, 0], sizes = [1, 256], strides = [1, 1]} : vector<2x256xf32> to vector<1x256xf32>
      %mul3A_19 = arith.constant 9.99999974E-5 : f32
      %mul3A_20 = vector.broadcast %mul3A_19 : f32 to vector<1x256xf32>
      %mul3A_21 = arith.mulf %slice3A, %mul3A_20 : vector<1x256xf32>
      %slice3A_22 = vector.extract_strided_slice %get3A_12 {offsets = [1, 0], sizes = [1, 256], strides = [1, 1]} : vector<2x256xf32> to vector<1x256xf32>
      %mul3A_23 = arith.constant 9.99999974E-5 : f32
      %mul3A_24 = vector.broadcast %mul3A_23 : f32 to vector<1x256xf32>
      %mul3A_25 = arith.mulf %slice3A_22, %mul3A_24 : vector<1x256xf32>
      %mul3A_26 = arith.mulf %mul3A_21, %mul3A_21 : vector<1x256xf32>
      %sub3A = arith.subf %mul3A_25, %mul3A_26 : vector<1x256xf32>
      %add3A = arith.constant 9.99999974E-6 : f32
      %add3A_27 = vector.broadcast %add3A : f32 to vector<1x256xf32>
      %add3A_28 = arith.addf %sub3A, %add3A_27 : vector<1x256xf32>
      %rsqrt3A = math.rsqrt %add3A_28 : vector<1x256xf32>
      %sub3A_29 = vector.broadcast %mul3A_21 : vector<1x256xf32> to vector<1000x256xf32>
      %sub3A_30 = arith.subf %get3A_9, %sub3A_29 : vector<1000x256xf32>
      %mul3A_31 = arith.mulf %rsqrt3A, %get3A_15 : vector<1x256xf32>
      %mul3A_32 = vector.broadcast %mul3A_31 : vector<1x256xf32> to vector<1000x256xf32>
      %mul3A_33 = arith.mulf %sub3A_30, %mul3A_32 : vector<1000x256xf32>
      %add3A_34 = vector.broadcast %get3A_18 : vector<1x256xf32> to vector<1000x256xf32>
      %add3A_35 = arith.addf %mul3A_33, %add3A_34 : vector<1000x256xf32>
      %slice3A_36 = vector.extract_strided_slice %add3A_35 {offsets = [0, 0], sizes = [1000, 128], strides = [1, 1]} : vector<1000x256xf32> to vector<1000x128xf32>
      %swap3A = arith.constant 0 : index
      %swap3A_37 = arith.constant 0 : index
      %swap3A_38 = arith.constant 0 : index
      %swap3A_39 = vector.load %arg8[%swap3A, %swap3A_37, %swap3A_38] : memref<2x1000x128xf32, #tpu.memory_space<vmem>>, vector<1x1000x128xf32>
      %swap3A_40 = vector.shape_cast %swap3A_39 : vector<1x1000x128xf32> to vector<1000x128xf32>
      %swap3A_41 = vector.shape_cast %slice3A_36 : vector<1000x128xf32> to vector<1x1000x128xf32>
      tpu.vector_store %arg8[%swap3A, %swap3A_37, %swap3A_38], %swap3A_41 {strides = array<i32>} : memref<2x1000x128xf32, #tpu.memory_space<vmem>>, vector<1x1000x128xf32>,
      %slice3A_42 = vector.extract_strided_slice %add3A_35 {offsets = [0, 128], sizes = [1000, 128], strides = [1, 1]} : vector<1000x256xf32> to vector<1000x128xf32>
      %swap3A_43 = arith.constant 1 : index
      %swap3A_44 = arith.constant 0 : index
      %swap3A_45 = arith.constant 0 : index
      %swap3A_46 = vector.load %arg8[%swap3A_43, %swap3A_44, %swap3A_45] : memref<2x1000x128xf32, #tpu.memory_space<vmem>>, vector<1x1000x128xf32>
      %swap3A_47 = vector.shape_cast %swap3A_46 : vector<1x1000x128xf32> to vector<1000x128xf32>
      %swap3A_48 = vector.shape_cast %slice3A_42 : vector<1000x128xf32> to vector<1x1000x128xf32>
      tpu.vector_store %arg8[%swap3A_43, %swap3A_44, %swap3A_45], %swap3A_48 {strides = array<i32>} : memref<2x1000x128xf32, #tpu.memory_space<vmem>>, vector<1x1000x128xf32>,
    } else {
    }
    return
  }
  func.func @transform_0(%arg0: i32, %arg1: i32) -> (i32, i32, i32) {
    %sub3A = arith.constant 1 : i32
    %sub3A_0 = arith.subi %sub3A, %arg0 : i32
    %mul3A = arith.muli %arg1, %sub3A_0 : i32
    %c0_i32 = arith.constant 0 : i32
    %c0_i32_1 = arith.constant 0 : i32
    %c0_i32_2 = arith.constant 0 : i32
    return %c0_i32, %mul3A, %c0_i32_1 : i32, i32, i32
  }
  func.func @transform_1(%arg0: i32, %arg1: i32) -> (i32, i32, i32) {
    %sub3A = arith.constant 1 : i32
    %sub3A_0 = arith.subi %sub3A, %arg0 : i32
    %mul3A = arith.muli %arg1, %sub3A_0 : i32
    %c0_i32 = arith.constant 0 : i32
    %c0_i32_1 = arith.constant 0 : i32
    %c0_i32_2 = arith.constant 0 : i32
    return %c0_i32, %mul3A, %c0_i32_1 : i32, i32, i32
  }
  func.func @transform_2(%arg0: i32, %arg1: i32) -> (i32, i32) {
    %c0_i32 = arith.constant 0 : i32
    %c0_i32_0 = arith.constant 0 : i32
    %c0_i32_1 = arith.constant 0 : i32
    return %c0_i32, %c0_i32_0 : i32, i32
  }
  func.func @transform_3(%arg0: i32, %arg1: i32) -> (i32, i32) {
    %c0_i32 = arith.constant 0 : i32
    %c0_i32_0 = arith.constant 0 : i32
    %c0_i32_1 = arith.constant 0 : i32
    return %c0_i32, %c0_i32_0 : i32, i32
  }
  func.func @transform_4(%arg0: i32, %arg1: i32) -> (i32, i32) {
    %c0_i32 = arith.constant 0 : i32
    %c0_i32_0 = arith.constant 0 : i32
    %c0_i32_1 = arith.constant 0 : i32
    return %c0_i32, %c0_i32_0 : i32, i32
  }
  func.func @transform_5(%arg0: i32, %arg1: i32) -> (i32, i32) {
    %c0_i32 = arith.constant 0 : i32
    %c0_i32_0 = arith.constant 0 : i32
    %c0_i32_1 = arith.constant 0 : i32
    return %c0_i32, %c0_i32_0 : i32, i32
  }
  func.func @transform_6(%arg0: i32, %arg1: i32) -> (i32, i32, i32) {
    %mul3A = arith.muli %arg1, %arg0 : i32
    %c0_i32 = arith.constant 0 : i32
    %c0_i32_0 = arith.constant 0 : i32
    %c0_i32_1 = arith.constant 0 : i32
    return %c0_i32, %mul3A, %c0_i32_0 : i32, i32, i32
  }
}

module attributes {stable_mosaic.version = 14 : i64} {
  func.func @_layer_nf_body(%arg0: i32, %arg1: i32, %arg2: memref<2x1000x128xf32, #tpu.memory_space<vmem>>, %arg3: memref<2x1000x128xf32, #tpu.memory_space<vmem>>, %arg4: memref<256x256xf32, #tpu.memory_space<vmem>>, %arg5: memref<256x256xf32, #tpu.memory_space<vmem>>, %arg6: memref<1x256xf32, #tpu.memory_space<vmem>>, %arg7: memref<1x256xf32, #tpu.memory_space<vmem>>, %arg8: memref<1000x256xf32, #tpu.memory_space<vmem>>, %arg9: memref<10000x256xf32, #tpu.memory_space<vmem>>, %arg10: memref<2x256xf32, #tpu.memory_space<vmem>>) attributes {dimension_semantics = [#tpu.dimension_semantics<arbitrary>, #tpu.dimension_semantics<arbitrary>], iteration_bounds = array<i64: 2, 10>, scalar_prefetch = 0 : i64, scratch_operands = 2 : i64, tpu.core_type = #tpu.core_type<tc>, window_params = [{transform_indices = @transform_0, window_bounds = array<i64: 2, 1000, 128>}, {transform_indices = @transform_1, window_bounds = array<i64: 2, 1000, 128>}, {pipeline_mode = #tpu.pipeline_mode<synchronous>, transform_indices = @transform_2, window_bounds = array<i64: 256, 256>}, {pipeline_mode = #tpu.pipeline_mode<synchronous>, transform_indices = @transform_3, window_bounds = array<i64: 256, 256>}, {pipeline_mode = #tpu.pipeline_mode<synchronous>, transform_indices = @transform_4, window_bounds = array<i64: 1, 256>}, {pipeline_mode = #tpu.pipeline_mode<synchronous>, transform_indices = @transform_5, window_bounds = array<i64: 1, 256>}, {transform_indices = @transform_6, window_bounds = array<i64: 1000, 256>}]} {
    %eq3A = arith.constant 0 : i32
    %eq3A_0 = arith.cmpi eq, %arg0, %eq3A : i32
    %convert_element_type3A = arith.extui %eq3A_0 : i1 to i32
    %cond3A = arith.constant 0 : i32
    %cond3A_1 = arith.cmpi ne, %convert_element_type3A, %cond3A : i32
    scf.if %cond3A_1 {
      %get3A = arith.constant 0 : index
      %get3A_7 = arith.constant 0 : index
      %get3A_8 = arith.constant 0 : index
      %get3A_9 = vector.load %arg2[%get3A, %get3A_7, %get3A_8] : memref<2x1000x128xf32, #tpu.memory_space<vmem>>, vector<1x1000x128xf32>
      %get3A_10 = vector.shape_cast %get3A_9 : vector<1x1000x128xf32> to vector<1000x128xf32>
      %get3A_11 = arith.constant 0 : index
      %get3A_12 = arith.constant 0 : index
      %get3A_13 = arith.constant 0 : index
      %get3A_14 = vector.load %arg3[%get3A_11, %get3A_12, %get3A_13] : memref<2x1000x128xf32, #tpu.memory_space<vmem>>, vector<1x1000x128xf32>
      %get3A_15 = vector.shape_cast %get3A_14 : vector<1x1000x128xf32> to vector<1000x128xf32>
      %add3A = arith.addf %get3A_10, %get3A_15 : vector<1000x128xf32>
      %get3A_16 = arith.constant 1 : index
      %get3A_17 = arith.constant 0 : index
      %get3A_18 = arith.constant 0 : index
      %get3A_19 = vector.load %arg2[%get3A_16, %get3A_17, %get3A_18] : memref<2x1000x128xf32, #tpu.memory_space<vmem>>, vector<1x1000x128xf32>
      %get3A_20 = vector.shape_cast %get3A_19 : vector<1x1000x128xf32> to vector<1000x128xf32>
      %get3A_21 = arith.constant 1 : index
      %get3A_22 = arith.constant 0 : index
      %get3A_23 = arith.constant 0 : index
      %get3A_24 = vector.load %arg3[%get3A_21, %get3A_22, %get3A_23] : memref<2x1000x128xf32, #tpu.memory_space<vmem>>, vector<1x1000x128xf32>
      %get3A_25 = vector.shape_cast %get3A_24 : vector<1x1000x128xf32> to vector<1000x128xf32>
      %add3A_26 = arith.addf %get3A_20, %get3A_25 : vector<1000x128xf32>
      %get3A_27 = arith.constant 0 : index
      %get3A_28 = arith.constant 0 : index
      %get3A_29 = vector.load %arg4[%get3A_27, %get3A_28] : memref<256x256xf32, #tpu.memory_space<vmem>>, vector<128x256xf32>
      %dot_general3A = arith.constant dense<0.000000e+00> : vector<1000x256xf32>
      %dot_general3A_30 = tpu.matmul %add3A, %get3A_29, %dot_general3A {dimension_numbers = #tpu.dot_dimension_numbers<[1], [0], [0], [1], [0, 0, 1, 1], [], []>, transpose_lhs_hint = false} : vector<1000x128xf32>, vector<128x256xf32>, vector<1000x256xf32> -> vector<1000x256xf32>
      %get3A_31 = arith.constant 128 : index
      %get3A_32 = arith.constant 0 : index
      %get3A_33 = vector.load %arg4[%get3A_31, %get3A_32] : memref<256x256xf32, #tpu.memory_space<vmem>>, vector<128x256xf32>
      %dot_general3A_34 = arith.constant dense<0.000000e+00> : vector<1000x256xf32>
      %dot_general3A_35 = tpu.matmul %add3A_26, %get3A_33, %dot_general3A_34 {dimension_numbers = #tpu.dot_dimension_numbers<[1], [0], [0], [1], [0, 0, 1, 1], [], []>, transpose_lhs_hint = false} : vector<1000x128xf32>, vector<128x256xf32>, vector<1000x256xf32> -> vector<1000x256xf32>
      %add3A_36 = arith.addf %dot_general3A_30, %dot_general3A_35 : vector<1000x256xf32>
      %max3A = arith.constant 0.000000e+00 : f32
      %max3A_37 = vector.broadcast %max3A : f32 to vector<1000x256xf32>
      %max3A_38 = arith.maximumf %add3A_36, %max3A_37 : vector<1000x256xf32>
      %get3A_39 = arith.constant 0 : index
      %get3A_40 = arith.constant 0 : index
      %get3A_41 = vector.load %arg5[%get3A_39, %get3A_40] : memref<256x256xf32, #tpu.memory_space<vmem>>, vector<256x256xf32>
      %dot_general3A_42 = arith.constant dense<0.000000e+00> : vector<1000x256xf32>
      %dot_general3A_43 = tpu.matmul %max3A_38, %get3A_41, %dot_general3A_42 {dimension_numbers = #tpu.dot_dimension_numbers<[1], [0], [0], [1], [0, 0, 1, 1], [], []>, transpose_lhs_hint = false} : vector<1000x256xf32>, vector<256x256xf32>, vector<1000x256xf32> -> vector<1000x256xf32>
      %max3A_44 = arith.constant 0.000000e+00 : f32
      %max3A_45 = vector.broadcast %max3A_44 : f32 to vector<1000x256xf32>
      %max3A_46 = arith.maximumf %dot_general3A_43, %max3A_45 : vector<1000x256xf32>
      %mul3A = arith.constant 1000 : i32
      %mul3A_47 = arith.muli %arg1, %mul3A : i32
      %swap3A = arith.index_cast %mul3A_47 : i32 to index
      %swap3A_48 = arith.constant 0 : index
      %swap3A_49 = vector.load %arg9[%swap3A, %swap3A_48] : memref<10000x256xf32, #tpu.memory_space<vmem>>, vector<1000x256xf32>
      tpu.vector_store %arg9[%swap3A, %swap3A_48], %max3A_46 {strides = array<i32>} : memref<10000x256xf32, #tpu.memory_space<vmem>>, vector<1000x256xf32>,
      %reduce_sum3A = arith.constant dense<0.000000e+00> : vector<256xf32>
      %reduce_sum3A_50 = vector.multi_reduction <add>, %max3A_46, %reduce_sum3A [0] : vector<1000x256xf32> to vector<256xf32>
      %broadcast_in_dim3A = vector.shape_cast %reduce_sum3A_50 : vector<256xf32> to vector<1x256xf32>
      %mul3A_51 = arith.mulf %max3A_46, %max3A_46 : vector<1000x256xf32>
      %reduce_sum3A_52 = arith.constant dense<0.000000e+00> : vector<256xf32>
      %reduce_sum3A_53 = vector.multi_reduction <add>, %mul3A_51, %reduce_sum3A_52 [0] : vector<1000x256xf32> to vector<256xf32>
      %broadcast_in_dim3A_54 = vector.shape_cast %reduce_sum3A_53 : vector<256xf32> to vector<1x256xf32>
      %concatenate3A = tpu.concatenate %broadcast_in_dim3A, %broadcast_in_dim3A_54 in 0 : vector<1x256xf32>, vector<1x256xf32> -> vector<2x256xf32>
      %eq3A_55 = arith.constant 0 : i32
      %eq3A_56 = arith.cmpi eq, %arg1, %eq3A_55 : i32
      %convert_element_type3A_57 = arith.extui %eq3A_56 : i1 to i32
      %cond3A_58 = arith.constant 0 : i32
      %cond3A_59 = arith.cmpi ne, %convert_element_type3A_57, %cond3A_58 : i32
      scf.if %cond3A_59 {
        %swap3A_64 = arith.constant 0 : index
        %swap3A_65 = arith.constant 0 : index
        %swap3A_66 = vector.load %arg10[%swap3A_64, %swap3A_65] : memref<2x256xf32, #tpu.memory_space<vmem>>, vector<2x256xf32>
        tpu.vector_store %arg10[%swap3A_64, %swap3A_65], %concatenate3A {strides = array<i32>} : memref<2x256xf32, #tpu.memory_space<vmem>>, vector<2x256xf32>,
      } else {
      }
      %gt3A = arith.constant 0 : i32
      %gt3A_60 = arith.cmpi sgt, %arg1, %gt3A : i32
      %convert_element_type3A_61 = arith.extui %gt3A_60 : i1 to i32
      %cond3A_62 = arith.constant 0 : i32
      %cond3A_63 = arith.cmpi ne, %convert_element_type3A_61, %cond3A_62 : i32
      scf.if %cond3A_63 {
        %get3A_64 = arith.constant 0 : index
        %get3A_65 = arith.constant 0 : index
        %get3A_66 = vector.load %arg10[%get3A_64, %get3A_65] : memref<2x256xf32, #tpu.memory_space<vmem>>, vector<2x256xf32>
        %add3A_67 = arith.addf %get3A_66, %concatenate3A : vector<2x256xf32>
        %swap3A_68 = arith.constant 0 : index
        %swap3A_69 = arith.constant 0 : index
        %swap3A_70 = vector.load %arg10[%swap3A_68, %swap3A_69] : memref<2x256xf32, #tpu.memory_space<vmem>>, vector<2x256xf32>
        tpu.vector_store %arg10[%swap3A_68, %swap3A_69], %add3A_67 {strides = array<i32>} : memref<2x256xf32, #tpu.memory_space<vmem>>, vector<2x256xf32>,
      } else {
      }
    } else {
    }
    %eq3A_2 = arith.constant 1 : i32
    %eq3A_3 = arith.cmpi eq, %arg0, %eq3A_2 : i32
    %convert_element_type3A_4 = arith.extui %eq3A_3 : i1 to i32
    %cond3A_5 = arith.constant 0 : i32
    %cond3A_6 = arith.cmpi ne, %convert_element_type3A_4, %cond3A_5 : i32
    scf.if %cond3A_6 {
      %mul3A = arith.constant 1000 : i32
      %mul3A_7 = arith.muli %arg1, %mul3A : i32
      %get3A = arith.index_cast %mul3A_7 : i32 to index
      %get3A_8 = arith.constant 0 : index
      %get3A_9 = vector.load %arg9[%get3A, %get3A_8] : memref<10000x256xf32, #tpu.memory_space<vmem>>, vector<1000x256xf32>
      %get3A_10 = arith.constant 0 : index
      %get3A_11 = arith.constant 0 : index
      %get3A_12 = vector.load %arg10[%get3A_10, %get3A_11] : memref<2x256xf32, #tpu.memory_space<vmem>>, vector<2x256xf32>
      %get3A_13 = arith.constant 0 : index
      %get3A_14 = arith.constant 0 : index
      %get3A_15 = vector.load %arg6[%get3A_13, %get3A_14] : memref<1x256xf32, #tpu.memory_space<vmem>>, vector<1x256xf32>
      %get3A_16 = arith.constant 0 : index
      %get3A_17 = arith.constant 0 : index
      %get3A_18 = vector.load %arg7[%get3A_16, %get3A_17] : memref<1x256xf32, #tpu.memory_space<vmem>>, vector<1x256xf32>
      %slice3A = vector.extract_strided_slice %get3A_12 {offsets = [0, 0], sizes = [1, 256], strides = [1, 1]} : vector<2x256xf32> to vector<1x256xf32>
      %mul3A_19 = arith.constant 9.99999974E-5 : f32
      %mul3A_20 = vector.broadcast %mul3A_19 : f32 to vector<1x256xf32>
      %mul3A_21 = arith.mulf %slice3A, %mul3A_20 : vector<1x256xf32>
      %slice3A_22 = vector.extract_strided_slice %get3A_12 {offsets = [1, 0], sizes = [1, 256], strides = [1, 1]} : vector<2x256xf32> to vector<1x256xf32>
      %mul3A_23 = arith.constant 9.99999974E-5 : f32
      %mul3A_24 = vector.broadcast %mul3A_23 : f32 to vector<1x256xf32>
      %mul3A_25 = arith.mulf %slice3A_22, %mul3A_24 : vector<1x256xf32>
      %mul3A_26 = arith.mulf %mul3A_21, %mul3A_21 : vector<1x256xf32>
      %sub3A = arith.subf %mul3A_25, %mul3A_26 : vector<1x256xf32>
      %add3A = arith.constant 9.99999974E-6 : f32
      %add3A_27 = vector.broadcast %add3A : f32 to vector<1x256xf32>
      %add3A_28 = arith.addf %sub3A, %add3A_27 : vector<1x256xf32>
      %rsqrt3A = math.rsqrt %add3A_28 : vector<1x256xf32>
      %sub3A_29 = vector.broadcast %mul3A_21 : vector<1x256xf32> to vector<1000x256xf32>
      %sub3A_30 = arith.subf %get3A_9, %sub3A_29 : vector<1000x256xf32>
      %mul3A_31 = arith.mulf %rsqrt3A, %get3A_15 : vector<1x256xf32>
      %mul3A_32 = vector.broadcast %mul3A_31 : vector<1x256xf32> to vector<1000x256xf32>
      %mul3A_33 = arith.mulf %sub3A_30, %mul3A_32 : vector<1000x256xf32>
      %add3A_34 = vector.broadcast %get3A_18 : vector<1x256xf32> to vector<1000x256xf32>
      %add3A_35 = arith.addf %mul3A_33, %add3A_34 : vector<1000x256xf32>
      %swap3A = arith.constant 0 : index
      %swap3A_36 = arith.constant 0 : index
      %swap3A_37 = vector.load %arg8[%swap3A, %swap3A_36] : memref<1000x256xf32, #tpu.memory_space<vmem>>, vector<1000x256xf32>
      tpu.vector_store %arg8[%swap3A, %swap3A_36], %add3A_35 {strides = array<i32>} : memref<1000x256xf32, #tpu.memory_space<vmem>>, vector<1000x256xf32>,
    } else {
    }
    return
  }
  func.func @transform_0(%arg0: i32, %arg1: i32) -> (i32, i32, i32) {
    %sub3A = arith.constant 1 : i32
    %sub3A_0 = arith.subi %sub3A, %arg0 : i32
    %mul3A = arith.muli %arg1, %sub3A_0 : i32
    %c0_i32 = arith.constant 0 : i32
    %c0_i32_1 = arith.constant 0 : i32
    %c0_i32_2 = arith.constant 0 : i32
    return %c0_i32, %mul3A, %c0_i32_1 : i32, i32, i32
  }
  func.func @transform_1(%arg0: i32, %arg1: i32) -> (i32, i32, i32) {
    %sub3A = arith.constant 1 : i32
    %sub3A_0 = arith.subi %sub3A, %arg0 : i32
    %mul3A = arith.muli %arg1, %sub3A_0 : i32
    %c0_i32 = arith.constant 0 : i32
    %c0_i32_1 = arith.constant 0 : i32
    %c0_i32_2 = arith.constant 0 : i32
    return %c0_i32, %mul3A, %c0_i32_1 : i32, i32, i32
  }
  func.func @transform_2(%arg0: i32, %arg1: i32) -> (i32, i32) {
    %c0_i32 = arith.constant 0 : i32
    %c0_i32_0 = arith.constant 0 : i32
    %c0_i32_1 = arith.constant 0 : i32
    return %c0_i32, %c0_i32_0 : i32, i32
  }
  func.func @transform_3(%arg0: i32, %arg1: i32) -> (i32, i32) {
    %c0_i32 = arith.constant 0 : i32
    %c0_i32_0 = arith.constant 0 : i32
    %c0_i32_1 = arith.constant 0 : i32
    return %c0_i32, %c0_i32_0 : i32, i32
  }
  func.func @transform_4(%arg0: i32, %arg1: i32) -> (i32, i32) {
    %c0_i32 = arith.constant 0 : i32
    %c0_i32_0 = arith.constant 0 : i32
    %c0_i32_1 = arith.constant 0 : i32
    return %c0_i32, %c0_i32_0 : i32, i32
  }
  func.func @transform_5(%arg0: i32, %arg1: i32) -> (i32, i32) {
    %c0_i32 = arith.constant 0 : i32
    %c0_i32_0 = arith.constant 0 : i32
    %c0_i32_1 = arith.constant 0 : i32
    return %c0_i32, %c0_i32_0 : i32, i32
  }
  func.func @transform_6(%arg0: i32, %arg1: i32) -> (i32, i32) {
    %mul3A = arith.muli %arg1, %arg0 : i32
    %c0_i32 = arith.constant 0 : i32
    %c0_i32_0 = arith.constant 0 : i32
    return %mul3A, %c0_i32 : i32, i32
  }
}

</mosaic_0001>

<sc_bundles>
// kernel: kernel.12.cloned.1.call-start
scs
__scs_entry_jumppad:
0x0: {  	(pc) =	sbr.rel $0x88, $3  }
0x1: {  	(tag) =	ssettag $0x0;
	lr =	simm.s32 $0x1  }
0x2: {  	[smem:$0x3F97] =	sst lr;
	_ =	strace $0xD0000000  }
0x3: {  	_ = 	snop  }
0x4: {  	_ = 	snop  }
0x5: {  	_ = 	snop  }
0x6: {  	_ = 	snop  }
0x7: {  	_ = 	snop  }
__scs_overlays_trampoline_lowered:
0x8: {  	[smem:$0x3FA6] =	sst s0  }
0x9: {  	[smem:$0x3FA7] =	sst s1  }
0xa: {  	[smem:$0x3FA8] =	sst s2  }
0xb: {  	[smem:$0x3FA9] =	sst s3  }
0xc: {  	[smem:$0x3FAA] =	sst s4  }
0xd: {  	[smem:$0x3FAB] =	sst s5  }
0xe: {  	[smem:$0x3FAC] =	sst s6  }
0xf: {  	[smem:$0x3FAD] =	sst s7  }
0x10: {  	[smem:$0x3FAE] =	sst s8  }
0x11: {  	[smem:$0x3FAF] =	sst s9;
	s0 =	simm.s32 @!p0 $0x0  }
0x12: {  	s1 =	sld [smem:$0x3F95];
	s0 =	simm.s32 @p0 $0x1  }
0x13: {  	[smem:$0x3FB0] =	sst s0;
	s0 =	simm.s32 @!p1 $0x0  }
0x14: {  	s2 =	sld [smem:$0x3F94];
	s0 =	simm.s32 @p1 $0x1  }
0x15: {  	[smem:$0x3FB1] =	sst s0;
	s0 =	simm.s32 @!p2 $0x0  }
0x16: {  	s3 =	sld [smem:$0x3FDB];
	s0 =	simm.s32 @p2 $0x1  }
0x17: {  	s4 =	simm.s32 $0x1BF5;
	[smem:$0x3FB3] =	sst s0  }
0x18: {  	s0 =	sld [smem:$0x3F96];
	_ =	swait.ge [sflag:s4], $0x0  }
0x19: {  	s7 =	sld [smem:$0x3F97]  }
0x1a: {  	s8 =	sadd.s32 $0xFFFFE003, lr  }
0x1b: {  	s9 =	sadd.s32 $0xFFFFFEF7, lr;
	s5 =	simm.s32 $0xFFFFFFFF;
	p2 =	slt.u32 s8, $0xFFFFF086  }
0x1c: {  	p1 =	slt.u32 s9, $0xF7A;
	s5 =	simm.s32 @!p2 $0x0  }
0x1d: {  	s5 =	simm.s32 @p1 $0x1;
	p0 =	seq.s32 s7, s2  }
0x1e: {  	s7 =	smul.u32 @!p0 $0xF7A, s2;
	p2 =	seq.s32 @!p0 s5, $0x0  }
0x1f: {  	s9 =	smul.u32 $0xF7A, s1;
	s8 =	simm.s32 @!p0 $0x1BF5;
	p2 =	por !p2, p0  }
0x20: {  	[sflag:s8] =	ssyncset.s32 @!p0 $0xFFFFF086;
	s6 =	sadd.s32 @!p0 s3, s7;
	s7 =	simm.s32 @!p0 $0x108  }
0x21: {  	s3 =	sadd.s32 s3, s9;
	s6 =	sadd.s32 @!p0 $0x88, s6;
	s7 =	simm.s32 @p2 $0x1082  }
0x22: {  	[simem:s7], [sflag:s8] =	dma.local @!p0 [hbm:s6], $0xF7A  }
0x23: {  	s9 =	sor.u32 $0xD0000000, s2;
	s6 =	simm.s32 $0x108;
	_ =	swait.ge @!p0 [sflag:s8], $0x0  }
0x24: {  	s3 =	sadd.s32 $0x88, s3;
	s6 =	simm.s32 @!p1 $0x1082;
	[sflag:s4] =	ssyncset.s32 $0xFFFFF086  }
0x25: {  	[simem:s6], [sflag:s4] =	dma.local [hbm:s3], $0xF7A  }
0x26: {  	[smem:$0x3F97] =	sst s1;
	(tag) =	ssettag s2;
	_ =	strace s9  }
0x27: {  	s1 =	sld [smem:$0x3FA7]  }
0x28: {  	s2 =	sld [smem:$0x3FA8]  }
0x29: {  	s4 =	sld [smem:$0x3FAA]  }
0x2a: {  	p0 =	seq.s32 s5, $0x0;
	s5 =	sld [smem:$0x3FAB]  }
0x2b: {  	s6 =	sld [smem:$0x3FAC]  }
0x2c: {  	s7 =	sld [smem:$0x3FAD]  }
0x2d: {  	s3 =	simm.s32 $0x108;
	s8 =	sld [smem:$0x3FAE]  }
0x2e: {  	s3 =	simm.s32 @!p0 $0x1082;
	s9 =	sld [smem:$0x3FAF]  }
0x2f: {  	lr =	sadd.s32 s0, s3;
	s0 =	sld [smem:$0x3FA6]  }
0x30: {  	s3 =	sld [smem:$0x3FA9]  }
0x31: {  	[smem:$0x3FB2] =	sst s10  }
0x32: {  	s10 =	sld [smem:$0x3FB0];
	_ =	sdelay $0x3  }
0x33: {  	p0 =	seq.s32 s10, $0x1;
	s10 =	sld [smem:$0x3FB2];
	_ =	sdelay $0x3  }
0x34: {  	[smem:$0x3FB2] =	sst s10  }
0x35: {  	s10 =	sld [smem:$0x3FB1];
	_ =	sdelay $0x3  }
0x36: {  	p1 =	seq.s32 s10, $0x1;
	s10 =	sld [smem:$0x3FB2];
	_ =	sdelay $0x3  }
0x37: {  	[smem:$0x3FB2] =	sst s10  }
0x38: {  	s10 =	sld [smem:$0x3FB3]  }
0x39: {  	_ = 	snop;
	(pc) =	sbr.ind lr, $3  }
0x3a: {  	_ = 	snop  }
0x3b: {  	_ = 	snop  }
0x3c: {  	p2 =	seq.s32 s10, $0x1;
	s10 =	sld [smem:$0x3FB2]  }
0x3d: {  	_ =	shalt  }
0x3e: {  	_ =	shalt  }
0x3f: {  	_ =	shalt  }
0x40: {  	_ =	shalt  }
0x41: {  	_ =	shalt  }
0x42: {  	_ =	shalt  }
0x43: {  	_ =	shalt  }
0x44: {  	_ =	shalt  }
0x45: {  	_ =	shalt  }
0x46: {  	_ =	shalt  }
0x47: {  	_ =	shalt  }
0x48: {  	_ =	shalt  }
0x49: {  	_ =	shalt  }
0x4a: {  	_ =	shalt  }
0x4b: {  	_ =	shalt  }
0x4c: {  	_ =	shalt  }
0x4d: {  	_ =	shalt  }
0x4e: {  	_ =	shalt  }
0x4f: {  	_ =	shalt  }
0x50: {  	_ =	shalt  }
0x51: {  	_ =	shalt  }
0x52: {  	_ =	shalt  }
0x53: {  	_ =	shalt  }
0x54: {  	_ =	shalt  }
0x55: {  	_ =	shalt  }
0x56: {  	_ =	shalt  }
0x57: {  	_ =	shalt  }
0x58: {  	_ =	shalt  }
0x59: {  	_ =	shalt  }
0x5a: {  	_ =	shalt  }
0x5b: {  	_ =	shalt  }
0x5c: {  	_ =	shalt  }
0x5d: {  	_ =	shalt  }
0x5e: {  	_ =	shalt  }
0x5f: {  	_ =	shalt  }
0x60: {  	_ =	shalt  }
0x61: {  	_ =	shalt  }
0x62: {  	_ =	shalt  }
0x63: {  	_ =	shalt  }
0x64: {  	_ =	shalt  }
0x65: {  	_ =	shalt  }
0x66: {  	_ =	shalt  }
0x67: {  	_ =	shalt  }
0x68: {  	_ =	shalt  }
0x69: {  	_ =	shalt  }
0x6a: {  	_ =	shalt  }
0x6b: {  	_ =	shalt  }
0x6c: {  	_ =	shalt  }
0x6d: {  	_ =	shalt  }
0x6e: {  	_ =	shalt  }
0x6f: {  	_ =	shalt  }
0x70: {  	_ =	shalt  }
0x71: {  	_ =	shalt  }
0x72: {  	_ =	shalt  }
0x73: {  	_ =	shalt  }
0x74: {  	_ =	shalt  }
0x75: {  	_ =	shalt  }
0x76: {  	_ =	shalt  }
0x77: {  	_ =	shalt  }
0x78: {  	_ =	shalt  }
0x79: {  	_ =	shalt  }
0x7a: {  	_ =	shalt  }
0x7b: {  	_ =	shalt  }
0x7c: {  	_ =	shalt  }
0x7d: {  	_ =	shalt  }
0x7e: {  	_ =	shalt  }
0x7f: {  	_ =	shalt  }
0x80: {  	_ =	shalt  }
0x81: {  	_ =	shalt  }
0x82: {  	_ =	shalt  }
0x83: {  	_ =	shalt  }
0x84: {  	_ =	shalt  }
0x85: {  	_ =	shalt  }
0x86: {  	_ =	shalt  }
0x87: {  	_ =	shalt  }
.Lfunc_end0:
.L_simem_size_0:
called_computation.1_lowered:
.L_overlay_start_0:
0x88: {  	s2 =	sld [smem:$0x3FD9]  }
0x89: {  	s3 =	sld [smem:$0x3FFE];
	_ =	sdelay $0x1  }
0x8a: {  	s1 =	srdreg.scid  }
0x8b: {  	s0 =	sand.u32 $0x1, s1  }
0x8c: {  	s17 =	sshll.u32 s0, $0xA;
	s2 =	sadd.s32 s3, s2  }
0x8d: {  	s2 =	sadd.s32 s2, s17  }
0x8e: {  	[smem:$0x3FBE] =	sst s2  }
0x8f: {  	_ = 	snop  }
0x90: {  	s2 =	sld [smem:$0x3FD0];
	(tm) =	ssettm $0x1  }
0x91: {  	s18 =	sld [smem:$0x3FFB];
	_ =	sdelay $0x3  }
0x92: {  	_ =	strace s18  }
0x93: {  	s3 =	sld [smem:$0x3FFC];
	_ =	sdelay $0x3  }
0x94: {  	_ =	strace s3  }
0x95: {  	s3 =	sld [smem:$0x3FFD];
	_ =	sdelay $0x3  }
0x96: {  	_ =	strace s3  }
0x97: {  	_ =	strace $0x8FFFFFFF  }
0x98: {  	s19 =	sld [smem:$0x3FDB];
	_ =	sdelay $0x1  }
0x99: {  	s4 =	simm.s32 $_scs_section_size  }
0x9a: {  	s5 =	simm.s32 $_size__tile_overlayer_lowered;
	s6 =	simm.s32 $_tile_overlayer_lowered  }
0x9b: {  	s22 =	simm.s32 $0x1BFF;
	s21 =	sshll.u32 s6, $0x1;
	s3 =	sadd.s32 s4, s19  }
0x9c: {  	s7 =	simm.s32 $0x0;
	s20 =	sshll.u32 s5, $0x1;
	s5 =	sadd.s32 s21, s3  }
0x9d: {  	[timem:s7], [sflag:s22] =	dma.local [hbm:s5], s20  }
0x9e: {  	_ =	swait.ge [sflag:s22], s20  }
0x9f: {  	s4 =	ssub.s32 $0x0, s20;
	[sflag:s22] =	ssyncset.done $0x0  }
0xa0: {  	[sflag:s22] =	ssyncadd.s32 s4;
	_ =	sdelay $0x1  }
0xa1: {  	s23 =	simm.s32 $0x1B8B  }
0xa2: {  	_ =	swait.ge [sflag:s23], $0x1  }
0xa3: {  	[sflag:s23] =	ssyncset.done $0x0  }
0xa4: {  	s25 =	simm.s32 $0x1B8E;
	s24 =	sld [smem:$0x3FFE];
	[sflag:s23] =	ssyncadd.s32 $0xFFFFFFFF  }
0xa5: {  	s26 =	simm.s32 $execute0_lowered;
	[smem:$0x3FD2] =	sst s25  }
0xa6: {  	s5 =	sshll.u32 s26, $0x1;
	_ =	strace $0x80000049;
	[dreg:$0x1] =	wrdreg $0xFFFFFFFF  }
0xa7: {  	s28 =	simm.s32 $_size_execute0_lowered;
	s3 =	sadd.s32 s3, s5;
	[dreg:$0x0] =	wrdreg $0x0  }
0xa8: {  	s5 =	sshll.u32 s28, $0x1;
	[dreg:$0x2] =	wrdreg s3  }
0xa9: {  	[dreg:$0x3] =	wrdreg s5  }
0xaa: {  	[dreg:$0x4] =	wrdreg $0xC0  }
0xab: {  	_ =	task [dreg:s7], $0x5FFFF  }
0xac: {  	[dreg:$0x1] =	wrdreg $0xFFFFFFFF  }
0xad: {  	[dreg:$0x0] =	wrdreg $0x60  }
0xae: {  	[dreg:$0x2] =	wrdreg s2  }
0xaf: {  	[dreg:$0x3] =	wrdreg s24  }
0xb0: {  	[dreg:$0x4] =	wrdreg $0xA9000  }
0xb1: {  	[dreg:$0x5] =	wrdreg $0x9  }
0xb2: {  	_ =	task.clear_ibuf [dreg:s7], $0x6FFFF;
	_ =	strace $0x90000049  }
0xb3: {  	s29 =	simm.s32 $0x9;
	_ =	strace $0x8000004B  }
0xb4: {  	_ =	swait.ge [sflag:s29], $0x1  }
0xb5: {  	[sflag:s29] =	ssyncadd.s32 $0xFFFFFFFF  }
0xb6: {  	_ =	strace $0x9000004B  }
0xb7: {  	_ =	sfence  }
0xb8: {  	s30 =	sld [smem:$0x0];
	_ =	sdelay $0x2  }
0xb9: {  	s31 =	sshll.u32 s1, $0xD;
	s1 =	sshrl.u32 s1, $0x2  }
0xba: {  	s3 =	sand.u32 $0x4000, s31;
	s1 =	sadd.s32 s1, s30  }
0xbb: {  	s0 =	sor.u32 s3, s0;
	s1 =	sshll.u32 s1, $0x11  }
0xbc: {  	s0 =	sor.u32 s1, s0  }
0xbd: {  	s0 =	sadd.s32 $0x8F2B, s0  }
0xbe: {  	[sflag:s0] =	ssyncadd.remote.s32 $0x1  }
0xbf: {  	_ =	sfence.sel $0xFFFF  }
0xc0: {  	[dreg:$0x0] =	wrdreg $0xFFFFFFFF;
	(pc) =	sbr.abs _section_cstart, $3  }
0xc1: {  	[dreg:$0x1] =	wrdreg $0xFFFFFFFF  }
0xc2: {  	_ =	task.clear_ibuf [dreg:s7], $0x2FFFF;
	_ =	strace $0x9FFFFFFF  }
0xc3: {  	(tm) =	ssettm $0x7FFFFFFF  }
tec
execute0_lowered:
.L_overlay_start_1:
0x0: {  	(tag) =	ssettag $0x1  }
0x1: {  	s2 =	rddreg [dreg:$0x0]  }
0x2: {  	s0 =	rddreg [dreg:$0x1]  }
0x3: {  	s14 =	stileid.u32;
	s3 =	rddreg [dreg:$0x2];
	s5 =	simm.s32 $0x0  }
0x4: {  	s6 =	srdreg.scid;
	s17 =	simm.s32 $0x7D;
	s18 =	simm.s32 $0x2900  }
0x5: {  	s19 =	simm.s32 $0x2800;
	s20 =	simm.s32 $0x6900;
	s21 =	simm.s32 $0x2880  }
0x6: {  	s22 =	simm.s32 $0x1;
	s23 =	simm.s32 $0x3;
	s24 =	simm.s32 $0x2  }
0x7: {  	s26 =	simm.s32 $0x4;
	s29 =	simm.s32 $0x0;
	s4 =	smul.u32 $0x2800, s14  }
0x8: {  	[smem:$0x7FF] =	sst s5;
	s9 =	sand.u32 $0x1, s6;
	s6 =	sadd.s32 $0x2800, s0  }
0x9: {  	s11 =	smul.u32 $0x50000, s14;
	s7 =	sadd.s32 $0xC800, s0;
	s31 =	sshll.u32 s14, $0x6  }
0xa: {  	s14 =	simm.s32 $0x5;
	_ =	strace $0x8000004A;
	s10 =	ssub.s32 $0x2, s9  }
0xb: {  	p0 =	seq.s32 s9, $0x1;
	s15 =	sor.u32 $0x1C05, s31;
	s1 =	sshrl.u32 s4, $0x3  }
0xc: {  	s12 =	sadd.s32 s4, s0;
	s13 =	sshrl.u32 s10, $0x1;
	s11 =	sshrl.u32 s11, $0x2  }
.Ltmp0:
0xd: {  	s8 =	sadd.s32 s1, s0;
	s10 =	ssub.s32 s10, s13;
	(pc) =	sbr.rel .LBB2_1-.Ltmp0, $4  }
0xe: {  	s16 =	sadd.s32 s11, s3;
	s9 =	sadd.s32 s6, s1;
	s30 =	sadd.s32 $0xF000, s12  }
0xf: {  	s11 =	sadd.s32 $0x27100, s2;
	s0 =	sadd.s32 $0x37000, s0;
	s8 =	sadd.s32 $0x7800, s8  }
0x10: {  	[dreg:$0x4] =	wrdreg s30;
	s12 =	smax.u32 s10, $0x1;
	s0 =	sadd.s32 s4, s0  }
0x11: {  	s13 =	sadd.s32 $0x4F0, s9;
	s16 =	sshrl.u32 s16, $0x3;
	[dreg:$0x5] =	wrdreg s0  }
.LBB2_7:
0x12: {  	[sflag:s26] =	ssyncset.done $0x0  }
0x13: {  	s0 =	sadd.s32 $0xFFFFFF80, s30;
	[sflag:s26] =	ssyncadd.s32 $0xFFFFFF80  }
0x14: {  	[spmem:s3] =	stream.indirect.scatter.add.f32 [tilespmem:s20], [sflag:$0x5], $0x80, s21, s17, $0xb8;
	[tilespmem:$0x1E900] =	vst v63  }
0x15: {  	s1 =	sadd.s32 s4, s10;
	s0 =	sand.u32 $0x380, s0;
	_ =	swait.ge [sflag:s14], $0x3E80  }
0x16: {  	s0 =	sor.u32 s1, s0;
	[sflag:s14] =	ssyncset.done $0x0  }
0x17: {  	s25 =	sadd.s32 $0xFFFFFF80, s31;
	s0 =	sshrl.u32 s0, $0x3;
	[sflag:s14] =	ssyncadd.s32 $0xFFFFC180  }
0x18: {  	[tilespmem:s20], [sflag:$0x2] =	stream.indirect.gather [hbm4b:s11+s17], $0x80, s25, s17, $0xb8;
	[tilespmem:$0x1E900] =	vst v63  }
0x19: {  	s0 =	sadd.s32 s6, s0  }
0x1a: {  	[tilespmem:s21], [sflag:$0x4] =	stream.linear.gather [hbm4b:s0+s5], $0x80, $0x38;
	[tilespmem:$0x1E900] =	vst v63  }
0x1b: {  	_ =	swait.ge [sflag:s22], $0x3E80  }
0x1c: {  	[sflag:s22] =	ssyncset.done $0x0  }
0x1d: {  	[sflag:s22] =	ssyncadd.s32 $0xFFFFC180  }
0x1e: {  	_ =	swait.ge [sflag:s23], $0x80  }
0x1f: {  	[sflag:s23] =	ssyncset.done $0x0  }
0x20: {  	s28 =	sand.u32 $0x3C00, s30;
	[sflag:s23] =	ssyncadd.s32 $0xFFFFFF80  }
0x21: {  	[spmem:s3] =	stream.indirect.scatter.add.f32 [tilespmem:s18], [sflag:$0x5], $0x80, s19, s17, $0xb8;
	[tilespmem:$0x1E900] =	vst v63  }
0x22: {  	s30 =	sand.u32 $0x300, s30;
	s0 =	sadd.s32 s4, s28;
	_ =	swait.ge [sflag:s14], $0x3E80  }
0x23: {  	s0 =	sor.u32 s30, s0;
	[sflag:s14] =	ssyncset.done $0x0  }
0x24: {  	s0 =	sshrl.u32 s0, $0x3;
	[sflag:s14] =	ssyncadd.s32 $0xFFFFC180  }
0x25: {  	[tilespmem:s18], [sflag:$0x1] =	stream.indirect.gather [hbm4b:s11+s17], $0x80, s31, s17, $0xb8;
	[tilespmem:$0x1E900] =	vst v63  }
0x26: {  	s0 =	sadd.s32 s6, s0  }
0x27: {  	[tilespmem:s19], [sflag:$0x3] =	stream.linear.gather [hbm4b:s0+s5], $0x80, $0x38;
	[tilespmem:$0x1E900] =	vst v63  }
0x28: {  	_ =	swait.ge [sflag:s24], $0x3E80  }
0x29: {  	[sflag:s24] =	ssyncset.done $0x0  }
0x2a: {  	[sflag:s24] =	ssyncadd.s32 $0xFFFFC180  }
0x2b: {  	_ =	swait.ge [sflag:s26], $0x80  }
0x2c: {  	[sflag:s26] =	ssyncset.done $0x0  }
0x2d: {  	[sflag:s26] =	ssyncadd.s32 $0xFFFFFF80  }
0x2e: {  	[spmem:s3] =	stream.indirect.scatter.add.f32 [tilespmem:s20], [sflag:$0x5], $0x80, s21, s17, $0xb8;
	[tilespmem:$0x1E900] =	vst v63  }
0x2f: {  	_ =	swait.ge [sflag:s14], $0x3E80  }
0x30: {  	[sflag:s14] =	ssyncset.done $0x0  }
0x31: {  	s31 =	simm.s32 $0x2780;
	[sflag:s14] =	ssyncadd.s32 $0xFFFFC180  }
0x32: {  	[tilespmem:s20], [sflag:$0x2] =	stream.indirect.gather [hbm4b:s11+s17], $0x80, s31, s17, $0xb8;
	[tilespmem:$0x1E900] =	vst v63  }
0x33: {  	_ = 	snop  }
0x34: {  	[tilespmem:s21], [sflag:$0x4] =	stream.linear.gather [hbm4b:s13+s5], $0x80, $0x38;
	[tilespmem:$0x1E900] =	vst v63  }
0x35: {  	_ =	swait.ge [sflag:s22], $0x3E80  }
0x36: {  	[sflag:s22] =	ssyncset.done $0x0  }
0x37: {  	[sflag:s22] =	ssyncadd.s32 $0xFFFFC180  }
0x38: {  	_ =	swait.ge [sflag:s23], $0x80  }
0x39: {  	[sflag:s23] =	ssyncset.done $0x0  }
0x3a: {  	[sflag:s23] =	ssyncadd.s32 $0xFFFFFF80  }
0x3b: {  	[spmem:s3] =	stream.indirect.scatter.add.f32 [tilespmem:s18], [sflag:$0x5], $0x80, s19, s17, $0xb8;
	[tilespmem:$0x1E900] =	vst v63  }
0x3c: {  	_ =	swait.ge [sflag:s14], $0x3E80  }
0x3d: {  	[sflag:s14] =	ssyncset.done $0x0  }
0x3e: {  	[sflag:s14] =	ssyncadd.s32 $0xFFFFC180  }
0x3f: {  	[tilespmem:s18], [sflag:$0x1] =	stream.indirect.gather [hbm4b:s11+s17], $0x80, s5, s17, $0xb8;
	[tilespmem:$0x1E900] =	vst v63  }
0x40: {  	_ = 	snop  }
0x41: {  	[tilespmem:s19], [sflag:$0x3] =	stream.linear.gather [hbm4b:s9+s5], $0x80, $0x38;
	[tilespmem:$0x1E900] =	vst v63  }
0x42: {  	_ =	swait.ge [sflag:s24], $0x3E80  }
0x43: {  	[sflag:s24] =	ssyncset.done $0x0  }
0x44: {  	[sflag:s24] =	ssyncadd.s32 $0xFFFFC180  }
0x45: {  	_ =	swait.ge [sflag:s26], $0x80  }
0x46: {  	[sflag:s26] =	ssyncset.done $0x0  }
0x47: {  	[sflag:s26] =	ssyncadd.s32 $0xFFFFFF80  }
0x48: {  	[spmem:s3] =	stream.indirect.scatter.add.f32 [tilespmem:s20], [sflag:$0x5], $0x80, s21, s17, $0xb8;
	[tilespmem:$0x1E900] =	vst v63  }
0x49: {  	_ =	swait.ge [sflag:s14], $0x3E80  }
0x4a: {  	[sflag:s14] =	ssyncset.done $0x0  }
0x4b: {  	[sflag:s14] =	ssyncadd.s32 $0xFFFFC180  }
0x4c: {  	_ =	swait.ge [sflag:s22], $0x3E80  }
0x4d: {  	[sflag:s22] =	ssyncset.done $0x0  }
0x4e: {  	[sflag:s22] =	ssyncadd.s32 $0xFFFFC180  }
0x4f: {  	_ =	swait.ge [sflag:s23], $0x80  }
0x50: {  	[sflag:s23] =	ssyncset.done $0x0  }
0x51: {  	[sflag:s23] =	ssyncadd.s32 $0xFFFFFF80  }
0x52: {  	[bflag:$0x0] =	sbarrier.arrive $0xFFFF  }
0x53: {  	s0 =	rddreg [dreg:$0x5]  }
.LBB2_8:
0x54: {  	s29 =	sadd.s32 $0x1, s29  }
0x55: {  	p1 =	sne.s32 s29, s12  }
.Ltmp1:
0x56: {  	_ = 	snop;
	(pc) =	sbr.rel @!p1 .LBB2_9-.Ltmp1, $4  }
0x57: {  	[hbm:s0], [sflag:s15] =	dma.local [spmem:s16], $0x2800  }
0x58: {  	_ =	swait.ge [sflag:s14], $0x2800  }
0x59: {  	[sflag:s14] =	ssyncset.done $0x0  }
0x5a: {  	[sflag:s14] =	ssyncadd.s32 $0xFFFFD800  }
.LBB2_1:
0x5b: {  	[tilespmem:s5], [sflag:$0x5] =	stream.linear.gather [hbm4b:s8+s5], $0x2800, $0x38;
	[tilespmem:$0x1E900] =	vst v63  }
0x5c: {  	_ =	swait.ge [sflag:s14], $0x2800  }
0x5d: {  	[sflag:s14] =	ssyncset.done $0x0  }
0x5e: {  	[sflag:s14] =	ssyncadd.s32 $0xFFFFD800  }
0x5f: {  	[spmem:s16], [sflag:s15] =	dma.local [hbm:s7], $0x2800  }
.Ltmp2:
0x60: {  	_ =	swait.ge [sflag:s14], $0x2800;
	(pc) =	sbr.rel @!p0 .LBB2_2-.Ltmp2, $3  }
0x61: {  	[sflag:s14] =	ssyncset.done $0x0  }
0x62: {  	[sflag:s14] =	ssyncadd.s32 $0xFFFFD800  }
0x63: {  	[bflag:$0x0] =	sbarrier.arrive $0xFFFF;
	_ =	sdelay $0x1  }
0x64: {  	[tilespmem:s18], [sflag:$0x1] =	stream.indirect.gather [hbm4b:s11+s17], $0x80, s5, s17, $0xb8;
	[tilespmem:$0x1E900] =	vst v63  }
0x65: {  	s0 =	simm.s32 $0x0  }
0x66: {  	s1 =	simm.s32 $0x80;
	s0 =	sand.u32 $0x3C00, s0  }
0x67: {  	[tilespmem:s19], [sflag:$0x3] =	stream.linear.gather [hbm4b:s9+s5], $0x80, $0x38;
	[tilespmem:$0x1E900] =	vst v63  }
0x68: {  	s1 =	sand.u32 $0x380, s1;
	s0 =	sadd.s32 s4, s0  }
0x69: {  	s0 =	sor.u32 s0, s1  }
0x6a: {  	s25 =	simm.s32 $0x80;
	s0 =	sshrl.u32 s0, $0x3  }
0x6b: {  	[tilespmem:s20], [sflag:$0x2] =	stream.indirect.gather [hbm4b:s11+s17], $0x80, s25, s17, $0xb8;
	[tilespmem:$0x1E900] =	vst v63  }
0x6c: {  	s0 =	sadd.s32 s6, s0  }
0x6d: {  	[tilespmem:s21], [sflag:$0x4] =	stream.linear.gather [hbm4b:s0+s5], $0x80, $0x38;
	[tilespmem:$0x1E900] =	vst v63  }
0x6e: {  	_ =	swait.ge [sflag:s22], $0x3E80  }
0x6f: {  	[sflag:s22] =	ssyncset.done $0x0  }
0x70: {  	[sflag:s22] =	ssyncadd.s32 $0xFFFFC180  }
0x71: {  	_ =	swait.ge [sflag:s23], $0x80  }
0x72: {  	s28 =	simm.s32 $0x100;
	[sflag:s23] =	ssyncset.done $0x0  }
0x73: {  	s10 =	sand.u32 $0x3C00, s28;
	[sflag:s23] =	ssyncadd.s32 $0xFFFFFF80  }
0x74: {  	[spmem:s3] =	stream.indirect.scatter.add.f32 [tilespmem:s18], [sflag:$0x5], $0x80, s19, s17, $0xb8;
	[tilespmem:$0x1E900] =	vst v63  }
0x75: {  	s1 =	sadd.s32 s4, s10;
	s10 =	sand.u32 $0x300, s28;
	_ =	swait.ge [sflag:s14], $0x3E80  }
0x76: {  	s1 =	sor.u32 s10, s1;
	[sflag:s14] =	ssyncset.done $0x0  }
0x77: {  	s25 =	sshrl.u32 s1, $0x3;
	[sflag:s14] =	ssyncadd.s32 $0xFFFFC180  }
0x78: {  	[tilespmem:s18], [sflag:$0x1] =	stream.indirect.gather [hbm4b:s11+s17], $0x80, s28, s17, $0xb8;
	[tilespmem:$0x1E900] =	vst v63  }
0x79: {  	s0 =	sadd.s32 s6, s25  }
0x7a: {  	[tilespmem:s19], [sflag:$0x3] =	stream.linear.gather [hbm4b:s0+s5], $0x80, $0x38;
	[tilespmem:$0x1E900] =	vst v63  }
0x7b: {  	_ =	swait.ge [sflag:s24], $0x3E80  }
0x7c: {  	s30 =	simm.s32 $0x200;
	[sflag:s24] =	ssyncset.done $0x0  }
0x7d: {  	s31 =	simm.s32 $0x200;
	s28 =	simm.s32 $0x100;
	[sflag:s24] =	ssyncadd.s32 $0xFFFFC180  }
0x7e: {  	s10 =	sand.u32 $0x3C00, s28;
	s0 =	simm.s32 $0x300;
	_ =	swait.ge [sflag:s26], $0x80  }
.LBB2_6:
0x7f: {  	s10 =	sadd.s32 s4, s10  }
0x80: {  	s25 =	sadd.s32 $0xFFFFFF80, s30;
	[sflag:s26] =	ssyncset.done $0x0;
	s28 =	smov.u32 s0  }
0x81: {  	s1 =	sadd.s32 $0x100, s0;
	s25 =	sand.u32 $0x380, s25;
	[sflag:s26] =	ssyncadd.s32 $0xFFFFFF80  }
0x82: {  	[spmem:s3] =	stream.indirect.scatter.add.f32 [tilespmem:s20], [sflag:$0x5], $0x80, s21, s17, $0xb8;
	[tilespmem:$0x1E900] =	vst v63  }
0x83: {  	p1 =	sne.s32 s0, $0x2700;
	s0 =	sor.u32 s10, s25;
	_ =	swait.ge [sflag:s14], $0x3E80  }
0x84: {  	s0 =	sshrl.u32 s0, $0x3;
	[sflag:s14] =	ssyncset.done $0x0  }
0x85: {  	s10 =	sadd.s32 $0xFFFFFF80, s31;
	s0 =	sadd.s32 s6, s0;
	[sflag:s14] =	ssyncadd.s32 $0xFFFFC180  }
0x86: {  	[tilespmem:s20], [sflag:$0x2] =	stream.indirect.gather [hbm4b:s11+s17], $0x80, s10, s17, $0xb8;
	[tilespmem:$0x1E900] =	vst v63  }
0x87: {  	_ = 	snop  }
0x88: {  	[tilespmem:s21], [sflag:$0x4] =	stream.linear.gather [hbm4b:s0+s5], $0x80, $0x38;
	[tilespmem:$0x1E900] =	vst v63  }
0x89: {  	_ =	swait.ge [sflag:s22], $0x3E80  }
0x8a: {  	[sflag:s22] =	ssyncset.done $0x0  }
0x8b: {  	[sflag:s22] =	ssyncadd.s32 $0xFFFFC180  }
0x8c: {  	_ =	swait.ge [sflag:s23], $0x80  }
0x8d: {  	[sflag:s23] =	ssyncset.done $0x0  }
0x8e: {  	[sflag:s23] =	ssyncadd.s32 $0xFFFFFF80  }
0x8f: {  	[spmem:s3] =	stream.indirect.scatter.add.f32 [tilespmem:s18], [sflag:$0x5], $0x80, s19, s17, $0xb8;
	[tilespmem:$0x1E900] =	vst v63  }
0x90: {  	s0 =	sand.u32 $0x3C00, s30;
	_ =	swait.ge [sflag:s14], $0x3E80  }
0x91: {  	s10 =	sand.u32 $0x300, s30;
	s0 =	sadd.s32 s4, s0;
	[sflag:s14] =	ssyncset.done $0x0  }
0x92: {  	s30 =	smov.u32 s28;
	s0 =	sor.u32 s10, s0;
	[sflag:s14] =	ssyncadd.s32 $0xFFFFC180  }
0x93: {  	[tilespmem:s18], [sflag:$0x1] =	stream.indirect.gather [hbm4b:s11+s17], $0x80, s31, s17, $0xb8;
	[tilespmem:$0x1E900] =	vst v63  }
0x94: {  	s0 =	sshrl.u32 s0, $0x3  }
0x95: {  	s0 =	sadd.s32 s6, s0  }
0x96: {  	[tilespmem:s19], [sflag:$0x3] =	stream.linear.gather [hbm4b:s0+s5], $0x80, $0x38;
	[tilespmem:$0x1E900] =	vst v63  }
.Ltmp3:
0x97: {  	_ = 	snop;
	(pc) =	sbr.rel @p1 .LBB2_6-.Ltmp3, $4  }
0x98: {  	_ =	swait.ge [sflag:s24], $0x3E80  }
0x99: {  	[sflag:s24] =	ssyncset.done $0x0  }
0x9a: {  	s31 =	sadd.s32 $0x100, s31;
	s0 =	sadd.s32 $0xFFFFFF00, s30;
	[sflag:s24] =	ssyncadd.s32 $0xFFFFC180  }
0x9b: {  	s10 =	sand.u32 $0x3C00, s0;
	s0 =	smov.u32 s1;
	_ =	swait.ge [sflag:s26], $0x80  }
.Ltmp4:
0x9c: {  	_ = 	snop;
	(pc) =	sbr.rel .LBB2_7-.Ltmp4, $1  }
0x9d: {  	_ =	sdelay $0x3  }
.LBB2_2:
0x9e: {  	[tilespmem:s18], [sflag:$0x1] =	stream.indirect.gather [hbm4b:s2+s17], $0x80, s5, s17, $0xb8;
	[tilespmem:$0x1E900] =	vst v63  }
0x9f: {  	s0 =	simm.s32 $0x0  }
0xa0: {  	s1 =	simm.s32 $0x80;
	s0 =	sand.u32 $0x3C00, s0  }
0xa1: {  	[tilespmem:s19], [sflag:$0x3] =	stream.linear.gather [hbm4b:s9+s5], $0x80, $0x38;
	[tilespmem:$0x1E900] =	vst v63  }
0xa2: {  	s1 =	sand.u32 $0x380, s1;
	s0 =	sadd.s32 s4, s0  }
0xa3: {  	s0 =	sor.u32 s0, s1  }
0xa4: {  	s25 =	simm.s32 $0x80;
	s0 =	sshrl.u32 s0, $0x3  }
0xa5: {  	[tilespmem:s20], [sflag:$0x2] =	stream.indirect.gather [hbm4b:s2+s17], $0x80, s25, s17, $0xb8;
	[tilespmem:$0x1E900] =	vst v63  }
0xa6: {  	s0 =	sadd.s32 s6, s0  }
0xa7: {  	[tilespmem:s21], [sflag:$0x4] =	stream.linear.gather [hbm4b:s0+s5], $0x80, $0x38;
	[tilespmem:$0x1E900] =	vst v63  }
0xa8: {  	_ =	swait.ge [sflag:s22], $0x3E80  }
0xa9: {  	[sflag:s22] =	ssyncset.done $0x0  }
0xaa: {  	[sflag:s22] =	ssyncadd.s32 $0xFFFFC180  }
0xab: {  	_ =	swait.ge [sflag:s23], $0x80  }
0xac: {  	s28 =	simm.s32 $0x100;
	[sflag:s23] =	ssyncset.done $0x0  }
0xad: {  	s10 =	sand.u32 $0x3C00, s28;
	[sflag:s23] =	ssyncadd.s32 $0xFFFFFF80  }
0xae: {  	[spmem:s3] =	stream.indirect.scatter.add.f32 [tilespmem:s18], [sflag:$0x5], $0x80, s19, s17, $0xb8;
	[tilespmem:$0x1E900] =	vst v63  }
0xaf: {  	s1 =	sadd.s32 s4, s10;
	s10 =	sand.u32 $0x300, s28;
	_ =	swait.ge [sflag:s14], $0x3E80  }
0xb0: {  	s1 =	sor.u32 s10, s1;
	[sflag:s14] =	ssyncset.done $0x0  }
0xb1: {  	s25 =	sshrl.u32 s1, $0x3;
	[sflag:s14] =	ssyncadd.s32 $0xFFFFC180  }
0xb2: {  	[tilespmem:s18], [sflag:$0x1] =	stream.indirect.gather [hbm4b:s2+s17], $0x80, s28, s17, $0xb8;
	[tilespmem:$0x1E900] =	vst v63  }
0xb3: {  	s0 =	sadd.s32 s6, s25  }
0xb4: {  	[tilespmem:s19], [sflag:$0x3] =	stream.linear.gather [hbm4b:s0+s5], $0x80, $0x38;
	[tilespmem:$0x1E900] =	vst v63  }
0xb5: {  	_ =	swait.ge [sflag:s24], $0x3E80  }
0xb6: {  	s30 =	simm.s32 $0x200;
	[sflag:s24] =	ssyncset.done $0x0  }
0xb7: {  	s31 =	simm.s32 $0x200;
	s28 =	simm.s32 $0x100;
	[sflag:s24] =	ssyncadd.s32 $0xFFFFC180  }
0xb8: {  	s1 =	simm.s32 $0x300;
	s10 =	sand.u32 $0x3C00, s28;
	_ =	swait.ge [sflag:s26], $0x80  }
.LBB2_3:
0xb9: {  	s10 =	sadd.s32 s4, s10  }
0xba: {  	s28 =	sadd.s32 $0xFFFFFF80, s30;
	[sflag:s26] =	ssyncset.done $0x0;
	s25 =	smov.u32 s1  }
0xbb: {  	s0 =	sadd.s32 $0x100, s1;
	s28 =	sand.u32 $0x380, s28;
	[sflag:s26] =	ssyncadd.s32 $0xFFFFFF80  }
0xbc: {  	[spmem:s3] =	stream.indirect.scatter.add.f32 [tilespmem:s20], [sflag:$0x5], $0x80, s21, s17, $0xb8;
	[tilespmem:$0x1E900] =	vst v63  }
0xbd: {  	p1 =	sne.s32 s1, $0x2700;
	s1 =	sor.u32 s10, s28;
	_ =	swait.ge [sflag:s14], $0x3E80  }
0xbe: {  	s1 =	sshrl.u32 s1, $0x3;
	[sflag:s14] =	ssyncset.done $0x0  }
0xbf: {  	s10 =	sadd.s32 $0xFFFFFF80, s31;
	s1 =	sadd.s32 s6, s1;
	[sflag:s14] =	ssyncadd.s32 $0xFFFFC180  }
0xc0: {  	[tilespmem:s20], [sflag:$0x2] =	stream.indirect.gather [hbm4b:s2+s17], $0x80, s10, s17, $0xb8;
	[tilespmem:$0x1E900] =	vst v63  }
0xc1: {  	_ = 	snop  }
0xc2: {  	[tilespmem:s21], [sflag:$0x4] =	stream.linear.gather [hbm4b:s1+s5], $0x80, $0x38;
	[tilespmem:$0x1E900] =	vst v63  }
0xc3: {  	_ =	swait.ge [sflag:s22], $0x3E80  }
0xc4: {  	[sflag:s22] =	ssyncset.done $0x0  }
0xc5: {  	[sflag:s22] =	ssyncadd.s32 $0xFFFFC180  }
0xc6: {  	_ =	swait.ge [sflag:s23], $0x80  }
0xc7: {  	[sflag:s23] =	ssyncset.done $0x0  }
0xc8: {  	[sflag:s23] =	ssyncadd.s32 $0xFFFFFF80  }
0xc9: {  	[spmem:s3] =	stream.indirect.scatter.add.f32 [tilespmem:s18], [sflag:$0x5], $0x80, s19, s17, $0xb8;
	[tilespmem:$0x1E900] =	vst v63  }
0xca: {  	s1 =	sand.u32 $0x3C00, s30;
	_ =	swait.ge [sflag:s14], $0x3E80  }
0xcb: {  	s10 =	sand.u32 $0x300, s30;
	s1 =	sadd.s32 s4, s1;
	[sflag:s14] =	ssyncset.done $0x0  }
0xcc: {  	s30 =	smov.u32 s25;
	s1 =	sor.u32 s10, s1;
	[sflag:s14] =	ssyncadd.s32 $0xFFFFC180  }
0xcd: {  	[tilespmem:s18], [sflag:$0x1] =	stream.indirect.gather [hbm4b:s2+s17], $0x80, s31, s17, $0xb8;
	[tilespmem:$0x1E900] =	vst v63  }
0xce: {  	s1 =	sshrl.u32 s1, $0x3  }
0xcf: {  	s1 =	sadd.s32 s6, s1  }
0xd0: {  	[tilespmem:s19], [sflag:$0x3] =	stream.linear.gather [hbm4b:s1+s5], $0x80, $0x38;
	[tilespmem:$0x1E900] =	vst v63  }
.Ltmp5:
0xd1: {  	_ = 	snop;
	(pc) =	sbr.rel @p1 .LBB2_3-.Ltmp5, $4  }
0xd2: {  	_ =	swait.ge [sflag:s24], $0x3E80  }
0xd3: {  	[sflag:s24] =	ssyncset.done $0x0  }
0xd4: {  	s31 =	sadd.s32 $0x100, s31;
	s1 =	sadd.s32 $0xFFFFFF00, s30;
	[sflag:s24] =	ssyncadd.s32 $0xFFFFC180  }
0xd5: {  	s10 =	sand.u32 $0x3C00, s1;
	s1 =	smov.u32 s0;
	_ =	swait.ge [sflag:s26], $0x80  }
0xd6: {  	[sflag:s26] =	ssyncset.done $0x0  }
0xd7: {  	s0 =	sadd.s32 $0xFFFFFF80, s30;
	[sflag:s26] =	ssyncadd.s32 $0xFFFFFF80  }
0xd8: {  	[spmem:s3] =	stream.indirect.scatter.add.f32 [tilespmem:s20], [sflag:$0x5], $0x80, s21, s17, $0xb8;
	[tilespmem:$0x1E900] =	vst v63  }
0xd9: {  	s1 =	sadd.s32 s4, s10;
	s0 =	sand.u32 $0x380, s0;
	_ =	swait.ge [sflag:s14], $0x3E80  }
0xda: {  	s0 =	sor.u32 s1, s0;
	[sflag:s14] =	ssyncset.done $0x0  }
0xdb: {  	s25 =	sadd.s32 $0xFFFFFF80, s31;
	s0 =	sshrl.u32 s0, $0x3;
	[sflag:s14] =	ssyncadd.s32 $0xFFFFC180  }
0xdc: {  	[tilespmem:s20], [sflag:$0x2] =	stream.indirect.gather [hbm4b:s2+s17], $0x80, s25, s17, $0xb8;
	[tilespmem:$0x1E900] =	vst v63  }
0xdd: {  	s0 =	sadd.s32 s6, s0  }
0xde: {  	[tilespmem:s21], [sflag:$0x4] =	stream.linear.gather [hbm4b:s0+s5], $0x80, $0x38;
	[tilespmem:$0x1E900] =	vst v63  }
0xdf: {  	_ =	swait.ge [sflag:s22], $0x3E80  }
0xe0: {  	[sflag:s22] =	ssyncset.done $0x0  }
0xe1: {  	[sflag:s22] =	ssyncadd.s32 $0xFFFFC180  }
0xe2: {  	_ =	swait.ge [sflag:s23], $0x80  }
0xe3: {  	[sflag:s23] =	ssyncset.done $0x0  }
0xe4: {  	s28 =	sand.u32 $0x3C00, s30;
	[sflag:s23] =	ssyncadd.s32 $0xFFFFFF80  }
0xe5: {  	[spmem:s3] =	stream.indirect.scatter.add.f32 [tilespmem:s18], [sflag:$0x5], $0x80, s19, s17, $0xb8;
	[tilespmem:$0x1E900] =	vst v63  }
0xe6: {  	s30 =	sand.u32 $0x300, s30;
	s0 =	sadd.s32 s4, s28;
	_ =	swait.ge [sflag:s14], $0x3E80  }
0xe7: {  	s0 =	sor.u32 s30, s0;
	[sflag:s14] =	ssyncset.done $0x0  }
0xe8: {  	s0 =	sshrl.u32 s0, $0x3;
	[sflag:s14] =	ssyncadd.s32 $0xFFFFC180  }
0xe9: {  	[tilespmem:s18], [sflag:$0x1] =	stream.indirect.gather [hbm4b:s2+s17], $0x80, s31, s17, $0xb8;
	[tilespmem:$0x1E900] =	vst v63  }
0xea: {  	s0 =	sadd.s32 s6, s0  }
0xeb: {  	[tilespmem:s19], [sflag:$0x3] =	stream.linear.gather [hbm4b:s0+s5], $0x80, $0x38;
	[tilespmem:$0x1E900] =	vst v63  }
0xec: {  	_ =	swait.ge [sflag:s24], $0x3E80  }
0xed: {  	[sflag:s24] =	ssyncset.done $0x0  }
0xee: {  	[sflag:s24] =	ssyncadd.s32 $0xFFFFC180  }
0xef: {  	_ =	swait.ge [sflag:s26], $0x80  }
0xf0: {  	[sflag:s26] =	ssyncset.done $0x0  }
0xf1: {  	[sflag:s26] =	ssyncadd.s32 $0xFFFFFF80  }
0xf2: {  	[spmem:s3] =	stream.indirect.scatter.add.f32 [tilespmem:s20], [sflag:$0x5], $0x80, s21, s17, $0xb8;
	[tilespmem:$0x1E900] =	vst v63  }
0xf3: {  	_ =	swait.ge [sflag:s14], $0x3E80  }
0xf4: {  	[sflag:s14] =	ssyncset.done $0x0  }
0xf5: {  	s31 =	simm.s32 $0x2780;
	[sflag:s14] =	ssyncadd.s32 $0xFFFFC180  }
0xf6: {  	[tilespmem:s20], [sflag:$0x2] =	stream.indirect.gather [hbm4b:s2+s17], $0x80, s31, s17, $0xb8;
	[tilespmem:$0x1E900] =	vst v63  }
0xf7: {  	_ = 	snop  }
0xf8: {  	[tilespmem:s21], [sflag:$0x4] =	stream.linear.gather [hbm4b:s13+s5], $0x80, $0x38;
	[tilespmem:$0x1E900] =	vst v63  }
0xf9: {  	_ =	swait.ge [sflag:s22], $0x3E80  }
0xfa: {  	[sflag:s22] =	ssyncset.done $0x0  }
0xfb: {  	[sflag:s22] =	ssyncadd.s32 $0xFFFFC180  }
0xfc: {  	_ =	swait.ge [sflag:s23], $0x80  }
0xfd: {  	[sflag:s23] =	ssyncset.done $0x0  }
0xfe: {  	[sflag:s23] =	ssyncadd.s32 $0xFFFFFF80  }
0xff: {  	[spmem:s3] =	stream.indirect.scatter.add.f32 [tilespmem:s18], [sflag:$0x5], $0x80, s19, s17, $0xb8;
	[tilespmem:$0x1E900] =	vst v63  }
0x100: {  	_ =	swait.ge [sflag:s14], $0x3E80  }
0x101: {  	[sflag:s14] =	ssyncset.done $0x0  }
0x102: {  	[sflag:s14] =	ssyncadd.s32 $0xFFFFC180  }
0x103: {  	[tilespmem:s18], [sflag:$0x1] =	stream.indirect.gather [hbm4b:s2+s17], $0x80, s5, s17, $0xb8;
	[tilespmem:$0x1E900] =	vst v63  }
0x104: {  	_ = 	snop  }
0x105: {  	[tilespmem:s19], [sflag:$0x3] =	stream.linear.gather [hbm4b:s9+s5], $0x80, $0x38;
	[tilespmem:$0x1E900] =	vst v63  }
0x106: {  	_ =	swait.ge [sflag:s24], $0x3E80  }
0x107: {  	[sflag:s24] =	ssyncset.done $0x0  }
0x108: {  	[sflag:s24] =	ssyncadd.s32 $0xFFFFC180  }
0x109: {  	_ =	swait.ge [sflag:s26], $0x80  }
0x10a: {  	[sflag:s26] =	ssyncset.done $0x0  }
0x10b: {  	[sflag:s26] =	ssyncadd.s32 $0xFFFFFF80  }
0x10c: {  	[spmem:s3] =	stream.indirect.scatter.add.f32 [tilespmem:s20], [sflag:$0x5], $0x80, s21, s17, $0xb8;
	[tilespmem:$0x1E900] =	vst v63  }
0x10d: {  	_ =	swait.ge [sflag:s14], $0x3E80  }
0x10e: {  	[sflag:s14] =	ssyncset.done $0x0  }
0x10f: {  	[sflag:s14] =	ssyncadd.s32 $0xFFFFC180  }
0x110: {  	_ =	swait.ge [sflag:s22], $0x3E80  }
0x111: {  	[sflag:s22] =	ssyncset.done $0x0  }
0x112: {  	[sflag:s22] =	ssyncadd.s32 $0xFFFFC180  }
.Ltmp6:
0x113: {  	_ =	swait.ge [sflag:s23], $0x80;
	(pc) =	sbr.rel .LBB2_8-.Ltmp6, $4  }
0x114: {  	[sflag:s23] =	ssyncset.done $0x0  }
0x115: {  	[sflag:s23] =	ssyncadd.s32 $0xFFFFFF80  }
0x116: {  	[bflag:$0x0] =	sbarrier.arrive $0xFFFF  }
0x117: {  	s0 =	rddreg [dreg:$0x4]  }
.LBB2_9:
0x118: {  	_ =	sfence.sel $0x180000  }
0x119: {  	[bflag:$0x0] =	sbarrier.arrive $0xFFFF  }
0x11a: {  	_ =	strace $0x9000004A  }
0x11b: {  	s0 =	stileid.u32;
	[bflag:$0x2] =	sbarrier.arrive $0xFFFF  }
0x11c: {  	p0 =	sne.s32 s0, $0x0;
	s0 =	rddreg [dreg:$0x3]  }
0x11d: {  	s0 =	sadd.s32 @!p0 $0x100000, s0  }
0x11e: {  	[sflag:s0] =	ssyncadd.tile.s32 @!p0 $0x1;
	_ =	shalt  }
.Lfunc_end2:
_tile_overlayer_lowered:
.L_overlay_start_2:
0x11f: {  	(tag) =	ssettag $0x2  }
0x120: {  	s0 =	rddreg [dreg:$0x0];
	s2 =	stileid.u32  }
0x121: {  	s1 =	rddreg [dreg:$0x1];
	p0 =	sne.s32 s2, $0x0  }
0x122: {  	s3 =	rddreg [dreg:$0x2];
	[bflag:$0x3] =	sbarrier.arrive $0xFFFF;
	s2 =	simm.s32 @!p0 $0x1C05  }
0x123: {  	[timem:s3], [sflag:s2] =	dma.local @!p0 [hbm:s0], s1  }
0x124: {  	s0 =	simm.s32 @!p0 $0x5  }
0x125: {  	_ =	swait.ge @!p0 [sflag:s0], s1  }
0x126: {  	s1 =	ssub.s32 @!p0 $0x0, s1;
	[sflag:s0] =	ssyncset.done @!p0 $0x0  }
0x127: {  	[sflag:s0] =	ssyncadd.s32 @!p0 s1  }
0x128: {  	[bflag:$0x3] =	sbarrier.arrive $0xFFFF  }
0x129: {  	_ =	shalt  }

// kernel: kernel.15.cloned.1.call-start
scs
__scs_entry_jumppad:
0x0: {  	(pc) =	sbr.rel $0x88, $3  }
0x1: {  	(tag) =	ssettag $0x0;
	lr =	simm.s32 $0x1  }
0x2: {  	[smem:$0x3F97] =	sst lr;
	_ =	strace $0xD0000000  }
0x3: {  	_ = 	snop  }
0x4: {  	_ = 	snop  }
0x5: {  	_ = 	snop  }
0x6: {  	_ = 	snop  }
0x7: {  	_ = 	snop  }
__scs_overlays_trampoline_lowered:
0x8: {  	[smem:$0x3FA6] =	sst s0  }
0x9: {  	[smem:$0x3FA7] =	sst s1  }
0xa: {  	[smem:$0x3FA8] =	sst s2  }
0xb: {  	[smem:$0x3FA9] =	sst s3  }
0xc: {  	[smem:$0x3FAA] =	sst s4  }
0xd: {  	[smem:$0x3FAB] =	sst s5  }
0xe: {  	[smem:$0x3FAC] =	sst s6  }
0xf: {  	[smem:$0x3FAD] =	sst s7  }
0x10: {  	[smem:$0x3FAE] =	sst s8  }
0x11: {  	[smem:$0x3FAF] =	sst s9;
	s0 =	simm.s32 @!p0 $0x0  }
0x12: {  	s1 =	sld [smem:$0x3F95];
	s0 =	simm.s32 @p0 $0x1  }
0x13: {  	[smem:$0x3FB0] =	sst s0;
	s0 =	simm.s32 @!p1 $0x0  }
0x14: {  	s2 =	sld [smem:$0x3F94];
	s0 =	simm.s32 @p1 $0x1  }
0x15: {  	[smem:$0x3FB1] =	sst s0;
	s0 =	simm.s32 @!p2 $0x0  }
0x16: {  	s3 =	sld [smem:$0x3FDB];
	s0 =	simm.s32 @p2 $0x1  }
0x17: {  	s4 =	simm.s32 $0x1BF5;
	[smem:$0x3FB3] =	sst s0  }
0x18: {  	s0 =	sld [smem:$0x3F96];
	_ =	swait.ge [sflag:s4], $0x0  }
0x19: {  	s7 =	sld [smem:$0x3F97]  }
0x1a: {  	s8 =	sadd.s32 $0xFFFFE003, lr  }
0x1b: {  	s9 =	sadd.s32 $0xFFFFFEF7, lr;
	s5 =	simm.s32 $0xFFFFFFFF;
	p2 =	slt.u32 s8, $0xFFFFF086  }
0x1c: {  	p1 =	slt.u32 s9, $0xF7A;
	s5 =	simm.s32 @!p2 $0x0  }
0x1d: {  	s5 =	simm.s32 @p1 $0x1;
	p0 =	seq.s32 s7, s2  }
0x1e: {  	s7 =	smul.u32 @!p0 $0xF7A, s2;
	p2 =	seq.s32 @!p0 s5, $0x0  }
0x1f: {  	s9 =	smul.u32 $0xF7A, s1;
	s8 =	simm.s32 @!p0 $0x1BF5;
	p2 =	por !p2, p0  }
0x20: {  	[sflag:s8] =	ssyncset.s32 @!p0 $0xFFFFF086;
	s6 =	sadd.s32 @!p0 s3, s7;
	s7 =	simm.s32 @!p0 $0x108  }
0x21: {  	s3 =	sadd.s32 s3, s9;
	s6 =	sadd.s32 @!p0 $0x88, s6;
	s7 =	simm.s32 @p2 $0x1082  }
0x22: {  	[simem:s7], [sflag:s8] =	dma.local @!p0 [hbm:s6], $0xF7A  }
0x23: {  	s9 =	sor.u32 $0xD0000000, s2;
	s6 =	simm.s32 $0x108;
	_ =	swait.ge @!p0 [sflag:s8], $0x0  }
0x24: {  	s3 =	sadd.s32 $0x88, s3;
	s6 =	simm.s32 @!p1 $0x1082;
	[sflag:s4] =	ssyncset.s32 $0xFFFFF086  }
0x25: {  	[simem:s6], [sflag:s4] =	dma.local [hbm:s3], $0xF7A  }
0x26: {  	[smem:$0x3F97] =	sst s1;
	(tag) =	ssettag s2;
	_ =	strace s9  }
0x27: {  	s1 =	sld [smem:$0x3FA7]  }
0x28: {  	s2 =	sld [smem:$0x3FA8]  }
0x29: {  	s4 =	sld [smem:$0x3FAA]  }
0x2a: {  	p0 =	seq.s32 s5, $0x0;
	s5 =	sld [smem:$0x3FAB]  }
0x2b: {  	s6 =	sld [smem:$0x3FAC]  }
0x2c: {  	s7 =	sld [smem:$0x3FAD]  }
0x2d: {  	s3 =	simm.s32 $0x108;
	s8 =	sld [smem:$0x3FAE]  }
0x2e: {  	s3 =	simm.s32 @!p0 $0x1082;
	s9 =	sld [smem:$0x3FAF]  }
0x2f: {  	lr =	sadd.s32 s0, s3;
	s0 =	sld [smem:$0x3FA6]  }
0x30: {  	s3 =	sld [smem:$0x3FA9]  }
0x31: {  	[smem:$0x3FB2] =	sst s10  }
0x32: {  	s10 =	sld [smem:$0x3FB0];
	_ =	sdelay $0x3  }
0x33: {  	p0 =	seq.s32 s10, $0x1;
	s10 =	sld [smem:$0x3FB2];
	_ =	sdelay $0x3  }
0x34: {  	[smem:$0x3FB2] =	sst s10  }
0x35: {  	s10 =	sld [smem:$0x3FB1];
	_ =	sdelay $0x3  }
0x36: {  	p1 =	seq.s32 s10, $0x1;
	s10 =	sld [smem:$0x3FB2];
	_ =	sdelay $0x3  }
0x37: {  	[smem:$0x3FB2] =	sst s10  }
0x38: {  	s10 =	sld [smem:$0x3FB3]  }
0x39: {  	_ = 	snop;
	(pc) =	sbr.ind lr, $3  }
0x3a: {  	_ = 	snop  }
0x3b: {  	_ = 	snop  }
0x3c: {  	p2 =	seq.s32 s10, $0x1;
	s10 =	sld [smem:$0x3FB2]  }
0x3d: {  	_ =	shalt  }
0x3e: {  	_ =	shalt  }
0x3f: {  	_ =	shalt  }
0x40: {  	_ =	shalt  }
0x41: {  	_ =	shalt  }
0x42: {  	_ =	shalt  }
0x43: {  	_ =	shalt  }
0x44: {  	_ =	shalt  }
0x45: {  	_ =	shalt  }
0x46: {  	_ =	shalt  }
0x47: {  	_ =	shalt  }
0x48: {  	_ =	shalt  }
0x49: {  	_ =	shalt  }
0x4a: {  	_ =	shalt  }
0x4b: {  	_ =	shalt  }
0x4c: {  	_ =	shalt  }
0x4d: {  	_ =	shalt  }
0x4e: {  	_ =	shalt  }
0x4f: {  	_ =	shalt  }
0x50: {  	_ =	shalt  }
0x51: {  	_ =	shalt  }
0x52: {  	_ =	shalt  }
0x53: {  	_ =	shalt  }
0x54: {  	_ =	shalt  }
0x55: {  	_ =	shalt  }
0x56: {  	_ =	shalt  }
0x57: {  	_ =	shalt  }
0x58: {  	_ =	shalt  }
0x59: {  	_ =	shalt  }
0x5a: {  	_ =	shalt  }
0x5b: {  	_ =	shalt  }
0x5c: {  	_ =	shalt  }
0x5d: {  	_ =	shalt  }
0x5e: {  	_ =	shalt  }
0x5f: {  	_ =	shalt  }
0x60: {  	_ =	shalt  }
0x61: {  	_ =	shalt  }
0x62: {  	_ =	shalt  }
0x63: {  	_ =	shalt  }
0x64: {  	_ =	shalt  }
0x65: {  	_ =	shalt  }
0x66: {  	_ =	shalt  }
0x67: {  	_ =	shalt  }
0x68: {  	_ =	shalt  }
0x69: {  	_ =	shalt  }
0x6a: {  	_ =	shalt  }
0x6b: {  	_ =	shalt  }
0x6c: {  	_ =	shalt  }
0x6d: {  	_ =	shalt  }
0x6e: {  	_ =	shalt  }
0x6f: {  	_ =	shalt  }
0x70: {  	_ =	shalt  }
0x71: {  	_ =	shalt  }
0x72: {  	_ =	shalt  }
0x73: {  	_ =	shalt  }
0x74: {  	_ =	shalt  }
0x75: {  	_ =	shalt  }
0x76: {  	_ =	shalt  }
0x77: {  	_ =	shalt  }
0x78: {  	_ =	shalt  }
0x79: {  	_ =	shalt  }
0x7a: {  	_ =	shalt  }
0x7b: {  	_ =	shalt  }
0x7c: {  	_ =	shalt  }
0x7d: {  	_ =	shalt  }
0x7e: {  	_ =	shalt  }
0x7f: {  	_ =	shalt  }
0x80: {  	_ =	shalt  }
0x81: {  	_ =	shalt  }
0x82: {  	_ =	shalt  }
0x83: {  	_ =	shalt  }
0x84: {  	_ =	shalt  }
0x85: {  	_ =	shalt  }
0x86: {  	_ =	shalt  }
0x87: {  	_ =	shalt  }
.Lfunc_end0:
.L_simem_size_0:
called_computation.2_lowered:
.L_overlay_start_0:
0x88: {  	s2 =	sld [smem:$0x3FD9]  }
0x89: {  	s3 =	sld [smem:$0x3FFE];
	_ =	sdelay $0x1  }
0x8a: {  	s1 =	srdreg.scid  }
0x8b: {  	s0 =	sand.u32 $0x1, s1  }
0x8c: {  	s17 =	sshll.u32 s0, $0xA;
	s2 =	sadd.s32 s3, s2  }
0x8d: {  	s2 =	sadd.s32 s2, s17  }
0x8e: {  	[smem:$0x3FBE] =	sst s2  }
0x8f: {  	_ = 	snop  }
0x90: {  	s2 =	sld [smem:$0x3FD0];
	(tm) =	ssettm $0x1  }
0x91: {  	s18 =	sld [smem:$0x3FFB];
	_ =	sdelay $0x3  }
0x92: {  	_ =	strace s18  }
0x93: {  	s3 =	sld [smem:$0x3FFC];
	_ =	sdelay $0x3  }
0x94: {  	_ =	strace s3  }
0x95: {  	s3 =	sld [smem:$0x3FFD];
	_ =	sdelay $0x3  }
0x96: {  	_ =	strace s3  }
0x97: {  	_ =	strace $0x8FFFFFFF  }
0x98: {  	s19 =	sld [smem:$0x3FDB];
	_ =	sdelay $0x1  }
0x99: {  	s4 =	simm.s32 $_scs_section_size  }
0x9a: {  	s5 =	simm.s32 $_size__tile_overlayer_lowered;
	s6 =	simm.s32 $_tile_overlayer_lowered  }
0x9b: {  	s22 =	simm.s32 $0x1BFF;
	s21 =	sshll.u32 s6, $0x1;
	s3 =	sadd.s32 s4, s19  }
0x9c: {  	s7 =	simm.s32 $0x0;
	s20 =	sshll.u32 s5, $0x1;
	s5 =	sadd.s32 s21, s3  }
0x9d: {  	[timem:s7], [sflag:s22] =	dma.local [hbm:s5], s20  }
0x9e: {  	_ =	swait.ge [sflag:s22], s20  }
0x9f: {  	s4 =	ssub.s32 $0x0, s20;
	[sflag:s22] =	ssyncset.done $0x0  }
0xa0: {  	[sflag:s22] =	ssyncadd.s32 s4;
	_ =	sdelay $0x1  }
0xa1: {  	s23 =	simm.s32 $0x1B8B  }
0xa2: {  	_ =	swait.ge [sflag:s23], $0x1  }
0xa3: {  	[sflag:s23] =	ssyncset.done $0x0  }
0xa4: {  	s25 =	simm.s32 $0x1B8E;
	s24 =	sld [smem:$0x3FFE];
	[sflag:s23] =	ssyncadd.s32 $0xFFFFFFFF  }
0xa5: {  	s26 =	simm.s32 $execute0_lowered;
	[smem:$0x3FD2] =	sst s25  }
0xa6: {  	s5 =	sshll.u32 s26, $0x1;
	_ =	strace $0x8000004C;
	[dreg:$0x1] =	wrdreg $0xFFFFFFFF  }
0xa7: {  	s28 =	simm.s32 $_size_execute0_lowered;
	s3 =	sadd.s32 s3, s5;
	[dreg:$0x0] =	wrdreg $0x0  }
0xa8: {  	s5 =	sshll.u32 s28, $0x1;
	[dreg:$0x2] =	wrdreg s3  }
0xa9: {  	[dreg:$0x3] =	wrdreg s5  }
0xaa: {  	[dreg:$0x4] =	wrdreg $0xC0  }
0xab: {  	_ =	task [dreg:s7], $0x5FFFF  }
0xac: {  	[dreg:$0x1] =	wrdreg $0xFFFFFFFF  }
0xad: {  	[dreg:$0x0] =	wrdreg $0x60  }
0xae: {  	[dreg:$0x2] =	wrdreg s2  }
0xaf: {  	[dreg:$0x3] =	wrdreg s24  }
0xb0: {  	[dreg:$0x4] =	wrdreg $0xA9000  }
0xb1: {  	[dreg:$0x5] =	wrdreg $0x9  }
0xb2: {  	_ =	task.clear_ibuf [dreg:s7], $0x6FFFF;
	_ =	strace $0x9000004C  }
0xb3: {  	s29 =	simm.s32 $0x9;
	_ =	strace $0x8000004E  }
0xb4: {  	_ =	swait.ge [sflag:s29], $0x1  }
0xb5: {  	[sflag:s29] =	ssyncadd.s32 $0xFFFFFFFF  }
0xb6: {  	_ =	strace $0x9000004E  }
0xb7: {  	_ =	sfence  }
0xb8: {  	s30 =	sld [smem:$0x0];
	_ =	sdelay $0x2  }
0xb9: {  	s31 =	sshll.u32 s1, $0xD;
	s1 =	sshrl.u32 s1, $0x2  }
0xba: {  	s3 =	sand.u32 $0x4000, s31;
	s1 =	sadd.s32 s1, s30  }
0xbb: {  	s0 =	sor.u32 s3, s0;
	s1 =	sshll.u32 s1, $0x11  }
0xbc: {  	s0 =	sor.u32 s1, s0  }
0xbd: {  	s0 =	sadd.s32 $0x8F2B, s0  }
0xbe: {  	[sflag:s0] =	ssyncadd.remote.s32 $0x1  }
0xbf: {  	_ =	sfence.sel $0xFFFF  }
0xc0: {  	[dreg:$0x0] =	wrdreg $0xFFFFFFFF;
	(pc) =	sbr.abs _section_cstart, $3  }
0xc1: {  	[dreg:$0x1] =	wrdreg $0xFFFFFFFF  }
0xc2: {  	_ =	task.clear_ibuf [dreg:s7], $0x2FFFF;
	_ =	strace $0x9FFFFFFF  }
0xc3: {  	(tm) =	ssettm $0x7FFFFFFF  }
tec
execute0_lowered:
.L_overlay_start_1:
0x0: {  	(tag) =	ssettag $0x1  }
0x1: {  	s2 =	rddreg [dreg:$0x0]  }
0x2: {  	s0 =	rddreg [dreg:$0x1]  }
0x3: {  	s14 =	stileid.u32;
	s3 =	rddreg [dreg:$0x2];
	s5 =	simm.s32 $0x0  }
0x4: {  	s6 =	srdreg.scid;
	s17 =	simm.s32 $0x7D;
	s18 =	simm.s32 $0x2900  }
0x5: {  	s19 =	simm.s32 $0x2800;
	s20 =	simm.s32 $0x6900;
	s21 =	simm.s32 $0x2880  }
0x6: {  	s22 =	simm.s32 $0x1;
	s23 =	simm.s32 $0x3;
	s24 =	simm.s32 $0x2  }
0x7: {  	s26 =	simm.s32 $0x4;
	s29 =	simm.s32 $0x0;
	s4 =	smul.u32 $0x2800, s14  }
0x8: {  	[smem:$0x7FF] =	sst s5;
	s9 =	sand.u32 $0x1, s6;
	s6 =	sadd.s32 $0x2800, s0  }
0x9: {  	s11 =	smul.u32 $0x50000, s14;
	s7 =	sadd.s32 $0xC800, s0;
	s31 =	sshll.u32 s14, $0x6  }
0xa: {  	s14 =	simm.s32 $0x5;
	_ =	strace $0x8000004D;
	s10 =	ssub.s32 $0x2, s9  }
0xb: {  	p0 =	seq.s32 s9, $0x1;
	s15 =	sor.u32 $0x1C05, s31;
	s1 =	sshrl.u32 s4, $0x3  }
0xc: {  	s12 =	sadd.s32 s4, s0;
	s13 =	sshrl.u32 s10, $0x1;
	s11 =	sshrl.u32 s11, $0x2  }
.Ltmp0:
0xd: {  	s8 =	sadd.s32 s1, s0;
	s10 =	ssub.s32 s10, s13;
	(pc) =	sbr.rel .LBB2_1-.Ltmp0, $4  }
0xe: {  	s16 =	sadd.s32 s11, s3;
	s9 =	sadd.s32 s6, s1;
	s30 =	sadd.s32 $0xF000, s12  }
0xf: {  	s11 =	sadd.s32 $0x27100, s2;
	s0 =	sadd.s32 $0x37000, s0;
	s8 =	sadd.s32 $0x7800, s8  }
0x10: {  	[dreg:$0x4] =	wrdreg s30;
	s12 =	smax.u32 s10, $0x1;
	s0 =	sadd.s32 s4, s0  }
0x11: {  	s13 =	sadd.s32 $0x4F0, s9;
	s16 =	sshrl.u32 s16, $0x3;
	[dreg:$0x5] =	wrdreg s0  }
.LBB2_7:
0x12: {  	[sflag:s26] =	ssyncset.done $0x0  }
0x13: {  	s0 =	sadd.s32 $0xFFFFFF80, s30;
	[sflag:s26] =	ssyncadd.s32 $0xFFFFFF80  }
0x14: {  	[spmem:s3] =	stream.indirect.scatter.add.f32 [tilespmem:s20], [sflag:$0x5], $0x80, s21, s17, $0xb8;
	[tilespmem:$0x1E900] =	vst v63  }
0x15: {  	s1 =	sadd.s32 s4, s10;
	s0 =	sand.u32 $0x380, s0;
	_ =	swait.ge [sflag:s14], $0x3E80  }
0x16: {  	s0 =	sor.u32 s1, s0;
	[sflag:s14] =	ssyncset.done $0x0  }
0x17: {  	s25 =	sadd.s32 $0xFFFFFF80, s31;
	s0 =	sshrl.u32 s0, $0x3;
	[sflag:s14] =	ssyncadd.s32 $0xFFFFC180  }
0x18: {  	[tilespmem:s20], [sflag:$0x2] =	stream.indirect.gather [hbm4b:s11+s17], $0x80, s25, s17, $0xb8;
	[tilespmem:$0x1E900] =	vst v63  }
0x19: {  	s0 =	sadd.s32 s6, s0  }
0x1a: {  	[tilespmem:s21], [sflag:$0x4] =	stream.linear.gather [hbm4b:s0+s5], $0x80, $0x38;
	[tilespmem:$0x1E900] =	vst v63  }
0x1b: {  	_ =	swait.ge [sflag:s22], $0x3E80  }
0x1c: {  	[sflag:s22] =	ssyncset.done $0x0  }
0x1d: {  	[sflag:s22] =	ssyncadd.s32 $0xFFFFC180  }
0x1e: {  	_ =	swait.ge [sflag:s23], $0x80  }
0x1f: {  	[sflag:s23] =	ssyncset.done $0x0  }
0x20: {  	s28 =	sand.u32 $0x3C00, s30;
	[sflag:s23] =	ssyncadd.s32 $0xFFFFFF80  }
0x21: {  	[spmem:s3] =	stream.indirect.scatter.add.f32 [tilespmem:s18], [sflag:$0x5], $0x80, s19, s17, $0xb8;
	[tilespmem:$0x1E900] =	vst v63  }
0x22: {  	s30 =	sand.u32 $0x300, s30;
	s0 =	sadd.s32 s4, s28;
	_ =	swait.ge [sflag:s14], $0x3E80  }
0x23: {  	s0 =	sor.u32 s30, s0;
	[sflag:s14] =	ssyncset.done $0x0  }
0x24: {  	s0 =	sshrl.u32 s0, $0x3;
	[sflag:s14] =	ssyncadd.s32 $0xFFFFC180  }
0x25: {  	[tilespmem:s18], [sflag:$0x1] =	stream.indirect.gather [hbm4b:s11+s17], $0x80, s31, s17, $0xb8;
	[tilespmem:$0x1E900] =	vst v63  }
0x26: {  	s0 =	sadd.s32 s6, s0  }
0x27: {  	[tilespmem:s19], [sflag:$0x3] =	stream.linear.gather [hbm4b:s0+s5], $0x80, $0x38;
	[tilespmem:$0x1E900] =	vst v63  }
0x28: {  	_ =	swait.ge [sflag:s24], $0x3E80  }
0x29: {  	[sflag:s24] =	ssyncset.done $0x0  }
0x2a: {  	[sflag:s24] =	ssyncadd.s32 $0xFFFFC180  }
0x2b: {  	_ =	swait.ge [sflag:s26], $0x80  }
0x2c: {  	[sflag:s26] =	ssyncset.done $0x0  }
0x2d: {  	[sflag:s26] =	ssyncadd.s32 $0xFFFFFF80  }
0x2e: {  	[spmem:s3] =	stream.indirect.scatter.add.f32 [tilespmem:s20], [sflag:$0x5], $0x80, s21, s17, $0xb8;
	[tilespmem:$0x1E900] =	vst v63  }
0x2f: {  	_ =	swait.ge [sflag:s14], $0x3E80  }
0x30: {  	[sflag:s14] =	ssyncset.done $0x0  }
0x31: {  	s31 =	simm.s32 $0x2780;
	[sflag:s14] =	ssyncadd.s32 $0xFFFFC180  }
0x32: {  	[tilespmem:s20], [sflag:$0x2] =	stream.indirect.gather [hbm4b:s11+s17], $0x80, s31, s17, $0xb8;
	[tilespmem:$0x1E900] =	vst v63  }
0x33: {  	_ = 	snop  }
0x34: {  	[tilespmem:s21], [sflag:$0x4] =	stream.linear.gather [hbm4b:s13+s5], $0x80, $0x38;
	[tilespmem:$0x1E900] =	vst v63  }
0x35: {  	_ =	swait.ge [sflag:s22], $0x3E80  }
0x36: {  	[sflag:s22] =	ssyncset.done $0x0  }
0x37: {  	[sflag:s22] =	ssyncadd.s32 $0xFFFFC180  }
0x38: {  	_ =	swait.ge [sflag:s23], $0x80  }
0x39: {  	[sflag:s23] =	ssyncset.done $0x0  }
0x3a: {  	[sflag:s23] =	ssyncadd.s32 $0xFFFFFF80  }
0x3b: {  	[spmem:s3] =	stream.indirect.scatter.add.f32 [tilespmem:s18], [sflag:$0x5], $0x80, s19, s17, $0xb8;
	[tilespmem:$0x1E900] =	vst v63  }
0x3c: {  	_ =	swait.ge [sflag:s14], $0x3E80  }
0x3d: {  	[sflag:s14] =	ssyncset.done $0x0  }
0x3e: {  	[sflag:s14] =	ssyncadd.s32 $0xFFFFC180  }
0x3f: {  	[tilespmem:s18], [sflag:$0x1] =	stream.indirect.gather [hbm4b:s11+s17], $0x80, s5, s17, $0xb8;
	[tilespmem:$0x1E900] =	vst v63  }
0x40: {  	_ = 	snop  }
0x41: {  	[tilespmem:s19], [sflag:$0x3] =	stream.linear.gather [hbm4b:s9+s5], $0x80, $0x38;
	[tilespmem:$0x1E900] =	vst v63  }
0x42: {  	_ =	swait.ge [sflag:s24], $0x3E80  }
0x43: {  	[sflag:s24] =	ssyncset.done $0x0  }
0x44: {  	[sflag:s24] =	ssyncadd.s32 $0xFFFFC180  }
0x45: {  	_ =	swait.ge [sflag:s26], $0x80  }
0x46: {  	[sflag:s26] =	ssyncset.done $0x0  }
0x47: {  	[sflag:s26] =	ssyncadd.s32 $0xFFFFFF80  }
0x48: {  	[spmem:s3] =	stream.indirect.scatter.add.f32 [tilespmem:s20], [sflag:$0x5], $0x80, s21, s17, $0xb8;
	[tilespmem:$0x1E900] =	vst v63  }
0x49: {  	_ =	swait.ge [sflag:s14], $0x3E80  }
0x4a: {  	[sflag:s14] =	ssyncset.done $0x0  }
0x4b: {  	[sflag:s14] =	ssyncadd.s32 $0xFFFFC180  }
0x4c: {  	_ =	swait.ge [sflag:s22], $0x3E80  }
0x4d: {  	[sflag:s22] =	ssyncset.done $0x0  }
0x4e: {  	[sflag:s22] =	ssyncadd.s32 $0xFFFFC180  }
0x4f: {  	_ =	swait.ge [sflag:s23], $0x80  }
0x50: {  	[sflag:s23] =	ssyncset.done $0x0  }
0x51: {  	[sflag:s23] =	ssyncadd.s32 $0xFFFFFF80  }
0x52: {  	[bflag:$0x0] =	sbarrier.arrive $0xFFFF  }
0x53: {  	s0 =	rddreg [dreg:$0x5]  }
.LBB2_8:
0x54: {  	s29 =	sadd.s32 $0x1, s29  }
0x55: {  	p1 =	sne.s32 s29, s12  }
.Ltmp1:
0x56: {  	_ = 	snop;
	(pc) =	sbr.rel @!p1 .LBB2_9-.Ltmp1, $4  }
0x57: {  	[hbm:s0], [sflag:s15] =	dma.local [spmem:s16], $0x2800  }
0x58: {  	_ =	swait.ge [sflag:s14], $0x2800  }
0x59: {  	[sflag:s14] =	ssyncset.done $0x0  }
0x5a: {  	[sflag:s14] =	ssyncadd.s32 $0xFFFFD800  }
.LBB2_1:
0x5b: {  	[tilespmem:s5], [sflag:$0x5] =	stream.linear.gather [hbm4b:s8+s5], $0x2800, $0x38;
	[tilespmem:$0x1E900] =	vst v63  }
0x5c: {  	_ =	swait.ge [sflag:s14], $0x2800  }
0x5d: {  	[sflag:s14] =	ssyncset.done $0x0  }
0x5e: {  	[sflag:s14] =	ssyncadd.s32 $0xFFFFD800  }
0x5f: {  	[spmem:s16], [sflag:s15] =	dma.local [hbm:s7], $0x2800  }
.Ltmp2:
0x60: {  	_ =	swait.ge [sflag:s14], $0x2800;
	(pc) =	sbr.rel @!p0 .LBB2_2-.Ltmp2, $3  }
0x61: {  	[sflag:s14] =	ssyncset.done $0x0  }
0x62: {  	[sflag:s14] =	ssyncadd.s32 $0xFFFFD800  }
0x63: {  	[bflag:$0x0] =	sbarrier.arrive $0xFFFF;
	_ =	sdelay $0x1  }
0x64: {  	[tilespmem:s18], [sflag:$0x1] =	stream.indirect.gather [hbm4b:s11+s17], $0x80, s5, s17, $0xb8;
	[tilespmem:$0x1E900] =	vst v63  }
0x65: {  	s0 =	simm.s32 $0x0  }
0x66: {  	s1 =	simm.s32 $0x80;
	s0 =	sand.u32 $0x3C00, s0  }
0x67: {  	[tilespmem:s19], [sflag:$0x3] =	stream.linear.gather [hbm4b:s9+s5], $0x80, $0x38;
	[tilespmem:$0x1E900] =	vst v63  }
0x68: {  	s1 =	sand.u32 $0x380, s1;
	s0 =	sadd.s32 s4, s0  }
0x69: {  	s0 =	sor.u32 s0, s1  }
0x6a: {  	s25 =	simm.s32 $0x80;
	s0 =	sshrl.u32 s0, $0x3  }
0x6b: {  	[tilespmem:s20], [sflag:$0x2] =	stream.indirect.gather [hbm4b:s11+s17], $0x80, s25, s17, $0xb8;
	[tilespmem:$0x1E900] =	vst v63  }
0x6c: {  	s0 =	sadd.s32 s6, s0  }
0x6d: {  	[tilespmem:s21], [sflag:$0x4] =	stream.linear.gather [hbm4b:s0+s5], $0x80, $0x38;
	[tilespmem:$0x1E900] =	vst v63  }
0x6e: {  	_ =	swait.ge [sflag:s22], $0x3E80  }
0x6f: {  	[sflag:s22] =	ssyncset.done $0x0  }
0x70: {  	[sflag:s22] =	ssyncadd.s32 $0xFFFFC180  }
0x71: {  	_ =	swait.ge [sflag:s23], $0x80  }
0x72: {  	s28 =	simm.s32 $0x100;
	[sflag:s23] =	ssyncset.done $0x0  }
0x73: {  	s10 =	sand.u32 $0x3C00, s28;
	[sflag:s23] =	ssyncadd.s32 $0xFFFFFF80  }
0x74: {  	[spmem:s3] =	stream.indirect.scatter.add.f32 [tilespmem:s18], [sflag:$0x5], $0x80, s19, s17, $0xb8;
	[tilespmem:$0x1E900] =	vst v63  }
0x75: {  	s1 =	sadd.s32 s4, s10;
	s10 =	sand.u32 $0x300, s28;
	_ =	swait.ge [sflag:s14], $0x3E80  }
0x76: {  	s1 =	sor.u32 s10, s1;
	[sflag:s14] =	ssyncset.done $0x0  }
0x77: {  	s25 =	sshrl.u32 s1, $0x3;
	[sflag:s14] =	ssyncadd.s32 $0xFFFFC180  }
0x78: {  	[tilespmem:s18], [sflag:$0x1] =	stream.indirect.gather [hbm4b:s11+s17], $0x80, s28, s17, $0xb8;
	[tilespmem:$0x1E900] =	vst v63  }
0x79: {  	s0 =	sadd.s32 s6, s25  }
0x7a: {  	[tilespmem:s19], [sflag:$0x3] =	stream.linear.gather [hbm4b:s0+s5], $0x80, $0x38;
	[tilespmem:$0x1E900] =	vst v63  }
0x7b: {  	_ =	swait.ge [sflag:s24], $0x3E80  }
0x7c: {  	s30 =	simm.s32 $0x200;
	[sflag:s24] =	ssyncset.done $0x0  }
0x7d: {  	s31 =	simm.s32 $0x200;
	s28 =	simm.s32 $0x100;
	[sflag:s24] =	ssyncadd.s32 $0xFFFFC180  }
0x7e: {  	s10 =	sand.u32 $0x3C00, s28;
	s0 =	simm.s32 $0x300;
	_ =	swait.ge [sflag:s26], $0x80  }
.LBB2_6:
0x7f: {  	s10 =	sadd.s32 s4, s10  }
0x80: {  	s25 =	sadd.s32 $0xFFFFFF80, s30;
	[sflag:s26] =	ssyncset.done $0x0;
	s28 =	smov.u32 s0  }
0x81: {  	s1 =	sadd.s32 $0x100, s0;
	s25 =	sand.u32 $0x380, s25;
	[sflag:s26] =	ssyncadd.s32 $0xFFFFFF80  }
0x82: {  	[spmem:s3] =	stream.indirect.scatter.add.f32 [tilespmem:s20], [sflag:$0x5], $0x80, s21, s17, $0xb8;
	[tilespmem:$0x1E900] =	vst v63  }
0x83: {  	p1 =	sne.s32 s0, $0x2700;
	s0 =	sor.u32 s10, s25;
	_ =	swait.ge [sflag:s14], $0x3E80  }
0x84: {  	s0 =	sshrl.u32 s0, $0x3;
	[sflag:s14] =	ssyncset.done $0x0  }
0x85: {  	s10 =	sadd.s32 $0xFFFFFF80, s31;
	s0 =	sadd.s32 s6, s0;
	[sflag:s14] =	ssyncadd.s32 $0xFFFFC180  }
0x86: {  	[tilespmem:s20], [sflag:$0x2] =	stream.indirect.gather [hbm4b:s11+s17], $0x80, s10, s17, $0xb8;
	[tilespmem:$0x1E900] =	vst v63  }
0x87: {  	_ = 	snop  }
0x88: {  	[tilespmem:s21], [sflag:$0x4] =	stream.linear.gather [hbm4b:s0+s5], $0x80, $0x38;
	[tilespmem:$0x1E900] =	vst v63  }
0x89: {  	_ =	swait.ge [sflag:s22], $0x3E80  }
0x8a: {  	[sflag:s22] =	ssyncset.done $0x0  }
0x8b: {  	[sflag:s22] =	ssyncadd.s32 $0xFFFFC180  }
0x8c: {  	_ =	swait.ge [sflag:s23], $0x80  }
0x8d: {  	[sflag:s23] =	ssyncset.done $0x0  }
0x8e: {  	[sflag:s23] =	ssyncadd.s32 $0xFFFFFF80  }
0x8f: {  	[spmem:s3] =	stream.indirect.scatter.add.f32 [tilespmem:s18], [sflag:$0x5], $0x80, s19, s17, $0xb8;
	[tilespmem:$0x1E900] =	vst v63  }
0x90: {  	s0 =	sand.u32 $0x3C00, s30;
	_ =	swait.ge [sflag:s14], $0x3E80  }
0x91: {  	s10 =	sand.u32 $0x300, s30;
	s0 =	sadd.s32 s4, s0;
	[sflag:s14] =	ssyncset.done $0x0  }
0x92: {  	s30 =	smov.u32 s28;
	s0 =	sor.u32 s10, s0;
	[sflag:s14] =	ssyncadd.s32 $0xFFFFC180  }
0x93: {  	[tilespmem:s18], [sflag:$0x1] =	stream.indirect.gather [hbm4b:s11+s17], $0x80, s31, s17, $0xb8;
	[tilespmem:$0x1E900] =	vst v63  }
0x94: {  	s0 =	sshrl.u32 s0, $0x3  }
0x95: {  	s0 =	sadd.s32 s6, s0  }
0x96: {  	[tilespmem:s19], [sflag:$0x3] =	stream.linear.gather [hbm4b:s0+s5], $0x80, $0x38;
	[tilespmem:$0x1E900] =	vst v63  }
.Ltmp3:
0x97: {  	_ = 	snop;
	(pc) =	sbr.rel @p1 .LBB2_6-.Ltmp3, $4  }
0x98: {  	_ =	swait.ge [sflag:s24], $0x3E80  }
0x99: {  	[sflag:s24] =	ssyncset.done $0x0  }
0x9a: {  	s31 =	sadd.s32 $0x100, s31;
	s0 =	sadd.s32 $0xFFFFFF00, s30;
	[sflag:s24] =	ssyncadd.s32 $0xFFFFC180  }
0x9b: {  	s10 =	sand.u32 $0x3C00, s0;
	s0 =	smov.u32 s1;
	_ =	swait.ge [sflag:s26], $0x80  }
.Ltmp4:
0x9c: {  	_ = 	snop;
	(pc) =	sbr.rel .LBB2_7-.Ltmp4, $1  }
0x9d: {  	_ =	sdelay $0x3  }
.LBB2_2:
0x9e: {  	[tilespmem:s18], [sflag:$0x1] =	stream.indirect.gather [hbm4b:s2+s17], $0x80, s5, s17, $0xb8;
	[tilespmem:$0x1E900] =	vst v63  }
0x9f: {  	s0 =	simm.s32 $0x0  }
0xa0: {  	s1 =	simm.s32 $0x80;
	s0 =	sand.u32 $0x3C00, s0  }
0xa1: {  	[tilespmem:s19], [sflag:$0x3] =	stream.linear.gather [hbm4b:s9+s5], $0x80, $0x38;
	[tilespmem:$0x1E900] =	vst v63  }
0xa2: {  	s1 =	sand.u32 $0x380, s1;
	s0 =	sadd.s32 s4, s0  }
0xa3: {  	s0 =	sor.u32 s0, s1  }
0xa4: {  	s25 =	simm.s32 $0x80;
	s0 =	sshrl.u32 s0, $0x3  }
0xa5: {  	[tilespmem:s20], [sflag:$0x2] =	stream.indirect.gather [hbm4b:s2+s17], $0x80, s25, s17, $0xb8;
	[tilespmem:$0x1E900] =	vst v63  }
0xa6: {  	s0 =	sadd.s32 s6, s0  }
0xa7: {  	[tilespmem:s21], [sflag:$0x4] =	stream.linear.gather [hbm4b:s0+s5], $0x80, $0x38;
	[tilespmem:$0x1E900] =	vst v63  }
0xa8: {  	_ =	swait.ge [sflag:s22], $0x3E80  }
0xa9: {  	[sflag:s22] =	ssyncset.done $0x0  }
0xaa: {  	[sflag:s22] =	ssyncadd.s32 $0xFFFFC180  }
0xab: {  	_ =	swait.ge [sflag:s23], $0x80  }
0xac: {  	s28 =	simm.s32 $0x100;
	[sflag:s23] =	ssyncset.done $0x0  }
0xad: {  	s10 =	sand.u32 $0x3C00, s28;
	[sflag:s23] =	ssyncadd.s32 $0xFFFFFF80  }
0xae: {  	[spmem:s3] =	stream.indirect.scatter.add.f32 [tilespmem:s18], [sflag:$0x5], $0x80, s19, s17, $0xb8;
	[tilespmem:$0x1E900] =	vst v63  }
0xaf: {  	s1 =	sadd.s32 s4, s10;
	s10 =	sand.u32 $0x300, s28;
	_ =	swait.ge [sflag:s14], $0x3E80  }
0xb0: {  	s1 =	sor.u32 s10, s1;
	[sflag:s14] =	ssyncset.done $0x0  }
0xb1: {  	s25 =	sshrl.u32 s1, $0x3;
	[sflag:s14] =	ssyncadd.s32 $0xFFFFC180  }
0xb2: {  	[tilespmem:s18], [sflag:$0x1] =	stream.indirect.gather [hbm4b:s2+s17], $0x80, s28, s17, $0xb8;
	[tilespmem:$0x1E900] =	vst v63  }
0xb3: {  	s0 =	sadd.s32 s6, s25  }
0xb4: {  	[tilespmem:s19], [sflag:$0x3] =	stream.linear.gather [hbm4b:s0+s5], $0x80, $0x38;
	[tilespmem:$0x1E900] =	vst v63  }
0xb5: {  	_ =	swait.ge [sflag:s24], $0x3E80  }
0xb6: {  	s30 =	simm.s32 $0x200;
	[sflag:s24] =	ssyncset.done $0x0  }
0xb7: {  	s31 =	simm.s32 $0x200;
	s28 =	simm.s32 $0x100;
	[sflag:s24] =	ssyncadd.s32 $0xFFFFC180  }
0xb8: {  	s1 =	simm.s32 $0x300;
	s10 =	sand.u32 $0x3C00, s28;
	_ =	swait.ge [sflag:s26], $0x80  }
.LBB2_3:
0xb9: {  	s10 =	sadd.s32 s4, s10  }
0xba: {  	s28 =	sadd.s32 $0xFFFFFF80, s30;
	[sflag:s26] =	ssyncset.done $0x0;
	s25 =	smov.u32 s1  }
0xbb: {  	s0 =	sadd.s32 $0x100, s1;
	s28 =	sand.u32 $0x380, s28;
	[sflag:s26] =	ssyncadd.s32 $0xFFFFFF80  }
0xbc: {  	[spmem:s3] =	stream.indirect.scatter.add.f32 [tilespmem:s20], [sflag:$0x5], $0x80, s21, s17, $0xb8;
	[tilespmem:$0x1E900] =	vst v63  }
0xbd: {  	p1 =	sne.s32 s1, $0x2700;
	s1 =	sor.u32 s10, s28;
	_ =	swait.ge [sflag:s14], $0x3E80  }
0xbe: {  	s1 =	sshrl.u32 s1, $0x3;
	[sflag:s14] =	ssyncset.done $0x0  }
0xbf: {  	s10 =	sadd.s32 $0xFFFFFF80, s31;
	s1 =	sadd.s32 s6, s1;
	[sflag:s14] =	ssyncadd.s32 $0xFFFFC180  }
0xc0: {  	[tilespmem:s20], [sflag:$0x2] =	stream.indirect.gather [hbm4b:s2+s17], $0x80, s10, s17, $0xb8;
	[tilespmem:$0x1E900] =	vst v63  }
0xc1: {  	_ = 	snop  }
0xc2: {  	[tilespmem:s21], [sflag:$0x4] =	stream.linear.gather [hbm4b:s1+s5], $0x80, $0x38;
	[tilespmem:$0x1E900] =	vst v63  }
0xc3: {  	_ =	swait.ge [sflag:s22], $0x3E80  }
0xc4: {  	[sflag:s22] =	ssyncset.done $0x0  }
0xc5: {  	[sflag:s22] =	ssyncadd.s32 $0xFFFFC180  }
0xc6: {  	_ =	swait.ge [sflag:s23], $0x80  }
0xc7: {  	[sflag:s23] =	ssyncset.done $0x0  }
0xc8: {  	[sflag:s23] =	ssyncadd.s32 $0xFFFFFF80  }
0xc9: {  	[spmem:s3] =	stream.indirect.scatter.add.f32 [tilespmem:s18], [sflag:$0x5], $0x80, s19, s17, $0xb8;
	[tilespmem:$0x1E900] =	vst v63  }
0xca: {  	s1 =	sand.u32 $0x3C00, s30;
	_ =	swait.ge [sflag:s14], $0x3E80  }
0xcb: {  	s10 =	sand.u32 $0x300, s30;
	s1 =	sadd.s32 s4, s1;
	[sflag:s14] =	ssyncset.done $0x0  }
0xcc: {  	s30 =	smov.u32 s25;
	s1 =	sor.u32 s10, s1;
	[sflag:s14] =	ssyncadd.s32 $0xFFFFC180  }
0xcd: {  	[tilespmem:s18], [sflag:$0x1] =	stream.indirect.gather [hbm4b:s2+s17], $0x80, s31, s17, $0xb8;
	[tilespmem:$0x1E900] =	vst v63  }
0xce: {  	s1 =	sshrl.u32 s1, $0x3  }
0xcf: {  	s1 =	sadd.s32 s6, s1  }
0xd0: {  	[tilespmem:s19], [sflag:$0x3] =	stream.linear.gather [hbm4b:s1+s5], $0x80, $0x38;
	[tilespmem:$0x1E900] =	vst v63  }
.Ltmp5:
0xd1: {  	_ = 	snop;
	(pc) =	sbr.rel @p1 .LBB2_3-.Ltmp5, $4  }
0xd2: {  	_ =	swait.ge [sflag:s24], $0x3E80  }
0xd3: {  	[sflag:s24] =	ssyncset.done $0x0  }
0xd4: {  	s31 =	sadd.s32 $0x100, s31;
	s1 =	sadd.s32 $0xFFFFFF00, s30;
	[sflag:s24] =	ssyncadd.s32 $0xFFFFC180  }
0xd5: {  	s10 =	sand.u32 $0x3C00, s1;
	s1 =	smov.u32 s0;
	_ =	swait.ge [sflag:s26], $0x80  }
0xd6: {  	[sflag:s26] =	ssyncset.done $0x0  }
0xd7: {  	s0 =	sadd.s32 $0xFFFFFF80, s30;
	[sflag:s26] =	ssyncadd.s32 $0xFFFFFF80  }
0xd8: {  	[spmem:s3] =	stream.indirect.scatter.add.f32 [tilespmem:s20], [sflag:$0x5], $0x80, s21, s17, $0xb8;
	[tilespmem:$0x1E900] =	vst v63  }
0xd9: {  	s1 =	sadd.s32 s4, s10;
	s0 =	sand.u32 $0x380, s0;
	_ =	swait.ge [sflag:s14], $0x3E80  }
0xda: {  	s0 =	sor.u32 s1, s0;
	[sflag:s14] =	ssyncset.done $0x0  }
0xdb: {  	s25 =	sadd.s32 $0xFFFFFF80, s31;
	s0 =	sshrl.u32 s0, $0x3;
	[sflag:s14] =	ssyncadd.s32 $0xFFFFC180  }
0xdc: {  	[tilespmem:s20], [sflag:$0x2] =	stream.indirect.gather [hbm4b:s2+s17], $0x80, s25, s17, $0xb8;
	[tilespmem:$0x1E900] =	vst v63  }
0xdd: {  	s0 =	sadd.s32 s6, s0  }
0xde: {  	[tilespmem:s21], [sflag:$0x4] =	stream.linear.gather [hbm4b:s0+s5], $0x80, $0x38;
	[tilespmem:$0x1E900] =	vst v63  }
0xdf: {  	_ =	swait.ge [sflag:s22], $0x3E80  }
0xe0: {  	[sflag:s22] =	ssyncset.done $0x0  }
0xe1: {  	[sflag:s22] =	ssyncadd.s32 $0xFFFFC180  }
0xe2: {  	_ =	swait.ge [sflag:s23], $0x80  }
0xe3: {  	[sflag:s23] =	ssyncset.done $0x0  }
0xe4: {  	s28 =	sand.u32 $0x3C00, s30;
	[sflag:s23] =	ssyncadd.s32 $0xFFFFFF80  }
0xe5: {  	[spmem:s3] =	stream.indirect.scatter.add.f32 [tilespmem:s18], [sflag:$0x5], $0x80, s19, s17, $0xb8;
	[tilespmem:$0x1E900] =	vst v63  }
0xe6: {  	s30 =	sand.u32 $0x300, s30;
	s0 =	sadd.s32 s4, s28;
	_ =	swait.ge [sflag:s14], $0x3E80  }
0xe7: {  	s0 =	sor.u32 s30, s0;
	[sflag:s14] =	ssyncset.done $0x0  }
0xe8: {  	s0 =	sshrl.u32 s0, $0x3;
	[sflag:s14] =	ssyncadd.s32 $0xFFFFC180  }
0xe9: {  	[tilespmem:s18], [sflag:$0x1] =	stream.indirect.gather [hbm4b:s2+s17], $0x80, s31, s17, $0xb8;
	[tilespmem:$0x1E900] =	vst v63  }
0xea: {  	s0 =	sadd.s32 s6, s0  }
0xeb: {  	[tilespmem:s19], [sflag:$0x3] =	stream.linear.gather [hbm4b:s0+s5], $0x80, $0x38;
	[tilespmem:$0x1E900] =	vst v63  }
0xec: {  	_ =	swait.ge [sflag:s24], $0x3E80  }
0xed: {  	[sflag:s24] =	ssyncset.done $0x0  }
0xee: {  	[sflag:s24] =	ssyncadd.s32 $0xFFFFC180  }
0xef: {  	_ =	swait.ge [sflag:s26], $0x80  }
0xf0: {  	[sflag:s26] =	ssyncset.done $0x0  }
0xf1: {  	[sflag:s26] =	ssyncadd.s32 $0xFFFFFF80  }
0xf2: {  	[spmem:s3] =	stream.indirect.scatter.add.f32 [tilespmem:s20], [sflag:$0x5], $0x80, s21, s17, $0xb8;
	[tilespmem:$0x1E900] =	vst v63  }
0xf3: {  	_ =	swait.ge [sflag:s14], $0x3E80  }
0xf4: {  	[sflag:s14] =	ssyncset.done $0x0  }
0xf5: {  	s31 =	simm.s32 $0x2780;
	[sflag:s14] =	ssyncadd.s32 $0xFFFFC180  }
0xf6: {  	[tilespmem:s20], [sflag:$0x2] =	stream.indirect.gather [hbm4b:s2+s17], $0x80, s31, s17, $0xb8;
	[tilespmem:$0x1E900] =	vst v63  }
0xf7: {  	_ = 	snop  }
0xf8: {  	[tilespmem:s21], [sflag:$0x4] =	stream.linear.gather [hbm4b:s13+s5], $0x80, $0x38;
	[tilespmem:$0x1E900] =	vst v63  }
0xf9: {  	_ =	swait.ge [sflag:s22], $0x3E80  }
0xfa: {  	[sflag:s22] =	ssyncset.done $0x0  }
0xfb: {  	[sflag:s22] =	ssyncadd.s32 $0xFFFFC180  }
0xfc: {  	_ =	swait.ge [sflag:s23], $0x80  }
0xfd: {  	[sflag:s23] =	ssyncset.done $0x0  }
0xfe: {  	[sflag:s23] =	ssyncadd.s32 $0xFFFFFF80  }
0xff: {  	[spmem:s3] =	stream.indirect.scatter.add.f32 [tilespmem:s18], [sflag:$0x5], $0x80, s19, s17, $0xb8;
	[tilespmem:$0x1E900] =	vst v63  }
0x100: {  	_ =	swait.ge [sflag:s14], $0x3E80  }
0x101: {  	[sflag:s14] =	ssyncset.done $0x0  }
0x102: {  	[sflag:s14] =	ssyncadd.s32 $0xFFFFC180  }
0x103: {  	[tilespmem:s18], [sflag:$0x1] =	stream.indirect.gather [hbm4b:s2+s17], $0x80, s5, s17, $0xb8;
	[tilespmem:$0x1E900] =	vst v63  }
0x104: {  	_ = 	snop  }
0x105: {  	[tilespmem:s19], [sflag:$0x3] =	stream.linear.gather [hbm4b:s9+s5], $0x80, $0x38;
	[tilespmem:$0x1E900] =	vst v63  }
0x106: {  	_ =	swait.ge [sflag:s24], $0x3E80  }
0x107: {  	[sflag:s24] =	ssyncset.done $0x0  }
0x108: {  	[sflag:s24] =	ssyncadd.s32 $0xFFFFC180  }
0x109: {  	_ =	swait.ge [sflag:s26], $0x80  }
0x10a: {  	[sflag:s26] =	ssyncset.done $0x0  }
0x10b: {  	[sflag:s26] =	ssyncadd.s32 $0xFFFFFF80  }
0x10c: {  	[spmem:s3] =	stream.indirect.scatter.add.f32 [tilespmem:s20], [sflag:$0x5], $0x80, s21, s17, $0xb8;
	[tilespmem:$0x1E900] =	vst v63  }
0x10d: {  	_ =	swait.ge [sflag:s14], $0x3E80  }
0x10e: {  	[sflag:s14] =	ssyncset.done $0x0  }
0x10f: {  	[sflag:s14] =	ssyncadd.s32 $0xFFFFC180  }
0x110: {  	_ =	swait.ge [sflag:s22], $0x3E80  }
0x111: {  	[sflag:s22] =	ssyncset.done $0x0  }
0x112: {  	[sflag:s22] =	ssyncadd.s32 $0xFFFFC180  }
.Ltmp6:
0x113: {  	_ =	swait.ge [sflag:s23], $0x80;
	(pc) =	sbr.rel .LBB2_8-.Ltmp6, $4  }
0x114: {  	[sflag:s23] =	ssyncset.done $0x0  }
0x115: {  	[sflag:s23] =	ssyncadd.s32 $0xFFFFFF80  }
0x116: {  	[bflag:$0x0] =	sbarrier.arrive $0xFFFF  }
0x117: {  	s0 =	rddreg [dreg:$0x4]  }
.LBB2_9:
0x118: {  	_ =	sfence.sel $0x180000  }
0x119: {  	[bflag:$0x0] =	sbarrier.arrive $0xFFFF  }
0x11a: {  	_ =	strace $0x9000004D  }
0x11b: {  	s0 =	stileid.u32;
	[bflag:$0x2] =	sbarrier.arrive $0xFFFF  }
0x11c: {  	p0 =	sne.s32 s0, $0x0;
	s0 =	rddreg [dreg:$0x3]  }
0x11d: {  	s0 =	sadd.s32 @!p0 $0x100000, s0  }
0x11e: {  	[sflag:s0] =	ssyncadd.tile.s32 @!p0 $0x1;
	_ =	shalt  }
.Lfunc_end2:
_tile_overlayer_lowered:
.L_overlay_start_2:
0x11f: {  	(tag) =	ssettag $0x2  }
0x120: {  	s0 =	rddreg [dreg:$0x0];
	s2 =	stileid.u32  }
0x121: {  	s1 =	rddreg [dreg:$0x1];
	p0 =	sne.s32 s2, $0x0  }
0x122: {  	s3 =	rddreg [dreg:$0x2];
	[bflag:$0x3] =	sbarrier.arrive $0xFFFF;
	s2 =	simm.s32 @!p0 $0x1C05  }
0x123: {  	[timem:s3], [sflag:s2] =	dma.local @!p0 [hbm:s0], s1  }
0x124: {  	s0 =	simm.s32 @!p0 $0x5  }
0x125: {  	_ =	swait.ge @!p0 [sflag:s0], s1  }
0x126: {  	s1 =	ssub.s32 @!p0 $0x0, s1;
	[sflag:s0] =	ssyncset.done @!p0 $0x0  }
0x127: {  	[sflag:s0] =	ssyncadd.s32 @!p0 s1  }
0x128: {  	[bflag:$0x3] =	sbarrier.arrive $0xFFFF  }
0x129: {  	_ =	shalt  }

// kernel: kernel.9.cloned.1.call-start
scs
__scs_entry_jumppad:
0x0: {  	(pc) =	sbr.rel $0x88, $3  }
0x1: {  	(tag) =	ssettag $0x0;
	lr =	simm.s32 $0x1  }
0x2: {  	[smem:$0x3F97] =	sst lr;
	_ =	strace $0xD0000000  }
0x3: {  	_ = 	snop  }
0x4: {  	_ = 	snop  }
0x5: {  	_ = 	snop  }
0x6: {  	_ = 	snop  }
0x7: {  	_ = 	snop  }
__scs_overlays_trampoline_lowered:
0x8: {  	[smem:$0x3FA6] =	sst s0  }
0x9: {  	[smem:$0x3FA7] =	sst s1  }
0xa: {  	[smem:$0x3FA8] =	sst s2  }
0xb: {  	[smem:$0x3FA9] =	sst s3  }
0xc: {  	[smem:$0x3FAA] =	sst s4  }
0xd: {  	[smem:$0x3FAB] =	sst s5  }
0xe: {  	[smem:$0x3FAC] =	sst s6  }
0xf: {  	[smem:$0x3FAD] =	sst s7  }
0x10: {  	[smem:$0x3FAE] =	sst s8  }
0x11: {  	[smem:$0x3FAF] =	sst s9;
	s0 =	simm.s32 @!p0 $0x0  }
0x12: {  	s1 =	sld [smem:$0x3F95];
	s0 =	simm.s32 @p0 $0x1  }
0x13: {  	[smem:$0x3FB0] =	sst s0;
	s0 =	simm.s32 @!p1 $0x0  }
0x14: {  	s2 =	sld [smem:$0x3F94];
	s0 =	simm.s32 @p1 $0x1  }
0x15: {  	[smem:$0x3FB1] =	sst s0;
	s0 =	simm.s32 @!p2 $0x0  }
0x16: {  	s3 =	sld [smem:$0x3FDB];
	s0 =	simm.s32 @p2 $0x1  }
0x17: {  	s4 =	simm.s32 $0x1BF5;
	[smem:$0x3FB3] =	sst s0  }
0x18: {  	s0 =	sld [smem:$0x3F96];
	_ =	swait.ge [sflag:s4], $0x0  }
0x19: {  	s7 =	sld [smem:$0x3F97]  }
0x1a: {  	s8 =	sadd.s32 $0xFFFFE003, lr  }
0x1b: {  	s9 =	sadd.s32 $0xFFFFFEF7, lr;
	s5 =	simm.s32 $0xFFFFFFFF;
	p2 =	slt.u32 s8, $0xFFFFF086  }
0x1c: {  	p1 =	slt.u32 s9, $0xF7A;
	s5 =	simm.s32 @!p2 $0x0  }
0x1d: {  	s5 =	simm.s32 @p1 $0x1;
	p0 =	seq.s32 s7, s2  }
0x1e: {  	s7 =	smul.u32 @!p0 $0xF7A, s2;
	p2 =	seq.s32 @!p0 s5, $0x0  }
0x1f: {  	s9 =	smul.u32 $0xF7A, s1;
	s8 =	simm.s32 @!p0 $0x1BF5;
	p2 =	por !p2, p0  }
0x20: {  	[sflag:s8] =	ssyncset.s32 @!p0 $0xFFFFF086;
	s6 =	sadd.s32 @!p0 s3, s7;
	s7 =	simm.s32 @!p0 $0x108  }
0x21: {  	s3 =	sadd.s32 s3, s9;
	s6 =	sadd.s32 @!p0 $0x88, s6;
	s7 =	simm.s32 @p2 $0x1082  }
0x22: {  	[simem:s7], [sflag:s8] =	dma.local @!p0 [hbm:s6], $0xF7A  }
0x23: {  	s9 =	sor.u32 $0xD0000000, s2;
	s6 =	simm.s32 $0x108;
	_ =	swait.ge @!p0 [sflag:s8], $0x0  }
0x24: {  	s3 =	sadd.s32 $0x88, s3;
	s6 =	simm.s32 @!p1 $0x1082;
	[sflag:s4] =	ssyncset.s32 $0xFFFFF086  }
0x25: {  	[simem:s6], [sflag:s4] =	dma.local [hbm:s3], $0xF7A  }
0x26: {  	[smem:$0x3F97] =	sst s1;
	(tag) =	ssettag s2;
	_ =	strace s9  }
0x27: {  	s1 =	sld [smem:$0x3FA7]  }
0x28: {  	s2 =	sld [smem:$0x3FA8]  }
0x29: {  	s4 =	sld [smem:$0x3FAA]  }
0x2a: {  	p0 =	seq.s32 s5, $0x0;
	s5 =	sld [smem:$0x3FAB]  }
0x2b: {  	s6 =	sld [smem:$0x3FAC]  }
0x2c: {  	s7 =	sld [smem:$0x3FAD]  }
0x2d: {  	s3 =	simm.s32 $0x108;
	s8 =	sld [smem:$0x3FAE]  }
0x2e: {  	s3 =	simm.s32 @!p0 $0x1082;
	s9 =	sld [smem:$0x3FAF]  }
0x2f: {  	lr =	sadd.s32 s0, s3;
	s0 =	sld [smem:$0x3FA6]  }
0x30: {  	s3 =	sld [smem:$0x3FA9]  }
0x31: {  	[smem:$0x3FB2] =	sst s10  }
0x32: {  	s10 =	sld [smem:$0x3FB0];
	_ =	sdelay $0x3  }
0x33: {  	p0 =	seq.s32 s10, $0x1;
	s10 =	sld [smem:$0x3FB2];
	_ =	sdelay $0x3  }
0x34: {  	[smem:$0x3FB2] =	sst s10  }
0x35: {  	s10 =	sld [smem:$0x3FB1];
	_ =	sdelay $0x3  }
0x36: {  	p1 =	seq.s32 s10, $0x1;
	s10 =	sld [smem:$0x3FB2];
	_ =	sdelay $0x3  }
0x37: {  	[smem:$0x3FB2] =	sst s10  }
0x38: {  	s10 =	sld [smem:$0x3FB3]  }
0x39: {  	_ = 	snop;
	(pc) =	sbr.ind lr, $3  }
0x3a: {  	_ = 	snop  }
0x3b: {  	_ = 	snop  }
0x3c: {  	p2 =	seq.s32 s10, $0x1;
	s10 =	sld [smem:$0x3FB2]  }
0x3d: {  	_ =	shalt  }
0x3e: {  	_ =	shalt  }
0x3f: {  	_ =	shalt  }
0x40: {  	_ =	shalt  }
0x41: {  	_ =	shalt  }
0x42: {  	_ =	shalt  }
0x43: {  	_ =	shalt  }
0x44: {  	_ =	shalt  }
0x45: {  	_ =	shalt  }
0x46: {  	_ =	shalt  }
0x47: {  	_ =	shalt  }
0x48: {  	_ =	shalt  }
0x49: {  	_ =	shalt  }
0x4a: {  	_ =	shalt  }
0x4b: {  	_ =	shalt  }
0x4c: {  	_ =	shalt  }
0x4d: {  	_ =	shalt  }
0x4e: {  	_ =	shalt  }
0x4f: {  	_ =	shalt  }
0x50: {  	_ =	shalt  }
0x51: {  	_ =	shalt  }
0x52: {  	_ =	shalt  }
0x53: {  	_ =	shalt  }
0x54: {  	_ =	shalt  }
0x55: {  	_ =	shalt  }
0x56: {  	_ =	shalt  }
0x57: {  	_ =	shalt  }
0x58: {  	_ =	shalt  }
0x59: {  	_ =	shalt  }
0x5a: {  	_ =	shalt  }
0x5b: {  	_ =	shalt  }
0x5c: {  	_ =	shalt  }
0x5d: {  	_ =	shalt  }
0x5e: {  	_ =	shalt  }
0x5f: {  	_ =	shalt  }
0x60: {  	_ =	shalt  }
0x61: {  	_ =	shalt  }
0x62: {  	_ =	shalt  }
0x63: {  	_ =	shalt  }
0x64: {  	_ =	shalt  }
0x65: {  	_ =	shalt  }
0x66: {  	_ =	shalt  }
0x67: {  	_ =	shalt  }
0x68: {  	_ =	shalt  }
0x69: {  	_ =	shalt  }
0x6a: {  	_ =	shalt  }
0x6b: {  	_ =	shalt  }
0x6c: {  	_ =	shalt  }
0x6d: {  	_ =	shalt  }
0x6e: {  	_ =	shalt  }
0x6f: {  	_ =	shalt  }
0x70: {  	_ =	shalt  }
0x71: {  	_ =	shalt  }
0x72: {  	_ =	shalt  }
0x73: {  	_ =	shalt  }
0x74: {  	_ =	shalt  }
0x75: {  	_ =	shalt  }
0x76: {  	_ =	shalt  }
0x77: {  	_ =	shalt  }
0x78: {  	_ =	shalt  }
0x79: {  	_ =	shalt  }
0x7a: {  	_ =	shalt  }
0x7b: {  	_ =	shalt  }
0x7c: {  	_ =	shalt  }
0x7d: {  	_ =	shalt  }
0x7e: {  	_ =	shalt  }
0x7f: {  	_ =	shalt  }
0x80: {  	_ =	shalt  }
0x81: {  	_ =	shalt  }
0x82: {  	_ =	shalt  }
0x83: {  	_ =	shalt  }
0x84: {  	_ =	shalt  }
0x85: {  	_ =	shalt  }
0x86: {  	_ =	shalt  }
0x87: {  	_ =	shalt  }
.Lfunc_end0:
.L_simem_size_0:
called_computation_lowered:
.L_overlay_start_0:
0x88: {  	s2 =	sld [smem:$0x3FD9]  }
0x89: {  	s3 =	sld [smem:$0x3FFE];
	_ =	sdelay $0x1  }
0x8a: {  	s1 =	srdreg.scid  }
0x8b: {  	s0 =	sand.u32 $0x1, s1  }
0x8c: {  	s17 =	sshll.u32 s0, $0xA;
	s2 =	sadd.s32 s3, s2  }
0x8d: {  	s2 =	sadd.s32 s2, s17  }
0x8e: {  	[smem:$0x3FBE] =	sst s2  }
0x8f: {  	_ = 	snop  }
0x90: {  	s2 =	sld [smem:$0x3FD0];
	(tm) =	ssettm $0x1  }
0x91: {  	s18 =	sld [smem:$0x3FFB];
	_ =	sdelay $0x3  }
0x92: {  	_ =	strace s18  }
0x93: {  	s3 =	sld [smem:$0x3FFC];
	_ =	sdelay $0x3  }
0x94: {  	_ =	strace s3  }
0x95: {  	s3 =	sld [smem:$0x3FFD];
	_ =	sdelay $0x3  }
0x96: {  	_ =	strace s3  }
0x97: {  	_ =	strace $0x8FFFFFFF  }
0x98: {  	s19 =	sld [smem:$0x3FDB];
	_ =	sdelay $0x1  }
0x99: {  	s4 =	simm.s32 $_scs_section_size  }
0x9a: {  	s5 =	simm.s32 $_size__tile_overlayer_lowered;
	s6 =	simm.s32 $_tile_overlayer_lowered  }
0x9b: {  	s22 =	simm.s32 $0x1BFF;
	s21 =	sshll.u32 s6, $0x1;
	s3 =	sadd.s32 s4, s19  }
0x9c: {  	s7 =	simm.s32 $0x0;
	s20 =	sshll.u32 s5, $0x1;
	s5 =	sadd.s32 s21, s3  }
0x9d: {  	[timem:s7], [sflag:s22] =	dma.local [hbm:s5], s20  }
0x9e: {  	_ =	swait.ge [sflag:s22], s20  }
0x9f: {  	s4 =	ssub.s32 $0x0, s20;
	[sflag:s22] =	ssyncset.done $0x0  }
0xa0: {  	[sflag:s22] =	ssyncadd.s32 s4;
	_ =	sdelay $0x1  }
0xa1: {  	s23 =	simm.s32 $0x1B8B  }
0xa2: {  	_ =	swait.ge [sflag:s23], $0x1  }
0xa3: {  	[sflag:s23] =	ssyncset.done $0x0  }
0xa4: {  	s25 =	simm.s32 $0x1B8E;
	s24 =	sld [smem:$0x3FFE];
	[sflag:s23] =	ssyncadd.s32 $0xFFFFFFFF  }
0xa5: {  	s26 =	simm.s32 $execute0_lowered;
	[smem:$0x3FD2] =	sst s25  }
0xa6: {  	s5 =	sshll.u32 s26, $0x1;
	_ =	strace $0x80000046;
	[dreg:$0x1] =	wrdreg $0xFFFFFFFF  }
0xa7: {  	s28 =	simm.s32 $_size_execute0_lowered;
	s3 =	sadd.s32 s3, s5;
	[dreg:$0x0] =	wrdreg $0x0  }
0xa8: {  	s5 =	sshll.u32 s28, $0x1;
	[dreg:$0x2] =	wrdreg s3  }
0xa9: {  	[dreg:$0x3] =	wrdreg s5  }
0xaa: {  	[dreg:$0x4] =	wrdreg $0xC0  }
0xab: {  	_ =	task [dreg:s7], $0x5FFFF  }
0xac: {  	[dreg:$0x1] =	wrdreg $0xFFFFFFFF  }
0xad: {  	[dreg:$0x0] =	wrdreg $0x60  }
0xae: {  	[dreg:$0x2] =	wrdreg s2  }
0xaf: {  	[dreg:$0x3] =	wrdreg s24  }
0xb0: {  	[dreg:$0x4] =	wrdreg $0xA9000  }
0xb1: {  	[dreg:$0x5] =	wrdreg $0x9  }
0xb2: {  	_ =	task.clear_ibuf [dreg:s7], $0x6FFFF;
	_ =	strace $0x90000046  }
0xb3: {  	s29 =	simm.s32 $0x9;
	_ =	strace $0x80000048  }
0xb4: {  	_ =	swait.ge [sflag:s29], $0x1  }
0xb5: {  	[sflag:s29] =	ssyncadd.s32 $0xFFFFFFFF  }
0xb6: {  	_ =	strace $0x90000048  }
0xb7: {  	_ =	sfence  }
0xb8: {  	s30 =	sld [smem:$0x0];
	_ =	sdelay $0x2  }
0xb9: {  	s31 =	sshll.u32 s1, $0xD;
	s1 =	sshrl.u32 s1, $0x2  }
0xba: {  	s3 =	sand.u32 $0x4000, s31;
	s1 =	sadd.s32 s1, s30  }
0xbb: {  	s0 =	sor.u32 s3, s0;
	s1 =	sshll.u32 s1, $0x11  }
0xbc: {  	s0 =	sor.u32 s1, s0  }
0xbd: {  	s0 =	sadd.s32 $0x8F2B, s0  }
0xbe: {  	[sflag:s0] =	ssyncadd.remote.s32 $0x1  }
0xbf: {  	_ =	sfence.sel $0xFFFF  }
0xc0: {  	[dreg:$0x0] =	wrdreg $0xFFFFFFFF;
	(pc) =	sbr.abs _section_cstart, $3  }
0xc1: {  	[dreg:$0x1] =	wrdreg $0xFFFFFFFF  }
0xc2: {  	_ =	task.clear_ibuf [dreg:s7], $0x2FFFF;
	_ =	strace $0x9FFFFFFF  }
0xc3: {  	(tm) =	ssettm $0x7FFFFFFF  }
tec
execute0_lowered:
.L_overlay_start_1:
0x0: {  	(tag) =	ssettag $0x1  }
0x1: {  	s2 =	rddreg [dreg:$0x0]  }
0x2: {  	s0 =	rddreg [dreg:$0x1]  }
0x3: {  	s14 =	stileid.u32;
	s3 =	rddreg [dreg:$0x2];
	s5 =	simm.s32 $0x0  }
0x4: {  	s6 =	srdreg.scid;
	s17 =	simm.s32 $0x7D;
	s18 =	simm.s32 $0x2900  }
0x5: {  	s19 =	simm.s32 $0x2800;
	s20 =	simm.s32 $0x6900;
	s21 =	simm.s32 $0x2880  }
0x6: {  	s22 =	simm.s32 $0x1;
	s23 =	simm.s32 $0x3;
	s24 =	simm.s32 $0x2  }
0x7: {  	s26 =	simm.s32 $0x4;
	s29 =	simm.s32 $0x0;
	s4 =	smul.u32 $0x2800, s14  }
0x8: {  	[smem:$0x7FF] =	sst s5;
	s9 =	sand.u32 $0x1, s6;
	s6 =	sadd.s32 $0x2800, s0  }
0x9: {  	s11 =	smul.u32 $0x50000, s14;
	s7 =	sadd.s32 $0xC800, s0;
	s31 =	sshll.u32 s14, $0x6  }
0xa: {  	s14 =	simm.s32 $0x5;
	_ =	strace $0x80000047;
	s10 =	ssub.s32 $0x2, s9  }
0xb: {  	p0 =	seq.s32 s9, $0x1;
	s15 =	sor.u32 $0x1C05, s31;
	s1 =	sshrl.u32 s4, $0x3  }
0xc: {  	s12 =	sadd.s32 s4, s0;
	s13 =	sshrl.u32 s10, $0x1;
	s11 =	sshrl.u32 s11, $0x2  }
.Ltmp0:
0xd: {  	s8 =	sadd.s32 s1, s0;
	s10 =	ssub.s32 s10, s13;
	(pc) =	sbr.rel .LBB2_1-.Ltmp0, $4  }
0xe: {  	s16 =	sadd.s32 s11, s3;
	s9 =	sadd.s32 s6, s1;
	s30 =	sadd.s32 $0xF000, s12  }
0xf: {  	s11 =	sadd.s32 $0x27100, s2;
	s0 =	sadd.s32 $0x37000, s0;
	s8 =	sadd.s32 $0x7800, s8  }
0x10: {  	[dreg:$0x4] =	wrdreg s30;
	s12 =	smax.u32 s10, $0x1;
	s0 =	sadd.s32 s4, s0  }
0x11: {  	s13 =	sadd.s32 $0x4F0, s9;
	s16 =	sshrl.u32 s16, $0x3;
	[dreg:$0x5] =	wrdreg s0  }
.LBB2_7:
0x12: {  	[sflag:s26] =	ssyncset.done $0x0  }
0x13: {  	s0 =	sadd.s32 $0xFFFFFF80, s30;
	[sflag:s26] =	ssyncadd.s32 $0xFFFFFF80  }
0x14: {  	[spmem:s3] =	stream.indirect.scatter.add.f32 [tilespmem:s20], [sflag:$0x5], $0x80, s21, s17, $0xb8;
	[tilespmem:$0x1E900] =	vst v63  }
0x15: {  	s1 =	sadd.s32 s4, s10;
	s0 =	sand.u32 $0x380, s0;
	_ =	swait.ge [sflag:s14], $0x3E80  }
0x16: {  	s0 =	sor.u32 s1, s0;
	[sflag:s14] =	ssyncset.done $0x0  }
0x17: {  	s25 =	sadd.s32 $0xFFFFFF80, s31;
	s0 =	sshrl.u32 s0, $0x3;
	[sflag:s14] =	ssyncadd.s32 $0xFFFFC180  }
0x18: {  	[tilespmem:s20], [sflag:$0x2] =	stream.indirect.gather [hbm4b:s11+s17], $0x80, s25, s17, $0xb8;
	[tilespmem:$0x1E900] =	vst v63  }
0x19: {  	s0 =	sadd.s32 s6, s0  }
0x1a: {  	[tilespmem:s21], [sflag:$0x4] =	stream.linear.gather [hbm4b:s0+s5], $0x80, $0x38;
	[tilespmem:$0x1E900] =	vst v63  }
0x1b: {  	_ =	swait.ge [sflag:s22], $0x3E80  }
0x1c: {  	[sflag:s22] =	ssyncset.done $0x0  }
0x1d: {  	[sflag:s22] =	ssyncadd.s32 $0xFFFFC180  }
0x1e: {  	_ =	swait.ge [sflag:s23], $0x80  }
0x1f: {  	[sflag:s23] =	ssyncset.done $0x0  }
0x20: {  	s28 =	sand.u32 $0x3C00, s30;
	[sflag:s23] =	ssyncadd.s32 $0xFFFFFF80  }
0x21: {  	[spmem:s3] =	stream.indirect.scatter.add.f32 [tilespmem:s18], [sflag:$0x5], $0x80, s19, s17, $0xb8;
	[tilespmem:$0x1E900] =	vst v63  }
0x22: {  	s30 =	sand.u32 $0x300, s30;
	s0 =	sadd.s32 s4, s28;
	_ =	swait.ge [sflag:s14], $0x3E80  }
0x23: {  	s0 =	sor.u32 s30, s0;
	[sflag:s14] =	ssyncset.done $0x0  }
0x24: {  	s0 =	sshrl.u32 s0, $0x3;
	[sflag:s14] =	ssyncadd.s32 $0xFFFFC180  }
0x25: {  	[tilespmem:s18], [sflag:$0x1] =	stream.indirect.gather [hbm4b:s11+s17], $0x80, s31, s17, $0xb8;
	[tilespmem:$0x1E900] =	vst v63  }
0x26: {  	s0 =	sadd.s32 s6, s0  }
0x27: {  	[tilespmem:s19], [sflag:$0x3] =	stream.linear.gather [hbm4b:s0+s5], $0x80, $0x38;
	[tilespmem:$0x1E900] =	vst v63  }
0x28: {  	_ =	swait.ge [sflag:s24], $0x3E80  }
0x29: {  	[sflag:s24] =	ssyncset.done $0x0  }
0x2a: {  	[sflag:s24] =	ssyncadd.s32 $0xFFFFC180  }
0x2b: {  	_ =	swait.ge [sflag:s26], $0x80  }
0x2c: {  	[sflag:s26] =	ssyncset.done $0x0  }
0x2d: {  	[sflag:s26] =	ssyncadd.s32 $0xFFFFFF80  }
0x2e: {  	[spmem:s3] =	stream.indirect.scatter.add.f32 [tilespmem:s20], [sflag:$0x5], $0x80, s21, s17, $0xb8;
	[tilespmem:$0x1E900] =	vst v63  }
0x2f: {  	_ =	swait.ge [sflag:s14], $0x3E80  }
0x30: {  	[sflag:s14] =	ssyncset.done $0x0  }
0x31: {  	s31 =	simm.s32 $0x2780;
	[sflag:s14] =	ssyncadd.s32 $0xFFFFC180  }
0x32: {  	[tilespmem:s20], [sflag:$0x2] =	stream.indirect.gather [hbm4b:s11+s17], $0x80, s31, s17, $0xb8;
	[tilespmem:$0x1E900] =	vst v63  }
0x33: {  	_ = 	snop  }
0x34: {  	[tilespmem:s21], [sflag:$0x4] =	stream.linear.gather [hbm4b:s13+s5], $0x80, $0x38;
	[tilespmem:$0x1E900] =	vst v63  }
0x35: {  	_ =	swait.ge [sflag:s22], $0x3E80  }
0x36: {  	[sflag:s22] =	ssyncset.done $0x0  }
0x37: {  	[sflag:s22] =	ssyncadd.s32 $0xFFFFC180  }
0x38: {  	_ =	swait.ge [sflag:s23], $0x80  }
0x39: {  	[sflag:s23] =	ssyncset.done $0x0  }
0x3a: {  	[sflag:s23] =	ssyncadd.s32 $0xFFFFFF80  }
0x3b: {  	[spmem:s3] =	stream.indirect.scatter.add.f32 [tilespmem:s18], [sflag:$0x5], $0x80, s19, s17, $0xb8;
	[tilespmem:$0x1E900] =	vst v63  }
0x3c: {  	_ =	swait.ge [sflag:s14], $0x3E80  }
0x3d: {  	[sflag:s14] =	ssyncset.done $0x0  }
0x3e: {  	[sflag:s14] =	ssyncadd.s32 $0xFFFFC180  }
0x3f: {  	[tilespmem:s18], [sflag:$0x1] =	stream.indirect.gather [hbm4b:s11+s17], $0x80, s5, s17, $0xb8;
	[tilespmem:$0x1E900] =	vst v63  }
0x40: {  	_ = 	snop  }
0x41: {  	[tilespmem:s19], [sflag:$0x3] =	stream.linear.gather [hbm4b:s9+s5], $0x80, $0x38;
	[tilespmem:$0x1E900] =	vst v63  }
0x42: {  	_ =	swait.ge [sflag:s24], $0x3E80  }
0x43: {  	[sflag:s24] =	ssyncset.done $0x0  }
0x44: {  	[sflag:s24] =	ssyncadd.s32 $0xFFFFC180  }
0x45: {  	_ =	swait.ge [sflag:s26], $0x80  }
0x46: {  	[sflag:s26] =	ssyncset.done $0x0  }
0x47: {  	[sflag:s26] =	ssyncadd.s32 $0xFFFFFF80  }
0x48: {  	[spmem:s3] =	stream.indirect.scatter.add.f32 [tilespmem:s20], [sflag:$0x5], $0x80, s21, s17, $0xb8;
	[tilespmem:$0x1E900] =	vst v63  }
0x49: {  	_ =	swait.ge [sflag:s14], $0x3E80  }
0x4a: {  	[sflag:s14] =	ssyncset.done $0x0  }
0x4b: {  	[sflag:s14] =	ssyncadd.s32 $0xFFFFC180  }
0x4c: {  	_ =	swait.ge [sflag:s22], $0x3E80  }
0x4d: {  	[sflag:s22] =	ssyncset.done $0x0  }
0x4e: {  	[sflag:s22] =	ssyncadd.s32 $0xFFFFC180  }
0x4f: {  	_ =	swait.ge [sflag:s23], $0x80  }
0x50: {  	[sflag:s23] =	ssyncset.done $0x0  }
0x51: {  	[sflag:s23] =	ssyncadd.s32 $0xFFFFFF80  }
0x52: {  	[bflag:$0x0] =	sbarrier.arrive $0xFFFF  }
0x53: {  	s0 =	rddreg [dreg:$0x5]  }
.LBB2_8:
0x54: {  	s29 =	sadd.s32 $0x1, s29  }
0x55: {  	p1 =	sne.s32 s29, s12  }
.Ltmp1:
0x56: {  	_ = 	snop;
	(pc) =	sbr.rel @!p1 .LBB2_9-.Ltmp1, $4  }
0x57: {  	[hbm:s0], [sflag:s15] =	dma.local [spmem:s16], $0x2800  }
0x58: {  	_ =	swait.ge [sflag:s14], $0x2800  }
0x59: {  	[sflag:s14] =	ssyncset.done $0x0  }
0x5a: {  	[sflag:s14] =	ssyncadd.s32 $0xFFFFD800  }
.LBB2_1:
0x5b: {  	[tilespmem:s5], [sflag:$0x5] =	stream.linear.gather [hbm4b:s8+s5], $0x2800, $0x38;
	[tilespmem:$0x1E900] =	vst v63  }
0x5c: {  	_ =	swait.ge [sflag:s14], $0x2800  }
0x5d: {  	[sflag:s14] =	ssyncset.done $0x0  }
0x5e: {  	[sflag:s14] =	ssyncadd.s32 $0xFFFFD800  }
0x5f: {  	[spmem:s16], [sflag:s15] =	dma.local [hbm:s7], $0x2800  }
.Ltmp2:
0x60: {  	_ =	swait.ge [sflag:s14], $0x2800;
	(pc) =	sbr.rel @!p0 .LBB2_2-.Ltmp2, $3  }
0x61: {  	[sflag:s14] =	ssyncset.done $0x0  }
0x62: {  	[sflag:s14] =	ssyncadd.s32 $0xFFFFD800  }
0x63: {  	[bflag:$0x0] =	sbarrier.arrive $0xFFFF;
	_ =	sdelay $0x1  }
0x64: {  	[tilespmem:s18], [sflag:$0x1] =	stream.indirect.gather [hbm4b:s11+s17], $0x80, s5, s17, $0xb8;
	[tilespmem:$0x1E900] =	vst v63  }
0x65: {  	s0 =	simm.s32 $0x0  }
0x66: {  	s1 =	simm.s32 $0x80;
	s0 =	sand.u32 $0x3C00, s0  }
0x67: {  	[tilespmem:s19], [sflag:$0x3] =	stream.linear.gather [hbm4b:s9+s5], $0x80, $0x38;
	[tilespmem:$0x1E900] =	vst v63  }
0x68: {  	s1 =	sand.u32 $0x380, s1;
	s0 =	sadd.s32 s4, s0  }
0x69: {  	s0 =	sor.u32 s0, s1  }
0x6a: {  	s25 =	simm.s32 $0x80;
	s0 =	sshrl.u32 s0, $0x3  }
0x6b: {  	[tilespmem:s20], [sflag:$0x2] =	stream.indirect.gather [hbm4b:s11+s17], $0x80, s25, s17, $0xb8;
	[tilespmem:$0x1E900] =	vst v63  }
0x6c: {  	s0 =	sadd.s32 s6, s0  }
0x6d: {  	[tilespmem:s21], [sflag:$0x4] =	stream.linear.gather [hbm4b:s0+s5], $0x80, $0x38;
	[tilespmem:$0x1E900] =	vst v63  }
0x6e: {  	_ =	swait.ge [sflag:s22], $0x3E80  }
0x6f: {  	[sflag:s22] =	ssyncset.done $0x0  }
0x70: {  	[sflag:s22] =	ssyncadd.s32 $0xFFFFC180  }
0x71: {  	_ =	swait.ge [sflag:s23], $0x80  }
0x72: {  	s28 =	simm.s32 $0x100;
	[sflag:s23] =	ssyncset.done $0x0  }
0x73: {  	s10 =	sand.u32 $0x3C00, s28;
	[sflag:s23] =	ssyncadd.s32 $0xFFFFFF80  }
0x74: {  	[spmem:s3] =	stream.indirect.scatter.add.f32 [tilespmem:s18], [sflag:$0x5], $0x80, s19, s17, $0xb8;
	[tilespmem:$0x1E900] =	vst v63  }
0x75: {  	s1 =	sadd.s32 s4, s10;
	s10 =	sand.u32 $0x300, s28;
	_ =	swait.ge [sflag:s14], $0x3E80  }
0x76: {  	s1 =	sor.u32 s10, s1;
	[sflag:s14] =	ssyncset.done $0x0  }
0x77: {  	s25 =	sshrl.u32 s1, $0x3;
	[sflag:s14] =	ssyncadd.s32 $0xFFFFC180  }
0x78: {  	[tilespmem:s18], [sflag:$0x1] =	stream.indirect.gather [hbm4b:s11+s17], $0x80, s28, s17, $0xb8;
	[tilespmem:$0x1E900] =	vst v63  }
0x79: {  	s0 =	sadd.s32 s6, s25  }
0x7a: {  	[tilespmem:s19], [sflag:$0x3] =	stream.linear.gather [hbm4b:s0+s5], $0x80, $0x38;
	[tilespmem:$0x1E900] =	vst v63  }
0x7b: {  	_ =	swait.ge [sflag:s24], $0x3E80  }
0x7c: {  	s30 =	simm.s32 $0x200;
	[sflag:s24] =	ssyncset.done $0x0  }
0x7d: {  	s31 =	simm.s32 $0x200;
	s28 =	simm.s32 $0x100;
	[sflag:s24] =	ssyncadd.s32 $0xFFFFC180  }
0x7e: {  	s10 =	sand.u32 $0x3C00, s28;
	s0 =	simm.s32 $0x300;
	_ =	swait.ge [sflag:s26], $0x80  }
.LBB2_6:
0x7f: {  	s10 =	sadd.s32 s4, s10  }
0x80: {  	s25 =	sadd.s32 $0xFFFFFF80, s30;
	[sflag:s26] =	ssyncset.done $0x0;
	s28 =	smov.u32 s0  }
0x81: {  	s1 =	sadd.s32 $0x100, s0;
	s25 =	sand.u32 $0x380, s25;
	[sflag:s26] =	ssyncadd.s32 $0xFFFFFF80  }
0x82: {  	[spmem:s3] =	stream.indirect.scatter.add.f32 [tilespmem:s20], [sflag:$0x5], $0x80, s21, s17, $0xb8;
	[tilespmem:$0x1E900] =	vst v63  }
0x83: {  	p1 =	sne.s32 s0, $0x2700;
	s0 =	sor.u32 s10, s25;
	_ =	swait.ge [sflag:s14], $0x3E80  }
0x84: {  	s0 =	sshrl.u32 s0, $0x3;
	[sflag:s14] =	ssyncset.done $0x0  }
0x85: {  	s10 =	sadd.s32 $0xFFFFFF80, s31;
	s0 =	sadd.s32 s6, s0;
	[sflag:s14] =	ssyncadd.s32 $0xFFFFC180  }
0x86: {  	[tilespmem:s20], [sflag:$0x2] =	stream.indirect.gather [hbm4b:s11+s17], $0x80, s10, s17, $0xb8;
	[tilespmem:$0x1E900] =	vst v63  }
0x87: {  	_ = 	snop  }
0x88: {  	[tilespmem:s21], [sflag:$0x4] =	stream.linear.gather [hbm4b:s0+s5], $0x80, $0x38;
	[tilespmem:$0x1E900] =	vst v63  }
0x89: {  	_ =	swait.ge [sflag:s22], $0x3E80  }
0x8a: {  	[sflag:s22] =	ssyncset.done $0x0  }
0x8b: {  	[sflag:s22] =	ssyncadd.s32 $0xFFFFC180  }
0x8c: {  	_ =	swait.ge [sflag:s23], $0x80  }
0x8d: {  	[sflag:s23] =	ssyncset.done $0x0  }
0x8e: {  	[sflag:s23] =	ssyncadd.s32 $0xFFFFFF80  }
0x8f: {  	[spmem:s3] =	stream.indirect.scatter.add.f32 [tilespmem:s18], [sflag:$0x5], $0x80, s19, s17, $0xb8;
	[tilespmem:$0x1E900] =	vst v63  }
0x90: {  	s0 =	sand.u32 $0x3C00, s30;
	_ =	swait.ge [sflag:s14], $0x3E80  }
0x91: {  	s10 =	sand.u32 $0x300, s30;
	s0 =	sadd.s32 s4, s0;
	[sflag:s14] =	ssyncset.done $0x0  }
0x92: {  	s30 =	smov.u32 s28;
	s0 =	sor.u32 s10, s0;
	[sflag:s14] =	ssyncadd.s32 $0xFFFFC180  }
0x93: {  	[tilespmem:s18], [sflag:$0x1] =	stream.indirect.gather [hbm4b:s11+s17], $0x80, s31, s17, $0xb8;
	[tilespmem:$0x1E900] =	vst v63  }
0x94: {  	s0 =	sshrl.u32 s0, $0x3  }
0x95: {  	s0 =	sadd.s32 s6, s0  }
0x96: {  	[tilespmem:s19], [sflag:$0x3] =	stream.linear.gather [hbm4b:s0+s5], $0x80, $0x38;
	[tilespmem:$0x1E900] =	vst v63  }
.Ltmp3:
0x97: {  	_ = 	snop;
	(pc) =	sbr.rel @p1 .LBB2_6-.Ltmp3, $4  }
0x98: {  	_ =	swait.ge [sflag:s24], $0x3E80  }
0x99: {  	[sflag:s24] =	ssyncset.done $0x0  }
0x9a: {  	s31 =	sadd.s32 $0x100, s31;
	s0 =	sadd.s32 $0xFFFFFF00, s30;
	[sflag:s24] =	ssyncadd.s32 $0xFFFFC180  }
0x9b: {  	s10 =	sand.u32 $0x3C00, s0;
	s0 =	smov.u32 s1;
	_ =	swait.ge [sflag:s26], $0x80  }
.Ltmp4:
0x9c: {  	_ = 	snop;
	(pc) =	sbr.rel .LBB2_7-.Ltmp4, $1  }
0x9d: {  	_ =	sdelay $0x3  }
.LBB2_2:
0x9e: {  	[tilespmem:s18], [sflag:$0x1] =	stream.indirect.gather [hbm4b:s2+s17], $0x80, s5, s17, $0xb8;
	[tilespmem:$0x1E900] =	vst v63  }
0x9f: {  	s0 =	simm.s32 $0x0  }
0xa0: {  	s1 =	simm.s32 $0x80;
	s0 =	sand.u32 $0x3C00, s0  }
0xa1: {  	[tilespmem:s19], [sflag:$0x3] =	stream.linear.gather [hbm4b:s9+s5], $0x80, $0x38;
	[tilespmem:$0x1E900] =	vst v63  }
0xa2: {  	s1 =	sand.u32 $0x380, s1;
	s0 =	sadd.s32 s4, s0  }
0xa3: {  	s0 =	sor.u32 s0, s1  }
0xa4: {  	s25 =	simm.s32 $0x80;
	s0 =	sshrl.u32 s0, $0x3  }
0xa5: {  	[tilespmem:s20], [sflag:$0x2] =	stream.indirect.gather [hbm4b:s2+s17], $0x80, s25, s17, $0xb8;
	[tilespmem:$0x1E900] =	vst v63  }
0xa6: {  	s0 =	sadd.s32 s6, s0  }
0xa7: {  	[tilespmem:s21], [sflag:$0x4] =	stream.linear.gather [hbm4b:s0+s5], $0x80, $0x38;
	[tilespmem:$0x1E900] =	vst v63  }
0xa8: {  	_ =	swait.ge [sflag:s22], $0x3E80  }
0xa9: {  	[sflag:s22] =	ssyncset.done $0x0  }
0xaa: {  	[sflag:s22] =	ssyncadd.s32 $0xFFFFC180  }
0xab: {  	_ =	swait.ge [sflag:s23], $0x80  }
0xac: {  	s28 =	simm.s32 $0x100;
	[sflag:s23] =	ssyncset.done $0x0  }
0xad: {  	s10 =	sand.u32 $0x3C00, s28;
	[sflag:s23] =	ssyncadd.s32 $0xFFFFFF80  }
0xae: {  	[spmem:s3] =	stream.indirect.scatter.add.f32 [tilespmem:s18], [sflag:$0x5], $0x80, s19, s17, $0xb8;
	[tilespmem:$0x1E900] =	vst v63  }
0xaf: {  	s1 =	sadd.s32 s4, s10;
	s10 =	sand.u32 $0x300, s28;
	_ =	swait.ge [sflag:s14], $0x3E80  }
0xb0: {  	s1 =	sor.u32 s10, s1;
	[sflag:s14] =	ssyncset.done $0x0  }
0xb1: {  	s25 =	sshrl.u32 s1, $0x3;
	[sflag:s14] =	ssyncadd.s32 $0xFFFFC180  }
0xb2: {  	[tilespmem:s18], [sflag:$0x1] =	stream.indirect.gather [hbm4b:s2+s17], $0x80, s28, s17, $0xb8;
	[tilespmem:$0x1E900] =	vst v63  }
0xb3: {  	s0 =	sadd.s32 s6, s25  }
0xb4: {  	[tilespmem:s19], [sflag:$0x3] =	stream.linear.gather [hbm4b:s0+s5], $0x80, $0x38;
	[tilespmem:$0x1E900] =	vst v63  }
0xb5: {  	_ =	swait.ge [sflag:s24], $0x3E80  }
0xb6: {  	s30 =	simm.s32 $0x200;
	[sflag:s24] =	ssyncset.done $0x0  }
0xb7: {  	s31 =	simm.s32 $0x200;
	s28 =	simm.s32 $0x100;
	[sflag:s24] =	ssyncadd.s32 $0xFFFFC180  }
0xb8: {  	s1 =	simm.s32 $0x300;
	s10 =	sand.u32 $0x3C00, s28;
	_ =	swait.ge [sflag:s26], $0x80  }
.LBB2_3:
0xb9: {  	s10 =	sadd.s32 s4, s10  }
0xba: {  	s28 =	sadd.s32 $0xFFFFFF80, s30;
	[sflag:s26] =	ssyncset.done $0x0;
	s25 =	smov.u32 s1  }
0xbb: {  	s0 =	sadd.s32 $0x100, s1;
	s28 =	sand.u32 $0x380, s28;
	[sflag:s26] =	ssyncadd.s32 $0xFFFFFF80  }
0xbc: {  	[spmem:s3] =	stream.indirect.scatter.add.f32 [tilespmem:s20], [sflag:$0x5], $0x80, s21, s17, $0xb8;
	[tilespmem:$0x1E900] =	vst v63  }
0xbd: {  	p1 =	sne.s32 s1, $0x2700;
	s1 =	sor.u32 s10, s28;
	_ =	swait.ge [sflag:s14], $0x3E80  }
0xbe: {  	s1 =	sshrl.u32 s1, $0x3;
	[sflag:s14] =	ssyncset.done $0x0  }
0xbf: {  	s10 =	sadd.s32 $0xFFFFFF80, s31;
	s1 =	sadd.s32 s6, s1;
	[sflag:s14] =	ssyncadd.s32 $0xFFFFC180  }
0xc0: {  	[tilespmem:s20], [sflag:$0x2] =	stream.indirect.gather [hbm4b:s2+s17], $0x80, s10, s17, $0xb8;
	[tilespmem:$0x1E900] =	vst v63  }
0xc1: {  	_ = 	snop  }
0xc2: {  	[tilespmem:s21], [sflag:$0x4] =	stream.linear.gather [hbm4b:s1+s5], $0x80, $0x38;
	[tilespmem:$0x1E900] =	vst v63  }
0xc3: {  	_ =	swait.ge [sflag:s22], $0x3E80  }
0xc4: {  	[sflag:s22] =	ssyncset.done $0x0  }
0xc5: {  	[sflag:s22] =	ssyncadd.s32 $0xFFFFC180  }
0xc6: {  	_ =	swait.ge [sflag:s23], $0x80  }
0xc7: {  	[sflag:s23] =	ssyncset.done $0x0  }
0xc8: {  	[sflag:s23] =	ssyncadd.s32 $0xFFFFFF80  }
0xc9: {  	[spmem:s3] =	stream.indirect.scatter.add.f32 [tilespmem:s18], [sflag:$0x5], $0x80, s19, s17, $0xb8;
	[tilespmem:$0x1E900] =	vst v63  }
0xca: {  	s1 =	sand.u32 $0x3C00, s30;
	_ =	swait.ge [sflag:s14], $0x3E80  }
0xcb: {  	s10 =	sand.u32 $0x300, s30;
	s1 =	sadd.s32 s4, s1;
	[sflag:s14] =	ssyncset.done $0x0  }
0xcc: {  	s30 =	smov.u32 s25;
	s1 =	sor.u32 s10, s1;
	[sflag:s14] =	ssyncadd.s32 $0xFFFFC180  }
0xcd: {  	[tilespmem:s18], [sflag:$0x1] =	stream.indirect.gather [hbm4b:s2+s17], $0x80, s31, s17, $0xb8;
	[tilespmem:$0x1E900] =	vst v63  }
0xce: {  	s1 =	sshrl.u32 s1, $0x3  }
0xcf: {  	s1 =	sadd.s32 s6, s1  }
0xd0: {  	[tilespmem:s19], [sflag:$0x3] =	stream.linear.gather [hbm4b:s1+s5], $0x80, $0x38;
	[tilespmem:$0x1E900] =	vst v63  }
.Ltmp5:
0xd1: {  	_ = 	snop;
	(pc) =	sbr.rel @p1 .LBB2_3-.Ltmp5, $4  }
0xd2: {  	_ =	swait.ge [sflag:s24], $0x3E80  }
0xd3: {  	[sflag:s24] =	ssyncset.done $0x0  }
0xd4: {  	s31 =	sadd.s32 $0x100, s31;
	s1 =	sadd.s32 $0xFFFFFF00, s30;
	[sflag:s24] =	ssyncadd.s32 $0xFFFFC180  }
0xd5: {  	s10 =	sand.u32 $0x3C00, s1;
	s1 =	smov.u32 s0;
	_ =	swait.ge [sflag:s26], $0x80  }
0xd6: {  	[sflag:s26] =	ssyncset.done $0x0  }
0xd7: {  	s0 =	sadd.s32 $0xFFFFFF80, s30;
	[sflag:s26] =	ssyncadd.s32 $0xFFFFFF80  }
0xd8: {  	[spmem:s3] =	stream.indirect.scatter.add.f32 [tilespmem:s20], [sflag:$0x5], $0x80, s21, s17, $0xb8;
	[tilespmem:$0x1E900] =	vst v63  }
0xd9: {  	s1 =	sadd.s32 s4, s10;
	s0 =	sand.u32 $0x380, s0;
	_ =	swait.ge [sflag:s14], $0x3E80  }
0xda: {  	s0 =	sor.u32 s1, s0;
	[sflag:s14] =	ssyncset.done $0x0  }
0xdb: {  	s25 =	sadd.s32 $0xFFFFFF80, s31;
	s0 =	sshrl.u32 s0, $0x3;
	[sflag:s14] =	ssyncadd.s32 $0xFFFFC180  }
0xdc: {  	[tilespmem:s20], [sflag:$0x2] =	stream.indirect.gather [hbm4b:s2+s17], $0x80, s25, s17, $0xb8;
	[tilespmem:$0x1E900] =	vst v63  }
0xdd: {  	s0 =	sadd.s32 s6, s0  }
0xde: {  	[tilespmem:s21], [sflag:$0x4] =	stream.linear.gather [hbm4b:s0+s5], $0x80, $0x38;
	[tilespmem:$0x1E900] =	vst v63  }
0xdf: {  	_ =	swait.ge [sflag:s22], $0x3E80  }
0xe0: {  	[sflag:s22] =	ssyncset.done $0x0  }
0xe1: {  	[sflag:s22] =	ssyncadd.s32 $0xFFFFC180  }
0xe2: {  	_ =	swait.ge [sflag:s23], $0x80  }
0xe3: {  	[sflag:s23] =	ssyncset.done $0x0  }
0xe4: {  	s28 =	sand.u32 $0x3C00, s30;
	[sflag:s23] =	ssyncadd.s32 $0xFFFFFF80  }
0xe5: {  	[spmem:s3] =	stream.indirect.scatter.add.f32 [tilespmem:s18], [sflag:$0x5], $0x80, s19, s17, $0xb8;
	[tilespmem:$0x1E900] =	vst v63  }
0xe6: {  	s30 =	sand.u32 $0x300, s30;
	s0 =	sadd.s32 s4, s28;
	_ =	swait.ge [sflag:s14], $0x3E80  }
0xe7: {  	s0 =	sor.u32 s30, s0;
	[sflag:s14] =	ssyncset.done $0x0  }
0xe8: {  	s0 =	sshrl.u32 s0, $0x3;
	[sflag:s14] =	ssyncadd.s32 $0xFFFFC180  }
0xe9: {  	[tilespmem:s18], [sflag:$0x1] =	stream.indirect.gather [hbm4b:s2+s17], $0x80, s31, s17, $0xb8;
	[tilespmem:$0x1E900] =	vst v63  }
0xea: {  	s0 =	sadd.s32 s6, s0  }
0xeb: {  	[tilespmem:s19], [sflag:$0x3] =	stream.linear.gather [hbm4b:s0+s5], $0x80, $0x38;
	[tilespmem:$0x1E900] =	vst v63  }
0xec: {  	_ =	swait.ge [sflag:s24], $0x3E80  }
0xed: {  	[sflag:s24] =	ssyncset.done $0x0  }
0xee: {  	[sflag:s24] =	ssyncadd.s32 $0xFFFFC180  }
0xef: {  	_ =	swait.ge [sflag:s26], $0x80  }
0xf0: {  	[sflag:s26] =	ssyncset.done $0x0  }
0xf1: {  	[sflag:s26] =	ssyncadd.s32 $0xFFFFFF80  }
0xf2: {  	[spmem:s3] =	stream.indirect.scatter.add.f32 [tilespmem:s20], [sflag:$0x5], $0x80, s21, s17, $0xb8;
	[tilespmem:$0x1E900] =	vst v63  }
0xf3: {  	_ =	swait.ge [sflag:s14], $0x3E80  }
0xf4: {  	[sflag:s14] =	ssyncset.done $0x0  }
0xf5: {  	s31 =	simm.s32 $0x2780;
	[sflag:s14] =	ssyncadd.s32 $0xFFFFC180  }
0xf6: {  	[tilespmem:s20], [sflag:$0x2] =	stream.indirect.gather [hbm4b:s2+s17], $0x80, s31, s17, $0xb8;
	[tilespmem:$0x1E900] =	vst v63  }
0xf7: {  	_ = 	snop  }
0xf8: {  	[tilespmem:s21], [sflag:$0x4] =	stream.linear.gather [hbm4b:s13+s5], $0x80, $0x38;
	[tilespmem:$0x1E900] =	vst v63  }
0xf9: {  	_ =	swait.ge [sflag:s22], $0x3E80  }
0xfa: {  	[sflag:s22] =	ssyncset.done $0x0  }
0xfb: {  	[sflag:s22] =	ssyncadd.s32 $0xFFFFC180  }
0xfc: {  	_ =	swait.ge [sflag:s23], $0x80  }
0xfd: {  	[sflag:s23] =	ssyncset.done $0x0  }
0xfe: {  	[sflag:s23] =	ssyncadd.s32 $0xFFFFFF80  }
0xff: {  	[spmem:s3] =	stream.indirect.scatter.add.f32 [tilespmem:s18], [sflag:$0x5], $0x80, s19, s17, $0xb8;
	[tilespmem:$0x1E900] =	vst v63  }
0x100: {  	_ =	swait.ge [sflag:s14], $0x3E80  }
0x101: {  	[sflag:s14] =	ssyncset.done $0x0  }
0x102: {  	[sflag:s14] =	ssyncadd.s32 $0xFFFFC180  }
0x103: {  	[tilespmem:s18], [sflag:$0x1] =	stream.indirect.gather [hbm4b:s2+s17], $0x80, s5, s17, $0xb8;
	[tilespmem:$0x1E900] =	vst v63  }
0x104: {  	_ = 	snop  }
0x105: {  	[tilespmem:s19], [sflag:$0x3] =	stream.linear.gather [hbm4b:s9+s5], $0x80, $0x38;
	[tilespmem:$0x1E900] =	vst v63  }
0x106: {  	_ =	swait.ge [sflag:s24], $0x3E80  }
0x107: {  	[sflag:s24] =	ssyncset.done $0x0  }
0x108: {  	[sflag:s24] =	ssyncadd.s32 $0xFFFFC180  }
0x109: {  	_ =	swait.ge [sflag:s26], $0x80  }
0x10a: {  	[sflag:s26] =	ssyncset.done $0x0  }
0x10b: {  	[sflag:s26] =	ssyncadd.s32 $0xFFFFFF80  }
0x10c: {  	[spmem:s3] =	stream.indirect.scatter.add.f32 [tilespmem:s20], [sflag:$0x5], $0x80, s21, s17, $0xb8;
	[tilespmem:$0x1E900] =	vst v63  }
0x10d: {  	_ =	swait.ge [sflag:s14], $0x3E80  }
0x10e: {  	[sflag:s14] =	ssyncset.done $0x0  }
0x10f: {  	[sflag:s14] =	ssyncadd.s32 $0xFFFFC180  }
0x110: {  	_ =	swait.ge [sflag:s22], $0x3E80  }
0x111: {  	[sflag:s22] =	ssyncset.done $0x0  }
0x112: {  	[sflag:s22] =	ssyncadd.s32 $0xFFFFC180  }
.Ltmp6:
0x113: {  	_ =	swait.ge [sflag:s23], $0x80;
	(pc) =	sbr.rel .LBB2_8-.Ltmp6, $4  }
0x114: {  	[sflag:s23] =	ssyncset.done $0x0  }
0x115: {  	[sflag:s23] =	ssyncadd.s32 $0xFFFFFF80  }
0x116: {  	[bflag:$0x0] =	sbarrier.arrive $0xFFFF  }
0x117: {  	s0 =	rddreg [dreg:$0x4]  }
.LBB2_9:
0x118: {  	_ =	sfence.sel $0x180000  }
0x119: {  	[bflag:$0x0] =	sbarrier.arrive $0xFFFF  }
0x11a: {  	_ =	strace $0x90000047  }
0x11b: {  	s0 =	stileid.u32;
	[bflag:$0x2] =	sbarrier.arrive $0xFFFF  }
0x11c: {  	p0 =	sne.s32 s0, $0x0;
	s0 =	rddreg [dreg:$0x3]  }
0x11d: {  	s0 =	sadd.s32 @!p0 $0x100000, s0  }
0x11e: {  	[sflag:s0] =	ssyncadd.tile.s32 @!p0 $0x1;
	_ =	shalt  }
.Lfunc_end2:
_tile_overlayer_lowered:
.L_overlay_start_2:
0x11f: {  	(tag) =	ssettag $0x2  }
0x120: {  	s0 =	rddreg [dreg:$0x0];
	s2 =	stileid.u32  }
0x121: {  	s1 =	rddreg [dreg:$0x1];
	p0 =	sne.s32 s2, $0x0  }
0x122: {  	s3 =	rddreg [dreg:$0x2];
	[bflag:$0x3] =	sbarrier.arrive $0xFFFF;
	s2 =	simm.s32 @!p0 $0x1C05  }
0x123: {  	[timem:s3], [sflag:s2] =	dma.local @!p0 [hbm:s0], s1  }
0x124: {  	s0 =	simm.s32 @!p0 $0x5  }
0x125: {  	_ =	swait.ge @!p0 [sflag:s0], s1  }
0x126: {  	s1 =	ssub.s32 @!p0 $0x0, s1;
	[sflag:s0] =	ssyncset.done @!p0 $0x0  }
0x127: {  	[sflag:s0] =	ssyncadd.s32 @!p0 s1  }
0x128: {  	[bflag:$0x3] =	sbarrier.arrive $0xFFFF  }
0x129: {  	_ =	shalt  }

</sc_bundles>
